<compile_context>
chip_gen: v7x
topology: tpu7x:2x2x1
jax: 0.10.2.dev20260603
libtpu: 0.0.44.dev20260713+nightly
codegen_flags: <defaults>
</compile_context>

<pallas_src>
import jax
import jax.numpy as jnp
from jax import lax
from jax.experimental import pallas as pl
from jax.experimental.pallas import tpu as pltpu
from jax.experimental.pallas import tpu_sc as plsc

N = 10000
E = 320000
D = 128
H = 128
C = 16

NUM_CORES = 2
NUM_SUB = 16
NUM_W = NUM_CORES * NUM_SUB
EW = E // NUM_W
N_PAD = 10240
ROWS_SUB = N_PAD // NUM_SUB

KD = 2000
KS = 80
NCHUNK = EW // KS

TC_BLK = 2000


def _mesh():
    return plsc.VectorSubcoreMesh(
        core_axis_name="c", subcore_axis_name="s",
        num_cores=NUM_CORES, num_subcores=NUM_SUB)



def _deg_body(dst_hbm, out_hbm, idx_v, ones_v, zb_v, acc_sh, sem):
    c = lax.axis_index("c")
    s = lax.axis_index("s")
    base = (c * NUM_SUB + s) * EW

    @pl.loop(0, ROWS_SUB, step=16)
    def _fill(i):
        zb_v[pl.ds(i, 16)] = jnp.zeros((16,), jnp.float32)

    @pl.loop(0, KD, step=16)
    def _fill1(i):
        ones_v[pl.ds(i, 16)] = jnp.ones((16,), jnp.float32)

    pltpu.sync_copy(zb_v, acc_sh.at[pl.ds(s * ROWS_SUB, ROWS_SUB)])
    plsc.subcore_barrier()

    @pl.loop(0, EW, step=KD)
    def _edges(j):
        pltpu.async_copy(dst_hbm.at[pl.ds(base + j, KD)], idx_v, sem).wait()
        pltpu.sync_copy(ones_v, acc_sh.at[idx_v], add=True)

    plsc.subcore_barrier()
    pltpu.sync_copy(acc_sh.at[pl.ds(s * ROWS_SUB, ROWS_SUB)],
                    out_hbm.at[c, pl.ds(s * ROWS_SUB, ROWS_SUB)])


def _deg_call(dst):
    k = pl.kernel(
        _deg_body,
        out_type=jax.ShapeDtypeStruct((NUM_CORES, N_PAD), jnp.float32),
        mesh=_mesh(),
        scratch_types=[
            pltpu.VMEM((KD,), jnp.int32),
            pltpu.VMEM((KD,), jnp.float32),
            pltpu.VMEM((ROWS_SUB,), jnp.float32),
            pltpu.VMEM_SHARED((N_PAD,), jnp.float32),
            pltpu.SemaphoreType.DMA,
        ])
    return k(dst)


_UNROLL = 12
_NLOOP = (NCHUNK - 5) // _UNROLL * _UNROLL


def _scatter_body(eidx_hbm, g_hbm, out_hbm,
                  ib0, ib1, ib2, ib3, rb0, rb1, rb2, acc_sh,
                  si0, si1, si2, si3, sg0, sg1, sg2):
    c = lax.axis_index("c")
    s = lax.axis_index("s")
    w = c * NUM_SUB + s
    ibs = (ib0, ib1, ib2, ib3)
    sis = (si0, si1, si2, si3)
    rbs = (rb0, rb1, rb2)
    sgs = (sg0, sg1, sg2)

    @pl.loop(0, KS)
    def _zr(r):
        @pl.loop(0, H, step=16)
        def _zc(j):
            rb2[pl.ds(r, 1), pl.ds(j, 16)] = jnp.zeros((1, 16), jnp.float32)

    pltpu.sync_copy(eidx_hbm.at[w, 0], ib0)
    pltpu.sync_copy(eidx_hbm.at[w, 1], ib1)
    pltpu.async_copy(eidx_hbm.at[w, 2], ib2, si2)
    pltpu.async_copy(g_hbm.at[ib0.at[0]], rb0, sg0)
    pltpu.async_copy(g_hbm.at[ib1.at[0]], rb1, sg1)

    @pl.loop(0, ROWS_SUB, step=KS)
    def _zero(r):
        pltpu.sync_copy(rb2, acc_sh.at[pl.ds(s * ROWS_SUB + r, KS), :])

    plsc.subcore_barrier()

    def chunk_step(m, q3, q4, do_idx, do_gather):
        rb, sg = rbs[q3], sgs[q3]
        ib = ibs[q4]
        ib3n, si3n = ibs[(q4 + 3) % 4], sis[(q4 + 3) % 4]
        rb2n, sg2n = rbs[(q3 + 2) % 3], sgs[(q3 + 2) % 3]
        si2n = sis[(q4 + 2) % 4]

        pltpu.make_async_copy(g_hbm.at[ib.at[0]], rb, sg).wait()
        pltpu.sync_copy(rb, acc_sh.at[ib.at[1]], add=True)
        if do_idx:
            pltpu.async_copy(eidx_hbm.at[w, m + 3], ib3n, si3n)
        if do_gather:
            pltpu.make_async_copy(eidx_hbm.at[w, m + 2], ibs[(q4 + 2) % 4],
                                  si2n).wait()
            pltpu.async_copy(g_hbm.at[ibs[(q4 + 2) % 4].at[0]], rb2n, sg2n)

    @pl.loop(0, _NLOOP, step=_UNROLL)
    def _edges(j):
        for t in range(_UNROLL):
            chunk_step(j + t, t % 3, t % 4, True, True)

    for m in range(_NLOOP, NCHUNK):
        chunk_step(m, m % 3, m % 4, m + 3 < NCHUNK, m + 2 < NCHUNK)

    plsc.subcore_barrier()
    pltpu.sync_copy(acc_sh.at[pl.ds(s * ROWS_SUB, ROWS_SUB), :],
                    out_hbm.at[c, pl.ds(s * ROWS_SUB, ROWS_SUB), :])


def _scatter_call(eidx_packed, g):
    k = pl.kernel(
        _scatter_body,
        out_type=jax.ShapeDtypeStruct((NUM_CORES, N_PAD, H), jnp.float32),
        mesh=_mesh(),
        scratch_types=[
            pltpu.VMEM((2, KS), jnp.int32),
            pltpu.VMEM((2, KS), jnp.int32),
            pltpu.VMEM((2, KS), jnp.int32),
            pltpu.VMEM((2, KS), jnp.int32),
            pltpu.VMEM((KS, H), jnp.float32),
            pltpu.VMEM((KS, H), jnp.float32),
            pltpu.VMEM((KS, H), jnp.float32),
            pltpu.VMEM_SHARED((N_PAD, H), jnp.float32),
            pltpu.SemaphoreType.DMA,
            pltpu.SemaphoreType.DMA,
            pltpu.SemaphoreType.DMA,
            pltpu.SemaphoreType.DMA,
            pltpu.SemaphoreType.DMA,
            pltpu.SemaphoreType.DMA,
            pltpu.SemaphoreType.DMA,
        ])
    return k(eidx_packed, g)



def _tc1_body(x_ref, w_ref, degp_ref, g_ref, dinv_ref):
    deg = degp_ref[:, 0] + degp_ref[:, 1] + 1.0
    dinv = lax.rsqrt(deg)[:, None]
    h = jnp.dot(x_ref[...], w_ref[...],
                preferred_element_type=jnp.float32,
                precision=lax.Precision.HIGHEST)
    g_ref[...] = h * dinv
    dinv_ref[...] = dinv


def _tc1_call(x, W1, degp):
    grid = N // TC_BLK
    degp_t = jnp.swapaxes(degp, 0, 1)
    return pl.pallas_call(
        _tc1_body,
        grid=(grid,),
        in_specs=[
            pl.BlockSpec((TC_BLK, D), lambda i: (i, 0)),
            pl.BlockSpec((D, H), lambda i: (0, 0)),
            pl.BlockSpec((TC_BLK, NUM_CORES), lambda i: (i, 0)),
        ],
        out_specs=[
            pl.BlockSpec((TC_BLK, H), lambda i: (i, 0)),
            pl.BlockSpec((TC_BLK, 1), lambda i: (i, 0)),
        ],
        out_shape=[
            jax.ShapeDtypeStruct((N, H), jnp.float32),
            jax.ShapeDtypeStruct((N, 1), jnp.float32),
        ],
    )(x, W1, degp_t)


def _tc2_body(p_ref, g_ref, dinv_ref, b_ref, w_ref, g2_ref):
    acc = p_ref[0] + p_ref[1] + g_ref[...]
    dinv = dinv_ref[...]
    t = jnp.tanh(acc * dinv + b_ref[...][None, :])
    h2 = jnp.dot(t, w_ref[...],
                 preferred_element_type=jnp.float32,
                 precision=lax.Precision.HIGHEST)
    g2_ref[...] = h2 * dinv


def _tc2_call(p1, g1, dinv, b1, W2):
    grid = N // TC_BLK
    return pl.pallas_call(
        _tc2_body,
        grid=(grid,),
        in_specs=[
            pl.BlockSpec((NUM_CORES, TC_BLK, H), lambda i: (0, i, 0)),
            pl.BlockSpec((TC_BLK, H), lambda i: (i, 0)),
            pl.BlockSpec((TC_BLK, 1), lambda i: (i, 0)),
            pl.BlockSpec((H,), lambda i: (0,)),
            pl.BlockSpec((H, H), lambda i: (0, 0)),
        ],
        out_specs=pl.BlockSpec((TC_BLK, H), lambda i: (i, 0)),
        out_shape=jax.ShapeDtypeStruct((N, H), jnp.float32),
    )(p1, g1, dinv, b1, W2)


def _tc3_body(p_ref, g_ref, dinv_ref, b_ref, wl_ref, bl_ref, o_ref):
    acc = p_ref[0] + p_ref[1] + g_ref[...]
    dinv = dinv_ref[...]
    t = jnp.tanh(acc * dinv + b_ref[...][None, :])
    o = jnp.dot(t, wl_ref[...],
                preferred_element_type=jnp.float32,
                precision=lax.Precision.HIGHEST) + bl_ref[...][None, :]
    m = jnp.max(o, axis=1, keepdims=True)
    e = jnp.exp(o - m)
    lse = jnp.log(jnp.sum(e, axis=1, keepdims=True))
    o_ref[...] = o - m - lse


def _tc3_call(p2, g2, dinv, b2, Wlin, blin):
    grid = N // TC_BLK
    return pl.pallas_call(
        _tc3_body,
        grid=(grid,),
        in_specs=[
            pl.BlockSpec((NUM_CORES, TC_BLK, H), lambda i: (0, i, 0)),
            pl.BlockSpec((TC_BLK, H), lambda i: (i, 0)),
            pl.BlockSpec((TC_BLK, 1), lambda i: (i, 0)),
            pl.BlockSpec((H,), lambda i: (0,)),
            pl.BlockSpec((H, C), lambda i: (0, 0)),
            pl.BlockSpec((C,), lambda i: (0,)),
        ],
        out_specs=pl.BlockSpec((TC_BLK, C), lambda i: (i, 0)),
        out_shape=jax.ShapeDtypeStruct((N, C), jnp.float32),
    )(p2, g2, dinv, b2, Wlin, blin)


def kernel(x, edge_index, W1, b1, W2, b2, Wlin, blin):
    dst = edge_index[1]
    eidx_packed = jnp.transpose(
        edge_index.reshape(2, NUM_W, NCHUNK, KS), (1, 2, 0, 3))
    degp = _deg_call(dst)
    g1, dinv = _tc1_call(x, W1, degp)
    p1 = _scatter_call(eidx_packed, g1)
    g2 = _tc2_call(p1, g1, dinv, b1, W2)
    p2 = _scatter_call(eidx_packed, g2)
    return _tc3_call(p2, g2, dinv, b2, Wlin, blin)

# --- scband reference (transcript-rebuilt; emitter-appended) ---
"""Pipeline reference for scband-gcn-5265629905228 (READ-ONLY COPY).

The authoritative reference and input builder live on the scoring server;
editing this copy changes nothing except your own understanding.
"""

import jax, jax.numpy as jnp
import numpy as np

N = 10000
E = 320000
D = 128
H = 128
C = 16


def setup_inputs(seed: int = 0) -> dict:
    key = jax.random.key(seed)
    ks = jax.random.split(key, 10)
    x = jax.random.normal(ks[0], (N, D), dtype=jnp.float32)
    edge_index = jax.random.randint(ks[1], (2, E), 0, N, dtype=jnp.int32)
    W1 = jax.random.normal(ks[2], (D, H), dtype=jnp.float32) * 0.05
    b1 = jnp.zeros((H,), dtype=jnp.float32)
    W2 = jax.random.normal(ks[3], (H, H), dtype=jnp.float32) * 0.05
    b2 = jnp.zeros((H,), dtype=jnp.float32)
    Wlin = jax.random.normal(ks[4], (H, C), dtype=jnp.float32) * 0.05
    blin = jnp.zeros((C,), dtype=jnp.float32)
    return {"x": x, "edge_index": edge_index, "W1": W1, "b1": b1, "W2": W2, "b2": b2, "Wlin": Wlin, "blin": blin}


def _gcn_conv(x, edge_index, W, b):
    n = x.shape[0]
    src = edge_index[0]
    dst = edge_index[1]
    loop = jnp.arange(n, dtype=edge_index.dtype)
    src = jnp.concatenate([src, loop])
    dst = jnp.concatenate([dst, loop])
    deg = jnp.zeros((n,), dtype=x.dtype).at[dst].add(1.0)
    dinv = jnp.where(deg > 0, 1.0 / jnp.sqrt(deg), 0.0)
    norm = dinv[src] * dinv[dst]
    h = x @ W
    msg = h[src] * norm[:, None]
    out = jnp.zeros((n, W.shape[1]), dtype=x.dtype).at[dst].add(msg)
    return out + b


def reference(x, edge_index, W1, b1, W2, b2, Wlin, blin):
    h = jnp.tanh(_gcn_conv(x, edge_index, W1, b1))
    # dropout is identity in eval mode
    h = jnp.tanh(_gcn_conv(h, edge_index, W2, b2))
    o = h @ Wlin + blin
    return jax.nn.log_softmax(o, axis=1)

if __name__ == "__main__":
    import jax
    _d = setup_inputs()
    print(jax.jit(kernel)(*tuple(_d.values())))

</pallas_src>

<mosaic_0001>
#map = affine_map<(d0, d1) -> (0, 0, 0, 0)>
#map1 = affine_map<(d0, d1) -> (0, 0)>
#map2 = affine_map<(d0, d1) -> (0, 0, 0)>
module attributes {stable_mosaic.version = 14 : i64} {
  func.func @_scatter_body(%arg0: i32, %arg1: i32, %arg2: memref<32x125x2x80xi32, #tpu.memory_space<hbm>>, %arg3: memref<10000x128xf32, #tpu.memory_space<hbm>>, %arg4: memref<2x10240x128xf32, #tpu.memory_space<hbm>>, %arg5: memref<2x80xi32, #tpu.memory_space<vmem>>, %arg6: memref<2x80xi32, #tpu.memory_space<vmem>>, %arg7: memref<2x80xi32, #tpu.memory_space<vmem>>, %arg8: memref<2x80xi32, #tpu.memory_space<vmem>>, %arg9: memref<80x128xf32, #tpu.memory_space<vmem>>, %arg10: memref<80x128xf32, #tpu.memory_space<vmem>>, %arg11: memref<80x128xf32, #tpu.memory_space<vmem>>, %arg12: memref<10240x128xf32, #tpu.memory_space<vmem_shared>>, %arg13: memref<!tpu.dma_semaphore, #tpu.memory_space<semaphore_mem>>, %arg14: memref<!tpu.dma_semaphore, #tpu.memory_space<semaphore_mem>>, %arg15: memref<!tpu.dma_semaphore, #tpu.memory_space<semaphore_mem>>, %arg16: memref<!tpu.dma_semaphore, #tpu.memory_space<semaphore_mem>>, %arg17: memref<!tpu.dma_semaphore, #tpu.memory_space<semaphore_mem>>, %arg18: memref<!tpu.dma_semaphore, #tpu.memory_space<semaphore_mem>>, %arg19: memref<!tpu.dma_semaphore, #tpu.memory_space<semaphore_mem>>) attributes {dimension_semantics = [#tpu.dimension_semantics<core_parallel>, #tpu.dimension_semantics<subcore_parallel>], iteration_bounds = array<i64: 2, 16>, scalar_prefetch = 0 : i64, scratch_operands = 15 : i64, tpu.core_type = #tpu.core_type<sc_vector_subcore>, window_params = [{transform_indices = #map}, {transform_indices = #map1}, {transform_indices = #map2}]} {
    %mul3A = arith.constant 16 : i32
    %mul3A_0 = arith.muli %arg0, %mul3A : i32
    %add3A = arith.addi %mul3A_0, %arg1 : i32
    %scan3A = arith.constant 0 : i32
    %scan3A_1 = arith.constant 80 : i32
    %scan3A_2 = arith.addi %scan3A, %scan3A_1 : i32
    %scan3A_3 = arith.constant 1 : i32
    scf.for %scan3A_148 = %scan3A to %scan3A_2 step %scan3A_3  : i32 {
      %mul3A_149 = arith.constant 1 : i32
      %mul3A_150 = arith.muli %scan3A_148, %mul3A_149 : i32
      %add3A_151 = arith.constant 0 : i32
      %add3A_152 = arith.addi %add3A_151, %mul3A_150 : i32
      %scan3A_153 = arith.constant 0 : i32
      %scan3A_154 = arith.constant 8 : i32
      %scan3A_155 = arith.addi %scan3A_153, %scan3A_154 : i32
      %scan3A_156 = arith.constant 1 : i32
      scf.for %scan3A_158 = %scan3A_153 to %scan3A_155 step %scan3A_156  : i32 {
        %mul3A_159 = arith.constant 16 : i32
        %mul3A_160 = arith.muli %scan3A_158, %mul3A_159 : i32
        %add3A_161 = arith.constant 0 : i32
        %add3A_162 = arith.addi %add3A_161, %mul3A_160 : i32
        %broadcast_in_dim3A = arith.constant 0.000000e+00 : f32
        %broadcast_in_dim3A_163 = vector.broadcast %broadcast_in_dim3A : f32 to vector<1x16xf32>
        %swap3A = arith.index_cast %add3A_152 : i32 to index
        %swap3A_164 = arith.index_cast %add3A_162 : i32 to index
        %swap3A_165 = tpu.vector_load %arg11[%swap3A, %swap3A_164] {strides = array<i32>} : memref<80x128xf32, #tpu.memory_space<vmem>>, vector<1x16xf32>,
        %swap3A_166 = vector.shape_cast %swap3A_165 : vector<1x16xf32> to vector<1x16xf32>
        %swap3A_167 = vector.shape_cast %broadcast_in_dim3A_163 : vector<1x16xf32> to vector<1x16xf32>
        tpu.vector_store %arg11[%swap3A, %swap3A_164], %swap3A_167 {strides = array<i32>} : memref<80x128xf32, #tpu.memory_space<vmem>>, vector<1x16xf32>,
      }
      %scan3A_157 = arith.constant 8 : i32
    }
    %scan3A_4 = arith.constant 80 : i32
    %run_scoped3A = arith.constant 0 : i32
    "tpu.region"() ({
      %run_scoped3A_148 = tpu.sem_alloc : memref<!tpu.dma_semaphore, #tpu.memory_space<semaphore_mem>>
      %dma_start3A_149 = arith.constant 0 : i32
      %dma_start3A_150 = arith.constant 0 : i32
      %dma_start3A_151 = tpu.memref_slice %arg2[%add3A, %run_scoped3A, %dma_start3A_149, %dma_start3A_150] : memref<32x125x2x80xi32, #tpu.memory_space<hbm>> -> memref<1x1x2x80xi32, #tpu.memory_space<hbm>>
      %dma_start3A_152 = tpu.memref_squeeze %dma_start3A_151 : memref<1x1x2x80xi32, #tpu.memory_space<hbm>> -> memref<2x80xi32, #tpu.memory_space<hbm>>
      %dma_start3A_153 = arith.constant 0 : i32
      %dma_start3A_154 = arith.constant 0 : i32
      %dma_start3A_155 = tpu.memref_slice %arg2[%add3A, %run_scoped3A, %dma_start3A_153, %dma_start3A_154] : memref<32x125x2x80xi32, #tpu.memory_space<hbm>> -> memref<1x1x2x80xi32, #tpu.memory_space<hbm>>
      %dma_start3A_156 = tpu.memref_squeeze %dma_start3A_155 : memref<1x1x2x80xi32, #tpu.memory_space<hbm>> -> memref<2x80xi32, #tpu.memory_space<hbm>>
      tpu.enqueue_dma source(%dma_start3A_156 : memref<2x80xi32, #tpu.memory_space<hbm>>) target(%arg5 : memref<2x80xi32, #tpu.memory_space<vmem>>) target_semaphore(%run_scoped3A_148 : memref<!tpu.dma_semaphore, #tpu.memory_space<semaphore_mem>>)
      %dma_wait3A_157 = arith.constant 0 : i32
      %dma_wait3A_158 = arith.constant 0 : i32
      %dma_wait3A_159 = tpu.memref_slice %arg2[%add3A, %run_scoped3A, %dma_wait3A_157, %dma_wait3A_158] : memref<32x125x2x80xi32, #tpu.memory_space<hbm>> -> memref<1x1x2x80xi32, #tpu.memory_space<hbm>>
      %dma_wait3A_160 = tpu.memref_squeeze %dma_wait3A_159 : memref<1x1x2x80xi32, #tpu.memory_space<hbm>> -> memref<2x80xi32, #tpu.memory_space<hbm>>
      %dma_wait3A_161 = arith.constant 0 : i32
      %dma_wait3A_162 = arith.constant 0 : i32
      %dma_wait3A_163 = tpu.memref_slice %arg2[%add3A, %run_scoped3A, %dma_wait3A_161, %dma_wait3A_162] : memref<32x125x2x80xi32, #tpu.memory_space<hbm>> -> memref<1x1x2x80xi32, #tpu.memory_space<hbm>>
      %dma_wait3A_164 = tpu.memref_squeeze %dma_wait3A_163 : memref<1x1x2x80xi32, #tpu.memory_space<hbm>> -> memref<2x80xi32, #tpu.memory_space<hbm>>
      tpu.wait_dma2 semaphore(%run_scoped3A_148 : memref<!tpu.dma_semaphore, #tpu.memory_space<semaphore_mem>>) src(%dma_wait3A_164 : memref<2x80xi32, #tpu.memory_space<hbm>>) dst(%arg5 : memref<2x80xi32, #tpu.memory_space<vmem>>)
      tpu.yield
    }) : () -> ()
    %run_scoped3A_5 = arith.constant 1 : i32
    "tpu.region"() ({
      %run_scoped3A_148 = tpu.sem_alloc : memref<!tpu.dma_semaphore, #tpu.memory_space<semaphore_mem>>
      %dma_start3A_149 = arith.constant 0 : i32
      %dma_start3A_150 = arith.constant 0 : i32
      %dma_start3A_151 = tpu.memref_slice %arg2[%add3A, %run_scoped3A_5, %dma_start3A_149, %dma_start3A_150] : memref<32x125x2x80xi32, #tpu.memory_space<hbm>> -> memref<1x1x2x80xi32, #tpu.memory_space<hbm>>
      %dma_start3A_152 = tpu.memref_squeeze %dma_start3A_151 : memref<1x1x2x80xi32, #tpu.memory_space<hbm>> -> memref<2x80xi32, #tpu.memory_space<hbm>>
      %dma_start3A_153 = arith.constant 0 : i32
      %dma_start3A_154 = arith.constant 0 : i32
      %dma_start3A_155 = tpu.memref_slice %arg2[%add3A, %run_scoped3A_5, %dma_start3A_153, %dma_start3A_154] : memref<32x125x2x80xi32, #tpu.memory_space<hbm>> -> memref<1x1x2x80xi32, #tpu.memory_space<hbm>>
      %dma_start3A_156 = tpu.memref_squeeze %dma_start3A_155 : memref<1x1x2x80xi32, #tpu.memory_space<hbm>> -> memref<2x80xi32, #tpu.memory_space<hbm>>
      tpu.enqueue_dma source(%dma_start3A_156 : memref<2x80xi32, #tpu.memory_space<hbm>>) target(%arg6 : memref<2x80xi32, #tpu.memory_space<vmem>>) target_semaphore(%run_scoped3A_148 : memref<!tpu.dma_semaphore, #tpu.memory_space<semaphore_mem>>)
      %dma_wait3A_157 = arith.constant 0 : i32
      %dma_wait3A_158 = arith.constant 0 : i32
      %dma_wait3A_159 = tpu.memref_slice %arg2[%add3A, %run_scoped3A_5, %dma_wait3A_157, %dma_wait3A_158] : memref<32x125x2x80xi32, #tpu.memory_space<hbm>> -> memref<1x1x2x80xi32, #tpu.memory_space<hbm>>
      %dma_wait3A_160 = tpu.memref_squeeze %dma_wait3A_159 : memref<1x1x2x80xi32, #tpu.memory_space<hbm>> -> memref<2x80xi32, #tpu.memory_space<hbm>>
      %dma_wait3A_161 = arith.constant 0 : i32
      %dma_wait3A_162 = arith.constant 0 : i32
      %dma_wait3A_163 = tpu.memref_slice %arg2[%add3A, %run_scoped3A_5, %dma_wait3A_161, %dma_wait3A_162] : memref<32x125x2x80xi32, #tpu.memory_space<hbm>> -> memref<1x1x2x80xi32, #tpu.memory_space<hbm>>
      %dma_wait3A_164 = tpu.memref_squeeze %dma_wait3A_163 : memref<1x1x2x80xi32, #tpu.memory_space<hbm>> -> memref<2x80xi32, #tpu.memory_space<hbm>>
      tpu.wait_dma2 semaphore(%run_scoped3A_148 : memref<!tpu.dma_semaphore, #tpu.memory_space<semaphore_mem>>) src(%dma_wait3A_164 : memref<2x80xi32, #tpu.memory_space<hbm>>) dst(%arg6 : memref<2x80xi32, #tpu.memory_space<vmem>>)
      tpu.yield
    }) : () -> ()
    %dma_start3A = arith.constant 2 : i32
    %dma_start3A_6 = arith.constant 0 : i32
    %dma_start3A_7 = arith.constant 0 : i32
    %dma_start3A_8 = tpu.memref_slice %arg2[%add3A, %dma_start3A, %dma_start3A_6, %dma_start3A_7] : memref<32x125x2x80xi32, #tpu.memory_space<hbm>> -> memref<1x1x2x80xi32, #tpu.memory_space<hbm>>
    %dma_start3A_9 = tpu.memref_squeeze %dma_start3A_8 : memref<1x1x2x80xi32, #tpu.memory_space<hbm>> -> memref<2x80xi32, #tpu.memory_space<hbm>>
    %dma_start3A_10 = arith.constant 0 : i32
    %dma_start3A_11 = arith.constant 0 : i32
    %dma_start3A_12 = tpu.memref_slice %arg2[%add3A, %dma_start3A, %dma_start3A_10, %dma_start3A_11] : memref<32x125x2x80xi32, #tpu.memory_space<hbm>> -> memref<1x1x2x80xi32, #tpu.memory_space<hbm>>
    %dma_start3A_13 = tpu.memref_squeeze %dma_start3A_12 : memref<1x1x2x80xi32, #tpu.memory_space<hbm>> -> memref<2x80xi32, #tpu.memory_space<hbm>>
    tpu.enqueue_dma source(%dma_start3A_13 : memref<2x80xi32, #tpu.memory_space<hbm>>) target(%arg7 : memref<2x80xi32, #tpu.memory_space<vmem>>) target_semaphore(%arg15 : memref<!tpu.dma_semaphore, #tpu.memory_space<semaphore_mem>>)
    %dma_start3A_14 = arith.constant 0 : i32
    %dma_start3A_15 = arith.constant 0 : i32
    %dma_start3A_16 = tpu.memref_slice %arg5[%dma_start3A_14, %dma_start3A_15] : memref<2x80xi32, #tpu.memory_space<vmem>> -> memref<1x80xi32, #tpu.memory_space<vmem>>
    %dma_start3A_17 = tpu.memref_squeeze %dma_start3A_16 : memref<1x80xi32, #tpu.memory_space<vmem>> -> memref<80xi32, #tpu.memory_space<vmem>>
    %dma_start3A_18 = arith.constant 0 : i32
    %dma_start3A_19 = arith.constant 0 : i32
    %dma_start3A_20 = tpu.memref_slice %arg3[%dma_start3A_18, %dma_start3A_19] : memref<10000x128xf32, #tpu.memory_space<hbm>> -> memref<10000x128xf32, #tpu.memory_space<hbm>>
    tpu.enqueue_indirect_dma source(%dma_start3A_20 : memref<10000x128xf32, #tpu.memory_space<hbm>>) target(%arg9 : memref<80x128xf32, #tpu.memory_space<vmem>>) offsets(%dma_start3A_17 : memref<80xi32, #tpu.memory_space<vmem>>) semaphore(%arg17 : memref<!tpu.dma_semaphore, #tpu.memory_space<semaphore_mem>>)
    %dma_start3A_21 = arith.constant 0 : i32
    %dma_start3A_22 = arith.constant 0 : i32
    %dma_start3A_23 = tpu.memref_slice %arg6[%dma_start3A_21, %dma_start3A_22] : memref<2x80xi32, #tpu.memory_space<vmem>> -> memref<1x80xi32, #tpu.memory_space<vmem>>
    %dma_start3A_24 = tpu.memref_squeeze %dma_start3A_23 : memref<1x80xi32, #tpu.memory_space<vmem>> -> memref<80xi32, #tpu.memory_space<vmem>>
    %dma_start3A_25 = arith.constant 0 : i32
    %dma_start3A_26 = arith.constant 0 : i32
    %dma_start3A_27 = tpu.memref_slice %arg3[%dma_start3A_25, %dma_start3A_26] : memref<10000x128xf32, #tpu.memory_space<hbm>> -> memref<10000x128xf32, #tpu.memory_space<hbm>>
    tpu.enqueue_indirect_dma source(%dma_start3A_27 : memref<10000x128xf32, #tpu.memory_space<hbm>>) target(%arg10 : memref<80x128xf32, #tpu.memory_space<vmem>>) offsets(%dma_start3A_24 : memref<80xi32, #tpu.memory_space<vmem>>) semaphore(%arg18 : memref<!tpu.dma_semaphore, #tpu.memory_space<semaphore_mem>>)
    %scan3A_28 = arith.constant 0 : i32
    %scan3A_29 = arith.constant 8 : i32
    %scan3A_30 = arith.addi %scan3A_28, %scan3A_29 : i32
    %scan3A_31 = arith.constant 1 : i32
    scf.for %scan3A_148 = %scan3A_28 to %scan3A_30 step %scan3A_31  : i32 {
      %mul3A_149 = arith.constant 80 : i32
      %mul3A_150 = arith.muli %scan3A_148, %mul3A_149 : i32
      %add3A_151 = arith.constant 0 : i32
      %add3A_152 = arith.addi %add3A_151, %mul3A_150 : i32
      %mul3A_153 = arith.constant 640 : i32
      %mul3A_154 = arith.muli %arg1, %mul3A_153 : i32
      %add3A_155 = arith.addi %mul3A_154, %add3A_152 : i32
      "tpu.region"() ({
        %run_scoped3A_156 = tpu.sem_alloc : memref<!tpu.dma_semaphore, #tpu.memory_space<semaphore_mem>>
        %dma_start3A_157 = arith.constant 0 : i32
        %dma_start3A_158 = tpu.memref_slice %arg12[%add3A_155, %dma_start3A_157] : memref<10240x128xf32, #tpu.memory_space<vmem_shared>> -> memref<80x128xf32, #tpu.memory_space<vmem_shared>>
        %dma_start3A_159 = arith.constant 0 : i32
        %dma_start3A_160 = tpu.memref_slice %arg12[%add3A_155, %dma_start3A_159] : memref<10240x128xf32, #tpu.memory_space<vmem_shared>> -> memref<80x128xf32, #tpu.memory_space<vmem_shared>>
        tpu.enqueue_dma source(%arg11 : memref<80x128xf32, #tpu.memory_space<vmem>>) target(%dma_start3A_160 : memref<80x128xf32, #tpu.memory_space<vmem_shared>>) target_semaphore(%run_scoped3A_156 : memref<!tpu.dma_semaphore, #tpu.memory_space<semaphore_mem>>)
        %dma_wait3A_161 = arith.constant 0 : i32
        %dma_wait3A_162 = tpu.memref_slice %arg12[%add3A_155, %dma_wait3A_161] : memref<10240x128xf32, #tpu.memory_space<vmem_shared>> -> memref<80x128xf32, #tpu.memory_space<vmem_shared>>
        %dma_wait3A_163 = arith.constant 0 : i32
        %dma_wait3A_164 = tpu.memref_slice %arg12[%add3A_155, %dma_wait3A_163] : memref<10240x128xf32, #tpu.memory_space<vmem_shared>> -> memref<80x128xf32, #tpu.memory_space<vmem_shared>>
        tpu.wait_dma2 semaphore(%run_scoped3A_156 : memref<!tpu.dma_semaphore, #tpu.memory_space<semaphore_mem>>) src(%arg11 : memref<80x128xf32, #tpu.memory_space<vmem>>) dst(%dma_wait3A_164 : memref<80x128xf32, #tpu.memory_space<vmem_shared>>)
        tpu.yield
      }) : () -> ()
    }
    %scan3A_32 = arith.constant 8 : i32
    %barrier3A = arith.constant 0 : index
    tpu.barrier barrier_id(%barrier3A)
    %scan3A_33 = arith.constant 0 : i32
    %scan3A_34 = arith.constant 10 : i32
    %scan3A_35 = arith.addi %scan3A_33, %scan3A_34 : i32
    %scan3A_36 = arith.constant 1 : i32
    scf.for %scan3A_148 = %scan3A_33 to %scan3A_35 step %scan3A_36  : i32 {
      %mul3A_149 = arith.constant 12 : i32
      %mul3A_150 = arith.muli %scan3A_148, %mul3A_149 : i32
      %add3A_151 = arith.constant 0 : i32
      %add3A_152 = arith.addi %add3A_151, %mul3A_150 : i32
      %add3A_153 = arith.constant 0 : i32
      %add3A_154 = arith.addi %add3A_152, %add3A_153 : i32
      %dma_wait3A_155 = arith.constant 0 : i32
      %dma_wait3A_156 = arith.constant 0 : i32
      %dma_wait3A_157 = tpu.memref_slice %arg5[%dma_wait3A_155, %dma_wait3A_156] : memref<2x80xi32, #tpu.memory_space<vmem>> -> memref<1x80xi32, #tpu.memory_space<vmem>>
      %dma_wait3A_158 = tpu.memref_squeeze %dma_wait3A_157 : memref<1x80xi32, #tpu.memory_space<vmem>> -> memref<80xi32, #tpu.memory_space<vmem>>
      %dma_wait3A_159 = arith.constant 0 : i32
      %dma_wait3A_160 = arith.constant 0 : i32
      %dma_wait3A_161 = tpu.memref_slice %arg3[%dma_wait3A_159, %dma_wait3A_160] : memref<10000x128xf32, #tpu.memory_space<hbm>> -> memref<10000x128xf32, #tpu.memory_space<hbm>>
      tpu.wait_indirect_dma semaphore(%arg17 : memref<!tpu.dma_semaphore, #tpu.memory_space<semaphore_mem>>) src(%dma_wait3A_161 : memref<10000x128xf32, #tpu.memory_space<hbm>>) dst(%arg9 : memref<80x128xf32, #tpu.memory_space<vmem>>)
      %run_scoped3A_162 = arith.constant 1 : i32
      "tpu.region"() ({
        %run_scoped3A_597 = tpu.sem_alloc : memref<!tpu.dma_semaphore, #tpu.memory_space<semaphore_mem>>
        %dma_start3A_598 = arith.constant 0 : i32
        %dma_start3A_599 = tpu.memref_slice %arg5[%run_scoped3A_162, %dma_start3A_598] : memref<2x80xi32, #tpu.memory_space<vmem>> -> memref<1x80xi32, #tpu.memory_space<vmem>>
        %dma_start3A_600 = tpu.memref_squeeze %dma_start3A_599 : memref<1x80xi32, #tpu.memory_space<vmem>> -> memref<80xi32, #tpu.memory_space<vmem>>
        %dma_start3A_601 = arith.constant 0 : i32
        %dma_start3A_602 = arith.constant 0 : i32
        %dma_start3A_603 = tpu.memref_slice %arg12[%dma_start3A_601, %dma_start3A_602] : memref<10240x128xf32, #tpu.memory_space<vmem_shared>> -> memref<10240x128xf32, #tpu.memory_space<vmem_shared>>
        tpu.enqueue_indirect_dma source(%arg9 : memref<80x128xf32, #tpu.memory_space<vmem>>) target(%dma_start3A_603 : memref<10240x128xf32, #tpu.memory_space<vmem_shared>>) offsets(%dma_start3A_600 : memref<80xi32, #tpu.memory_space<vmem>>) semaphore(%run_scoped3A_597 : memref<!tpu.dma_semaphore, #tpu.memory_space<semaphore_mem>>) {add = true}
        %dma_wait3A_604 = arith.constant 0 : i32
        %dma_wait3A_605 = tpu.memref_slice %arg5[%run_scoped3A_162, %dma_wait3A_604] : memref<2x80xi32, #tpu.memory_space<vmem>> -> memref<1x80xi32, #tpu.memory_space<vmem>>
        %dma_wait3A_606 = tpu.memref_squeeze %dma_wait3A_605 : memref<1x80xi32, #tpu.memory_space<vmem>> -> memref<80xi32, #tpu.memory_space<vmem>>
        %dma_wait3A_607 = arith.constant 0 : i32
        %dma_wait3A_608 = arith.constant 0 : i32
        %dma_wait3A_609 = tpu.memref_slice %arg12[%dma_wait3A_607, %dma_wait3A_608] : memref<10240x128xf32, #tpu.memory_space<vmem_shared>> -> memref<10240x128xf32, #tpu.memory_space<vmem_shared>>
        tpu.wait_indirect_dma semaphore(%run_scoped3A_597 : memref<!tpu.dma_semaphore, #tpu.memory_space<semaphore_mem>>) src(%arg9 : memref<80x128xf32, #tpu.memory_space<vmem>>) dst(%dma_wait3A_609 : memref<10240x128xf32, #tpu.memory_space<vmem_shared>>)
        tpu.yield
      }) : () -> ()
      %add3A_163 = arith.constant 3 : i32
      %add3A_164 = arith.addi %add3A_154, %add3A_163 : i32
      %dma_start3A_165 = arith.constant 0 : i32
      %dma_start3A_166 = arith.constant 0 : i32
      %dma_start3A_167 = tpu.memref_slice %arg2[%add3A, %add3A_164, %dma_start3A_165, %dma_start3A_166] : memref<32x125x2x80xi32, #tpu.memory_space<hbm>> -> memref<1x1x2x80xi32, #tpu.memory_space<hbm>>
      %dma_start3A_168 = tpu.memref_squeeze %dma_start3A_167 : memref<1x1x2x80xi32, #tpu.memory_space<hbm>> -> memref<2x80xi32, #tpu.memory_space<hbm>>
      %dma_start3A_169 = arith.constant 0 : i32
      %dma_start3A_170 = arith.constant 0 : i32
      %dma_start3A_171 = tpu.memref_slice %arg2[%add3A, %add3A_164, %dma_start3A_169, %dma_start3A_170] : memref<32x125x2x80xi32, #tpu.memory_space<hbm>> -> memref<1x1x2x80xi32, #tpu.memory_space<hbm>>
      %dma_start3A_172 = tpu.memref_squeeze %dma_start3A_171 : memref<1x1x2x80xi32, #tpu.memory_space<hbm>> -> memref<2x80xi32, #tpu.memory_space<hbm>>
      tpu.enqueue_dma source(%dma_start3A_172 : memref<2x80xi32, #tpu.memory_space<hbm>>) target(%arg8 : memref<2x80xi32, #tpu.memory_space<vmem>>) target_semaphore(%arg16 : memref<!tpu.dma_semaphore, #tpu.memory_space<semaphore_mem>>)
      %add3A_173 = arith.constant 2 : i32
      %add3A_174 = arith.addi %add3A_154, %add3A_173 : i32
      %dma_wait3A_175 = arith.constant 0 : i32
      %dma_wait3A_176 = arith.constant 0 : i32
      %dma_wait3A_177 = tpu.memref_slice %arg2[%add3A, %add3A_174, %dma_wait3A_175, %dma_wait3A_176] : memref<32x125x2x80xi32, #tpu.memory_space<hbm>> -> memref<1x1x2x80xi32, #tpu.memory_space<hbm>>
      %dma_wait3A_178 = tpu.memref_squeeze %dma_wait3A_177 : memref<1x1x2x80xi32, #tpu.memory_space<hbm>> -> memref<2x80xi32, #tpu.memory_space<hbm>>
      %dma_wait3A_179 = arith.constant 0 : i32
      %dma_wait3A_180 = arith.constant 0 : i32
      %dma_wait3A_181 = tpu.memref_slice %arg2[%add3A, %add3A_174, %dma_wait3A_179, %dma_wait3A_180] : memref<32x125x2x80xi32, #tpu.memory_space<hbm>> -> memref<1x1x2x80xi32, #tpu.memory_space<hbm>>
      %dma_wait3A_182 = tpu.memref_squeeze %dma_wait3A_181 : memref<1x1x2x80xi32, #tpu.memory_space<hbm>> -> memref<2x80xi32, #tpu.memory_space<hbm>>
      tpu.wait_dma2 semaphore(%arg15 : memref<!tpu.dma_semaphore, #tpu.memory_space<semaphore_mem>>) src(%dma_wait3A_182 : memref<2x80xi32, #tpu.memory_space<hbm>>) dst(%arg7 : memref<2x80xi32, #tpu.memory_space<vmem>>)
      %dma_start3A_183 = arith.constant 0 : i32
      %dma_start3A_184 = arith.constant 0 : i32
      %dma_start3A_185 = tpu.memref_slice %arg7[%dma_start3A_183, %dma_start3A_184] : memref<2x80xi32, #tpu.memory_space<vmem>> -> memref<1x80xi32, #tpu.memory_space<vmem>>
      %dma_start3A_186 = tpu.memref_squeeze %dma_start3A_185 : memref<1x80xi32, #tpu.memory_space<vmem>> -> memref<80xi32, #tpu.memory_space<vmem>>
      %dma_start3A_187 = arith.constant 0 : i32
      %dma_start3A_188 = arith.constant 0 : i32
      %dma_start3A_189 = tpu.memref_slice %arg3[%dma_start3A_187, %dma_start3A_188] : memref<10000x128xf32, #tpu.memory_space<hbm>> -> memref<10000x128xf32, #tpu.memory_space<hbm>>
      tpu.enqueue_indirect_dma source(%dma_start3A_189 : memref<10000x128xf32, #tpu.memory_space<hbm>>) target(%arg11 : memref<80x128xf32, #tpu.memory_space<vmem>>) offsets(%dma_start3A_186 : memref<80xi32, #tpu.memory_space<vmem>>) semaphore(%arg19 : memref<!tpu.dma_semaphore, #tpu.memory_space<semaphore_mem>>)
      %add3A_190 = arith.constant 1 : i32
      %add3A_191 = arith.addi %add3A_152, %add3A_190 : i32
      %dma_wait3A_192 = arith.constant 0 : i32
      %dma_wait3A_193 = arith.constant 0 : i32
      %dma_wait3A_194 = tpu.memref_slice %arg6[%dma_wait3A_192, %dma_wait3A_193] : memref<2x80xi32, #tpu.memory_space<vmem>> -> memref<1x80xi32, #tpu.memory_space<vmem>>
      %dma_wait3A_195 = tpu.memref_squeeze %dma_wait3A_194 : memref<1x80xi32, #tpu.memory_space<vmem>> -> memref<80xi32, #tpu.memory_space<vmem>>
      %dma_wait3A_196 = arith.constant 0 : i32
      %dma_wait3A_197 = arith.constant 0 : i32
      %dma_wait3A_198 = tpu.memref_slice %arg3[%dma_wait3A_196, %dma_wait3A_197] : memref<10000x128xf32, #tpu.memory_space<hbm>> -> memref<10000x128xf32, #tpu.memory_space<hbm>>
      tpu.wait_indirect_dma semaphore(%arg18 : memref<!tpu.dma_semaphore, #tpu.memory_space<semaphore_mem>>) src(%dma_wait3A_198 : memref<10000x128xf32, #tpu.memory_space<hbm>>) dst(%arg10 : memref<80x128xf32, #tpu.memory_space<vmem>>)
      %run_scoped3A_199 = arith.constant 1 : i32
      "tpu.region"() ({
        %run_scoped3A_597 = tpu.sem_alloc : memref<!tpu.dma_semaphore, #tpu.memory_space<semaphore_mem>>
        %dma_start3A_598 = arith.constant 0 : i32
        %dma_start3A_599 = tpu.memref_slice %arg6[%run_scoped3A_199, %dma_start3A_598] : memref<2x80xi32, #tpu.memory_space<vmem>> -> memref<1x80xi32, #tpu.memory_space<vmem>>
        %dma_start3A_600 = tpu.memref_squeeze %dma_start3A_599 : memref<1x80xi32, #tpu.memory_space<vmem>> -> memref<80xi32, #tpu.memory_space<vmem>>
        %dma_start3A_601 = arith.constant 0 : i32
        %dma_start3A_602 = arith.constant 0 : i32
        %dma_start3A_603 = tpu.memref_slice %arg12[%dma_start3A_601, %dma_start3A_602] : memref<10240x128xf32, #tpu.memory_space<vmem_shared>> -> memref<10240x128xf32, #tpu.memory_space<vmem_shared>>
        tpu.enqueue_indirect_dma source(%arg10 : memref<80x128xf32, #tpu.memory_space<vmem>>) target(%dma_start3A_603 : memref<10240x128xf32, #tpu.memory_space<vmem_shared>>) offsets(%dma_start3A_600 : memref<80xi32, #tpu.memory_space<vmem>>) semaphore(%run_scoped3A_597 : memref<!tpu.dma_semaphore, #tpu.memory_space<semaphore_mem>>) {add = true}
        %dma_wait3A_604 = arith.constant 0 : i32
        %dma_wait3A_605 = tpu.memref_slice %arg6[%run_scoped3A_199, %dma_wait3A_604] : memref<2x80xi32, #tpu.memory_space<vmem>> -> memref<1x80xi32, #tpu.memory_space<vmem>>
        %dma_wait3A_606 = tpu.memref_squeeze %dma_wait3A_605 : memref<1x80xi32, #tpu.memory_space<vmem>> -> memref<80xi32, #tpu.memory_space<vmem>>
        %dma_wait3A_607 = arith.constant 0 : i32
        %dma_wait3A_608 = arith.constant 0 : i32
        %dma_wait3A_609 = tpu.memref_slice %arg12[%dma_wait3A_607, %dma_wait3A_608] : memref<10240x128xf32, #tpu.memory_space<vmem_shared>> -> memref<10240x128xf32, #tpu.memory_space<vmem_shared>>
        tpu.wait_indirect_dma semaphore(%run_scoped3A_597 : memref<!tpu.dma_semaphore, #tpu.memory_space<semaphore_mem>>) src(%arg10 : memref<80x128xf32, #tpu.memory_space<vmem>>) dst(%dma_wait3A_609 : memref<10240x128xf32, #tpu.memory_space<vmem_shared>>)
        tpu.yield
      }) : () -> ()
      %add3A_200 = arith.constant 3 : i32
      %add3A_201 = arith.addi %add3A_191, %add3A_200 : i32
      %dma_start3A_202 = arith.constant 0 : i32
      %dma_start3A_203 = arith.constant 0 : i32
      %dma_start3A_204 = tpu.memref_slice %arg2[%add3A, %add3A_201, %dma_start3A_202, %dma_start3A_203] : memref<32x125x2x80xi32, #tpu.memory_space<hbm>> -> memref<1x1x2x80xi32, #tpu.memory_space<hbm>>
      %dma_start3A_205 = tpu.memref_squeeze %dma_start3A_204 : memref<1x1x2x80xi32, #tpu.memory_space<hbm>> -> memref<2x80xi32, #tpu.memory_space<hbm>>
      %dma_start3A_206 = arith.constant 0 : i32
      %dma_start3A_207 = arith.constant 0 : i32
      %dma_start3A_208 = tpu.memref_slice %arg2[%add3A, %add3A_201, %dma_start3A_206, %dma_start3A_207] : memref<32x125x2x80xi32, #tpu.memory_space<hbm>> -> memref<1x1x2x80xi32, #tpu.memory_space<hbm>>
      %dma_start3A_209 = tpu.memref_squeeze %dma_start3A_208 : memref<1x1x2x80xi32, #tpu.memory_space<hbm>> -> memref<2x80xi32, #tpu.memory_space<hbm>>
      tpu.enqueue_dma source(%dma_start3A_209 : memref<2x80xi32, #tpu.memory_space<hbm>>) target(%arg5 : memref<2x80xi32, #tpu.memory_space<vmem>>) target_semaphore(%arg13 : memref<!tpu.dma_semaphore, #tpu.memory_space<semaphore_mem>>)
      %add3A_210 = arith.constant 2 : i32
      %add3A_211 = arith.addi %add3A_191, %add3A_210 : i32
      %dma_wait3A_212 = arith.constant 0 : i32
      %dma_wait3A_213 = arith.constant 0 : i32
      %dma_wait3A_214 = tpu.memref_slice %arg2[%add3A, %add3A_211, %dma_wait3A_212, %dma_wait3A_213] : memref<32x125x2x80xi32, #tpu.memory_space<hbm>> -> memref<1x1x2x80xi32, #tpu.memory_space<hbm>>
      %dma_wait3A_215 = tpu.memref_squeeze %dma_wait3A_214 : memref<1x1x2x80xi32, #tpu.memory_space<hbm>> -> memref<2x80xi32, #tpu.memory_space<hbm>>
      %dma_wait3A_216 = arith.constant 0 : i32
      %dma_wait3A_217 = arith.constant 0 : i32
      %dma_wait3A_218 = tpu.memref_slice %arg2[%add3A, %add3A_211, %dma_wait3A_216, %dma_wait3A_217] : memref<32x125x2x80xi32, #tpu.memory_space<hbm>> -> memref<1x1x2x80xi32, #tpu.memory_space<hbm>>
      %dma_wait3A_219 = tpu.memref_squeeze %dma_wait3A_218 : memref<1x1x2x80xi32, #tpu.memory_space<hbm>> -> memref<2x80xi32, #tpu.memory_space<hbm>>
      tpu.wait_dma2 semaphore(%arg16 : memref<!tpu.dma_semaphore, #tpu.memory_space<semaphore_mem>>) src(%dma_wait3A_219 : memref<2x80xi32, #tpu.memory_space<hbm>>) dst(%arg8 : memref<2x80xi32, #tpu.memory_space<vmem>>)
      %dma_start3A_220 = arith.constant 0 : i32
      %dma_start3A_221 = arith.constant 0 : i32
      %dma_start3A_222 = tpu.memref_slice %arg8[%dma_start3A_220, %dma_start3A_221] : memref<2x80xi32, #tpu.memory_space<vmem>> -> memref<1x80xi32, #tpu.memory_space<vmem>>
      %dma_start3A_223 = tpu.memref_squeeze %dma_start3A_222 : memref<1x80xi32, #tpu.memory_space<vmem>> -> memref<80xi32, #tpu.memory_space<vmem>>
      %dma_start3A_224 = arith.constant 0 : i32
      %dma_start3A_225 = arith.constant 0 : i32
      %dma_start3A_226 = tpu.memref_slice %arg3[%dma_start3A_224, %dma_start3A_225] : memref<10000x128xf32, #tpu.memory_space<hbm>> -> memref<10000x128xf32, #tpu.memory_space<hbm>>
      tpu.enqueue_indirect_dma source(%dma_start3A_226 : memref<10000x128xf32, #tpu.memory_space<hbm>>) target(%arg9 : memref<80x128xf32, #tpu.memory_space<vmem>>) offsets(%dma_start3A_223 : memref<80xi32, #tpu.memory_space<vmem>>) semaphore(%arg17 : memref<!tpu.dma_semaphore, #tpu.memory_space<semaphore_mem>>)
      %add3A_227 = arith.constant 2 : i32
      %add3A_228 = arith.addi %add3A_152, %add3A_227 : i32
      %dma_wait3A_229 = arith.constant 0 : i32
      %dma_wait3A_230 = arith.constant 0 : i32
      %dma_wait3A_231 = tpu.memref_slice %arg7[%dma_wait3A_229, %dma_wait3A_230] : memref<2x80xi32, #tpu.memory_space<vmem>> -> memref<1x80xi32, #tpu.memory_space<vmem>>
      %dma_wait3A_232 = tpu.memref_squeeze %dma_wait3A_231 : memref<1x80xi32, #tpu.memory_space<vmem>> -> memref<80xi32, #tpu.memory_space<vmem>>
      %dma_wait3A_233 = arith.constant 0 : i32
      %dma_wait3A_234 = arith.constant 0 : i32
      %dma_wait3A_235 = tpu.memref_slice %arg3[%dma_wait3A_233, %dma_wait3A_234] : memref<10000x128xf32, #tpu.memory_space<hbm>> -> memref<10000x128xf32, #tpu.memory_space<hbm>>
      tpu.wait_indirect_dma semaphore(%arg19 : memref<!tpu.dma_semaphore, #tpu.memory_space<semaphore_mem>>) src(%dma_wait3A_235 : memref<10000x128xf32, #tpu.memory_space<hbm>>) dst(%arg11 : memref<80x128xf32, #tpu.memory_space<vmem>>)
      %run_scoped3A_236 = arith.constant 1 : i32
      "tpu.region"() ({
        %run_scoped3A_597 = tpu.sem_alloc : memref<!tpu.dma_semaphore, #tpu.memory_space<semaphore_mem>>
        %dma_start3A_598 = arith.constant 0 : i32
        %dma_start3A_599 = tpu.memref_slice %arg7[%run_scoped3A_236, %dma_start3A_598] : memref<2x80xi32, #tpu.memory_space<vmem>> -> memref<1x80xi32, #tpu.memory_space<vmem>>
        %dma_start3A_600 = tpu.memref_squeeze %dma_start3A_599 : memref<1x80xi32, #tpu.memory_space<vmem>> -> memref<80xi32, #tpu.memory_space<vmem>>
        %dma_start3A_601 = arith.constant 0 : i32
        %dma_start3A_602 = arith.constant 0 : i32
        %dma_start3A_603 = tpu.memref_slice %arg12[%dma_start3A_601, %dma_start3A_602] : memref<10240x128xf32, #tpu.memory_space<vmem_shared>> -> memref<10240x128xf32, #tpu.memory_space<vmem_shared>>
        tpu.enqueue_indirect_dma source(%arg11 : memref<80x128xf32, #tpu.memory_space<vmem>>) target(%dma_start3A_603 : memref<10240x128xf32, #tpu.memory_space<vmem_shared>>) offsets(%dma_start3A_600 : memref<80xi32, #tpu.memory_space<vmem>>) semaphore(%run_scoped3A_597 : memref<!tpu.dma_semaphore, #tpu.memory_space<semaphore_mem>>) {add = true}
        %dma_wait3A_604 = arith.constant 0 : i32
        %dma_wait3A_605 = tpu.memref_slice %arg7[%run_scoped3A_236, %dma_wait3A_604] : memref<2x80xi32, #tpu.memory_space<vmem>> -> memref<1x80xi32, #tpu.memory_space<vmem>>
        %dma_wait3A_606 = tpu.memref_squeeze %dma_wait3A_605 : memref<1x80xi32, #tpu.memory_space<vmem>> -> memref<80xi32, #tpu.memory_space<vmem>>
        %dma_wait3A_607 = arith.constant 0 : i32
        %dma_wait3A_608 = arith.constant 0 : i32
        %dma_wait3A_609 = tpu.memref_slice %arg12[%dma_wait3A_607, %dma_wait3A_608] : memref<10240x128xf32, #tpu.memory_space<vmem_shared>> -> memref<10240x128xf32, #tpu.memory_space<vmem_shared>>
        tpu.wait_indirect_dma semaphore(%run_scoped3A_597 : memref<!tpu.dma_semaphore, #tpu.memory_space<semaphore_mem>>) src(%arg11 : memref<80x128xf32, #tpu.memory_space<vmem>>) dst(%dma_wait3A_609 : memref<10240x128xf32, #tpu.memory_space<vmem_shared>>)
        tpu.yield
      }) : () -> ()
      %add3A_237 = arith.constant 3 : i32
      %add3A_238 = arith.addi %add3A_228, %add3A_237 : i32
      %dma_start3A_239 = arith.constant 0 : i32
      %dma_start3A_240 = arith.constant 0 : i32
      %dma_start3A_241 = tpu.memref_slice %arg2[%add3A, %add3A_238, %dma_start3A_239, %dma_start3A_240] : memref<32x125x2x80xi32, #tpu.memory_space<hbm>> -> memref<1x1x2x80xi32, #tpu.memory_space<hbm>>
      %dma_start3A_242 = tpu.memref_squeeze %dma_start3A_241 : memref<1x1x2x80xi32, #tpu.memory_space<hbm>> -> memref<2x80xi32, #tpu.memory_space<hbm>>
      %dma_start3A_243 = arith.constant 0 : i32
      %dma_start3A_244 = arith.constant 0 : i32
      %dma_start3A_245 = tpu.memref_slice %arg2[%add3A, %add3A_238, %dma_start3A_243, %dma_start3A_244] : memref<32x125x2x80xi32, #tpu.memory_space<hbm>> -> memref<1x1x2x80xi32, #tpu.memory_space<hbm>>
      %dma_start3A_246 = tpu.memref_squeeze %dma_start3A_245 : memref<1x1x2x80xi32, #tpu.memory_space<hbm>> -> memref<2x80xi32, #tpu.memory_space<hbm>>
      tpu.enqueue_dma source(%dma_start3A_246 : memref<2x80xi32, #tpu.memory_space<hbm>>) target(%arg6 : memref<2x80xi32, #tpu.memory_space<vmem>>) target_semaphore(%arg14 : memref<!tpu.dma_semaphore, #tpu.memory_space<semaphore_mem>>)
      %add3A_247 = arith.constant 2 : i32
      %add3A_248 = arith.addi %add3A_228, %add3A_247 : i32
      %dma_wait3A_249 = arith.constant 0 : i32
      %dma_wait3A_250 = arith.constant 0 : i32
      %dma_wait3A_251 = tpu.memref_slice %arg2[%add3A, %add3A_248, %dma_wait3A_249, %dma_wait3A_250] : memref<32x125x2x80xi32, #tpu.memory_space<hbm>> -> memref<1x1x2x80xi32, #tpu.memory_space<hbm>>
      %dma_wait3A_252 = tpu.memref_squeeze %dma_wait3A_251 : memref<1x1x2x80xi32, #tpu.memory_space<hbm>> -> memref<2x80xi32, #tpu.memory_space<hbm>>
      %dma_wait3A_253 = arith.constant 0 : i32
      %dma_wait3A_254 = arith.constant 0 : i32
      %dma_wait3A_255 = tpu.memref_slice %arg2[%add3A, %add3A_248, %dma_wait3A_253, %dma_wait3A_254] : memref<32x125x2x80xi32, #tpu.memory_space<hbm>> -> memref<1x1x2x80xi32, #tpu.memory_space<hbm>>
      %dma_wait3A_256 = tpu.memref_squeeze %dma_wait3A_255 : memref<1x1x2x80xi32, #tpu.memory_space<hbm>> -> memref<2x80xi32, #tpu.memory_space<hbm>>
      tpu.wait_dma2 semaphore(%arg13 : memref<!tpu.dma_semaphore, #tpu.memory_space<semaphore_mem>>) src(%dma_wait3A_256 : memref<2x80xi32, #tpu.memory_space<hbm>>) dst(%arg5 : memref<2x80xi32, #tpu.memory_space<vmem>>)
      %dma_start3A_257 = arith.constant 0 : i32
      %dma_start3A_258 = arith.constant 0 : i32
      %dma_start3A_259 = tpu.memref_slice %arg5[%dma_start3A_257, %dma_start3A_258] : memref<2x80xi32, #tpu.memory_space<vmem>> -> memref<1x80xi32, #tpu.memory_space<vmem>>
      %dma_start3A_260 = tpu.memref_squeeze %dma_start3A_259 : memref<1x80xi32, #tpu.memory_space<vmem>> -> memref<80xi32, #tpu.memory_space<vmem>>
      %dma_start3A_261 = arith.constant 0 : i32
      %dma_start3A_262 = arith.constant 0 : i32
      %dma_start3A_263 = tpu.memref_slice %arg3[%dma_start3A_261, %dma_start3A_262] : memref<10000x128xf32, #tpu.memory_space<hbm>> -> memref<10000x128xf32, #tpu.memory_space<hbm>>
      tpu.enqueue_indirect_dma source(%dma_start3A_263 : memref<10000x128xf32, #tpu.memory_space<hbm>>) target(%arg10 : memref<80x128xf32, #tpu.memory_space<vmem>>) offsets(%dma_start3A_260 : memref<80xi32, #tpu.memory_space<vmem>>) semaphore(%arg18 : memref<!tpu.dma_semaphore, #tpu.memory_space<semaphore_mem>>)
      %add3A_264 = arith.constant 3 : i32
      %add3A_265 = arith.addi %add3A_152, %add3A_264 : i32
      %dma_wait3A_266 = arith.constant 0 : i32
      %dma_wait3A_267 = arith.constant 0 : i32
      %dma_wait3A_268 = tpu.memref_slice %arg8[%dma_wait3A_266, %dma_wait3A_267] : memref<2x80xi32, #tpu.memory_space<vmem>> -> memref<1x80xi32, #tpu.memory_space<vmem>>
      %dma_wait3A_269 = tpu.memref_squeeze %dma_wait3A_268 : memref<1x80xi32, #tpu.memory_space<vmem>> -> memref<80xi32, #tpu.memory_space<vmem>>
      %dma_wait3A_270 = arith.constant 0 : i32
      %dma_wait3A_271 = arith.constant 0 : i32
      %dma_wait3A_272 = tpu.memref_slice %arg3[%dma_wait3A_270, %dma_wait3A_271] : memref<10000x128xf32, #tpu.memory_space<hbm>> -> memref<10000x128xf32, #tpu.memory_space<hbm>>
      tpu.wait_indirect_dma semaphore(%arg17 : memref<!tpu.dma_semaphore, #tpu.memory_space<semaphore_mem>>) src(%dma_wait3A_272 : memref<10000x128xf32, #tpu.memory_space<hbm>>) dst(%arg9 : memref<80x128xf32, #tpu.memory_space<vmem>>)
      %run_scoped3A_273 = arith.constant 1 : i32
      "tpu.region"() ({
        %run_scoped3A_597 = tpu.sem_alloc : memref<!tpu.dma_semaphore, #tpu.memory_space<semaphore_mem>>
        %dma_start3A_598 = arith.constant 0 : i32
        %dma_start3A_599 = tpu.memref_slice %arg8[%run_scoped3A_273, %dma_start3A_598] : memref<2x80xi32, #tpu.memory_space<vmem>> -> memref<1x80xi32, #tpu.memory_space<vmem>>
        %dma_start3A_600 = tpu.memref_squeeze %dma_start3A_599 : memref<1x80xi32, #tpu.memory_space<vmem>> -> memref<80xi32, #tpu.memory_space<vmem>>
        %dma_start3A_601 = arith.constant 0 : i32
        %dma_start3A_602 = arith.constant 0 : i32
        %dma_start3A_603 = tpu.memref_slice %arg12[%dma_start3A_601, %dma_start3A_602] : memref<10240x128xf32, #tpu.memory_space<vmem_shared>> -> memref<10240x128xf32, #tpu.memory_space<vmem_shared>>
        tpu.enqueue_indirect_dma source(%arg9 : memref<80x128xf32, #tpu.memory_space<vmem>>) target(%dma_start3A_603 : memref<10240x128xf32, #tpu.memory_space<vmem_shared>>) offsets(%dma_start3A_600 : memref<80xi32, #tpu.memory_space<vmem>>) semaphore(%run_scoped3A_597 : memref<!tpu.dma_semaphore, #tpu.memory_space<semaphore_mem>>) {add = true}
        %dma_wait3A_604 = arith.constant 0 : i32
        %dma_wait3A_605 = tpu.memref_slice %arg8[%run_scoped3A_273, %dma_wait3A_604] : memref<2x80xi32, #tpu.memory_space<vmem>> -> memref<1x80xi32, #tpu.memory_space<vmem>>
        %dma_wait3A_606 = tpu.memref_squeeze %dma_wait3A_605 : memref<1x80xi32, #tpu.memory_space<vmem>> -> memref<80xi32, #tpu.memory_space<vmem>>
        %dma_wait3A_607 = arith.constant 0 : i32
        %dma_wait3A_608 = arith.constant 0 : i32
        %dma_wait3A_609 = tpu.memref_slice %arg12[%dma_wait3A_607, %dma_wait3A_608] : memref<10240x128xf32, #tpu.memory_space<vmem_shared>> -> memref<10240x128xf32, #tpu.memory_space<vmem_shared>>
        tpu.wait_indirect_dma semaphore(%run_scoped3A_597 : memref<!tpu.dma_semaphore, #tpu.memory_space<semaphore_mem>>) src(%arg9 : memref<80x128xf32, #tpu.memory_space<vmem>>) dst(%dma_wait3A_609 : memref<10240x128xf32, #tpu.memory_space<vmem_shared>>)
        tpu.yield
      }) : () -> ()
      %add3A_274 = arith.constant 3 : i32
      %add3A_275 = arith.addi %add3A_265, %add3A_274 : i32
      %dma_start3A_276 = arith.constant 0 : i32
      %dma_start3A_277 = arith.constant 0 : i32
      %dma_start3A_278 = tpu.memref_slice %arg2[%add3A, %add3A_275, %dma_start3A_276, %dma_start3A_277] : memref<32x125x2x80xi32, #tpu.memory_space<hbm>> -> memref<1x1x2x80xi32, #tpu.memory_space<hbm>>
      %dma_start3A_279 = tpu.memref_squeeze %dma_start3A_278 : memref<1x1x2x80xi32, #tpu.memory_space<hbm>> -> memref<2x80xi32, #tpu.memory_space<hbm>>
      %dma_start3A_280 = arith.constant 0 : i32
      %dma_start3A_281 = arith.constant 0 : i32
      %dma_start3A_282 = tpu.memref_slice %arg2[%add3A, %add3A_275, %dma_start3A_280, %dma_start3A_281] : memref<32x125x2x80xi32, #tpu.memory_space<hbm>> -> memref<1x1x2x80xi32, #tpu.memory_space<hbm>>
      %dma_start3A_283 = tpu.memref_squeeze %dma_start3A_282 : memref<1x1x2x80xi32, #tpu.memory_space<hbm>> -> memref<2x80xi32, #tpu.memory_space<hbm>>
      tpu.enqueue_dma source(%dma_start3A_283 : memref<2x80xi32, #tpu.memory_space<hbm>>) target(%arg7 : memref<2x80xi32, #tpu.memory_space<vmem>>) target_semaphore(%arg15 : memref<!tpu.dma_semaphore, #tpu.memory_space<semaphore_mem>>)
      %add3A_284 = arith.constant 2 : i32
      %add3A_285 = arith.addi %add3A_265, %add3A_284 : i32
      %dma_wait3A_286 = arith.constant 0 : i32
      %dma_wait3A_287 = arith.constant 0 : i32
      %dma_wait3A_288 = tpu.memref_slice %arg2[%add3A, %add3A_285, %dma_wait3A_286, %dma_wait3A_287] : memref<32x125x2x80xi32, #tpu.memory_space<hbm>> -> memref<1x1x2x80xi32, #tpu.memory_space<hbm>>
      %dma_wait3A_289 = tpu.memref_squeeze %dma_wait3A_288 : memref<1x1x2x80xi32, #tpu.memory_space<hbm>> -> memref<2x80xi32, #tpu.memory_space<hbm>>
      %dma_wait3A_290 = arith.constant 0 : i32
      %dma_wait3A_291 = arith.constant 0 : i32
      %dma_wait3A_292 = tpu.memref_slice %arg2[%add3A, %add3A_285, %dma_wait3A_290, %dma_wait3A_291] : memref<32x125x2x80xi32, #tpu.memory_space<hbm>> -> memref<1x1x2x80xi32, #tpu.memory_space<hbm>>
      %dma_wait3A_293 = tpu.memref_squeeze %dma_wait3A_292 : memref<1x1x2x80xi32, #tpu.memory_space<hbm>> -> memref<2x80xi32, #tpu.memory_space<hbm>>
      tpu.wait_dma2 semaphore(%arg14 : memref<!tpu.dma_semaphore, #tpu.memory_space<semaphore_mem>>) src(%dma_wait3A_293 : memref<2x80xi32, #tpu.memory_space<hbm>>) dst(%arg6 : memref<2x80xi32, #tpu.memory_space<vmem>>)
      %dma_start3A_294 = arith.constant 0 : i32
      %dma_start3A_295 = arith.constant 0 : i32
      %dma_start3A_296 = tpu.memref_slice %arg6[%dma_start3A_294, %dma_start3A_295] : memref<2x80xi32, #tpu.memory_space<vmem>> -> memref<1x80xi32, #tpu.memory_space<vmem>>
      %dma_start3A_297 = tpu.memref_squeeze %dma_start3A_296 : memref<1x80xi32, #tpu.memory_space<vmem>> -> memref<80xi32, #tpu.memory_space<vmem>>
      %dma_start3A_298 = arith.constant 0 : i32
      %dma_start3A_299 = arith.constant 0 : i32
      %dma_start3A_300 = tpu.memref_slice %arg3[%dma_start3A_298, %dma_start3A_299] : memref<10000x128xf32, #tpu.memory_space<hbm>> -> memref<10000x128xf32, #tpu.memory_space<hbm>>
      tpu.enqueue_indirect_dma source(%dma_start3A_300 : memref<10000x128xf32, #tpu.memory_space<hbm>>) target(%arg11 : memref<80x128xf32, #tpu.memory_space<vmem>>) offsets(%dma_start3A_297 : memref<80xi32, #tpu.memory_space<vmem>>) semaphore(%arg19 : memref<!tpu.dma_semaphore, #tpu.memory_space<semaphore_mem>>)
      %add3A_301 = arith.constant 4 : i32
      %add3A_302 = arith.addi %add3A_152, %add3A_301 : i32
      %dma_wait3A_303 = arith.constant 0 : i32
      %dma_wait3A_304 = arith.constant 0 : i32
      %dma_wait3A_305 = tpu.memref_slice %arg5[%dma_wait3A_303, %dma_wait3A_304] : memref<2x80xi32, #tpu.memory_space<vmem>> -> memref<1x80xi32, #tpu.memory_space<vmem>>
      %dma_wait3A_306 = tpu.memref_squeeze %dma_wait3A_305 : memref<1x80xi32, #tpu.memory_space<vmem>> -> memref<80xi32, #tpu.memory_space<vmem>>
      %dma_wait3A_307 = arith.constant 0 : i32
      %dma_wait3A_308 = arith.constant 0 : i32
      %dma_wait3A_309 = tpu.memref_slice %arg3[%dma_wait3A_307, %dma_wait3A_308] : memref<10000x128xf32, #tpu.memory_space<hbm>> -> memref<10000x128xf32, #tpu.memory_space<hbm>>
      tpu.wait_indirect_dma semaphore(%arg18 : memref<!tpu.dma_semaphore, #tpu.memory_space<semaphore_mem>>) src(%dma_wait3A_309 : memref<10000x128xf32, #tpu.memory_space<hbm>>) dst(%arg10 : memref<80x128xf32, #tpu.memory_space<vmem>>)
      %run_scoped3A_310 = arith.constant 1 : i32
      "tpu.region"() ({
        %run_scoped3A_597 = tpu.sem_alloc : memref<!tpu.dma_semaphore, #tpu.memory_space<semaphore_mem>>
        %dma_start3A_598 = arith.constant 0 : i32
        %dma_start3A_599 = tpu.memref_slice %arg5[%run_scoped3A_310, %dma_start3A_598] : memref<2x80xi32, #tpu.memory_space<vmem>> -> memref<1x80xi32, #tpu.memory_space<vmem>>
        %dma_start3A_600 = tpu.memref_squeeze %dma_start3A_599 : memref<1x80xi32, #tpu.memory_space<vmem>> -> memref<80xi32, #tpu.memory_space<vmem>>
        %dma_start3A_601 = arith.constant 0 : i32
        %dma_start3A_602 = arith.constant 0 : i32
        %dma_start3A_603 = tpu.memref_slice %arg12[%dma_start3A_601, %dma_start3A_602] : memref<10240x128xf32, #tpu.memory_space<vmem_shared>> -> memref<10240x128xf32, #tpu.memory_space<vmem_shared>>
        tpu.enqueue_indirect_dma source(%arg10 : memref<80x128xf32, #tpu.memory_space<vmem>>) target(%dma_start3A_603 : memref<10240x128xf32, #tpu.memory_space<vmem_shared>>) offsets(%dma_start3A_600 : memref<80xi32, #tpu.memory_space<vmem>>) semaphore(%run_scoped3A_597 : memref<!tpu.dma_semaphore, #tpu.memory_space<semaphore_mem>>) {add = true}
        %dma_wait3A_604 = arith.constant 0 : i32
        %dma_wait3A_605 = tpu.memref_slice %arg5[%run_scoped3A_310, %dma_wait3A_604] : memref<2x80xi32, #tpu.memory_space<vmem>> -> memref<1x80xi32, #tpu.memory_space<vmem>>
        %dma_wait3A_606 = tpu.memref_squeeze %dma_wait3A_605 : memref<1x80xi32, #tpu.memory_space<vmem>> -> memref<80xi32, #tpu.memory_space<vmem>>
        %dma_wait3A_607 = arith.constant 0 : i32
        %dma_wait3A_608 = arith.constant 0 : i32
        %dma_wait3A_609 = tpu.memref_slice %arg12[%dma_wait3A_607, %dma_wait3A_608] : memref<10240x128xf32, #tpu.memory_space<vmem_shared>> -> memref<10240x128xf32, #tpu.memory_space<vmem_shared>>
        tpu.wait_indirect_dma semaphore(%run_scoped3A_597 : memref<!tpu.dma_semaphore, #tpu.memory_space<semaphore_mem>>) src(%arg10 : memref<80x128xf32, #tpu.memory_space<vmem>>) dst(%dma_wait3A_609 : memref<10240x128xf32, #tpu.memory_space<vmem_shared>>)
        tpu.yield
      }) : () -> ()
      %add3A_311 = arith.constant 3 : i32
      %add3A_312 = arith.addi %add3A_302, %add3A_311 : i32
      %dma_start3A_313 = arith.constant 0 : i32
      %dma_start3A_314 = arith.constant 0 : i32
      %dma_start3A_315 = tpu.memref_slice %arg2[%add3A, %add3A_312, %dma_start3A_313, %dma_start3A_314] : memref<32x125x2x80xi32, #tpu.memory_space<hbm>> -> memref<1x1x2x80xi32, #tpu.memory_space<hbm>>
      %dma_start3A_316 = tpu.memref_squeeze %dma_start3A_315 : memref<1x1x2x80xi32, #tpu.memory_space<hbm>> -> memref<2x80xi32, #tpu.memory_space<hbm>>
      %dma_start3A_317 = arith.constant 0 : i32
      %dma_start3A_318 = arith.constant 0 : i32
      %dma_start3A_319 = tpu.memref_slice %arg2[%add3A, %add3A_312, %dma_start3A_317, %dma_start3A_318] : memref<32x125x2x80xi32, #tpu.memory_space<hbm>> -> memref<1x1x2x80xi32, #tpu.memory_space<hbm>>
      %dma_start3A_320 = tpu.memref_squeeze %dma_start3A_319 : memref<1x1x2x80xi32, #tpu.memory_space<hbm>> -> memref<2x80xi32, #tpu.memory_space<hbm>>
      tpu.enqueue_dma source(%dma_start3A_320 : memref<2x80xi32, #tpu.memory_space<hbm>>) target(%arg8 : memref<2x80xi32, #tpu.memory_space<vmem>>) target_semaphore(%arg16 : memref<!tpu.dma_semaphore, #tpu.memory_space<semaphore_mem>>)
      %add3A_321 = arith.constant 2 : i32
      %add3A_322 = arith.addi %add3A_302, %add3A_321 : i32
      %dma_wait3A_323 = arith.constant 0 : i32
      %dma_wait3A_324 = arith.constant 0 : i32
      %dma_wait3A_325 = tpu.memref_slice %arg2[%add3A, %add3A_322, %dma_wait3A_323, %dma_wait3A_324] : memref<32x125x2x80xi32, #tpu.memory_space<hbm>> -> memref<1x1x2x80xi32, #tpu.memory_space<hbm>>
      %dma_wait3A_326 = tpu.memref_squeeze %dma_wait3A_325 : memref<1x1x2x80xi32, #tpu.memory_space<hbm>> -> memref<2x80xi32, #tpu.memory_space<hbm>>
      %dma_wait3A_327 = arith.constant 0 : i32
      %dma_wait3A_328 = arith.constant 0 : i32
      %dma_wait3A_329 = tpu.memref_slice %arg2[%add3A, %add3A_322, %dma_wait3A_327, %dma_wait3A_328] : memref<32x125x2x80xi32, #tpu.memory_space<hbm>> -> memref<1x1x2x80xi32, #tpu.memory_space<hbm>>
      %dma_wait3A_330 = tpu.memref_squeeze %dma_wait3A_329 : memref<1x1x2x80xi32, #tpu.memory_space<hbm>> -> memref<2x80xi32, #tpu.memory_space<hbm>>
      tpu.wait_dma2 semaphore(%arg15 : memref<!tpu.dma_semaphore, #tpu.memory_space<semaphore_mem>>) src(%dma_wait3A_330 : memref<2x80xi32, #tpu.memory_space<hbm>>) dst(%arg7 : memref<2x80xi32, #tpu.memory_space<vmem>>)
      %dma_start3A_331 = arith.constant 0 : i32
      %dma_start3A_332 = arith.constant 0 : i32
      %dma_start3A_333 = tpu.memref_slice %arg7[%dma_start3A_331, %dma_start3A_332] : memref<2x80xi32, #tpu.memory_space<vmem>> -> memref<1x80xi32, #tpu.memory_space<vmem>>
      %dma_start3A_334 = tpu.memref_squeeze %dma_start3A_333 : memref<1x80xi32, #tpu.memory_space<vmem>> -> memref<80xi32, #tpu.memory_space<vmem>>
      %dma_start3A_335 = arith.constant 0 : i32
      %dma_start3A_336 = arith.constant 0 : i32
      %dma_start3A_337 = tpu.memref_slice %arg3[%dma_start3A_335, %dma_start3A_336] : memref<10000x128xf32, #tpu.memory_space<hbm>> -> memref<10000x128xf32, #tpu.memory_space<hbm>>
      tpu.enqueue_indirect_dma source(%dma_start3A_337 : memref<10000x128xf32, #tpu.memory_space<hbm>>) target(%arg9 : memref<80x128xf32, #tpu.memory_space<vmem>>) offsets(%dma_start3A_334 : memref<80xi32, #tpu.memory_space<vmem>>) semaphore(%arg17 : memref<!tpu.dma_semaphore, #tpu.memory_space<semaphore_mem>>)
      %add3A_338 = arith.constant 5 : i32
      %add3A_339 = arith.addi %add3A_152, %add3A_338 : i32
      %dma_wait3A_340 = arith.constant 0 : i32
      %dma_wait3A_341 = arith.constant 0 : i32
      %dma_wait3A_342 = tpu.memref_slice %arg6[%dma_wait3A_340, %dma_wait3A_341] : memref<2x80xi32, #tpu.memory_space<vmem>> -> memref<1x80xi32, #tpu.memory_space<vmem>>
      %dma_wait3A_343 = tpu.memref_squeeze %dma_wait3A_342 : memref<1x80xi32, #tpu.memory_space<vmem>> -> memref<80xi32, #tpu.memory_space<vmem>>
      %dma_wait3A_344 = arith.constant 0 : i32
      %dma_wait3A_345 = arith.constant 0 : i32
      %dma_wait3A_346 = tpu.memref_slice %arg3[%dma_wait3A_344, %dma_wait3A_345] : memref<10000x128xf32, #tpu.memory_space<hbm>> -> memref<10000x128xf32, #tpu.memory_space<hbm>>
      tpu.wait_indirect_dma semaphore(%arg19 : memref<!tpu.dma_semaphore, #tpu.memory_space<semaphore_mem>>) src(%dma_wait3A_346 : memref<10000x128xf32, #tpu.memory_space<hbm>>) dst(%arg11 : memref<80x128xf32, #tpu.memory_space<vmem>>)
      %run_scoped3A_347 = arith.constant 1 : i32
      "tpu.region"() ({
        %run_scoped3A_597 = tpu.sem_alloc : memref<!tpu.dma_semaphore, #tpu.memory_space<semaphore_mem>>
        %dma_start3A_598 = arith.constant 0 : i32
        %dma_start3A_599 = tpu.memref_slice %arg6[%run_scoped3A_347, %dma_start3A_598] : memref<2x80xi32, #tpu.memory_space<vmem>> -> memref<1x80xi32, #tpu.memory_space<vmem>>
        %dma_start3A_600 = tpu.memref_squeeze %dma_start3A_599 : memref<1x80xi32, #tpu.memory_space<vmem>> -> memref<80xi32, #tpu.memory_space<vmem>>
        %dma_start3A_601 = arith.constant 0 : i32
        %dma_start3A_602 = arith.constant 0 : i32
        %dma_start3A_603 = tpu.memref_slice %arg12[%dma_start3A_601, %dma_start3A_602] : memref<10240x128xf32, #tpu.memory_space<vmem_shared>> -> memref<10240x128xf32, #tpu.memory_space<vmem_shared>>
        tpu.enqueue_indirect_dma source(%arg11 : memref<80x128xf32, #tpu.memory_space<vmem>>) target(%dma_start3A_603 : memref<10240x128xf32, #tpu.memory_space<vmem_shared>>) offsets(%dma_start3A_600 : memref<80xi32, #tpu.memory_space<vmem>>) semaphore(%run_scoped3A_597 : memref<!tpu.dma_semaphore, #tpu.memory_space<semaphore_mem>>) {add = true}
        %dma_wait3A_604 = arith.constant 0 : i32
        %dma_wait3A_605 = tpu.memref_slice %arg6[%run_scoped3A_347, %dma_wait3A_604] : memref<2x80xi32, #tpu.memory_space<vmem>> -> memref<1x80xi32, #tpu.memory_space<vmem>>
        %dma_wait3A_606 = tpu.memref_squeeze %dma_wait3A_605 : memref<1x80xi32, #tpu.memory_space<vmem>> -> memref<80xi32, #tpu.memory_space<vmem>>
        %dma_wait3A_607 = arith.constant 0 : i32
        %dma_wait3A_608 = arith.constant 0 : i32
        %dma_wait3A_609 = tpu.memref_slice %arg12[%dma_wait3A_607, %dma_wait3A_608] : memref<10240x128xf32, #tpu.memory_space<vmem_shared>> -> memref<10240x128xf32, #tpu.memory_space<vmem_shared>>
        tpu.wait_indirect_dma semaphore(%run_scoped3A_597 : memref<!tpu.dma_semaphore, #tpu.memory_space<semaphore_mem>>) src(%arg11 : memref<80x128xf32, #tpu.memory_space<vmem>>) dst(%dma_wait3A_609 : memref<10240x128xf32, #tpu.memory_space<vmem_shared>>)
        tpu.yield
      }) : () -> ()
      %add3A_348 = arith.constant 3 : i32
      %add3A_349 = arith.addi %add3A_339, %add3A_348 : i32
      %dma_start3A_350 = arith.constant 0 : i32
      %dma_start3A_351 = arith.constant 0 : i32
      %dma_start3A_352 = tpu.memref_slice %arg2[%add3A, %add3A_349, %dma_start3A_350, %dma_start3A_351] : memref<32x125x2x80xi32, #tpu.memory_space<hbm>> -> memref<1x1x2x80xi32, #tpu.memory_space<hbm>>
      %dma_start3A_353 = tpu.memref_squeeze %dma_start3A_352 : memref<1x1x2x80xi32, #tpu.memory_space<hbm>> -> memref<2x80xi32, #tpu.memory_space<hbm>>
      %dma_start3A_354 = arith.constant 0 : i32
      %dma_start3A_355 = arith.constant 0 : i32
      %dma_start3A_356 = tpu.memref_slice %arg2[%add3A, %add3A_349, %dma_start3A_354, %dma_start3A_355] : memref<32x125x2x80xi32, #tpu.memory_space<hbm>> -> memref<1x1x2x80xi32, #tpu.memory_space<hbm>>
      %dma_start3A_357 = tpu.memref_squeeze %dma_start3A_356 : memref<1x1x2x80xi32, #tpu.memory_space<hbm>> -> memref<2x80xi32, #tpu.memory_space<hbm>>
      tpu.enqueue_dma source(%dma_start3A_357 : memref<2x80xi32, #tpu.memory_space<hbm>>) target(%arg5 : memref<2x80xi32, #tpu.memory_space<vmem>>) target_semaphore(%arg13 : memref<!tpu.dma_semaphore, #tpu.memory_space<semaphore_mem>>)
      %add3A_358 = arith.constant 2 : i32
      %add3A_359 = arith.addi %add3A_339, %add3A_358 : i32
      %dma_wait3A_360 = arith.constant 0 : i32
      %dma_wait3A_361 = arith.constant 0 : i32
      %dma_wait3A_362 = tpu.memref_slice %arg2[%add3A, %add3A_359, %dma_wait3A_360, %dma_wait3A_361] : memref<32x125x2x80xi32, #tpu.memory_space<hbm>> -> memref<1x1x2x80xi32, #tpu.memory_space<hbm>>
      %dma_wait3A_363 = tpu.memref_squeeze %dma_wait3A_362 : memref<1x1x2x80xi32, #tpu.memory_space<hbm>> -> memref<2x80xi32, #tpu.memory_space<hbm>>
      %dma_wait3A_364 = arith.constant 0 : i32
      %dma_wait3A_365 = arith.constant 0 : i32
      %dma_wait3A_366 = tpu.memref_slice %arg2[%add3A, %add3A_359, %dma_wait3A_364, %dma_wait3A_365] : memref<32x125x2x80xi32, #tpu.memory_space<hbm>> -> memref<1x1x2x80xi32, #tpu.memory_space<hbm>>
      %dma_wait3A_367 = tpu.memref_squeeze %dma_wait3A_366 : memref<1x1x2x80xi32, #tpu.memory_space<hbm>> -> memref<2x80xi32, #tpu.memory_space<hbm>>
      tpu.wait_dma2 semaphore(%arg16 : memref<!tpu.dma_semaphore, #tpu.memory_space<semaphore_mem>>) src(%dma_wait3A_367 : memref<2x80xi32, #tpu.memory_space<hbm>>) dst(%arg8 : memref<2x80xi32, #tpu.memory_space<vmem>>)
      %dma_start3A_368 = arith.constant 0 : i32
      %dma_start3A_369 = arith.constant 0 : i32
      %dma_start3A_370 = tpu.memref_slice %arg8[%dma_start3A_368, %dma_start3A_369] : memref<2x80xi32, #tpu.memory_space<vmem>> -> memref<1x80xi32, #tpu.memory_space<vmem>>
      %dma_start3A_371 = tpu.memref_squeeze %dma_start3A_370 : memref<1x80xi32, #tpu.memory_space<vmem>> -> memref<80xi32, #tpu.memory_space<vmem>>
      %dma_start3A_372 = arith.constant 0 : i32
      %dma_start3A_373 = arith.constant 0 : i32
      %dma_start3A_374 = tpu.memref_slice %arg3[%dma_start3A_372, %dma_start3A_373] : memref<10000x128xf32, #tpu.memory_space<hbm>> -> memref<10000x128xf32, #tpu.memory_space<hbm>>
      tpu.enqueue_indirect_dma source(%dma_start3A_374 : memref<10000x128xf32, #tpu.memory_space<hbm>>) target(%arg10 : memref<80x128xf32, #tpu.memory_space<vmem>>) offsets(%dma_start3A_371 : memref<80xi32, #tpu.memory_space<vmem>>) semaphore(%arg18 : memref<!tpu.dma_semaphore, #tpu.memory_space<semaphore_mem>>)
      %add3A_375 = arith.constant 6 : i32
      %add3A_376 = arith.addi %add3A_152, %add3A_375 : i32
      %dma_wait3A_377 = arith.constant 0 : i32
      %dma_wait3A_378 = arith.constant 0 : i32
      %dma_wait3A_379 = tpu.memref_slice %arg7[%dma_wait3A_377, %dma_wait3A_378] : memref<2x80xi32, #tpu.memory_space<vmem>> -> memref<1x80xi32, #tpu.memory_space<vmem>>
      %dma_wait3A_380 = tpu.memref_squeeze %dma_wait3A_379 : memref<1x80xi32, #tpu.memory_space<vmem>> -> memref<80xi32, #tpu.memory_space<vmem>>
      %dma_wait3A_381 = arith.constant 0 : i32
      %dma_wait3A_382 = arith.constant 0 : i32
      %dma_wait3A_383 = tpu.memref_slice %arg3[%dma_wait3A_381, %dma_wait3A_382] : memref<10000x128xf32, #tpu.memory_space<hbm>> -> memref<10000x128xf32, #tpu.memory_space<hbm>>
      tpu.wait_indirect_dma semaphore(%arg17 : memref<!tpu.dma_semaphore, #tpu.memory_space<semaphore_mem>>) src(%dma_wait3A_383 : memref<10000x128xf32, #tpu.memory_space<hbm>>) dst(%arg9 : memref<80x128xf32, #tpu.memory_space<vmem>>)
      %run_scoped3A_384 = arith.constant 1 : i32
      "tpu.region"() ({
        %run_scoped3A_597 = tpu.sem_alloc : memref<!tpu.dma_semaphore, #tpu.memory_space<semaphore_mem>>
        %dma_start3A_598 = arith.constant 0 : i32
        %dma_start3A_599 = tpu.memref_slice %arg7[%run_scoped3A_384, %dma_start3A_598] : memref<2x80xi32, #tpu.memory_space<vmem>> -> memref<1x80xi32, #tpu.memory_space<vmem>>
        %dma_start3A_600 = tpu.memref_squeeze %dma_start3A_599 : memref<1x80xi32, #tpu.memory_space<vmem>> -> memref<80xi32, #tpu.memory_space<vmem>>
        %dma_start3A_601 = arith.constant 0 : i32
        %dma_start3A_602 = arith.constant 0 : i32
        %dma_start3A_603 = tpu.memref_slice %arg12[%dma_start3A_601, %dma_start3A_602] : memref<10240x128xf32, #tpu.memory_space<vmem_shared>> -> memref<10240x128xf32, #tpu.memory_space<vmem_shared>>
        tpu.enqueue_indirect_dma source(%arg9 : memref<80x128xf32, #tpu.memory_space<vmem>>) target(%dma_start3A_603 : memref<10240x128xf32, #tpu.memory_space<vmem_shared>>) offsets(%dma_start3A_600 : memref<80xi32, #tpu.memory_space<vmem>>) semaphore(%run_scoped3A_597 : memref<!tpu.dma_semaphore, #tpu.memory_space<semaphore_mem>>) {add = true}
        %dma_wait3A_604 = arith.constant 0 : i32
        %dma_wait3A_605 = tpu.memref_slice %arg7[%run_scoped3A_384, %dma_wait3A_604] : memref<2x80xi32, #tpu.memory_space<vmem>> -> memref<1x80xi32, #tpu.memory_space<vmem>>
        %dma_wait3A_606 = tpu.memref_squeeze %dma_wait3A_605 : memref<1x80xi32, #tpu.memory_space<vmem>> -> memref<80xi32, #tpu.memory_space<vmem>>
        %dma_wait3A_607 = arith.constant 0 : i32
        %dma_wait3A_608 = arith.constant 0 : i32
        %dma_wait3A_609 = tpu.memref_slice %arg12[%dma_wait3A_607, %dma_wait3A_608] : memref<10240x128xf32, #tpu.memory_space<vmem_shared>> -> memref<10240x128xf32, #tpu.memory_space<vmem_shared>>
        tpu.wait_indirect_dma semaphore(%run_scoped3A_597 : memref<!tpu.dma_semaphore, #tpu.memory_space<semaphore_mem>>) src(%arg9 : memref<80x128xf32, #tpu.memory_space<vmem>>) dst(%dma_wait3A_609 : memref<10240x128xf32, #tpu.memory_space<vmem_shared>>)
        tpu.yield
      }) : () -> ()
      %add3A_385 = arith.constant 3 : i32
      %add3A_386 = arith.addi %add3A_376, %add3A_385 : i32
      %dma_start3A_387 = arith.constant 0 : i32
      %dma_start3A_388 = arith.constant 0 : i32
      %dma_start3A_389 = tpu.memref_slice %arg2[%add3A, %add3A_386, %dma_start3A_387, %dma_start3A_388] : memref<32x125x2x80xi32, #tpu.memory_space<hbm>> -> memref<1x1x2x80xi32, #tpu.memory_space<hbm>>
      %dma_start3A_390 = tpu.memref_squeeze %dma_start3A_389 : memref<1x1x2x80xi32, #tpu.memory_space<hbm>> -> memref<2x80xi32, #tpu.memory_space<hbm>>
      %dma_start3A_391 = arith.constant 0 : i32
      %dma_start3A_392 = arith.constant 0 : i32
      %dma_start3A_393 = tpu.memref_slice %arg2[%add3A, %add3A_386, %dma_start3A_391, %dma_start3A_392] : memref<32x125x2x80xi32, #tpu.memory_space<hbm>> -> memref<1x1x2x80xi32, #tpu.memory_space<hbm>>
      %dma_start3A_394 = tpu.memref_squeeze %dma_start3A_393 : memref<1x1x2x80xi32, #tpu.memory_space<hbm>> -> memref<2x80xi32, #tpu.memory_space<hbm>>
      tpu.enqueue_dma source(%dma_start3A_394 : memref<2x80xi32, #tpu.memory_space<hbm>>) target(%arg6 : memref<2x80xi32, #tpu.memory_space<vmem>>) target_semaphore(%arg14 : memref<!tpu.dma_semaphore, #tpu.memory_space<semaphore_mem>>)
      %add3A_395 = arith.constant 2 : i32
      %add3A_396 = arith.addi %add3A_376, %add3A_395 : i32
      %dma_wait3A_397 = arith.constant 0 : i32
      %dma_wait3A_398 = arith.constant 0 : i32
      %dma_wait3A_399 = tpu.memref_slice %arg2[%add3A, %add3A_396, %dma_wait3A_397, %dma_wait3A_398] : memref<32x125x2x80xi32, #tpu.memory_space<hbm>> -> memref<1x1x2x80xi32, #tpu.memory_space<hbm>>
      %dma_wait3A_400 = tpu.memref_squeeze %dma_wait3A_399 : memref<1x1x2x80xi32, #tpu.memory_space<hbm>> -> memref<2x80xi32, #tpu.memory_space<hbm>>
      %dma_wait3A_401 = arith.constant 0 : i32
      %dma_wait3A_402 = arith.constant 0 : i32
      %dma_wait3A_403 = tpu.memref_slice %arg2[%add3A, %add3A_396, %dma_wait3A_401, %dma_wait3A_402] : memref<32x125x2x80xi32, #tpu.memory_space<hbm>> -> memref<1x1x2x80xi32, #tpu.memory_space<hbm>>
      %dma_wait3A_404 = tpu.memref_squeeze %dma_wait3A_403 : memref<1x1x2x80xi32, #tpu.memory_space<hbm>> -> memref<2x80xi32, #tpu.memory_space<hbm>>
      tpu.wait_dma2 semaphore(%arg13 : memref<!tpu.dma_semaphore, #tpu.memory_space<semaphore_mem>>) src(%dma_wait3A_404 : memref<2x80xi32, #tpu.memory_space<hbm>>) dst(%arg5 : memref<2x80xi32, #tpu.memory_space<vmem>>)
      %dma_start3A_405 = arith.constant 0 : i32
      %dma_start3A_406 = arith.constant 0 : i32
      %dma_start3A_407 = tpu.memref_slice %arg5[%dma_start3A_405, %dma_start3A_406] : memref<2x80xi32, #tpu.memory_space<vmem>> -> memref<1x80xi32, #tpu.memory_space<vmem>>
      %dma_start3A_408 = tpu.memref_squeeze %dma_start3A_407 : memref<1x80xi32, #tpu.memory_space<vmem>> -> memref<80xi32, #tpu.memory_space<vmem>>
      %dma_start3A_409 = arith.constant 0 : i32
      %dma_start3A_410 = arith.constant 0 : i32
      %dma_start3A_411 = tpu.memref_slice %arg3[%dma_start3A_409, %dma_start3A_410] : memref<10000x128xf32, #tpu.memory_space<hbm>> -> memref<10000x128xf32, #tpu.memory_space<hbm>>
      tpu.enqueue_indirect_dma source(%dma_start3A_411 : memref<10000x128xf32, #tpu.memory_space<hbm>>) target(%arg11 : memref<80x128xf32, #tpu.memory_space<vmem>>) offsets(%dma_start3A_408 : memref<80xi32, #tpu.memory_space<vmem>>) semaphore(%arg19 : memref<!tpu.dma_semaphore, #tpu.memory_space<semaphore_mem>>)
      %add3A_412 = arith.constant 7 : i32
      %add3A_413 = arith.addi %add3A_152, %add3A_412 : i32
      %dma_wait3A_414 = arith.constant 0 : i32
      %dma_wait3A_415 = arith.constant 0 : i32
      %dma_wait3A_416 = tpu.memref_slice %arg8[%dma_wait3A_414, %dma_wait3A_415] : memref<2x80xi32, #tpu.memory_space<vmem>> -> memref<1x80xi32, #tpu.memory_space<vmem>>
      %dma_wait3A_417 = tpu.memref_squeeze %dma_wait3A_416 : memref<1x80xi32, #tpu.memory_space<vmem>> -> memref<80xi32, #tpu.memory_space<vmem>>
      %dma_wait3A_418 = arith.constant 0 : i32
      %dma_wait3A_419 = arith.constant 0 : i32
      %dma_wait3A_420 = tpu.memref_slice %arg3[%dma_wait3A_418, %dma_wait3A_419] : memref<10000x128xf32, #tpu.memory_space<hbm>> -> memref<10000x128xf32, #tpu.memory_space<hbm>>
      tpu.wait_indirect_dma semaphore(%arg18 : memref<!tpu.dma_semaphore, #tpu.memory_space<semaphore_mem>>) src(%dma_wait3A_420 : memref<10000x128xf32, #tpu.memory_space<hbm>>) dst(%arg10 : memref<80x128xf32, #tpu.memory_space<vmem>>)
      %run_scoped3A_421 = arith.constant 1 : i32
      "tpu.region"() ({
        %run_scoped3A_597 = tpu.sem_alloc : memref<!tpu.dma_semaphore, #tpu.memory_space<semaphore_mem>>
        %dma_start3A_598 = arith.constant 0 : i32
        %dma_start3A_599 = tpu.memref_slice %arg8[%run_scoped3A_421, %dma_start3A_598] : memref<2x80xi32, #tpu.memory_space<vmem>> -> memref<1x80xi32, #tpu.memory_space<vmem>>
        %dma_start3A_600 = tpu.memref_squeeze %dma_start3A_599 : memref<1x80xi32, #tpu.memory_space<vmem>> -> memref<80xi32, #tpu.memory_space<vmem>>
        %dma_start3A_601 = arith.constant 0 : i32
        %dma_start3A_602 = arith.constant 0 : i32
        %dma_start3A_603 = tpu.memref_slice %arg12[%dma_start3A_601, %dma_start3A_602] : memref<10240x128xf32, #tpu.memory_space<vmem_shared>> -> memref<10240x128xf32, #tpu.memory_space<vmem_shared>>
        tpu.enqueue_indirect_dma source(%arg10 : memref<80x128xf32, #tpu.memory_space<vmem>>) target(%dma_start3A_603 : memref<10240x128xf32, #tpu.memory_space<vmem_shared>>) offsets(%dma_start3A_600 : memref<80xi32, #tpu.memory_space<vmem>>) semaphore(%run_scoped3A_597 : memref<!tpu.dma_semaphore, #tpu.memory_space<semaphore_mem>>) {add = true}
        %dma_wait3A_604 = arith.constant 0 : i32
        %dma_wait3A_605 = tpu.memref_slice %arg8[%run_scoped3A_421, %dma_wait3A_604] : memref<2x80xi32, #tpu.memory_space<vmem>> -> memref<1x80xi32, #tpu.memory_space<vmem>>
        %dma_wait3A_606 = tpu.memref_squeeze %dma_wait3A_605 : memref<1x80xi32, #tpu.memory_space<vmem>> -> memref<80xi32, #tpu.memory_space<vmem>>
        %dma_wait3A_607 = arith.constant 0 : i32
        %dma_wait3A_608 = arith.constant 0 : i32
        %dma_wait3A_609 = tpu.memref_slice %arg12[%dma_wait3A_607, %dma_wait3A_608] : memref<10240x128xf32, #tpu.memory_space<vmem_shared>> -> memref<10240x128xf32, #tpu.memory_space<vmem_shared>>
        tpu.wait_indirect_dma semaphore(%run_scoped3A_597 : memref<!tpu.dma_semaphore, #tpu.memory_space<semaphore_mem>>) src(%arg10 : memref<80x128xf32, #tpu.memory_space<vmem>>) dst(%dma_wait3A_609 : memref<10240x128xf32, #tpu.memory_space<vmem_shared>>)
        tpu.yield
      }) : () -> ()
      %add3A_422 = arith.constant 3 : i32
      %add3A_423 = arith.addi %add3A_413, %add3A_422 : i32
      %dma_start3A_424 = arith.constant 0 : i32
      %dma_start3A_425 = arith.constant 0 : i32
      %dma_start3A_426 = tpu.memref_slice %arg2[%add3A, %add3A_423, %dma_start3A_424, %dma_start3A_425] : memref<32x125x2x80xi32, #tpu.memory_space<hbm>> -> memref<1x1x2x80xi32, #tpu.memory_space<hbm>>
      %dma_start3A_427 = tpu.memref_squeeze %dma_start3A_426 : memref<1x1x2x80xi32, #tpu.memory_space<hbm>> -> memref<2x80xi32, #tpu.memory_space<hbm>>
      %dma_start3A_428 = arith.constant 0 : i32
      %dma_start3A_429 = arith.constant 0 : i32
      %dma_start3A_430 = tpu.memref_slice %arg2[%add3A, %add3A_423, %dma_start3A_428, %dma_start3A_429] : memref<32x125x2x80xi32, #tpu.memory_space<hbm>> -> memref<1x1x2x80xi32, #tpu.memory_space<hbm>>
      %dma_start3A_431 = tpu.memref_squeeze %dma_start3A_430 : memref<1x1x2x80xi32, #tpu.memory_space<hbm>> -> memref<2x80xi32, #tpu.memory_space<hbm>>
      tpu.enqueue_dma source(%dma_start3A_431 : memref<2x80xi32, #tpu.memory_space<hbm>>) target(%arg7 : memref<2x80xi32, #tpu.memory_space<vmem>>) target_semaphore(%arg15 : memref<!tpu.dma_semaphore, #tpu.memory_space<semaphore_mem>>)
      %add3A_432 = arith.constant 2 : i32
      %add3A_433 = arith.addi %add3A_413, %add3A_432 : i32
      %dma_wait3A_434 = arith.constant 0 : i32
      %dma_wait3A_435 = arith.constant 0 : i32
      %dma_wait3A_436 = tpu.memref_slice %arg2[%add3A, %add3A_433, %dma_wait3A_434, %dma_wait3A_435] : memref<32x125x2x80xi32, #tpu.memory_space<hbm>> -> memref<1x1x2x80xi32, #tpu.memory_space<hbm>>
      %dma_wait3A_437 = tpu.memref_squeeze %dma_wait3A_436 : memref<1x1x2x80xi32, #tpu.memory_space<hbm>> -> memref<2x80xi32, #tpu.memory_space<hbm>>
      %dma_wait3A_438 = arith.constant 0 : i32
      %dma_wait3A_439 = arith.constant 0 : i32
      %dma_wait3A_440 = tpu.memref_slice %arg2[%add3A, %add3A_433, %dma_wait3A_438, %dma_wait3A_439] : memref<32x125x2x80xi32, #tpu.memory_space<hbm>> -> memref<1x1x2x80xi32, #tpu.memory_space<hbm>>
      %dma_wait3A_441 = tpu.memref_squeeze %dma_wait3A_440 : memref<1x1x2x80xi32, #tpu.memory_space<hbm>> -> memref<2x80xi32, #tpu.memory_space<hbm>>
      tpu.wait_dma2 semaphore(%arg14 : memref<!tpu.dma_semaphore, #tpu.memory_space<semaphore_mem>>) src(%dma_wait3A_441 : memref<2x80xi32, #tpu.memory_space<hbm>>) dst(%arg6 : memref<2x80xi32, #tpu.memory_space<vmem>>)
      %dma_start3A_442 = arith.constant 0 : i32
      %dma_start3A_443 = arith.constant 0 : i32
      %dma_start3A_444 = tpu.memref_slice %arg6[%dma_start3A_442, %dma_start3A_443] : memref<2x80xi32, #tpu.memory_space<vmem>> -> memref<1x80xi32, #tpu.memory_space<vmem>>
      %dma_start3A_445 = tpu.memref_squeeze %dma_start3A_444 : memref<1x80xi32, #tpu.memory_space<vmem>> -> memref<80xi32, #tpu.memory_space<vmem>>
      %dma_start3A_446 = arith.constant 0 : i32
      %dma_start3A_447 = arith.constant 0 : i32
      %dma_start3A_448 = tpu.memref_slice %arg3[%dma_start3A_446, %dma_start3A_447] : memref<10000x128xf32, #tpu.memory_space<hbm>> -> memref<10000x128xf32, #tpu.memory_space<hbm>>
      tpu.enqueue_indirect_dma source(%dma_start3A_448 : memref<10000x128xf32, #tpu.memory_space<hbm>>) target(%arg9 : memref<80x128xf32, #tpu.memory_space<vmem>>) offsets(%dma_start3A_445 : memref<80xi32, #tpu.memory_space<vmem>>) semaphore(%arg17 : memref<!tpu.dma_semaphore, #tpu.memory_space<semaphore_mem>>)
      %add3A_449 = arith.constant 8 : i32
      %add3A_450 = arith.addi %add3A_152, %add3A_449 : i32
      %dma_wait3A_451 = arith.constant 0 : i32
      %dma_wait3A_452 = arith.constant 0 : i32
      %dma_wait3A_453 = tpu.memref_slice %arg5[%dma_wait3A_451, %dma_wait3A_452] : memref<2x80xi32, #tpu.memory_space<vmem>> -> memref<1x80xi32, #tpu.memory_space<vmem>>
      %dma_wait3A_454 = tpu.memref_squeeze %dma_wait3A_453 : memref<1x80xi32, #tpu.memory_space<vmem>> -> memref<80xi32, #tpu.memory_space<vmem>>
      %dma_wait3A_455 = arith.constant 0 : i32
      %dma_wait3A_456 = arith.constant 0 : i32
      %dma_wait3A_457 = tpu.memref_slice %arg3[%dma_wait3A_455, %dma_wait3A_456] : memref<10000x128xf32, #tpu.memory_space<hbm>> -> memref<10000x128xf32, #tpu.memory_space<hbm>>
      tpu.wait_indirect_dma semaphore(%arg19 : memref<!tpu.dma_semaphore, #tpu.memory_space<semaphore_mem>>) src(%dma_wait3A_457 : memref<10000x128xf32, #tpu.memory_space<hbm>>) dst(%arg11 : memref<80x128xf32, #tpu.memory_space<vmem>>)
      %run_scoped3A_458 = arith.constant 1 : i32
      "tpu.region"() ({
        %run_scoped3A_597 = tpu.sem_alloc : memref<!tpu.dma_semaphore, #tpu.memory_space<semaphore_mem>>
        %dma_start3A_598 = arith.constant 0 : i32
        %dma_start3A_599 = tpu.memref_slice %arg5[%run_scoped3A_458, %dma_start3A_598] : memref<2x80xi32, #tpu.memory_space<vmem>> -> memref<1x80xi32, #tpu.memory_space<vmem>>
        %dma_start3A_600 = tpu.memref_squeeze %dma_start3A_599 : memref<1x80xi32, #tpu.memory_space<vmem>> -> memref<80xi32, #tpu.memory_space<vmem>>
        %dma_start3A_601 = arith.constant 0 : i32
        %dma_start3A_602 = arith.constant 0 : i32
        %dma_start3A_603 = tpu.memref_slice %arg12[%dma_start3A_601, %dma_start3A_602] : memref<10240x128xf32, #tpu.memory_space<vmem_shared>> -> memref<10240x128xf32, #tpu.memory_space<vmem_shared>>
        tpu.enqueue_indirect_dma source(%arg11 : memref<80x128xf32, #tpu.memory_space<vmem>>) target(%dma_start3A_603 : memref<10240x128xf32, #tpu.memory_space<vmem_shared>>) offsets(%dma_start3A_600 : memref<80xi32, #tpu.memory_space<vmem>>) semaphore(%run_scoped3A_597 : memref<!tpu.dma_semaphore, #tpu.memory_space<semaphore_mem>>) {add = true}
        %dma_wait3A_604 = arith.constant 0 : i32
        %dma_wait3A_605 = tpu.memref_slice %arg5[%run_scoped3A_458, %dma_wait3A_604] : memref<2x80xi32, #tpu.memory_space<vmem>> -> memref<1x80xi32, #tpu.memory_space<vmem>>
        %dma_wait3A_606 = tpu.memref_squeeze %dma_wait3A_605 : memref<1x80xi32, #tpu.memory_space<vmem>> -> memref<80xi32, #tpu.memory_space<vmem>>
        %dma_wait3A_607 = arith.constant 0 : i32
        %dma_wait3A_608 = arith.constant 0 : i32
        %dma_wait3A_609 = tpu.memref_slice %arg12[%dma_wait3A_607, %dma_wait3A_608] : memref<10240x128xf32, #tpu.memory_space<vmem_shared>> -> memref<10240x128xf32, #tpu.memory_space<vmem_shared>>
        tpu.wait_indirect_dma semaphore(%run_scoped3A_597 : memref<!tpu.dma_semaphore, #tpu.memory_space<semaphore_mem>>) src(%arg11 : memref<80x128xf32, #tpu.memory_space<vmem>>) dst(%dma_wait3A_609 : memref<10240x128xf32, #tpu.memory_space<vmem_shared>>)
        tpu.yield
      }) : () -> ()
      %add3A_459 = arith.constant 3 : i32
      %add3A_460 = arith.addi %add3A_450, %add3A_459 : i32
      %dma_start3A_461 = arith.constant 0 : i32
      %dma_start3A_462 = arith.constant 0 : i32
      %dma_start3A_463 = tpu.memref_slice %arg2[%add3A, %add3A_460, %dma_start3A_461, %dma_start3A_462] : memref<32x125x2x80xi32, #tpu.memory_space<hbm>> -> memref<1x1x2x80xi32, #tpu.memory_space<hbm>>
      %dma_start3A_464 = tpu.memref_squeeze %dma_start3A_463 : memref<1x1x2x80xi32, #tpu.memory_space<hbm>> -> memref<2x80xi32, #tpu.memory_space<hbm>>
      %dma_start3A_465 = arith.constant 0 : i32
      %dma_start3A_466 = arith.constant 0 : i32
      %dma_start3A_467 = tpu.memref_slice %arg2[%add3A, %add3A_460, %dma_start3A_465, %dma_start3A_466] : memref<32x125x2x80xi32, #tpu.memory_space<hbm>> -> memref<1x1x2x80xi32, #tpu.memory_space<hbm>>
      %dma_start3A_468 = tpu.memref_squeeze %dma_start3A_467 : memref<1x1x2x80xi32, #tpu.memory_space<hbm>> -> memref<2x80xi32, #tpu.memory_space<hbm>>
      tpu.enqueue_dma source(%dma_start3A_468 : memref<2x80xi32, #tpu.memory_space<hbm>>) target(%arg8 : memref<2x80xi32, #tpu.memory_space<vmem>>) target_semaphore(%arg16 : memref<!tpu.dma_semaphore, #tpu.memory_space<semaphore_mem>>)
      %add3A_469 = arith.constant 2 : i32
      %add3A_470 = arith.addi %add3A_450, %add3A_469 : i32
      %dma_wait3A_471 = arith.constant 0 : i32
      %dma_wait3A_472 = arith.constant 0 : i32
      %dma_wait3A_473 = tpu.memref_slice %arg2[%add3A, %add3A_470, %dma_wait3A_471, %dma_wait3A_472] : memref<32x125x2x80xi32, #tpu.memory_space<hbm>> -> memref<1x1x2x80xi32, #tpu.memory_space<hbm>>
      %dma_wait3A_474 = tpu.memref_squeeze %dma_wait3A_473 : memref<1x1x2x80xi32, #tpu.memory_space<hbm>> -> memref<2x80xi32, #tpu.memory_space<hbm>>
      %dma_wait3A_475 = arith.constant 0 : i32
      %dma_wait3A_476 = arith.constant 0 : i32
      %dma_wait3A_477 = tpu.memref_slice %arg2[%add3A, %add3A_470, %dma_wait3A_475, %dma_wait3A_476] : memref<32x125x2x80xi32, #tpu.memory_space<hbm>> -> memref<1x1x2x80xi32, #tpu.memory_space<hbm>>
      %dma_wait3A_478 = tpu.memref_squeeze %dma_wait3A_477 : memref<1x1x2x80xi32, #tpu.memory_space<hbm>> -> memref<2x80xi32, #tpu.memory_space<hbm>>
      tpu.wait_dma2 semaphore(%arg15 : memref<!tpu.dma_semaphore, #tpu.memory_space<semaphore_mem>>) src(%dma_wait3A_478 : memref<2x80xi32, #tpu.memory_space<hbm>>) dst(%arg7 : memref<2x80xi32, #tpu.memory_space<vmem>>)
      %dma_start3A_479 = arith.constant 0 : i32
      %dma_start3A_480 = arith.constant 0 : i32
      %dma_start3A_481 = tpu.memref_slice %arg7[%dma_start3A_479, %dma_start3A_480] : memref<2x80xi32, #tpu.memory_space<vmem>> -> memref<1x80xi32, #tpu.memory_space<vmem>>
      %dma_start3A_482 = tpu.memref_squeeze %dma_start3A_481 : memref<1x80xi32, #tpu.memory_space<vmem>> -> memref<80xi32, #tpu.memory_space<vmem>>
      %dma_start3A_483 = arith.constant 0 : i32
      %dma_start3A_484 = arith.constant 0 : i32
      %dma_start3A_485 = tpu.memref_slice %arg3[%dma_start3A_483, %dma_start3A_484] : memref<10000x128xf32, #tpu.memory_space<hbm>> -> memref<10000x128xf32, #tpu.memory_space<hbm>>
      tpu.enqueue_indirect_dma source(%dma_start3A_485 : memref<10000x128xf32, #tpu.memory_space<hbm>>) target(%arg10 : memref<80x128xf32, #tpu.memory_space<vmem>>) offsets(%dma_start3A_482 : memref<80xi32, #tpu.memory_space<vmem>>) semaphore(%arg18 : memref<!tpu.dma_semaphore, #tpu.memory_space<semaphore_mem>>)
      %add3A_486 = arith.constant 9 : i32
      %add3A_487 = arith.addi %add3A_152, %add3A_486 : i32
      %dma_wait3A_488 = arith.constant 0 : i32
      %dma_wait3A_489 = arith.constant 0 : i32
      %dma_wait3A_490 = tpu.memref_slice %arg6[%dma_wait3A_488, %dma_wait3A_489] : memref<2x80xi32, #tpu.memory_space<vmem>> -> memref<1x80xi32, #tpu.memory_space<vmem>>
      %dma_wait3A_491 = tpu.memref_squeeze %dma_wait3A_490 : memref<1x80xi32, #tpu.memory_space<vmem>> -> memref<80xi32, #tpu.memory_space<vmem>>
      %dma_wait3A_492 = arith.constant 0 : i32
      %dma_wait3A_493 = arith.constant 0 : i32
      %dma_wait3A_494 = tpu.memref_slice %arg3[%dma_wait3A_492, %dma_wait3A_493] : memref<10000x128xf32, #tpu.memory_space<hbm>> -> memref<10000x128xf32, #tpu.memory_space<hbm>>
      tpu.wait_indirect_dma semaphore(%arg17 : memref<!tpu.dma_semaphore, #tpu.memory_space<semaphore_mem>>) src(%dma_wait3A_494 : memref<10000x128xf32, #tpu.memory_space<hbm>>) dst(%arg9 : memref<80x128xf32, #tpu.memory_space<vmem>>)
      %run_scoped3A_495 = arith.constant 1 : i32
      "tpu.region"() ({
        %run_scoped3A_597 = tpu.sem_alloc : memref<!tpu.dma_semaphore, #tpu.memory_space<semaphore_mem>>
        %dma_start3A_598 = arith.constant 0 : i32
        %dma_start3A_599 = tpu.memref_slice %arg6[%run_scoped3A_495, %dma_start3A_598] : memref<2x80xi32, #tpu.memory_space<vmem>> -> memref<1x80xi32, #tpu.memory_space<vmem>>
        %dma_start3A_600 = tpu.memref_squeeze %dma_start3A_599 : memref<1x80xi32, #tpu.memory_space<vmem>> -> memref<80xi32, #tpu.memory_space<vmem>>
        %dma_start3A_601 = arith.constant 0 : i32
        %dma_start3A_602 = arith.constant 0 : i32
        %dma_start3A_603 = tpu.memref_slice %arg12[%dma_start3A_601, %dma_start3A_602] : memref<10240x128xf32, #tpu.memory_space<vmem_shared>> -> memref<10240x128xf32, #tpu.memory_space<vmem_shared>>
        tpu.enqueue_indirect_dma source(%arg9 : memref<80x128xf32, #tpu.memory_space<vmem>>) target(%dma_start3A_603 : memref<10240x128xf32, #tpu.memory_space<vmem_shared>>) offsets(%dma_start3A_600 : memref<80xi32, #tpu.memory_space<vmem>>) semaphore(%run_scoped3A_597 : memref<!tpu.dma_semaphore, #tpu.memory_space<semaphore_mem>>) {add = true}
        %dma_wait3A_604 = arith.constant 0 : i32
        %dma_wait3A_605 = tpu.memref_slice %arg6[%run_scoped3A_495, %dma_wait3A_604] : memref<2x80xi32, #tpu.memory_space<vmem>> -> memref<1x80xi32, #tpu.memory_space<vmem>>
        %dma_wait3A_606 = tpu.memref_squeeze %dma_wait3A_605 : memref<1x80xi32, #tpu.memory_space<vmem>> -> memref<80xi32, #tpu.memory_space<vmem>>
        %dma_wait3A_607 = arith.constant 0 : i32
        %dma_wait3A_608 = arith.constant 0 : i32
        %dma_wait3A_609 = tpu.memref_slice %arg12[%dma_wait3A_607, %dma_wait3A_608] : memref<10240x128xf32, #tpu.memory_space<vmem_shared>> -> memref<10240x128xf32, #tpu.memory_space<vmem_shared>>
        tpu.wait_indirect_dma semaphore(%run_scoped3A_597 : memref<!tpu.dma_semaphore, #tpu.memory_space<semaphore_mem>>) src(%arg9 : memref<80x128xf32, #tpu.memory_space<vmem>>) dst(%dma_wait3A_609 : memref<10240x128xf32, #tpu.memory_space<vmem_shared>>)
        tpu.yield
      }) : () -> ()
      %add3A_496 = arith.constant 3 : i32
      %add3A_497 = arith.addi %add3A_487, %add3A_496 : i32
      %dma_start3A_498 = arith.constant 0 : i32
      %dma_start3A_499 = arith.constant 0 : i32
      %dma_start3A_500 = tpu.memref_slice %arg2[%add3A, %add3A_497, %dma_start3A_498, %dma_start3A_499] : memref<32x125x2x80xi32, #tpu.memory_space<hbm>> -> memref<1x1x2x80xi32, #tpu.memory_space<hbm>>
      %dma_start3A_501 = tpu.memref_squeeze %dma_start3A_500 : memref<1x1x2x80xi32, #tpu.memory_space<hbm>> -> memref<2x80xi32, #tpu.memory_space<hbm>>
      %dma_start3A_502 = arith.constant 0 : i32
      %dma_start3A_503 = arith.constant 0 : i32
      %dma_start3A_504 = tpu.memref_slice %arg2[%add3A, %add3A_497, %dma_start3A_502, %dma_start3A_503] : memref<32x125x2x80xi32, #tpu.memory_space<hbm>> -> memref<1x1x2x80xi32, #tpu.memory_space<hbm>>
      %dma_start3A_505 = tpu.memref_squeeze %dma_start3A_504 : memref<1x1x2x80xi32, #tpu.memory_space<hbm>> -> memref<2x80xi32, #tpu.memory_space<hbm>>
      tpu.enqueue_dma source(%dma_start3A_505 : memref<2x80xi32, #tpu.memory_space<hbm>>) target(%arg5 : memref<2x80xi32, #tpu.memory_space<vmem>>) target_semaphore(%arg13 : memref<!tpu.dma_semaphore, #tpu.memory_space<semaphore_mem>>)
      %add3A_506 = arith.constant 2 : i32
      %add3A_507 = arith.addi %add3A_487, %add3A_506 : i32
      %dma_wait3A_508 = arith.constant 0 : i32
      %dma_wait3A_509 = arith.constant 0 : i32
      %dma_wait3A_510 = tpu.memref_slice %arg2[%add3A, %add3A_507, %dma_wait3A_508, %dma_wait3A_509] : memref<32x125x2x80xi32, #tpu.memory_space<hbm>> -> memref<1x1x2x80xi32, #tpu.memory_space<hbm>>
      %dma_wait3A_511 = tpu.memref_squeeze %dma_wait3A_510 : memref<1x1x2x80xi32, #tpu.memory_space<hbm>> -> memref<2x80xi32, #tpu.memory_space<hbm>>
      %dma_wait3A_512 = arith.constant 0 : i32
      %dma_wait3A_513 = arith.constant 0 : i32
      %dma_wait3A_514 = tpu.memref_slice %arg2[%add3A, %add3A_507, %dma_wait3A_512, %dma_wait3A_513] : memref<32x125x2x80xi32, #tpu.memory_space<hbm>> -> memref<1x1x2x80xi32, #tpu.memory_space<hbm>>
      %dma_wait3A_515 = tpu.memref_squeeze %dma_wait3A_514 : memref<1x1x2x80xi32, #tpu.memory_space<hbm>> -> memref<2x80xi32, #tpu.memory_space<hbm>>
      tpu.wait_dma2 semaphore(%arg16 : memref<!tpu.dma_semaphore, #tpu.memory_space<semaphore_mem>>) src(%dma_wait3A_515 : memref<2x80xi32, #tpu.memory_space<hbm>>) dst(%arg8 : memref<2x80xi32, #tpu.memory_space<vmem>>)
      %dma_start3A_516 = arith.constant 0 : i32
      %dma_start3A_517 = arith.constant 0 : i32
      %dma_start3A_518 = tpu.memref_slice %arg8[%dma_start3A_516, %dma_start3A_517] : memref<2x80xi32, #tpu.memory_space<vmem>> -> memref<1x80xi32, #tpu.memory_space<vmem>>
      %dma_start3A_519 = tpu.memref_squeeze %dma_start3A_518 : memref<1x80xi32, #tpu.memory_space<vmem>> -> memref<80xi32, #tpu.memory_space<vmem>>
      %dma_start3A_520 = arith.constant 0 : i32
      %dma_start3A_521 = arith.constant 0 : i32
      %dma_start3A_522 = tpu.memref_slice %arg3[%dma_start3A_520, %dma_start3A_521] : memref<10000x128xf32, #tpu.memory_space<hbm>> -> memref<10000x128xf32, #tpu.memory_space<hbm>>
      tpu.enqueue_indirect_dma source(%dma_start3A_522 : memref<10000x128xf32, #tpu.memory_space<hbm>>) target(%arg11 : memref<80x128xf32, #tpu.memory_space<vmem>>) offsets(%dma_start3A_519 : memref<80xi32, #tpu.memory_space<vmem>>) semaphore(%arg19 : memref<!tpu.dma_semaphore, #tpu.memory_space<semaphore_mem>>)
      %add3A_523 = arith.constant 10 : i32
      %add3A_524 = arith.addi %add3A_152, %add3A_523 : i32
      %dma_wait3A_525 = arith.constant 0 : i32
      %dma_wait3A_526 = arith.constant 0 : i32
      %dma_wait3A_527 = tpu.memref_slice %arg7[%dma_wait3A_525, %dma_wait3A_526] : memref<2x80xi32, #tpu.memory_space<vmem>> -> memref<1x80xi32, #tpu.memory_space<vmem>>
      %dma_wait3A_528 = tpu.memref_squeeze %dma_wait3A_527 : memref<1x80xi32, #tpu.memory_space<vmem>> -> memref<80xi32, #tpu.memory_space<vmem>>
      %dma_wait3A_529 = arith.constant 0 : i32
      %dma_wait3A_530 = arith.constant 0 : i32
      %dma_wait3A_531 = tpu.memref_slice %arg3[%dma_wait3A_529, %dma_wait3A_530] : memref<10000x128xf32, #tpu.memory_space<hbm>> -> memref<10000x128xf32, #tpu.memory_space<hbm>>
      tpu.wait_indirect_dma semaphore(%arg18 : memref<!tpu.dma_semaphore, #tpu.memory_space<semaphore_mem>>) src(%dma_wait3A_531 : memref<10000x128xf32, #tpu.memory_space<hbm>>) dst(%arg10 : memref<80x128xf32, #tpu.memory_space<vmem>>)
      %run_scoped3A_532 = arith.constant 1 : i32
      "tpu.region"() ({
        %run_scoped3A_597 = tpu.sem_alloc : memref<!tpu.dma_semaphore, #tpu.memory_space<semaphore_mem>>
        %dma_start3A_598 = arith.constant 0 : i32
        %dma_start3A_599 = tpu.memref_slice %arg7[%run_scoped3A_532, %dma_start3A_598] : memref<2x80xi32, #tpu.memory_space<vmem>> -> memref<1x80xi32, #tpu.memory_space<vmem>>
        %dma_start3A_600 = tpu.memref_squeeze %dma_start3A_599 : memref<1x80xi32, #tpu.memory_space<vmem>> -> memref<80xi32, #tpu.memory_space<vmem>>
        %dma_start3A_601 = arith.constant 0 : i32
        %dma_start3A_602 = arith.constant 0 : i32
        %dma_start3A_603 = tpu.memref_slice %arg12[%dma_start3A_601, %dma_start3A_602] : memref<10240x128xf32, #tpu.memory_space<vmem_shared>> -> memref<10240x128xf32, #tpu.memory_space<vmem_shared>>
        tpu.enqueue_indirect_dma source(%arg10 : memref<80x128xf32, #tpu.memory_space<vmem>>) target(%dma_start3A_603 : memref<10240x128xf32, #tpu.memory_space<vmem_shared>>) offsets(%dma_start3A_600 : memref<80xi32, #tpu.memory_space<vmem>>) semaphore(%run_scoped3A_597 : memref<!tpu.dma_semaphore, #tpu.memory_space<semaphore_mem>>) {add = true}
        %dma_wait3A_604 = arith.constant 0 : i32
        %dma_wait3A_605 = tpu.memref_slice %arg7[%run_scoped3A_532, %dma_wait3A_604] : memref<2x80xi32, #tpu.memory_space<vmem>> -> memref<1x80xi32, #tpu.memory_space<vmem>>
        %dma_wait3A_606 = tpu.memref_squeeze %dma_wait3A_605 : memref<1x80xi32, #tpu.memory_space<vmem>> -> memref<80xi32, #tpu.memory_space<vmem>>
        %dma_wait3A_607 = arith.constant 0 : i32
        %dma_wait3A_608 = arith.constant 0 : i32
        %dma_wait3A_609 = tpu.memref_slice %arg12[%dma_wait3A_607, %dma_wait3A_608] : memref<10240x128xf32, #tpu.memory_space<vmem_shared>> -> memref<10240x128xf32, #tpu.memory_space<vmem_shared>>
        tpu.wait_indirect_dma semaphore(%run_scoped3A_597 : memref<!tpu.dma_semaphore, #tpu.memory_space<semaphore_mem>>) src(%arg10 : memref<80x128xf32, #tpu.memory_space<vmem>>) dst(%dma_wait3A_609 : memref<10240x128xf32, #tpu.memory_space<vmem_shared>>)
        tpu.yield
      }) : () -> ()
      %add3A_533 = arith.constant 3 : i32
      %add3A_534 = arith.addi %add3A_524, %add3A_533 : i32
      %dma_start3A_535 = arith.constant 0 : i32
      %dma_start3A_536 = arith.constant 0 : i32
      %dma_start3A_537 = tpu.memref_slice %arg2[%add3A, %add3A_534, %dma_start3A_535, %dma_start3A_536] : memref<32x125x2x80xi32, #tpu.memory_space<hbm>> -> memref<1x1x2x80xi32, #tpu.memory_space<hbm>>
      %dma_start3A_538 = tpu.memref_squeeze %dma_start3A_537 : memref<1x1x2x80xi32, #tpu.memory_space<hbm>> -> memref<2x80xi32, #tpu.memory_space<hbm>>
      %dma_start3A_539 = arith.constant 0 : i32
      %dma_start3A_540 = arith.constant 0 : i32
      %dma_start3A_541 = tpu.memref_slice %arg2[%add3A, %add3A_534, %dma_start3A_539, %dma_start3A_540] : memref<32x125x2x80xi32, #tpu.memory_space<hbm>> -> memref<1x1x2x80xi32, #tpu.memory_space<hbm>>
      %dma_start3A_542 = tpu.memref_squeeze %dma_start3A_541 : memref<1x1x2x80xi32, #tpu.memory_space<hbm>> -> memref<2x80xi32, #tpu.memory_space<hbm>>
      tpu.enqueue_dma source(%dma_start3A_542 : memref<2x80xi32, #tpu.memory_space<hbm>>) target(%arg6 : memref<2x80xi32, #tpu.memory_space<vmem>>) target_semaphore(%arg14 : memref<!tpu.dma_semaphore, #tpu.memory_space<semaphore_mem>>)
      %add3A_543 = arith.constant 2 : i32
      %add3A_544 = arith.addi %add3A_524, %add3A_543 : i32
      %dma_wait3A_545 = arith.constant 0 : i32
      %dma_wait3A_546 = arith.constant 0 : i32
      %dma_wait3A_547 = tpu.memref_slice %arg2[%add3A, %add3A_544, %dma_wait3A_545, %dma_wait3A_546] : memref<32x125x2x80xi32, #tpu.memory_space<hbm>> -> memref<1x1x2x80xi32, #tpu.memory_space<hbm>>
      %dma_wait3A_548 = tpu.memref_squeeze %dma_wait3A_547 : memref<1x1x2x80xi32, #tpu.memory_space<hbm>> -> memref<2x80xi32, #tpu.memory_space<hbm>>
      %dma_wait3A_549 = arith.constant 0 : i32
      %dma_wait3A_550 = arith.constant 0 : i32
      %dma_wait3A_551 = tpu.memref_slice %arg2[%add3A, %add3A_544, %dma_wait3A_549, %dma_wait3A_550] : memref<32x125x2x80xi32, #tpu.memory_space<hbm>> -> memref<1x1x2x80xi32, #tpu.memory_space<hbm>>
      %dma_wait3A_552 = tpu.memref_squeeze %dma_wait3A_551 : memref<1x1x2x80xi32, #tpu.memory_space<hbm>> -> memref<2x80xi32, #tpu.memory_space<hbm>>
      tpu.wait_dma2 semaphore(%arg13 : memref<!tpu.dma_semaphore, #tpu.memory_space<semaphore_mem>>) src(%dma_wait3A_552 : memref<2x80xi32, #tpu.memory_space<hbm>>) dst(%arg5 : memref<2x80xi32, #tpu.memory_space<vmem>>)
      %dma_start3A_553 = arith.constant 0 : i32
      %dma_start3A_554 = arith.constant 0 : i32
      %dma_start3A_555 = tpu.memref_slice %arg5[%dma_start3A_553, %dma_start3A_554] : memref<2x80xi32, #tpu.memory_space<vmem>> -> memref<1x80xi32, #tpu.memory_space<vmem>>
      %dma_start3A_556 = tpu.memref_squeeze %dma_start3A_555 : memref<1x80xi32, #tpu.memory_space<vmem>> -> memref<80xi32, #tpu.memory_space<vmem>>
      %dma_start3A_557 = arith.constant 0 : i32
      %dma_start3A_558 = arith.constant 0 : i32
      %dma_start3A_559 = tpu.memref_slice %arg3[%dma_start3A_557, %dma_start3A_558] : memref<10000x128xf32, #tpu.memory_space<hbm>> -> memref<10000x128xf32, #tpu.memory_space<hbm>>
      tpu.enqueue_indirect_dma source(%dma_start3A_559 : memref<10000x128xf32, #tpu.memory_space<hbm>>) target(%arg9 : memref<80x128xf32, #tpu.memory_space<vmem>>) offsets(%dma_start3A_556 : memref<80xi32, #tpu.memory_space<vmem>>) semaphore(%arg17 : memref<!tpu.dma_semaphore, #tpu.memory_space<semaphore_mem>>)
      %add3A_560 = arith.constant 11 : i32
      %add3A_561 = arith.addi %add3A_152, %add3A_560 : i32
      %dma_wait3A_562 = arith.constant 0 : i32
      %dma_wait3A_563 = arith.constant 0 : i32
      %dma_wait3A_564 = tpu.memref_slice %arg8[%dma_wait3A_562, %dma_wait3A_563] : memref<2x80xi32, #tpu.memory_space<vmem>> -> memref<1x80xi32, #tpu.memory_space<vmem>>
      %dma_wait3A_565 = tpu.memref_squeeze %dma_wait3A_564 : memref<1x80xi32, #tpu.memory_space<vmem>> -> memref<80xi32, #tpu.memory_space<vmem>>
      %dma_wait3A_566 = arith.constant 0 : i32
      %dma_wait3A_567 = arith.constant 0 : i32
      %dma_wait3A_568 = tpu.memref_slice %arg3[%dma_wait3A_566, %dma_wait3A_567] : memref<10000x128xf32, #tpu.memory_space<hbm>> -> memref<10000x128xf32, #tpu.memory_space<hbm>>
      tpu.wait_indirect_dma semaphore(%arg19 : memref<!tpu.dma_semaphore, #tpu.memory_space<semaphore_mem>>) src(%dma_wait3A_568 : memref<10000x128xf32, #tpu.memory_space<hbm>>) dst(%arg11 : memref<80x128xf32, #tpu.memory_space<vmem>>)
      %run_scoped3A_569 = arith.constant 1 : i32
      "tpu.region"() ({
        %run_scoped3A_597 = tpu.sem_alloc : memref<!tpu.dma_semaphore, #tpu.memory_space<semaphore_mem>>
        %dma_start3A_598 = arith.constant 0 : i32
        %dma_start3A_599 = tpu.memref_slice %arg8[%run_scoped3A_569, %dma_start3A_598] : memref<2x80xi32, #tpu.memory_space<vmem>> -> memref<1x80xi32, #tpu.memory_space<vmem>>
        %dma_start3A_600 = tpu.memref_squeeze %dma_start3A_599 : memref<1x80xi32, #tpu.memory_space<vmem>> -> memref<80xi32, #tpu.memory_space<vmem>>
        %dma_start3A_601 = arith.constant 0 : i32
        %dma_start3A_602 = arith.constant 0 : i32
        %dma_start3A_603 = tpu.memref_slice %arg12[%dma_start3A_601, %dma_start3A_602] : memref<10240x128xf32, #tpu.memory_space<vmem_shared>> -> memref<10240x128xf32, #tpu.memory_space<vmem_shared>>
        tpu.enqueue_indirect_dma source(%arg11 : memref<80x128xf32, #tpu.memory_space<vmem>>) target(%dma_start3A_603 : memref<10240x128xf32, #tpu.memory_space<vmem_shared>>) offsets(%dma_start3A_600 : memref<80xi32, #tpu.memory_space<vmem>>) semaphore(%run_scoped3A_597 : memref<!tpu.dma_semaphore, #tpu.memory_space<semaphore_mem>>) {add = true}
        %dma_wait3A_604 = arith.constant 0 : i32
        %dma_wait3A_605 = tpu.memref_slice %arg8[%run_scoped3A_569, %dma_wait3A_604] : memref<2x80xi32, #tpu.memory_space<vmem>> -> memref<1x80xi32, #tpu.memory_space<vmem>>
        %dma_wait3A_606 = tpu.memref_squeeze %dma_wait3A_605 : memref<1x80xi32, #tpu.memory_space<vmem>> -> memref<80xi32, #tpu.memory_space<vmem>>
        %dma_wait3A_607 = arith.constant 0 : i32
        %dma_wait3A_608 = arith.constant 0 : i32
        %dma_wait3A_609 = tpu.memref_slice %arg12[%dma_wait3A_607, %dma_wait3A_608] : memref<10240x128xf32, #tpu.memory_space<vmem_shared>> -> memref<10240x128xf32, #tpu.memory_space<vmem_shared>>
        tpu.wait_indirect_dma semaphore(%run_scoped3A_597 : memref<!tpu.dma_semaphore, #tpu.memory_space<semaphore_mem>>) src(%arg11 : memref<80x128xf32, #tpu.memory_space<vmem>>) dst(%dma_wait3A_609 : memref<10240x128xf32, #tpu.memory_space<vmem_shared>>)
        tpu.yield
      }) : () -> ()
      %add3A_570 = arith.constant 3 : i32
      %add3A_571 = arith.addi %add3A_561, %add3A_570 : i32
      %dma_start3A_572 = arith.constant 0 : i32
      %dma_start3A_573 = arith.constant 0 : i32
      %dma_start3A_574 = tpu.memref_slice %arg2[%add3A, %add3A_571, %dma_start3A_572, %dma_start3A_573] : memref<32x125x2x80xi32, #tpu.memory_space<hbm>> -> memref<1x1x2x80xi32, #tpu.memory_space<hbm>>
      %dma_start3A_575 = tpu.memref_squeeze %dma_start3A_574 : memref<1x1x2x80xi32, #tpu.memory_space<hbm>> -> memref<2x80xi32, #tpu.memory_space<hbm>>
      %dma_start3A_576 = arith.constant 0 : i32
      %dma_start3A_577 = arith.constant 0 : i32
      %dma_start3A_578 = tpu.memref_slice %arg2[%add3A, %add3A_571, %dma_start3A_576, %dma_start3A_577] : memref<32x125x2x80xi32, #tpu.memory_space<hbm>> -> memref<1x1x2x80xi32, #tpu.memory_space<hbm>>
      %dma_start3A_579 = tpu.memref_squeeze %dma_start3A_578 : memref<1x1x2x80xi32, #tpu.memory_space<hbm>> -> memref<2x80xi32, #tpu.memory_space<hbm>>
      tpu.enqueue_dma source(%dma_start3A_579 : memref<2x80xi32, #tpu.memory_space<hbm>>) target(%arg7 : memref<2x80xi32, #tpu.memory_space<vmem>>) target_semaphore(%arg15 : memref<!tpu.dma_semaphore, #tpu.memory_space<semaphore_mem>>)
      %add3A_580 = arith.constant 2 : i32
      %add3A_581 = arith.addi %add3A_561, %add3A_580 : i32
      %dma_wait3A_582 = arith.constant 0 : i32
      %dma_wait3A_583 = arith.constant 0 : i32
      %dma_wait3A_584 = tpu.memref_slice %arg2[%add3A, %add3A_581, %dma_wait3A_582, %dma_wait3A_583] : memref<32x125x2x80xi32, #tpu.memory_space<hbm>> -> memref<1x1x2x80xi32, #tpu.memory_space<hbm>>
      %dma_wait3A_585 = tpu.memref_squeeze %dma_wait3A_584 : memref<1x1x2x80xi32, #tpu.memory_space<hbm>> -> memref<2x80xi32, #tpu.memory_space<hbm>>
      %dma_wait3A_586 = arith.constant 0 : i32
      %dma_wait3A_587 = arith.constant 0 : i32
      %dma_wait3A_588 = tpu.memref_slice %arg2[%add3A, %add3A_581, %dma_wait3A_586, %dma_wait3A_587] : memref<32x125x2x80xi32, #tpu.memory_space<hbm>> -> memref<1x1x2x80xi32, #tpu.memory_space<hbm>>
      %dma_wait3A_589 = tpu.memref_squeeze %dma_wait3A_588 : memref<1x1x2x80xi32, #tpu.memory_space<hbm>> -> memref<2x80xi32, #tpu.memory_space<hbm>>
      tpu.wait_dma2 semaphore(%arg14 : memref<!tpu.dma_semaphore, #tpu.memory_space<semaphore_mem>>) src(%dma_wait3A_589 : memref<2x80xi32, #tpu.memory_space<hbm>>) dst(%arg6 : memref<2x80xi32, #tpu.memory_space<vmem>>)
      %dma_start3A_590 = arith.constant 0 : i32
      %dma_start3A_591 = arith.constant 0 : i32
      %dma_start3A_592 = tpu.memref_slice %arg6[%dma_start3A_590, %dma_start3A_591] : memref<2x80xi32, #tpu.memory_space<vmem>> -> memref<1x80xi32, #tpu.memory_space<vmem>>
      %dma_start3A_593 = tpu.memref_squeeze %dma_start3A_592 : memref<1x80xi32, #tpu.memory_space<vmem>> -> memref<80xi32, #tpu.memory_space<vmem>>
      %dma_start3A_594 = arith.constant 0 : i32
      %dma_start3A_595 = arith.constant 0 : i32
      %dma_start3A_596 = tpu.memref_slice %arg3[%dma_start3A_594, %dma_start3A_595] : memref<10000x128xf32, #tpu.memory_space<hbm>> -> memref<10000x128xf32, #tpu.memory_space<hbm>>
      tpu.enqueue_indirect_dma source(%dma_start3A_596 : memref<10000x128xf32, #tpu.memory_space<hbm>>) target(%arg10 : memref<80x128xf32, #tpu.memory_space<vmem>>) offsets(%dma_start3A_593 : memref<80xi32, #tpu.memory_space<vmem>>) semaphore(%arg18 : memref<!tpu.dma_semaphore, #tpu.memory_space<semaphore_mem>>)
    }
    %scan3A_37 = arith.constant 10 : i32
    %dma_wait3A = arith.constant 0 : i32
    %dma_wait3A_38 = arith.constant 0 : i32
    %dma_wait3A_39 = tpu.memref_slice %arg5[%dma_wait3A, %dma_wait3A_38] : memref<2x80xi32, #tpu.memory_space<vmem>> -> memref<1x80xi32, #tpu.memory_space<vmem>>
    %dma_wait3A_40 = tpu.memref_squeeze %dma_wait3A_39 : memref<1x80xi32, #tpu.memory_space<vmem>> -> memref<80xi32, #tpu.memory_space<vmem>>
    %dma_wait3A_41 = arith.constant 0 : i32
    %dma_wait3A_42 = arith.constant 0 : i32
    %dma_wait3A_43 = tpu.memref_slice %arg3[%dma_wait3A_41, %dma_wait3A_42] : memref<10000x128xf32, #tpu.memory_space<hbm>> -> memref<10000x128xf32, #tpu.memory_space<hbm>>
    tpu.wait_indirect_dma semaphore(%arg17 : memref<!tpu.dma_semaphore, #tpu.memory_space<semaphore_mem>>) src(%dma_wait3A_43 : memref<10000x128xf32, #tpu.memory_space<hbm>>) dst(%arg9 : memref<80x128xf32, #tpu.memory_space<vmem>>)
    %run_scoped3A_44 = arith.constant 1 : i32
    "tpu.region"() ({
      %run_scoped3A_148 = tpu.sem_alloc : memref<!tpu.dma_semaphore, #tpu.memory_space<semaphore_mem>>
      %dma_start3A_149 = arith.constant 0 : i32
      %dma_start3A_150 = tpu.memref_slice %arg5[%run_scoped3A_44, %dma_start3A_149] : memref<2x80xi32, #tpu.memory_space<vmem>> -> memref<1x80xi32, #tpu.memory_space<vmem>>
      %dma_start3A_151 = tpu.memref_squeeze %dma_start3A_150 : memref<1x80xi32, #tpu.memory_space<vmem>> -> memref<80xi32, #tpu.memory_space<vmem>>
      %dma_start3A_152 = arith.constant 0 : i32
      %dma_start3A_153 = arith.constant 0 : i32
      %dma_start3A_154 = tpu.memref_slice %arg12[%dma_start3A_152, %dma_start3A_153] : memref<10240x128xf32, #tpu.memory_space<vmem_shared>> -> memref<10240x128xf32, #tpu.memory_space<vmem_shared>>
      tpu.enqueue_indirect_dma source(%arg9 : memref<80x128xf32, #tpu.memory_space<vmem>>) target(%dma_start3A_154 : memref<10240x128xf32, #tpu.memory_space<vmem_shared>>) offsets(%dma_start3A_151 : memref<80xi32, #tpu.memory_space<vmem>>) semaphore(%run_scoped3A_148 : memref<!tpu.dma_semaphore, #tpu.memory_space<semaphore_mem>>) {add = true}
      %dma_wait3A_155 = arith.constant 0 : i32
      %dma_wait3A_156 = tpu.memref_slice %arg5[%run_scoped3A_44, %dma_wait3A_155] : memref<2x80xi32, #tpu.memory_space<vmem>> -> memref<1x80xi32, #tpu.memory_space<vmem>>
      %dma_wait3A_157 = tpu.memref_squeeze %dma_wait3A_156 : memref<1x80xi32, #tpu.memory_space<vmem>> -> memref<80xi32, #tpu.memory_space<vmem>>
      %dma_wait3A_158 = arith.constant 0 : i32
      %dma_wait3A_159 = arith.constant 0 : i32
      %dma_wait3A_160 = tpu.memref_slice %arg12[%dma_wait3A_158, %dma_wait3A_159] : memref<10240x128xf32, #tpu.memory_space<vmem_shared>> -> memref<10240x128xf32, #tpu.memory_space<vmem_shared>>
      tpu.wait_indirect_dma semaphore(%run_scoped3A_148 : memref<!tpu.dma_semaphore, #tpu.memory_space<semaphore_mem>>) src(%arg9 : memref<80x128xf32, #tpu.memory_space<vmem>>) dst(%dma_wait3A_160 : memref<10240x128xf32, #tpu.memory_space<vmem_shared>>)
      tpu.yield
    }) : () -> ()
    %dma_start3A_45 = arith.constant 123 : i32
    %dma_start3A_46 = arith.constant 0 : i32
    %dma_start3A_47 = arith.constant 0 : i32
    %dma_start3A_48 = tpu.memref_slice %arg2[%add3A, %dma_start3A_45, %dma_start3A_46, %dma_start3A_47] : memref<32x125x2x80xi32, #tpu.memory_space<hbm>> -> memref<1x1x2x80xi32, #tpu.memory_space<hbm>>
    %dma_start3A_49 = tpu.memref_squeeze %dma_start3A_48 : memref<1x1x2x80xi32, #tpu.memory_space<hbm>> -> memref<2x80xi32, #tpu.memory_space<hbm>>
    %dma_start3A_50 = arith.constant 0 : i32
    %dma_start3A_51 = arith.constant 0 : i32
    %dma_start3A_52 = tpu.memref_slice %arg2[%add3A, %dma_start3A_45, %dma_start3A_50, %dma_start3A_51] : memref<32x125x2x80xi32, #tpu.memory_space<hbm>> -> memref<1x1x2x80xi32, #tpu.memory_space<hbm>>
    %dma_start3A_53 = tpu.memref_squeeze %dma_start3A_52 : memref<1x1x2x80xi32, #tpu.memory_space<hbm>> -> memref<2x80xi32, #tpu.memory_space<hbm>>
    tpu.enqueue_dma source(%dma_start3A_53 : memref<2x80xi32, #tpu.memory_space<hbm>>) target(%arg8 : memref<2x80xi32, #tpu.memory_space<vmem>>) target_semaphore(%arg16 : memref<!tpu.dma_semaphore, #tpu.memory_space<semaphore_mem>>)
    %dma_wait3A_54 = arith.constant 122 : i32
    %dma_wait3A_55 = arith.constant 0 : i32
    %dma_wait3A_56 = arith.constant 0 : i32
    %dma_wait3A_57 = tpu.memref_slice %arg2[%add3A, %dma_wait3A_54, %dma_wait3A_55, %dma_wait3A_56] : memref<32x125x2x80xi32, #tpu.memory_space<hbm>> -> memref<1x1x2x80xi32, #tpu.memory_space<hbm>>
    %dma_wait3A_58 = tpu.memref_squeeze %dma_wait3A_57 : memref<1x1x2x80xi32, #tpu.memory_space<hbm>> -> memref<2x80xi32, #tpu.memory_space<hbm>>
    %dma_wait3A_59 = arith.constant 0 : i32
    %dma_wait3A_60 = arith.constant 0 : i32
    %dma_wait3A_61 = tpu.memref_slice %arg2[%add3A, %dma_wait3A_54, %dma_wait3A_59, %dma_wait3A_60] : memref<32x125x2x80xi32, #tpu.memory_space<hbm>> -> memref<1x1x2x80xi32, #tpu.memory_space<hbm>>
    %dma_wait3A_62 = tpu.memref_squeeze %dma_wait3A_61 : memref<1x1x2x80xi32, #tpu.memory_space<hbm>> -> memref<2x80xi32, #tpu.memory_space<hbm>>
    tpu.wait_dma2 semaphore(%arg15 : memref<!tpu.dma_semaphore, #tpu.memory_space<semaphore_mem>>) src(%dma_wait3A_62 : memref<2x80xi32, #tpu.memory_space<hbm>>) dst(%arg7 : memref<2x80xi32, #tpu.memory_space<vmem>>)
    %dma_start3A_63 = arith.constant 0 : i32
    %dma_start3A_64 = arith.constant 0 : i32
    %dma_start3A_65 = tpu.memref_slice %arg7[%dma_start3A_63, %dma_start3A_64] : memref<2x80xi32, #tpu.memory_space<vmem>> -> memref<1x80xi32, #tpu.memory_space<vmem>>
    %dma_start3A_66 = tpu.memref_squeeze %dma_start3A_65 : memref<1x80xi32, #tpu.memory_space<vmem>> -> memref<80xi32, #tpu.memory_space<vmem>>
    %dma_start3A_67 = arith.constant 0 : i32
    %dma_start3A_68 = arith.constant 0 : i32
    %dma_start3A_69 = tpu.memref_slice %arg3[%dma_start3A_67, %dma_start3A_68] : memref<10000x128xf32, #tpu.memory_space<hbm>> -> memref<10000x128xf32, #tpu.memory_space<hbm>>
    tpu.enqueue_indirect_dma source(%dma_start3A_69 : memref<10000x128xf32, #tpu.memory_space<hbm>>) target(%arg11 : memref<80x128xf32, #tpu.memory_space<vmem>>) offsets(%dma_start3A_66 : memref<80xi32, #tpu.memory_space<vmem>>) semaphore(%arg19 : memref<!tpu.dma_semaphore, #tpu.memory_space<semaphore_mem>>)
    %dma_wait3A_70 = arith.constant 0 : i32
    %dma_wait3A_71 = arith.constant 0 : i32
    %dma_wait3A_72 = tpu.memref_slice %arg6[%dma_wait3A_70, %dma_wait3A_71] : memref<2x80xi32, #tpu.memory_space<vmem>> -> memref<1x80xi32, #tpu.memory_space<vmem>>
    %dma_wait3A_73 = tpu.memref_squeeze %dma_wait3A_72 : memref<1x80xi32, #tpu.memory_space<vmem>> -> memref<80xi32, #tpu.memory_space<vmem>>
    %dma_wait3A_74 = arith.constant 0 : i32
    %dma_wait3A_75 = arith.constant 0 : i32
    %dma_wait3A_76 = tpu.memref_slice %arg3[%dma_wait3A_74, %dma_wait3A_75] : memref<10000x128xf32, #tpu.memory_space<hbm>> -> memref<10000x128xf32, #tpu.memory_space<hbm>>
    tpu.wait_indirect_dma semaphore(%arg18 : memref<!tpu.dma_semaphore, #tpu.memory_space<semaphore_mem>>) src(%dma_wait3A_76 : memref<10000x128xf32, #tpu.memory_space<hbm>>) dst(%arg10 : memref<80x128xf32, #tpu.memory_space<vmem>>)
    %run_scoped3A_77 = arith.constant 1 : i32
    "tpu.region"() ({
      %run_scoped3A_148 = tpu.sem_alloc : memref<!tpu.dma_semaphore, #tpu.memory_space<semaphore_mem>>
      %dma_start3A_149 = arith.constant 0 : i32
      %dma_start3A_150 = tpu.memref_slice %arg6[%run_scoped3A_77, %dma_start3A_149] : memref<2x80xi32, #tpu.memory_space<vmem>> -> memref<1x80xi32, #tpu.memory_space<vmem>>
      %dma_start3A_151 = tpu.memref_squeeze %dma_start3A_150 : memref<1x80xi32, #tpu.memory_space<vmem>> -> memref<80xi32, #tpu.memory_space<vmem>>
      %dma_start3A_152 = arith.constant 0 : i32
      %dma_start3A_153 = arith.constant 0 : i32
      %dma_start3A_154 = tpu.memref_slice %arg12[%dma_start3A_152, %dma_start3A_153] : memref<10240x128xf32, #tpu.memory_space<vmem_shared>> -> memref<10240x128xf32, #tpu.memory_space<vmem_shared>>
      tpu.enqueue_indirect_dma source(%arg10 : memref<80x128xf32, #tpu.memory_space<vmem>>) target(%dma_start3A_154 : memref<10240x128xf32, #tpu.memory_space<vmem_shared>>) offsets(%dma_start3A_151 : memref<80xi32, #tpu.memory_space<vmem>>) semaphore(%run_scoped3A_148 : memref<!tpu.dma_semaphore, #tpu.memory_space<semaphore_mem>>) {add = true}
      %dma_wait3A_155 = arith.constant 0 : i32
      %dma_wait3A_156 = tpu.memref_slice %arg6[%run_scoped3A_77, %dma_wait3A_155] : memref<2x80xi32, #tpu.memory_space<vmem>> -> memref<1x80xi32, #tpu.memory_space<vmem>>
      %dma_wait3A_157 = tpu.memref_squeeze %dma_wait3A_156 : memref<1x80xi32, #tpu.memory_space<vmem>> -> memref<80xi32, #tpu.memory_space<vmem>>
      %dma_wait3A_158 = arith.constant 0 : i32
      %dma_wait3A_159 = arith.constant 0 : i32
      %dma_wait3A_160 = tpu.memref_slice %arg12[%dma_wait3A_158, %dma_wait3A_159] : memref<10240x128xf32, #tpu.memory_space<vmem_shared>> -> memref<10240x128xf32, #tpu.memory_space<vmem_shared>>
      tpu.wait_indirect_dma semaphore(%run_scoped3A_148 : memref<!tpu.dma_semaphore, #tpu.memory_space<semaphore_mem>>) src(%arg10 : memref<80x128xf32, #tpu.memory_space<vmem>>) dst(%dma_wait3A_160 : memref<10240x128xf32, #tpu.memory_space<vmem_shared>>)
      tpu.yield
    }) : () -> ()
    %dma_start3A_78 = arith.constant 124 : i32
    %dma_start3A_79 = arith.constant 0 : i32
    %dma_start3A_80 = arith.constant 0 : i32
    %dma_start3A_81 = tpu.memref_slice %arg2[%add3A, %dma_start3A_78, %dma_start3A_79, %dma_start3A_80] : memref<32x125x2x80xi32, #tpu.memory_space<hbm>> -> memref<1x1x2x80xi32, #tpu.memory_space<hbm>>
    %dma_start3A_82 = tpu.memref_squeeze %dma_start3A_81 : memref<1x1x2x80xi32, #tpu.memory_space<hbm>> -> memref<2x80xi32, #tpu.memory_space<hbm>>
    %dma_start3A_83 = arith.constant 0 : i32
    %dma_start3A_84 = arith.constant 0 : i32
    %dma_start3A_85 = tpu.memref_slice %arg2[%add3A, %dma_start3A_78, %dma_start3A_83, %dma_start3A_84] : memref<32x125x2x80xi32, #tpu.memory_space<hbm>> -> memref<1x1x2x80xi32, #tpu.memory_space<hbm>>
    %dma_start3A_86 = tpu.memref_squeeze %dma_start3A_85 : memref<1x1x2x80xi32, #tpu.memory_space<hbm>> -> memref<2x80xi32, #tpu.memory_space<hbm>>
    tpu.enqueue_dma source(%dma_start3A_86 : memref<2x80xi32, #tpu.memory_space<hbm>>) target(%arg5 : memref<2x80xi32, #tpu.memory_space<vmem>>) target_semaphore(%arg13 : memref<!tpu.dma_semaphore, #tpu.memory_space<semaphore_mem>>)
    %dma_wait3A_87 = arith.constant 123 : i32
    %dma_wait3A_88 = arith.constant 0 : i32
    %dma_wait3A_89 = arith.constant 0 : i32
    %dma_wait3A_90 = tpu.memref_slice %arg2[%add3A, %dma_wait3A_87, %dma_wait3A_88, %dma_wait3A_89] : memref<32x125x2x80xi32, #tpu.memory_space<hbm>> -> memref<1x1x2x80xi32, #tpu.memory_space<hbm>>
    %dma_wait3A_91 = tpu.memref_squeeze %dma_wait3A_90 : memref<1x1x2x80xi32, #tpu.memory_space<hbm>> -> memref<2x80xi32, #tpu.memory_space<hbm>>
    %dma_wait3A_92 = arith.constant 0 : i32
    %dma_wait3A_93 = arith.constant 0 : i32
    %dma_wait3A_94 = tpu.memref_slice %arg2[%add3A, %dma_wait3A_87, %dma_wait3A_92, %dma_wait3A_93] : memref<32x125x2x80xi32, #tpu.memory_space<hbm>> -> memref<1x1x2x80xi32, #tpu.memory_space<hbm>>
    %dma_wait3A_95 = tpu.memref_squeeze %dma_wait3A_94 : memref<1x1x2x80xi32, #tpu.memory_space<hbm>> -> memref<2x80xi32, #tpu.memory_space<hbm>>
    tpu.wait_dma2 semaphore(%arg16 : memref<!tpu.dma_semaphore, #tpu.memory_space<semaphore_mem>>) src(%dma_wait3A_95 : memref<2x80xi32, #tpu.memory_space<hbm>>) dst(%arg8 : memref<2x80xi32, #tpu.memory_space<vmem>>)
    %dma_start3A_96 = arith.constant 0 : i32
    %dma_start3A_97 = arith.constant 0 : i32
    %dma_start3A_98 = tpu.memref_slice %arg8[%dma_start3A_96, %dma_start3A_97] : memref<2x80xi32, #tpu.memory_space<vmem>> -> memref<1x80xi32, #tpu.memory_space<vmem>>
    %dma_start3A_99 = tpu.memref_squeeze %dma_start3A_98 : memref<1x80xi32, #tpu.memory_space<vmem>> -> memref<80xi32, #tpu.memory_space<vmem>>
    %dma_start3A_100 = arith.constant 0 : i32
    %dma_start3A_101 = arith.constant 0 : i32
    %dma_start3A_102 = tpu.memref_slice %arg3[%dma_start3A_100, %dma_start3A_101] : memref<10000x128xf32, #tpu.memory_space<hbm>> -> memref<10000x128xf32, #tpu.memory_space<hbm>>
    tpu.enqueue_indirect_dma source(%dma_start3A_102 : memref<10000x128xf32, #tpu.memory_space<hbm>>) target(%arg9 : memref<80x128xf32, #tpu.memory_space<vmem>>) offsets(%dma_start3A_99 : memref<80xi32, #tpu.memory_space<vmem>>) semaphore(%arg17 : memref<!tpu.dma_semaphore, #tpu.memory_space<semaphore_mem>>)
    %dma_wait3A_103 = arith.constant 0 : i32
    %dma_wait3A_104 = arith.constant 0 : i32
    %dma_wait3A_105 = tpu.memref_slice %arg7[%dma_wait3A_103, %dma_wait3A_104] : memref<2x80xi32, #tpu.memory_space<vmem>> -> memref<1x80xi32, #tpu.memory_space<vmem>>
    %dma_wait3A_106 = tpu.memref_squeeze %dma_wait3A_105 : memref<1x80xi32, #tpu.memory_space<vmem>> -> memref<80xi32, #tpu.memory_space<vmem>>
    %dma_wait3A_107 = arith.constant 0 : i32
    %dma_wait3A_108 = arith.constant 0 : i32
    %dma_wait3A_109 = tpu.memref_slice %arg3[%dma_wait3A_107, %dma_wait3A_108] : memref<10000x128xf32, #tpu.memory_space<hbm>> -> memref<10000x128xf32, #tpu.memory_space<hbm>>
    tpu.wait_indirect_dma semaphore(%arg19 : memref<!tpu.dma_semaphore, #tpu.memory_space<semaphore_mem>>) src(%dma_wait3A_109 : memref<10000x128xf32, #tpu.memory_space<hbm>>) dst(%arg11 : memref<80x128xf32, #tpu.memory_space<vmem>>)
    %run_scoped3A_110 = arith.constant 1 : i32
    "tpu.region"() ({
      %run_scoped3A_148 = tpu.sem_alloc : memref<!tpu.dma_semaphore, #tpu.memory_space<semaphore_mem>>
      %dma_start3A_149 = arith.constant 0 : i32
      %dma_start3A_150 = tpu.memref_slice %arg7[%run_scoped3A_110, %dma_start3A_149] : memref<2x80xi32, #tpu.memory_space<vmem>> -> memref<1x80xi32, #tpu.memory_space<vmem>>
      %dma_start3A_151 = tpu.memref_squeeze %dma_start3A_150 : memref<1x80xi32, #tpu.memory_space<vmem>> -> memref<80xi32, #tpu.memory_space<vmem>>
      %dma_start3A_152 = arith.constant 0 : i32
      %dma_start3A_153 = arith.constant 0 : i32
      %dma_start3A_154 = tpu.memref_slice %arg12[%dma_start3A_152, %dma_start3A_153] : memref<10240x128xf32, #tpu.memory_space<vmem_shared>> -> memref<10240x128xf32, #tpu.memory_space<vmem_shared>>
      tpu.enqueue_indirect_dma source(%arg11 : memref<80x128xf32, #tpu.memory_space<vmem>>) target(%dma_start3A_154 : memref<10240x128xf32, #tpu.memory_space<vmem_shared>>) offsets(%dma_start3A_151 : memref<80xi32, #tpu.memory_space<vmem>>) semaphore(%run_scoped3A_148 : memref<!tpu.dma_semaphore, #tpu.memory_space<semaphore_mem>>) {add = true}
      %dma_wait3A_155 = arith.constant 0 : i32
      %dma_wait3A_156 = tpu.memref_slice %arg7[%run_scoped3A_110, %dma_wait3A_155] : memref<2x80xi32, #tpu.memory_space<vmem>> -> memref<1x80xi32, #tpu.memory_space<vmem>>
      %dma_wait3A_157 = tpu.memref_squeeze %dma_wait3A_156 : memref<1x80xi32, #tpu.memory_space<vmem>> -> memref<80xi32, #tpu.memory_space<vmem>>
      %dma_wait3A_158 = arith.constant 0 : i32
      %dma_wait3A_159 = arith.constant 0 : i32
      %dma_wait3A_160 = tpu.memref_slice %arg12[%dma_wait3A_158, %dma_wait3A_159] : memref<10240x128xf32, #tpu.memory_space<vmem_shared>> -> memref<10240x128xf32, #tpu.memory_space<vmem_shared>>
      tpu.wait_indirect_dma semaphore(%run_scoped3A_148 : memref<!tpu.dma_semaphore, #tpu.memory_space<semaphore_mem>>) src(%arg11 : memref<80x128xf32, #tpu.memory_space<vmem>>) dst(%dma_wait3A_160 : memref<10240x128xf32, #tpu.memory_space<vmem_shared>>)
      tpu.yield
    }) : () -> ()
    %dma_wait3A_111 = arith.constant 124 : i32
    %dma_wait3A_112 = arith.constant 0 : i32
    %dma_wait3A_113 = arith.constant 0 : i32
    %dma_wait3A_114 = tpu.memref_slice %arg2[%add3A, %dma_wait3A_111, %dma_wait3A_112, %dma_wait3A_113] : memref<32x125x2x80xi32, #tpu.memory_space<hbm>> -> memref<1x1x2x80xi32, #tpu.memory_space<hbm>>
    %dma_wait3A_115 = tpu.memref_squeeze %dma_wait3A_114 : memref<1x1x2x80xi32, #tpu.memory_space<hbm>> -> memref<2x80xi32, #tpu.memory_space<hbm>>
    %dma_wait3A_116 = arith.constant 0 : i32
    %dma_wait3A_117 = arith.constant 0 : i32
    %dma_wait3A_118 = tpu.memref_slice %arg2[%add3A, %dma_wait3A_111, %dma_wait3A_116, %dma_wait3A_117] : memref<32x125x2x80xi32, #tpu.memory_space<hbm>> -> memref<1x1x2x80xi32, #tpu.memory_space<hbm>>
    %dma_wait3A_119 = tpu.memref_squeeze %dma_wait3A_118 : memref<1x1x2x80xi32, #tpu.memory_space<hbm>> -> memref<2x80xi32, #tpu.memory_space<hbm>>
    tpu.wait_dma2 semaphore(%arg13 : memref<!tpu.dma_semaphore, #tpu.memory_space<semaphore_mem>>) src(%dma_wait3A_119 : memref<2x80xi32, #tpu.memory_space<hbm>>) dst(%arg5 : memref<2x80xi32, #tpu.memory_space<vmem>>)
    %dma_start3A_120 = arith.constant 0 : i32
    %dma_start3A_121 = arith.constant 0 : i32
    %dma_start3A_122 = tpu.memref_slice %arg5[%dma_start3A_120, %dma_start3A_121] : memref<2x80xi32, #tpu.memory_space<vmem>> -> memref<1x80xi32, #tpu.memory_space<vmem>>
    %dma_start3A_123 = tpu.memref_squeeze %dma_start3A_122 : memref<1x80xi32, #tpu.memory_space<vmem>> -> memref<80xi32, #tpu.memory_space<vmem>>
    %dma_start3A_124 = arith.constant 0 : i32
    %dma_start3A_125 = arith.constant 0 : i32
    %dma_start3A_126 = tpu.memref_slice %arg3[%dma_start3A_124, %dma_start3A_125] : memref<10000x128xf32, #tpu.memory_space<hbm>> -> memref<10000x128xf32, #tpu.memory_space<hbm>>
    tpu.enqueue_indirect_dma source(%dma_start3A_126 : memref<10000x128xf32, #tpu.memory_space<hbm>>) target(%arg10 : memref<80x128xf32, #tpu.memory_space<vmem>>) offsets(%dma_start3A_123 : memref<80xi32, #tpu.memory_space<vmem>>) semaphore(%arg18 : memref<!tpu.dma_semaphore, #tpu.memory_space<semaphore_mem>>)
    %dma_wait3A_127 = arith.constant 0 : i32
    %dma_wait3A_128 = arith.constant 0 : i32
    %dma_wait3A_129 = tpu.memref_slice %arg8[%dma_wait3A_127, %dma_wait3A_128] : memref<2x80xi32, #tpu.memory_space<vmem>> -> memref<1x80xi32, #tpu.memory_space<vmem>>
    %dma_wait3A_130 = tpu.memref_squeeze %dma_wait3A_129 : memref<1x80xi32, #tpu.memory_space<vmem>> -> memref<80xi32, #tpu.memory_space<vmem>>
    %dma_wait3A_131 = arith.constant 0 : i32
    %dma_wait3A_132 = arith.constant 0 : i32
    %dma_wait3A_133 = tpu.memref_slice %arg3[%dma_wait3A_131, %dma_wait3A_132] : memref<10000x128xf32, #tpu.memory_space<hbm>> -> memref<10000x128xf32, #tpu.memory_space<hbm>>
    tpu.wait_indirect_dma semaphore(%arg17 : memref<!tpu.dma_semaphore, #tpu.memory_space<semaphore_mem>>) src(%dma_wait3A_133 : memref<10000x128xf32, #tpu.memory_space<hbm>>) dst(%arg9 : memref<80x128xf32, #tpu.memory_space<vmem>>)
    %run_scoped3A_134 = arith.constant 1 : i32
    "tpu.region"() ({
      %run_scoped3A_148 = tpu.sem_alloc : memref<!tpu.dma_semaphore, #tpu.memory_space<semaphore_mem>>
      %dma_start3A_149 = arith.constant 0 : i32
      %dma_start3A_150 = tpu.memref_slice %arg8[%run_scoped3A_134, %dma_start3A_149] : memref<2x80xi32, #tpu.memory_space<vmem>> -> memref<1x80xi32, #tpu.memory_space<vmem>>
      %dma_start3A_151 = tpu.memref_squeeze %dma_start3A_150 : memref<1x80xi32, #tpu.memory_space<vmem>> -> memref<80xi32, #tpu.memory_space<vmem>>
      %dma_start3A_152 = arith.constant 0 : i32
      %dma_start3A_153 = arith.constant 0 : i32
      %dma_start3A_154 = tpu.memref_slice %arg12[%dma_start3A_152, %dma_start3A_153] : memref<10240x128xf32, #tpu.memory_space<vmem_shared>> -> memref<10240x128xf32, #tpu.memory_space<vmem_shared>>
      tpu.enqueue_indirect_dma source(%arg9 : memref<80x128xf32, #tpu.memory_space<vmem>>) target(%dma_start3A_154 : memref<10240x128xf32, #tpu.memory_space<vmem_shared>>) offsets(%dma_start3A_151 : memref<80xi32, #tpu.memory_space<vmem>>) semaphore(%run_scoped3A_148 : memref<!tpu.dma_semaphore, #tpu.memory_space<semaphore_mem>>) {add = true}
      %dma_wait3A_155 = arith.constant 0 : i32
      %dma_wait3A_156 = tpu.memref_slice %arg8[%run_scoped3A_134, %dma_wait3A_155] : memref<2x80xi32, #tpu.memory_space<vmem>> -> memref<1x80xi32, #tpu.memory_space<vmem>>
      %dma_wait3A_157 = tpu.memref_squeeze %dma_wait3A_156 : memref<1x80xi32, #tpu.memory_space<vmem>> -> memref<80xi32, #tpu.memory_space<vmem>>
      %dma_wait3A_158 = arith.constant 0 : i32
      %dma_wait3A_159 = arith.constant 0 : i32
      %dma_wait3A_160 = tpu.memref_slice %arg12[%dma_wait3A_158, %dma_wait3A_159] : memref<10240x128xf32, #tpu.memory_space<vmem_shared>> -> memref<10240x128xf32, #tpu.memory_space<vmem_shared>>
      tpu.wait_indirect_dma semaphore(%run_scoped3A_148 : memref<!tpu.dma_semaphore, #tpu.memory_space<semaphore_mem>>) src(%arg9 : memref<80x128xf32, #tpu.memory_space<vmem>>) dst(%dma_wait3A_160 : memref<10240x128xf32, #tpu.memory_space<vmem_shared>>)
      tpu.yield
    }) : () -> ()
    %dma_wait3A_135 = arith.constant 0 : i32
    %dma_wait3A_136 = arith.constant 0 : i32
    %dma_wait3A_137 = tpu.memref_slice %arg5[%dma_wait3A_135, %dma_wait3A_136] : memref<2x80xi32, #tpu.memory_space<vmem>> -> memref<1x80xi32, #tpu.memory_space<vmem>>
    %dma_wait3A_138 = tpu.memref_squeeze %dma_wait3A_137 : memref<1x80xi32, #tpu.memory_space<vmem>> -> memref<80xi32, #tpu.memory_space<vmem>>
    %dma_wait3A_139 = arith.constant 0 : i32
    %dma_wait3A_140 = arith.constant 0 : i32
    %dma_wait3A_141 = tpu.memref_slice %arg3[%dma_wait3A_139, %dma_wait3A_140] : memref<10000x128xf32, #tpu.memory_space<hbm>> -> memref<10000x128xf32, #tpu.memory_space<hbm>>
    tpu.wait_indirect_dma semaphore(%arg18 : memref<!tpu.dma_semaphore, #tpu.memory_space<semaphore_mem>>) src(%dma_wait3A_141 : memref<10000x128xf32, #tpu.memory_space<hbm>>) dst(%arg10 : memref<80x128xf32, #tpu.memory_space<vmem>>)
    %run_scoped3A_142 = arith.constant 1 : i32
    "tpu.region"() ({
      %run_scoped3A_148 = tpu.sem_alloc : memref<!tpu.dma_semaphore, #tpu.memory_space<semaphore_mem>>
      %dma_start3A_149 = arith.constant 0 : i32
      %dma_start3A_150 = tpu.memref_slice %arg5[%run_scoped3A_142, %dma_start3A_149] : memref<2x80xi32, #tpu.memory_space<vmem>> -> memref<1x80xi32, #tpu.memory_space<vmem>>
      %dma_start3A_151 = tpu.memref_squeeze %dma_start3A_150 : memref<1x80xi32, #tpu.memory_space<vmem>> -> memref<80xi32, #tpu.memory_space<vmem>>
      %dma_start3A_152 = arith.constant 0 : i32
      %dma_start3A_153 = arith.constant 0 : i32
      %dma_start3A_154 = tpu.memref_slice %arg12[%dma_start3A_152, %dma_start3A_153] : memref<10240x128xf32, #tpu.memory_space<vmem_shared>> -> memref<10240x128xf32, #tpu.memory_space<vmem_shared>>
      tpu.enqueue_indirect_dma source(%arg10 : memref<80x128xf32, #tpu.memory_space<vmem>>) target(%dma_start3A_154 : memref<10240x128xf32, #tpu.memory_space<vmem_shared>>) offsets(%dma_start3A_151 : memref<80xi32, #tpu.memory_space<vmem>>) semaphore(%run_scoped3A_148 : memref<!tpu.dma_semaphore, #tpu.memory_space<semaphore_mem>>) {add = true}
      %dma_wait3A_155 = arith.constant 0 : i32
      %dma_wait3A_156 = tpu.memref_slice %arg5[%run_scoped3A_142, %dma_wait3A_155] : memref<2x80xi32, #tpu.memory_space<vmem>> -> memref<1x80xi32, #tpu.memory_space<vmem>>
      %dma_wait3A_157 = tpu.memref_squeeze %dma_wait3A_156 : memref<1x80xi32, #tpu.memory_space<vmem>> -> memref<80xi32, #tpu.memory_space<vmem>>
      %dma_wait3A_158 = arith.constant 0 : i32
      %dma_wait3A_159 = arith.constant 0 : i32
      %dma_wait3A_160 = tpu.memref_slice %arg12[%dma_wait3A_158, %dma_wait3A_159] : memref<10240x128xf32, #tpu.memory_space<vmem_shared>> -> memref<10240x128xf32, #tpu.memory_space<vmem_shared>>
      tpu.wait_indirect_dma semaphore(%run_scoped3A_148 : memref<!tpu.dma_semaphore, #tpu.memory_space<semaphore_mem>>) src(%arg10 : memref<80x128xf32, #tpu.memory_space<vmem>>) dst(%dma_wait3A_160 : memref<10240x128xf32, #tpu.memory_space<vmem_shared>>)
      tpu.yield
    }) : () -> ()
    %barrier3A_143 = arith.constant 0 : index
    tpu.barrier barrier_id(%barrier3A_143)
    %mul3A_144 = arith.constant 640 : i32
    %mul3A_145 = arith.muli %arg1, %mul3A_144 : i32
    %mul3A_146 = arith.constant 640 : i32
    %mul3A_147 = arith.muli %arg1, %mul3A_146 : i32
    "tpu.region"() ({
      %run_scoped3A_148 = tpu.sem_alloc : memref<!tpu.dma_semaphore, #tpu.memory_space<semaphore_mem>>
      %dma_start3A_149 = arith.constant 0 : i32
      %dma_start3A_150 = tpu.memref_slice %arg4[%arg0, %mul3A_147, %dma_start3A_149] : memref<2x10240x128xf32, #tpu.memory_space<hbm>> -> memref<1x640x128xf32, #tpu.memory_space<hbm>>
      %dma_start3A_151 = tpu.memref_squeeze %dma_start3A_150 : memref<1x640x128xf32, #tpu.memory_space<hbm>> -> memref<640x128xf32, #tpu.memory_space<hbm>>
      %dma_start3A_152 = arith.constant 0 : i32
      %dma_start3A_153 = tpu.memref_slice %arg12[%mul3A_145, %dma_start3A_152] : memref<10240x128xf32, #tpu.memory_space<vmem_shared>> -> memref<640x128xf32, #tpu.memory_space<vmem_shared>>
      tpu.enqueue_dma source(%dma_start3A_153 : memref<640x128xf32, #tpu.memory_space<vmem_shared>>) target(%dma_start3A_151 : memref<640x128xf32, #tpu.memory_space<hbm>>) target_semaphore(%run_scoped3A_148 : memref<!tpu.dma_semaphore, #tpu.memory_space<semaphore_mem>>)
      %dma_wait3A_154 = arith.constant 0 : i32
      %dma_wait3A_155 = tpu.memref_slice %arg4[%arg0, %mul3A_147, %dma_wait3A_154] : memref<2x10240x128xf32, #tpu.memory_space<hbm>> -> memref<1x640x128xf32, #tpu.memory_space<hbm>>
      %dma_wait3A_156 = tpu.memref_squeeze %dma_wait3A_155 : memref<1x640x128xf32, #tpu.memory_space<hbm>> -> memref<640x128xf32, #tpu.memory_space<hbm>>
      %dma_wait3A_157 = arith.constant 0 : i32
      %dma_wait3A_158 = tpu.memref_slice %arg12[%mul3A_145, %dma_wait3A_157] : memref<10240x128xf32, #tpu.memory_space<vmem_shared>> -> memref<640x128xf32, #tpu.memory_space<vmem_shared>>
      tpu.wait_dma2 semaphore(%run_scoped3A_148 : memref<!tpu.dma_semaphore, #tpu.memory_space<semaphore_mem>>) src(%dma_wait3A_158 : memref<640x128xf32, #tpu.memory_space<vmem_shared>>) dst(%dma_wait3A_156 : memref<640x128xf32, #tpu.memory_space<hbm>>)
      tpu.yield
    }) : () -> ()
    return
  }
}

#map = affine_map<(d0, d1) -> (0)>
#map1 = affine_map<(d0, d1) -> (0, 0)>
module attributes {stable_mosaic.version = 14 : i64} {
  func.func @_deg_body(%arg0: i32, %arg1: i32, %arg2: memref<320000xi32, #tpu.memory_space<hbm>>, %arg3: memref<2x10240xf32, #tpu.memory_space<hbm>>, %arg4: memref<2000xi32, #tpu.memory_space<vmem>>, %arg5: memref<2000xf32, #tpu.memory_space<vmem>>, %arg6: memref<640xf32, #tpu.memory_space<vmem>>, %arg7: memref<10240xf32, #tpu.memory_space<vmem_shared>>, %arg8: memref<!tpu.dma_semaphore, #tpu.memory_space<semaphore_mem>>) attributes {dimension_semantics = [#tpu.dimension_semantics<core_parallel>, #tpu.dimension_semantics<subcore_parallel>], iteration_bounds = array<i64: 2, 16>, scalar_prefetch = 0 : i64, scratch_operands = 5 : i64, tpu.core_type = #tpu.core_type<sc_vector_subcore>, window_params = [{transform_indices = #map}, {transform_indices = #map1}]} {
    %mul3A = arith.constant 16 : i32
    %mul3A_0 = arith.muli %arg0, %mul3A : i32
    %add3A = arith.addi %mul3A_0, %arg1 : i32
    %mul3A_1 = arith.constant 10000 : i32
    %mul3A_2 = arith.muli %add3A, %mul3A_1 : i32
    %scan3A = arith.constant 0 : i32
    %scan3A_3 = arith.constant 40 : i32
    %scan3A_4 = arith.addi %scan3A, %scan3A_3 : i32
    %scan3A_5 = arith.constant 1 : i32
    scf.for %scan3A_24 = %scan3A to %scan3A_4 step %scan3A_5  : i32 {
      %mul3A_25 = arith.constant 16 : i32
      %mul3A_26 = arith.muli %scan3A_24, %mul3A_25 : i32
      %add3A_27 = arith.constant 0 : i32
      %add3A_28 = arith.addi %add3A_27, %mul3A_26 : i32
      %broadcast_in_dim3A = arith.constant 0.000000e+00 : f32
      %broadcast_in_dim3A_29 = vector.broadcast %broadcast_in_dim3A : f32 to vector<16xf32>
      %swap3A = arith.index_cast %add3A_28 : i32 to index
      %swap3A_30 = tpu.vector_load %arg6[%swap3A] {strides = array<i32>} : memref<640xf32, #tpu.memory_space<vmem>>, vector<16xf32>,
      %swap3A_31 = vector.shape_cast %swap3A_30 : vector<16xf32> to vector<16xf32>
      %swap3A_32 = vector.shape_cast %broadcast_in_dim3A_29 : vector<16xf32> to vector<16xf32>
      tpu.vector_store %arg6[%swap3A], %swap3A_32 {strides = array<i32>} : memref<640xf32, #tpu.memory_space<vmem>>, vector<16xf32>,
    }
    %scan3A_6 = arith.constant 40 : i32
    %scan3A_7 = arith.constant 0 : i32
    %scan3A_8 = arith.constant 125 : i32
    %scan3A_9 = arith.addi %scan3A_7, %scan3A_8 : i32
    %scan3A_10 = arith.constant 1 : i32
    scf.for %scan3A_24 = %scan3A_7 to %scan3A_9 step %scan3A_10  : i32 {
      %mul3A_25 = arith.constant 16 : i32
      %mul3A_26 = arith.muli %scan3A_24, %mul3A_25 : i32
      %add3A_27 = arith.constant 0 : i32
      %add3A_28 = arith.addi %add3A_27, %mul3A_26 : i32
      %broadcast_in_dim3A = arith.constant 1.000000e+00 : f32
      %broadcast_in_dim3A_29 = vector.broadcast %broadcast_in_dim3A : f32 to vector<16xf32>
      %swap3A = arith.index_cast %add3A_28 : i32 to index
      %swap3A_30 = tpu.vector_load %arg5[%swap3A] {strides = array<i32>} : memref<2000xf32, #tpu.memory_space<vmem>>, vector<16xf32>,
      %swap3A_31 = vector.shape_cast %swap3A_30 : vector<16xf32> to vector<16xf32>
      %swap3A_32 = vector.shape_cast %broadcast_in_dim3A_29 : vector<16xf32> to vector<16xf32>
      tpu.vector_store %arg5[%swap3A], %swap3A_32 {strides = array<i32>} : memref<2000xf32, #tpu.memory_space<vmem>>, vector<16xf32>,
    }
    %scan3A_11 = arith.constant 125 : i32
    %mul3A_12 = arith.constant 640 : i32
    %mul3A_13 = arith.muli %arg1, %mul3A_12 : i32
    "tpu.region"() ({
      %run_scoped3A = tpu.sem_alloc : memref<!tpu.dma_semaphore, #tpu.memory_space<semaphore_mem>>
      %dma_start3A = tpu.memref_slice %arg7[%mul3A_13] : memref<10240xf32, #tpu.memory_space<vmem_shared>> -> memref<640xf32, #tpu.memory_space<vmem_shared>>
      %dma_start3A_24 = tpu.memref_slice %arg7[%mul3A_13] : memref<10240xf32, #tpu.memory_space<vmem_shared>> -> memref<640xf32, #tpu.memory_space<vmem_shared>>
      tpu.enqueue_dma source(%arg6 : memref<640xf32, #tpu.memory_space<vmem>>) target(%dma_start3A_24 : memref<640xf32, #tpu.memory_space<vmem_shared>>) target_semaphore(%run_scoped3A : memref<!tpu.dma_semaphore, #tpu.memory_space<semaphore_mem>>)
      %dma_wait3A = tpu.memref_slice %arg7[%mul3A_13] : memref<10240xf32, #tpu.memory_space<vmem_shared>> -> memref<640xf32, #tpu.memory_space<vmem_shared>>
      %dma_wait3A_25 = tpu.memref_slice %arg7[%mul3A_13] : memref<10240xf32, #tpu.memory_space<vmem_shared>> -> memref<640xf32, #tpu.memory_space<vmem_shared>>
      tpu.wait_dma2 semaphore(%run_scoped3A : memref<!tpu.dma_semaphore, #tpu.memory_space<semaphore_mem>>) src(%arg6 : memref<640xf32, #tpu.memory_space<vmem>>) dst(%dma_wait3A_25 : memref<640xf32, #tpu.memory_space<vmem_shared>>)
      tpu.yield
    }) : () -> ()
    %barrier3A = arith.constant 0 : index
    tpu.barrier barrier_id(%barrier3A)
    %scan3A_14 = arith.constant 0 : i32
    %scan3A_15 = arith.constant 5 : i32
    %scan3A_16 = arith.addi %scan3A_14, %scan3A_15 : i32
    %scan3A_17 = arith.constant 1 : i32
    scf.for %scan3A_24 = %scan3A_14 to %scan3A_16 step %scan3A_17  : i32 {
      %mul3A_25 = arith.constant 2000 : i32
      %mul3A_26 = arith.muli %scan3A_24, %mul3A_25 : i32
      %add3A_27 = arith.constant 0 : i32
      %add3A_28 = arith.addi %add3A_27, %mul3A_26 : i32
      %add3A_29 = arith.addi %mul3A_2, %add3A_28 : i32
      %dma_start3A = tpu.memref_slice %arg2[%add3A_29] : memref<320000xi32, #tpu.memory_space<hbm>> -> memref<2000xi32, #tpu.memory_space<hbm>>
      %dma_start3A_30 = tpu.memref_slice %arg2[%add3A_29] : memref<320000xi32, #tpu.memory_space<hbm>> -> memref<2000xi32, #tpu.memory_space<hbm>>
      tpu.enqueue_dma source(%dma_start3A_30 : memref<2000xi32, #tpu.memory_space<hbm>>) target(%arg4 : memref<2000xi32, #tpu.memory_space<vmem>>) target_semaphore(%arg8 : memref<!tpu.dma_semaphore, #tpu.memory_space<semaphore_mem>>)
      %dma_wait3A = tpu.memref_slice %arg2[%add3A_29] : memref<320000xi32, #tpu.memory_space<hbm>> -> memref<2000xi32, #tpu.memory_space<hbm>>
      %dma_wait3A_31 = tpu.memref_slice %arg2[%add3A_29] : memref<320000xi32, #tpu.memory_space<hbm>> -> memref<2000xi32, #tpu.memory_space<hbm>>
      tpu.wait_dma2 semaphore(%arg8 : memref<!tpu.dma_semaphore, #tpu.memory_space<semaphore_mem>>) src(%dma_wait3A_31 : memref<2000xi32, #tpu.memory_space<hbm>>) dst(%arg4 : memref<2000xi32, #tpu.memory_space<vmem>>)
      "tpu.region"() ({
        %run_scoped3A = tpu.sem_alloc : memref<!tpu.dma_semaphore, #tpu.memory_space<semaphore_mem>>
        %dma_start3A_32 = arith.constant 0 : i32
        %dma_start3A_33 = tpu.memref_slice %arg7[%dma_start3A_32] : memref<10240xf32, #tpu.memory_space<vmem_shared>> -> memref<10240xf32, #tpu.memory_space<vmem_shared>>
        tpu.enqueue_indirect_dma source(%arg5 : memref<2000xf32, #tpu.memory_space<vmem>>) target(%dma_start3A_33 : memref<10240xf32, #tpu.memory_space<vmem_shared>>) offsets(%arg4 : memref<2000xi32, #tpu.memory_space<vmem>>) semaphore(%run_scoped3A : memref<!tpu.dma_semaphore, #tpu.memory_space<semaphore_mem>>) {add = true}
        %dma_wait3A_34 = arith.constant 0 : i32
        %dma_wait3A_35 = tpu.memref_slice %arg7[%dma_wait3A_34] : memref<10240xf32, #tpu.memory_space<vmem_shared>> -> memref<10240xf32, #tpu.memory_space<vmem_shared>>
        tpu.wait_indirect_dma semaphore(%run_scoped3A : memref<!tpu.dma_semaphore, #tpu.memory_space<semaphore_mem>>) src(%arg5 : memref<2000xf32, #tpu.memory_space<vmem>>) dst(%dma_wait3A_35 : memref<10240xf32, #tpu.memory_space<vmem_shared>>)
        tpu.yield
      }) : () -> ()
    }
    %scan3A_18 = arith.constant 5 : i32
    %barrier3A_19 = arith.constant 0 : index
    tpu.barrier barrier_id(%barrier3A_19)
    %mul3A_20 = arith.constant 640 : i32
    %mul3A_21 = arith.muli %arg1, %mul3A_20 : i32
    %mul3A_22 = arith.constant 640 : i32
    %mul3A_23 = arith.muli %arg1, %mul3A_22 : i32
    "tpu.region"() ({
      %run_scoped3A = tpu.sem_alloc : memref<!tpu.dma_semaphore, #tpu.memory_space<semaphore_mem>>
      %dma_start3A = tpu.memref_slice %arg3[%arg0, %mul3A_23] : memref<2x10240xf32, #tpu.memory_space<hbm>> -> memref<1x640xf32, #tpu.memory_space<hbm>>
      %dma_start3A_24 = tpu.memref_squeeze %dma_start3A : memref<1x640xf32, #tpu.memory_space<hbm>> -> memref<640xf32, #tpu.memory_space<hbm>>
      %dma_start3A_25 = tpu.memref_slice %arg7[%mul3A_21] : memref<10240xf32, #tpu.memory_space<vmem_shared>> -> memref<640xf32, #tpu.memory_space<vmem_shared>>
      tpu.enqueue_dma source(%dma_start3A_25 : memref<640xf32, #tpu.memory_space<vmem_shared>>) target(%dma_start3A_24 : memref<640xf32, #tpu.memory_space<hbm>>) target_semaphore(%run_scoped3A : memref<!tpu.dma_semaphore, #tpu.memory_space<semaphore_mem>>)
      %dma_wait3A = tpu.memref_slice %arg3[%arg0, %mul3A_23] : memref<2x10240xf32, #tpu.memory_space<hbm>> -> memref<1x640xf32, #tpu.memory_space<hbm>>
      %dma_wait3A_26 = tpu.memref_squeeze %dma_wait3A : memref<1x640xf32, #tpu.memory_space<hbm>> -> memref<640xf32, #tpu.memory_space<hbm>>
      %dma_wait3A_27 = tpu.memref_slice %arg7[%mul3A_21] : memref<10240xf32, #tpu.memory_space<vmem_shared>> -> memref<640xf32, #tpu.memory_space<vmem_shared>>
      tpu.wait_dma2 semaphore(%run_scoped3A : memref<!tpu.dma_semaphore, #tpu.memory_space<semaphore_mem>>) src(%dma_wait3A_27 : memref<640xf32, #tpu.memory_space<vmem_shared>>) dst(%dma_wait3A_26 : memref<640xf32, #tpu.memory_space<hbm>>)
      tpu.yield
    }) : () -> ()
    return
  }
}

#map = affine_map<(d0, d1) -> (0, 0, 0, 0)>
#map1 = affine_map<(d0, d1) -> (0, 0)>
#map2 = affine_map<(d0, d1) -> (0, 0, 0)>
module attributes {stable_mosaic.version = 14 : i64} {
  func.func @_scatter_body(%arg0: i32, %arg1: i32, %arg2: memref<32x125x2x80xi32, #tpu.memory_space<hbm>>, %arg3: memref<10000x128xf32, #tpu.memory_space<hbm>>, %arg4: memref<2x10240x128xf32, #tpu.memory_space<hbm>>, %arg5: memref<2x80xi32, #tpu.memory_space<vmem>>, %arg6: memref<2x80xi32, #tpu.memory_space<vmem>>, %arg7: memref<2x80xi32, #tpu.memory_space<vmem>>, %arg8: memref<2x80xi32, #tpu.memory_space<vmem>>, %arg9: memref<80x128xf32, #tpu.memory_space<vmem>>, %arg10: memref<80x128xf32, #tpu.memory_space<vmem>>, %arg11: memref<80x128xf32, #tpu.memory_space<vmem>>, %arg12: memref<10240x128xf32, #tpu.memory_space<vmem_shared>>, %arg13: memref<!tpu.dma_semaphore, #tpu.memory_space<semaphore_mem>>, %arg14: memref<!tpu.dma_semaphore, #tpu.memory_space<semaphore_mem>>, %arg15: memref<!tpu.dma_semaphore, #tpu.memory_space<semaphore_mem>>, %arg16: memref<!tpu.dma_semaphore, #tpu.memory_space<semaphore_mem>>, %arg17: memref<!tpu.dma_semaphore, #tpu.memory_space<semaphore_mem>>, %arg18: memref<!tpu.dma_semaphore, #tpu.memory_space<semaphore_mem>>, %arg19: memref<!tpu.dma_semaphore, #tpu.memory_space<semaphore_mem>>) attributes {dimension_semantics = [#tpu.dimension_semantics<core_parallel>, #tpu.dimension_semantics<subcore_parallel>], iteration_bounds = array<i64: 2, 16>, scalar_prefetch = 0 : i64, scratch_operands = 15 : i64, tpu.core_type = #tpu.core_type<sc_vector_subcore>, window_params = [{transform_indices = #map}, {transform_indices = #map1}, {transform_indices = #map2}]} {
    %mul3A = arith.constant 16 : i32
    %mul3A_0 = arith.muli %arg0, %mul3A : i32
    %add3A = arith.addi %mul3A_0, %arg1 : i32
    %scan3A = arith.constant 0 : i32
    %scan3A_1 = arith.constant 80 : i32
    %scan3A_2 = arith.addi %scan3A, %scan3A_1 : i32
    %scan3A_3 = arith.constant 1 : i32
    scf.for %scan3A_148 = %scan3A to %scan3A_2 step %scan3A_3  : i32 {
      %mul3A_149 = arith.constant 1 : i32
      %mul3A_150 = arith.muli %scan3A_148, %mul3A_149 : i32
      %add3A_151 = arith.constant 0 : i32
      %add3A_152 = arith.addi %add3A_151, %mul3A_150 : i32
      %scan3A_153 = arith.constant 0 : i32
      %scan3A_154 = arith.constant 8 : i32
      %scan3A_155 = arith.addi %scan3A_153, %scan3A_154 : i32
      %scan3A_156 = arith.constant 1 : i32
      scf.for %scan3A_158 = %scan3A_153 to %scan3A_155 step %scan3A_156  : i32 {
        %mul3A_159 = arith.constant 16 : i32
        %mul3A_160 = arith.muli %scan3A_158, %mul3A_159 : i32
        %add3A_161 = arith.constant 0 : i32
        %add3A_162 = arith.addi %add3A_161, %mul3A_160 : i32
        %broadcast_in_dim3A = arith.constant 0.000000e+00 : f32
        %broadcast_in_dim3A_163 = vector.broadcast %broadcast_in_dim3A : f32 to vector<1x16xf32>
        %swap3A = arith.index_cast %add3A_152 : i32 to index
        %swap3A_164 = arith.index_cast %add3A_162 : i32 to index
        %swap3A_165 = tpu.vector_load %arg11[%swap3A, %swap3A_164] {strides = array<i32>} : memref<80x128xf32, #tpu.memory_space<vmem>>, vector<1x16xf32>,
        %swap3A_166 = vector.shape_cast %swap3A_165 : vector<1x16xf32> to vector<1x16xf32>
        %swap3A_167 = vector.shape_cast %broadcast_in_dim3A_163 : vector<1x16xf32> to vector<1x16xf32>
        tpu.vector_store %arg11[%swap3A, %swap3A_164], %swap3A_167 {strides = array<i32>} : memref<80x128xf32, #tpu.memory_space<vmem>>, vector<1x16xf32>,
      }
      %scan3A_157 = arith.constant 8 : i32
    }
    %scan3A_4 = arith.constant 80 : i32
    %run_scoped3A = arith.constant 0 : i32
    "tpu.region"() ({
      %run_scoped3A_148 = tpu.sem_alloc : memref<!tpu.dma_semaphore, #tpu.memory_space<semaphore_mem>>
      %dma_start3A_149 = arith.constant 0 : i32
      %dma_start3A_150 = arith.constant 0 : i32
      %dma_start3A_151 = tpu.memref_slice %arg2[%add3A, %run_scoped3A, %dma_start3A_149, %dma_start3A_150] : memref<32x125x2x80xi32, #tpu.memory_space<hbm>> -> memref<1x1x2x80xi32, #tpu.memory_space<hbm>>
      %dma_start3A_152 = tpu.memref_squeeze %dma_start3A_151 : memref<1x1x2x80xi32, #tpu.memory_space<hbm>> -> memref<2x80xi32, #tpu.memory_space<hbm>>
      %dma_start3A_153 = arith.constant 0 : i32
      %dma_start3A_154 = arith.constant 0 : i32
      %dma_start3A_155 = tpu.memref_slice %arg2[%add3A, %run_scoped3A, %dma_start3A_153, %dma_start3A_154] : memref<32x125x2x80xi32, #tpu.memory_space<hbm>> -> memref<1x1x2x80xi32, #tpu.memory_space<hbm>>
      %dma_start3A_156 = tpu.memref_squeeze %dma_start3A_155 : memref<1x1x2x80xi32, #tpu.memory_space<hbm>> -> memref<2x80xi32, #tpu.memory_space<hbm>>
      tpu.enqueue_dma source(%dma_start3A_156 : memref<2x80xi32, #tpu.memory_space<hbm>>) target(%arg5 : memref<2x80xi32, #tpu.memory_space<vmem>>) target_semaphore(%run_scoped3A_148 : memref<!tpu.dma_semaphore, #tpu.memory_space<semaphore_mem>>)
      %dma_wait3A_157 = arith.constant 0 : i32
      %dma_wait3A_158 = arith.constant 0 : i32
      %dma_wait3A_159 = tpu.memref_slice %arg2[%add3A, %run_scoped3A, %dma_wait3A_157, %dma_wait3A_158] : memref<32x125x2x80xi32, #tpu.memory_space<hbm>> -> memref<1x1x2x80xi32, #tpu.memory_space<hbm>>
      %dma_wait3A_160 = tpu.memref_squeeze %dma_wait3A_159 : memref<1x1x2x80xi32, #tpu.memory_space<hbm>> -> memref<2x80xi32, #tpu.memory_space<hbm>>
      %dma_wait3A_161 = arith.constant 0 : i32
      %dma_wait3A_162 = arith.constant 0 : i32
      %dma_wait3A_163 = tpu.memref_slice %arg2[%add3A, %run_scoped3A, %dma_wait3A_161, %dma_wait3A_162] : memref<32x125x2x80xi32, #tpu.memory_space<hbm>> -> memref<1x1x2x80xi32, #tpu.memory_space<hbm>>
      %dma_wait3A_164 = tpu.memref_squeeze %dma_wait3A_163 : memref<1x1x2x80xi32, #tpu.memory_space<hbm>> -> memref<2x80xi32, #tpu.memory_space<hbm>>
      tpu.wait_dma2 semaphore(%run_scoped3A_148 : memref<!tpu.dma_semaphore, #tpu.memory_space<semaphore_mem>>) src(%dma_wait3A_164 : memref<2x80xi32, #tpu.memory_space<hbm>>) dst(%arg5 : memref<2x80xi32, #tpu.memory_space<vmem>>)
      tpu.yield
    }) : () -> ()
    %run_scoped3A_5 = arith.constant 1 : i32
    "tpu.region"() ({
      %run_scoped3A_148 = tpu.sem_alloc : memref<!tpu.dma_semaphore, #tpu.memory_space<semaphore_mem>>
      %dma_start3A_149 = arith.constant 0 : i32
      %dma_start3A_150 = arith.constant 0 : i32
      %dma_start3A_151 = tpu.memref_slice %arg2[%add3A, %run_scoped3A_5, %dma_start3A_149, %dma_start3A_150] : memref<32x125x2x80xi32, #tpu.memory_space<hbm>> -> memref<1x1x2x80xi32, #tpu.memory_space<hbm>>
      %dma_start3A_152 = tpu.memref_squeeze %dma_start3A_151 : memref<1x1x2x80xi32, #tpu.memory_space<hbm>> -> memref<2x80xi32, #tpu.memory_space<hbm>>
      %dma_start3A_153 = arith.constant 0 : i32
      %dma_start3A_154 = arith.constant 0 : i32
      %dma_start3A_155 = tpu.memref_slice %arg2[%add3A, %run_scoped3A_5, %dma_start3A_153, %dma_start3A_154] : memref<32x125x2x80xi32, #tpu.memory_space<hbm>> -> memref<1x1x2x80xi32, #tpu.memory_space<hbm>>
      %dma_start3A_156 = tpu.memref_squeeze %dma_start3A_155 : memref<1x1x2x80xi32, #tpu.memory_space<hbm>> -> memref<2x80xi32, #tpu.memory_space<hbm>>
      tpu.enqueue_dma source(%dma_start3A_156 : memref<2x80xi32, #tpu.memory_space<hbm>>) target(%arg6 : memref<2x80xi32, #tpu.memory_space<vmem>>) target_semaphore(%run_scoped3A_148 : memref<!tpu.dma_semaphore, #tpu.memory_space<semaphore_mem>>)
      %dma_wait3A_157 = arith.constant 0 : i32
      %dma_wait3A_158 = arith.constant 0 : i32
      %dma_wait3A_159 = tpu.memref_slice %arg2[%add3A, %run_scoped3A_5, %dma_wait3A_157, %dma_wait3A_158] : memref<32x125x2x80xi32, #tpu.memory_space<hbm>> -> memref<1x1x2x80xi32, #tpu.memory_space<hbm>>
      %dma_wait3A_160 = tpu.memref_squeeze %dma_wait3A_159 : memref<1x1x2x80xi32, #tpu.memory_space<hbm>> -> memref<2x80xi32, #tpu.memory_space<hbm>>
      %dma_wait3A_161 = arith.constant 0 : i32
      %dma_wait3A_162 = arith.constant 0 : i32
      %dma_wait3A_163 = tpu.memref_slice %arg2[%add3A, %run_scoped3A_5, %dma_wait3A_161, %dma_wait3A_162] : memref<32x125x2x80xi32, #tpu.memory_space<hbm>> -> memref<1x1x2x80xi32, #tpu.memory_space<hbm>>
      %dma_wait3A_164 = tpu.memref_squeeze %dma_wait3A_163 : memref<1x1x2x80xi32, #tpu.memory_space<hbm>> -> memref<2x80xi32, #tpu.memory_space<hbm>>
      tpu.wait_dma2 semaphore(%run_scoped3A_148 : memref<!tpu.dma_semaphore, #tpu.memory_space<semaphore_mem>>) src(%dma_wait3A_164 : memref<2x80xi32, #tpu.memory_space<hbm>>) dst(%arg6 : memref<2x80xi32, #tpu.memory_space<vmem>>)
      tpu.yield
    }) : () -> ()
    %dma_start3A = arith.constant 2 : i32
    %dma_start3A_6 = arith.constant 0 : i32
    %dma_start3A_7 = arith.constant 0 : i32
    %dma_start3A_8 = tpu.memref_slice %arg2[%add3A, %dma_start3A, %dma_start3A_6, %dma_start3A_7] : memref<32x125x2x80xi32, #tpu.memory_space<hbm>> -> memref<1x1x2x80xi32, #tpu.memory_space<hbm>>
    %dma_start3A_9 = tpu.memref_squeeze %dma_start3A_8 : memref<1x1x2x80xi32, #tpu.memory_space<hbm>> -> memref<2x80xi32, #tpu.memory_space<hbm>>
    %dma_start3A_10 = arith.constant 0 : i32
    %dma_start3A_11 = arith.constant 0 : i32
    %dma_start3A_12 = tpu.memref_slice %arg2[%add3A, %dma_start3A, %dma_start3A_10, %dma_start3A_11] : memref<32x125x2x80xi32, #tpu.memory_space<hbm>> -> memref<1x1x2x80xi32, #tpu.memory_space<hbm>>
    %dma_start3A_13 = tpu.memref_squeeze %dma_start3A_12 : memref<1x1x2x80xi32, #tpu.memory_space<hbm>> -> memref<2x80xi32, #tpu.memory_space<hbm>>
    tpu.enqueue_dma source(%dma_start3A_13 : memref<2x80xi32, #tpu.memory_space<hbm>>) target(%arg7 : memref<2x80xi32, #tpu.memory_space<vmem>>) target_semaphore(%arg15 : memref<!tpu.dma_semaphore, #tpu.memory_space<semaphore_mem>>)
    %dma_start3A_14 = arith.constant 0 : i32
    %dma_start3A_15 = arith.constant 0 : i32
    %dma_start3A_16 = tpu.memref_slice %arg5[%dma_start3A_14, %dma_start3A_15] : memref<2x80xi32, #tpu.memory_space<vmem>> -> memref<1x80xi32, #tpu.memory_space<vmem>>
    %dma_start3A_17 = tpu.memref_squeeze %dma_start3A_16 : memref<1x80xi32, #tpu.memory_space<vmem>> -> memref<80xi32, #tpu.memory_space<vmem>>
    %dma_start3A_18 = arith.constant 0 : i32
    %dma_start3A_19 = arith.constant 0 : i32
    %dma_start3A_20 = tpu.memref_slice %arg3[%dma_start3A_18, %dma_start3A_19] : memref<10000x128xf32, #tpu.memory_space<hbm>> -> memref<10000x128xf32, #tpu.memory_space<hbm>>
    tpu.enqueue_indirect_dma source(%dma_start3A_20 : memref<10000x128xf32, #tpu.memory_space<hbm>>) target(%arg9 : memref<80x128xf32, #tpu.memory_space<vmem>>) offsets(%dma_start3A_17 : memref<80xi32, #tpu.memory_space<vmem>>) semaphore(%arg17 : memref<!tpu.dma_semaphore, #tpu.memory_space<semaphore_mem>>)
    %dma_start3A_21 = arith.constant 0 : i32
    %dma_start3A_22 = arith.constant 0 : i32
    %dma_start3A_23 = tpu.memref_slice %arg6[%dma_start3A_21, %dma_start3A_22] : memref<2x80xi32, #tpu.memory_space<vmem>> -> memref<1x80xi32, #tpu.memory_space<vmem>>
    %dma_start3A_24 = tpu.memref_squeeze %dma_start3A_23 : memref<1x80xi32, #tpu.memory_space<vmem>> -> memref<80xi32, #tpu.memory_space<vmem>>
    %dma_start3A_25 = arith.constant 0 : i32
    %dma_start3A_26 = arith.constant 0 : i32
    %dma_start3A_27 = tpu.memref_slice %arg3[%dma_start3A_25, %dma_start3A_26] : memref<10000x128xf32, #tpu.memory_space<hbm>> -> memref<10000x128xf32, #tpu.memory_space<hbm>>
    tpu.enqueue_indirect_dma source(%dma_start3A_27 : memref<10000x128xf32, #tpu.memory_space<hbm>>) target(%arg10 : memref<80x128xf32, #tpu.memory_space<vmem>>) offsets(%dma_start3A_24 : memref<80xi32, #tpu.memory_space<vmem>>) semaphore(%arg18 : memref<!tpu.dma_semaphore, #tpu.memory_space<semaphore_mem>>)
    %scan3A_28 = arith.constant 0 : i32
    %scan3A_29 = arith.constant 8 : i32
    %scan3A_30 = arith.addi %scan3A_28, %scan3A_29 : i32
    %scan3A_31 = arith.constant 1 : i32
    scf.for %scan3A_148 = %scan3A_28 to %scan3A_30 step %scan3A_31  : i32 {
      %mul3A_149 = arith.constant 80 : i32
      %mul3A_150 = arith.muli %scan3A_148, %mul3A_149 : i32
      %add3A_151 = arith.constant 0 : i32
      %add3A_152 = arith.addi %add3A_151, %mul3A_150 : i32
      %mul3A_153 = arith.constant 640 : i32
      %mul3A_154 = arith.muli %arg1, %mul3A_153 : i32
      %add3A_155 = arith.addi %mul3A_154, %add3A_152 : i32
      "tpu.region"() ({
        %run_scoped3A_156 = tpu.sem_alloc : memref<!tpu.dma_semaphore, #tpu.memory_space<semaphore_mem>>
        %dma_start3A_157 = arith.constant 0 : i32
        %dma_start3A_158 = tpu.memref_slice %arg12[%add3A_155, %dma_start3A_157] : memref<10240x128xf32, #tpu.memory_space<vmem_shared>> -> memref<80x128xf32, #tpu.memory_space<vmem_shared>>
        %dma_start3A_159 = arith.constant 0 : i32
        %dma_start3A_160 = tpu.memref_slice %arg12[%add3A_155, %dma_start3A_159] : memref<10240x128xf32, #tpu.memory_space<vmem_shared>> -> memref<80x128xf32, #tpu.memory_space<vmem_shared>>
        tpu.enqueue_dma source(%arg11 : memref<80x128xf32, #tpu.memory_space<vmem>>) target(%dma_start3A_160 : memref<80x128xf32, #tpu.memory_space<vmem_shared>>) target_semaphore(%run_scoped3A_156 : memref<!tpu.dma_semaphore, #tpu.memory_space<semaphore_mem>>)
        %dma_wait3A_161 = arith.constant 0 : i32
        %dma_wait3A_162 = tpu.memref_slice %arg12[%add3A_155, %dma_wait3A_161] : memref<10240x128xf32, #tpu.memory_space<vmem_shared>> -> memref<80x128xf32, #tpu.memory_space<vmem_shared>>
        %dma_wait3A_163 = arith.constant 0 : i32
        %dma_wait3A_164 = tpu.memref_slice %arg12[%add3A_155, %dma_wait3A_163] : memref<10240x128xf32, #tpu.memory_space<vmem_shared>> -> memref<80x128xf32, #tpu.memory_space<vmem_shared>>
        tpu.wait_dma2 semaphore(%run_scoped3A_156 : memref<!tpu.dma_semaphore, #tpu.memory_space<semaphore_mem>>) src(%arg11 : memref<80x128xf32, #tpu.memory_space<vmem>>) dst(%dma_wait3A_164 : memref<80x128xf32, #tpu.memory_space<vmem_shared>>)
        tpu.yield
      }) : () -> ()
    }
    %scan3A_32 = arith.constant 8 : i32
    %barrier3A = arith.constant 0 : index
    tpu.barrier barrier_id(%barrier3A)
    %scan3A_33 = arith.constant 0 : i32
    %scan3A_34 = arith.constant 10 : i32
    %scan3A_35 = arith.addi %scan3A_33, %scan3A_34 : i32
    %scan3A_36 = arith.constant 1 : i32
    scf.for %scan3A_148 = %scan3A_33 to %scan3A_35 step %scan3A_36  : i32 {
      %mul3A_149 = arith.constant 12 : i32
      %mul3A_150 = arith.muli %scan3A_148, %mul3A_149 : i32
      %add3A_151 = arith.constant 0 : i32
      %add3A_152 = arith.addi %add3A_151, %mul3A_150 : i32
      %add3A_153 = arith.constant 0 : i32
      %add3A_154 = arith.addi %add3A_152, %add3A_153 : i32
      %dma_wait3A_155 = arith.constant 0 : i32
      %dma_wait3A_156 = arith.constant 0 : i32
      %dma_wait3A_157 = tpu.memref_slice %arg5[%dma_wait3A_155, %dma_wait3A_156] : memref<2x80xi32, #tpu.memory_space<vmem>> -> memref<1x80xi32, #tpu.memory_space<vmem>>
      %dma_wait3A_158 = tpu.memref_squeeze %dma_wait3A_157 : memref<1x80xi32, #tpu.memory_space<vmem>> -> memref<80xi32, #tpu.memory_space<vmem>>
      %dma_wait3A_159 = arith.constant 0 : i32
      %dma_wait3A_160 = arith.constant 0 : i32
      %dma_wait3A_161 = tpu.memref_slice %arg3[%dma_wait3A_159, %dma_wait3A_160] : memref<10000x128xf32, #tpu.memory_space<hbm>> -> memref<10000x128xf32, #tpu.memory_space<hbm>>
      tpu.wait_indirect_dma semaphore(%arg17 : memref<!tpu.dma_semaphore, #tpu.memory_space<semaphore_mem>>) src(%dma_wait3A_161 : memref<10000x128xf32, #tpu.memory_space<hbm>>) dst(%arg9 : memref<80x128xf32, #tpu.memory_space<vmem>>)
      %run_scoped3A_162 = arith.constant 1 : i32
      "tpu.region"() ({
        %run_scoped3A_597 = tpu.sem_alloc : memref<!tpu.dma_semaphore, #tpu.memory_space<semaphore_mem>>
        %dma_start3A_598 = arith.constant 0 : i32
        %dma_start3A_599 = tpu.memref_slice %arg5[%run_scoped3A_162, %dma_start3A_598] : memref<2x80xi32, #tpu.memory_space<vmem>> -> memref<1x80xi32, #tpu.memory_space<vmem>>
        %dma_start3A_600 = tpu.memref_squeeze %dma_start3A_599 : memref<1x80xi32, #tpu.memory_space<vmem>> -> memref<80xi32, #tpu.memory_space<vmem>>
        %dma_start3A_601 = arith.constant 0 : i32
        %dma_start3A_602 = arith.constant 0 : i32
        %dma_start3A_603 = tpu.memref_slice %arg12[%dma_start3A_601, %dma_start3A_602] : memref<10240x128xf32, #tpu.memory_space<vmem_shared>> -> memref<10240x128xf32, #tpu.memory_space<vmem_shared>>
        tpu.enqueue_indirect_dma source(%arg9 : memref<80x128xf32, #tpu.memory_space<vmem>>) target(%dma_start3A_603 : memref<10240x128xf32, #tpu.memory_space<vmem_shared>>) offsets(%dma_start3A_600 : memref<80xi32, #tpu.memory_space<vmem>>) semaphore(%run_scoped3A_597 : memref<!tpu.dma_semaphore, #tpu.memory_space<semaphore_mem>>) {add = true}
        %dma_wait3A_604 = arith.constant 0 : i32
        %dma_wait3A_605 = tpu.memref_slice %arg5[%run_scoped3A_162, %dma_wait3A_604] : memref<2x80xi32, #tpu.memory_space<vmem>> -> memref<1x80xi32, #tpu.memory_space<vmem>>
        %dma_wait3A_606 = tpu.memref_squeeze %dma_wait3A_605 : memref<1x80xi32, #tpu.memory_space<vmem>> -> memref<80xi32, #tpu.memory_space<vmem>>
        %dma_wait3A_607 = arith.constant 0 : i32
        %dma_wait3A_608 = arith.constant 0 : i32
        %dma_wait3A_609 = tpu.memref_slice %arg12[%dma_wait3A_607, %dma_wait3A_608] : memref<10240x128xf32, #tpu.memory_space<vmem_shared>> -> memref<10240x128xf32, #tpu.memory_space<vmem_shared>>
        tpu.wait_indirect_dma semaphore(%run_scoped3A_597 : memref<!tpu.dma_semaphore, #tpu.memory_space<semaphore_mem>>) src(%arg9 : memref<80x128xf32, #tpu.memory_space<vmem>>) dst(%dma_wait3A_609 : memref<10240x128xf32, #tpu.memory_space<vmem_shared>>)
        tpu.yield
      }) : () -> ()
      %add3A_163 = arith.constant 3 : i32
      %add3A_164 = arith.addi %add3A_154, %add3A_163 : i32
      %dma_start3A_165 = arith.constant 0 : i32
      %dma_start3A_166 = arith.constant 0 : i32
      %dma_start3A_167 = tpu.memref_slice %arg2[%add3A, %add3A_164, %dma_start3A_165, %dma_start3A_166] : memref<32x125x2x80xi32, #tpu.memory_space<hbm>> -> memref<1x1x2x80xi32, #tpu.memory_space<hbm>>
      %dma_start3A_168 = tpu.memref_squeeze %dma_start3A_167 : memref<1x1x2x80xi32, #tpu.memory_space<hbm>> -> memref<2x80xi32, #tpu.memory_space<hbm>>
      %dma_start3A_169 = arith.constant 0 : i32
      %dma_start3A_170 = arith.constant 0 : i32
      %dma_start3A_171 = tpu.memref_slice %arg2[%add3A, %add3A_164, %dma_start3A_169, %dma_start3A_170] : memref<32x125x2x80xi32, #tpu.memory_space<hbm>> -> memref<1x1x2x80xi32, #tpu.memory_space<hbm>>
      %dma_start3A_172 = tpu.memref_squeeze %dma_start3A_171 : memref<1x1x2x80xi32, #tpu.memory_space<hbm>> -> memref<2x80xi32, #tpu.memory_space<hbm>>
      tpu.enqueue_dma source(%dma_start3A_172 : memref<2x80xi32, #tpu.memory_space<hbm>>) target(%arg8 : memref<2x80xi32, #tpu.memory_space<vmem>>) target_semaphore(%arg16 : memref<!tpu.dma_semaphore, #tpu.memory_space<semaphore_mem>>)
      %add3A_173 = arith.constant 2 : i32
      %add3A_174 = arith.addi %add3A_154, %add3A_173 : i32
      %dma_wait3A_175 = arith.constant 0 : i32
      %dma_wait3A_176 = arith.constant 0 : i32
      %dma_wait3A_177 = tpu.memref_slice %arg2[%add3A, %add3A_174, %dma_wait3A_175, %dma_wait3A_176] : memref<32x125x2x80xi32, #tpu.memory_space<hbm>> -> memref<1x1x2x80xi32, #tpu.memory_space<hbm>>
      %dma_wait3A_178 = tpu.memref_squeeze %dma_wait3A_177 : memref<1x1x2x80xi32, #tpu.memory_space<hbm>> -> memref<2x80xi32, #tpu.memory_space<hbm>>
      %dma_wait3A_179 = arith.constant 0 : i32
      %dma_wait3A_180 = arith.constant 0 : i32
      %dma_wait3A_181 = tpu.memref_slice %arg2[%add3A, %add3A_174, %dma_wait3A_179, %dma_wait3A_180] : memref<32x125x2x80xi32, #tpu.memory_space<hbm>> -> memref<1x1x2x80xi32, #tpu.memory_space<hbm>>
      %dma_wait3A_182 = tpu.memref_squeeze %dma_wait3A_181 : memref<1x1x2x80xi32, #tpu.memory_space<hbm>> -> memref<2x80xi32, #tpu.memory_space<hbm>>
      tpu.wait_dma2 semaphore(%arg15 : memref<!tpu.dma_semaphore, #tpu.memory_space<semaphore_mem>>) src(%dma_wait3A_182 : memref<2x80xi32, #tpu.memory_space<hbm>>) dst(%arg7 : memref<2x80xi32, #tpu.memory_space<vmem>>)
      %dma_start3A_183 = arith.constant 0 : i32
      %dma_start3A_184 = arith.constant 0 : i32
      %dma_start3A_185 = tpu.memref_slice %arg7[%dma_start3A_183, %dma_start3A_184] : memref<2x80xi32, #tpu.memory_space<vmem>> -> memref<1x80xi32, #tpu.memory_space<vmem>>
      %dma_start3A_186 = tpu.memref_squeeze %dma_start3A_185 : memref<1x80xi32, #tpu.memory_space<vmem>> -> memref<80xi32, #tpu.memory_space<vmem>>
      %dma_start3A_187 = arith.constant 0 : i32
      %dma_start3A_188 = arith.constant 0 : i32
      %dma_start3A_189 = tpu.memref_slice %arg3[%dma_start3A_187, %dma_start3A_188] : memref<10000x128xf32, #tpu.memory_space<hbm>> -> memref<10000x128xf32, #tpu.memory_space<hbm>>
      tpu.enqueue_indirect_dma source(%dma_start3A_189 : memref<10000x128xf32, #tpu.memory_space<hbm>>) target(%arg11 : memref<80x128xf32, #tpu.memory_space<vmem>>) offsets(%dma_start3A_186 : memref<80xi32, #tpu.memory_space<vmem>>) semaphore(%arg19 : memref<!tpu.dma_semaphore, #tpu.memory_space<semaphore_mem>>)
      %add3A_190 = arith.constant 1 : i32
      %add3A_191 = arith.addi %add3A_152, %add3A_190 : i32
      %dma_wait3A_192 = arith.constant 0 : i32
      %dma_wait3A_193 = arith.constant 0 : i32
      %dma_wait3A_194 = tpu.memref_slice %arg6[%dma_wait3A_192, %dma_wait3A_193] : memref<2x80xi32, #tpu.memory_space<vmem>> -> memref<1x80xi32, #tpu.memory_space<vmem>>
      %dma_wait3A_195 = tpu.memref_squeeze %dma_wait3A_194 : memref<1x80xi32, #tpu.memory_space<vmem>> -> memref<80xi32, #tpu.memory_space<vmem>>
      %dma_wait3A_196 = arith.constant 0 : i32
      %dma_wait3A_197 = arith.constant 0 : i32
      %dma_wait3A_198 = tpu.memref_slice %arg3[%dma_wait3A_196, %dma_wait3A_197] : memref<10000x128xf32, #tpu.memory_space<hbm>> -> memref<10000x128xf32, #tpu.memory_space<hbm>>
      tpu.wait_indirect_dma semaphore(%arg18 : memref<!tpu.dma_semaphore, #tpu.memory_space<semaphore_mem>>) src(%dma_wait3A_198 : memref<10000x128xf32, #tpu.memory_space<hbm>>) dst(%arg10 : memref<80x128xf32, #tpu.memory_space<vmem>>)
      %run_scoped3A_199 = arith.constant 1 : i32
      "tpu.region"() ({
        %run_scoped3A_597 = tpu.sem_alloc : memref<!tpu.dma_semaphore, #tpu.memory_space<semaphore_mem>>
        %dma_start3A_598 = arith.constant 0 : i32
        %dma_start3A_599 = tpu.memref_slice %arg6[%run_scoped3A_199, %dma_start3A_598] : memref<2x80xi32, #tpu.memory_space<vmem>> -> memref<1x80xi32, #tpu.memory_space<vmem>>
        %dma_start3A_600 = tpu.memref_squeeze %dma_start3A_599 : memref<1x80xi32, #tpu.memory_space<vmem>> -> memref<80xi32, #tpu.memory_space<vmem>>
        %dma_start3A_601 = arith.constant 0 : i32
        %dma_start3A_602 = arith.constant 0 : i32
        %dma_start3A_603 = tpu.memref_slice %arg12[%dma_start3A_601, %dma_start3A_602] : memref<10240x128xf32, #tpu.memory_space<vmem_shared>> -> memref<10240x128xf32, #tpu.memory_space<vmem_shared>>
        tpu.enqueue_indirect_dma source(%arg10 : memref<80x128xf32, #tpu.memory_space<vmem>>) target(%dma_start3A_603 : memref<10240x128xf32, #tpu.memory_space<vmem_shared>>) offsets(%dma_start3A_600 : memref<80xi32, #tpu.memory_space<vmem>>) semaphore(%run_scoped3A_597 : memref<!tpu.dma_semaphore, #tpu.memory_space<semaphore_mem>>) {add = true}
        %dma_wait3A_604 = arith.constant 0 : i32
        %dma_wait3A_605 = tpu.memref_slice %arg6[%run_scoped3A_199, %dma_wait3A_604] : memref<2x80xi32, #tpu.memory_space<vmem>> -> memref<1x80xi32, #tpu.memory_space<vmem>>
        %dma_wait3A_606 = tpu.memref_squeeze %dma_wait3A_605 : memref<1x80xi32, #tpu.memory_space<vmem>> -> memref<80xi32, #tpu.memory_space<vmem>>
        %dma_wait3A_607 = arith.constant 0 : i32
        %dma_wait3A_608 = arith.constant 0 : i32
        %dma_wait3A_609 = tpu.memref_slice %arg12[%dma_wait3A_607, %dma_wait3A_608] : memref<10240x128xf32, #tpu.memory_space<vmem_shared>> -> memref<10240x128xf32, #tpu.memory_space<vmem_shared>>
        tpu.wait_indirect_dma semaphore(%run_scoped3A_597 : memref<!tpu.dma_semaphore, #tpu.memory_space<semaphore_mem>>) src(%arg10 : memref<80x128xf32, #tpu.memory_space<vmem>>) dst(%dma_wait3A_609 : memref<10240x128xf32, #tpu.memory_space<vmem_shared>>)
        tpu.yield
      }) : () -> ()
      %add3A_200 = arith.constant 3 : i32
      %add3A_201 = arith.addi %add3A_191, %add3A_200 : i32
      %dma_start3A_202 = arith.constant 0 : i32
      %dma_start3A_203 = arith.constant 0 : i32
      %dma_start3A_204 = tpu.memref_slice %arg2[%add3A, %add3A_201, %dma_start3A_202, %dma_start3A_203] : memref<32x125x2x80xi32, #tpu.memory_space<hbm>> -> memref<1x1x2x80xi32, #tpu.memory_space<hbm>>
      %dma_start3A_205 = tpu.memref_squeeze %dma_start3A_204 : memref<1x1x2x80xi32, #tpu.memory_space<hbm>> -> memref<2x80xi32, #tpu.memory_space<hbm>>
      %dma_start3A_206 = arith.constant 0 : i32
      %dma_start3A_207 = arith.constant 0 : i32
      %dma_start3A_208 = tpu.memref_slice %arg2[%add3A, %add3A_201, %dma_start3A_206, %dma_start3A_207] : memref<32x125x2x80xi32, #tpu.memory_space<hbm>> -> memref<1x1x2x80xi32, #tpu.memory_space<hbm>>
      %dma_start3A_209 = tpu.memref_squeeze %dma_start3A_208 : memref<1x1x2x80xi32, #tpu.memory_space<hbm>> -> memref<2x80xi32, #tpu.memory_space<hbm>>
      tpu.enqueue_dma source(%dma_start3A_209 : memref<2x80xi32, #tpu.memory_space<hbm>>) target(%arg5 : memref<2x80xi32, #tpu.memory_space<vmem>>) target_semaphore(%arg13 : memref<!tpu.dma_semaphore, #tpu.memory_space<semaphore_mem>>)
      %add3A_210 = arith.constant 2 : i32
      %add3A_211 = arith.addi %add3A_191, %add3A_210 : i32
      %dma_wait3A_212 = arith.constant 0 : i32
      %dma_wait3A_213 = arith.constant 0 : i32
      %dma_wait3A_214 = tpu.memref_slice %arg2[%add3A, %add3A_211, %dma_wait3A_212, %dma_wait3A_213] : memref<32x125x2x80xi32, #tpu.memory_space<hbm>> -> memref<1x1x2x80xi32, #tpu.memory_space<hbm>>
      %dma_wait3A_215 = tpu.memref_squeeze %dma_wait3A_214 : memref<1x1x2x80xi32, #tpu.memory_space<hbm>> -> memref<2x80xi32, #tpu.memory_space<hbm>>
      %dma_wait3A_216 = arith.constant 0 : i32
      %dma_wait3A_217 = arith.constant 0 : i32
      %dma_wait3A_218 = tpu.memref_slice %arg2[%add3A, %add3A_211, %dma_wait3A_216, %dma_wait3A_217] : memref<32x125x2x80xi32, #tpu.memory_space<hbm>> -> memref<1x1x2x80xi32, #tpu.memory_space<hbm>>
      %dma_wait3A_219 = tpu.memref_squeeze %dma_wait3A_218 : memref<1x1x2x80xi32, #tpu.memory_space<hbm>> -> memref<2x80xi32, #tpu.memory_space<hbm>>
      tpu.wait_dma2 semaphore(%arg16 : memref<!tpu.dma_semaphore, #tpu.memory_space<semaphore_mem>>) src(%dma_wait3A_219 : memref<2x80xi32, #tpu.memory_space<hbm>>) dst(%arg8 : memref<2x80xi32, #tpu.memory_space<vmem>>)
      %dma_start3A_220 = arith.constant 0 : i32
      %dma_start3A_221 = arith.constant 0 : i32
      %dma_start3A_222 = tpu.memref_slice %arg8[%dma_start3A_220, %dma_start3A_221] : memref<2x80xi32, #tpu.memory_space<vmem>> -> memref<1x80xi32, #tpu.memory_space<vmem>>
      %dma_start3A_223 = tpu.memref_squeeze %dma_start3A_222 : memref<1x80xi32, #tpu.memory_space<vmem>> -> memref<80xi32, #tpu.memory_space<vmem>>
      %dma_start3A_224 = arith.constant 0 : i32
      %dma_start3A_225 = arith.constant 0 : i32
      %dma_start3A_226 = tpu.memref_slice %arg3[%dma_start3A_224, %dma_start3A_225] : memref<10000x128xf32, #tpu.memory_space<hbm>> -> memref<10000x128xf32, #tpu.memory_space<hbm>>
      tpu.enqueue_indirect_dma source(%dma_start3A_226 : memref<10000x128xf32, #tpu.memory_space<hbm>>) target(%arg9 : memref<80x128xf32, #tpu.memory_space<vmem>>) offsets(%dma_start3A_223 : memref<80xi32, #tpu.memory_space<vmem>>) semaphore(%arg17 : memref<!tpu.dma_semaphore, #tpu.memory_space<semaphore_mem>>)
      %add3A_227 = arith.constant 2 : i32
      %add3A_228 = arith.addi %add3A_152, %add3A_227 : i32
      %dma_wait3A_229 = arith.constant 0 : i32
      %dma_wait3A_230 = arith.constant 0 : i32
      %dma_wait3A_231 = tpu.memref_slice %arg7[%dma_wait3A_229, %dma_wait3A_230] : memref<2x80xi32, #tpu.memory_space<vmem>> -> memref<1x80xi32, #tpu.memory_space<vmem>>
      %dma_wait3A_232 = tpu.memref_squeeze %dma_wait3A_231 : memref<1x80xi32, #tpu.memory_space<vmem>> -> memref<80xi32, #tpu.memory_space<vmem>>
      %dma_wait3A_233 = arith.constant 0 : i32
      %dma_wait3A_234 = arith.constant 0 : i32
      %dma_wait3A_235 = tpu.memref_slice %arg3[%dma_wait3A_233, %dma_wait3A_234] : memref<10000x128xf32, #tpu.memory_space<hbm>> -> memref<10000x128xf32, #tpu.memory_space<hbm>>
      tpu.wait_indirect_dma semaphore(%arg19 : memref<!tpu.dma_semaphore, #tpu.memory_space<semaphore_mem>>) src(%dma_wait3A_235 : memref<10000x128xf32, #tpu.memory_space<hbm>>) dst(%arg11 : memref<80x128xf32, #tpu.memory_space<vmem>>)
      %run_scoped3A_236 = arith.constant 1 : i32
      "tpu.region"() ({
        %run_scoped3A_597 = tpu.sem_alloc : memref<!tpu.dma_semaphore, #tpu.memory_space<semaphore_mem>>
        %dma_start3A_598 = arith.constant 0 : i32
        %dma_start3A_599 = tpu.memref_slice %arg7[%run_scoped3A_236, %dma_start3A_598] : memref<2x80xi32, #tpu.memory_space<vmem>> -> memref<1x80xi32, #tpu.memory_space<vmem>>
        %dma_start3A_600 = tpu.memref_squeeze %dma_start3A_599 : memref<1x80xi32, #tpu.memory_space<vmem>> -> memref<80xi32, #tpu.memory_space<vmem>>
        %dma_start3A_601 = arith.constant 0 : i32
        %dma_start3A_602 = arith.constant 0 : i32
        %dma_start3A_603 = tpu.memref_slice %arg12[%dma_start3A_601, %dma_start3A_602] : memref<10240x128xf32, #tpu.memory_space<vmem_shared>> -> memref<10240x128xf32, #tpu.memory_space<vmem_shared>>
        tpu.enqueue_indirect_dma source(%arg11 : memref<80x128xf32, #tpu.memory_space<vmem>>) target(%dma_start3A_603 : memref<10240x128xf32, #tpu.memory_space<vmem_shared>>) offsets(%dma_start3A_600 : memref<80xi32, #tpu.memory_space<vmem>>) semaphore(%run_scoped3A_597 : memref<!tpu.dma_semaphore, #tpu.memory_space<semaphore_mem>>) {add = true}
        %dma_wait3A_604 = arith.constant 0 : i32
        %dma_wait3A_605 = tpu.memref_slice %arg7[%run_scoped3A_236, %dma_wait3A_604] : memref<2x80xi32, #tpu.memory_space<vmem>> -> memref<1x80xi32, #tpu.memory_space<vmem>>
        %dma_wait3A_606 = tpu.memref_squeeze %dma_wait3A_605 : memref<1x80xi32, #tpu.memory_space<vmem>> -> memref<80xi32, #tpu.memory_space<vmem>>
        %dma_wait3A_607 = arith.constant 0 : i32
        %dma_wait3A_608 = arith.constant 0 : i32
        %dma_wait3A_609 = tpu.memref_slice %arg12[%dma_wait3A_607, %dma_wait3A_608] : memref<10240x128xf32, #tpu.memory_space<vmem_shared>> -> memref<10240x128xf32, #tpu.memory_space<vmem_shared>>
        tpu.wait_indirect_dma semaphore(%run_scoped3A_597 : memref<!tpu.dma_semaphore, #tpu.memory_space<semaphore_mem>>) src(%arg11 : memref<80x128xf32, #tpu.memory_space<vmem>>) dst(%dma_wait3A_609 : memref<10240x128xf32, #tpu.memory_space<vmem_shared>>)
        tpu.yield
      }) : () -> ()
      %add3A_237 = arith.constant 3 : i32
      %add3A_238 = arith.addi %add3A_228, %add3A_237 : i32
      %dma_start3A_239 = arith.constant 0 : i32
      %dma_start3A_240 = arith.constant 0 : i32
      %dma_start3A_241 = tpu.memref_slice %arg2[%add3A, %add3A_238, %dma_start3A_239, %dma_start3A_240] : memref<32x125x2x80xi32, #tpu.memory_space<hbm>> -> memref<1x1x2x80xi32, #tpu.memory_space<hbm>>
      %dma_start3A_242 = tpu.memref_squeeze %dma_start3A_241 : memref<1x1x2x80xi32, #tpu.memory_space<hbm>> -> memref<2x80xi32, #tpu.memory_space<hbm>>
      %dma_start3A_243 = arith.constant 0 : i32
      %dma_start3A_244 = arith.constant 0 : i32
      %dma_start3A_245 = tpu.memref_slice %arg2[%add3A, %add3A_238, %dma_start3A_243, %dma_start3A_244] : memref<32x125x2x80xi32, #tpu.memory_space<hbm>> -> memref<1x1x2x80xi32, #tpu.memory_space<hbm>>
      %dma_start3A_246 = tpu.memref_squeeze %dma_start3A_245 : memref<1x1x2x80xi32, #tpu.memory_space<hbm>> -> memref<2x80xi32, #tpu.memory_space<hbm>>
      tpu.enqueue_dma source(%dma_start3A_246 : memref<2x80xi32, #tpu.memory_space<hbm>>) target(%arg6 : memref<2x80xi32, #tpu.memory_space<vmem>>) target_semaphore(%arg14 : memref<!tpu.dma_semaphore, #tpu.memory_space<semaphore_mem>>)
      %add3A_247 = arith.constant 2 : i32
      %add3A_248 = arith.addi %add3A_228, %add3A_247 : i32
      %dma_wait3A_249 = arith.constant 0 : i32
      %dma_wait3A_250 = arith.constant 0 : i32
      %dma_wait3A_251 = tpu.memref_slice %arg2[%add3A, %add3A_248, %dma_wait3A_249, %dma_wait3A_250] : memref<32x125x2x80xi32, #tpu.memory_space<hbm>> -> memref<1x1x2x80xi32, #tpu.memory_space<hbm>>
      %dma_wait3A_252 = tpu.memref_squeeze %dma_wait3A_251 : memref<1x1x2x80xi32, #tpu.memory_space<hbm>> -> memref<2x80xi32, #tpu.memory_space<hbm>>
      %dma_wait3A_253 = arith.constant 0 : i32
      %dma_wait3A_254 = arith.constant 0 : i32
      %dma_wait3A_255 = tpu.memref_slice %arg2[%add3A, %add3A_248, %dma_wait3A_253, %dma_wait3A_254] : memref<32x125x2x80xi32, #tpu.memory_space<hbm>> -> memref<1x1x2x80xi32, #tpu.memory_space<hbm>>
      %dma_wait3A_256 = tpu.memref_squeeze %dma_wait3A_255 : memref<1x1x2x80xi32, #tpu.memory_space<hbm>> -> memref<2x80xi32, #tpu.memory_space<hbm>>
      tpu.wait_dma2 semaphore(%arg13 : memref<!tpu.dma_semaphore, #tpu.memory_space<semaphore_mem>>) src(%dma_wait3A_256 : memref<2x80xi32, #tpu.memory_space<hbm>>) dst(%arg5 : memref<2x80xi32, #tpu.memory_space<vmem>>)
      %dma_start3A_257 = arith.constant 0 : i32
      %dma_start3A_258 = arith.constant 0 : i32
      %dma_start3A_259 = tpu.memref_slice %arg5[%dma_start3A_257, %dma_start3A_258] : memref<2x80xi32, #tpu.memory_space<vmem>> -> memref<1x80xi32, #tpu.memory_space<vmem>>
      %dma_start3A_260 = tpu.memref_squeeze %dma_start3A_259 : memref<1x80xi32, #tpu.memory_space<vmem>> -> memref<80xi32, #tpu.memory_space<vmem>>
      %dma_start3A_261 = arith.constant 0 : i32
      %dma_start3A_262 = arith.constant 0 : i32
      %dma_start3A_263 = tpu.memref_slice %arg3[%dma_start3A_261, %dma_start3A_262] : memref<10000x128xf32, #tpu.memory_space<hbm>> -> memref<10000x128xf32, #tpu.memory_space<hbm>>
      tpu.enqueue_indirect_dma source(%dma_start3A_263 : memref<10000x128xf32, #tpu.memory_space<hbm>>) target(%arg10 : memref<80x128xf32, #tpu.memory_space<vmem>>) offsets(%dma_start3A_260 : memref<80xi32, #tpu.memory_space<vmem>>) semaphore(%arg18 : memref<!tpu.dma_semaphore, #tpu.memory_space<semaphore_mem>>)
      %add3A_264 = arith.constant 3 : i32
      %add3A_265 = arith.addi %add3A_152, %add3A_264 : i32
      %dma_wait3A_266 = arith.constant 0 : i32
      %dma_wait3A_267 = arith.constant 0 : i32
      %dma_wait3A_268 = tpu.memref_slice %arg8[%dma_wait3A_266, %dma_wait3A_267] : memref<2x80xi32, #tpu.memory_space<vmem>> -> memref<1x80xi32, #tpu.memory_space<vmem>>
      %dma_wait3A_269 = tpu.memref_squeeze %dma_wait3A_268 : memref<1x80xi32, #tpu.memory_space<vmem>> -> memref<80xi32, #tpu.memory_space<vmem>>
      %dma_wait3A_270 = arith.constant 0 : i32
      %dma_wait3A_271 = arith.constant 0 : i32
      %dma_wait3A_272 = tpu.memref_slice %arg3[%dma_wait3A_270, %dma_wait3A_271] : memref<10000x128xf32, #tpu.memory_space<hbm>> -> memref<10000x128xf32, #tpu.memory_space<hbm>>
      tpu.wait_indirect_dma semaphore(%arg17 : memref<!tpu.dma_semaphore, #tpu.memory_space<semaphore_mem>>) src(%dma_wait3A_272 : memref<10000x128xf32, #tpu.memory_space<hbm>>) dst(%arg9 : memref<80x128xf32, #tpu.memory_space<vmem>>)
      %run_scoped3A_273 = arith.constant 1 : i32
      "tpu.region"() ({
        %run_scoped3A_597 = tpu.sem_alloc : memref<!tpu.dma_semaphore, #tpu.memory_space<semaphore_mem>>
        %dma_start3A_598 = arith.constant 0 : i32
        %dma_start3A_599 = tpu.memref_slice %arg8[%run_scoped3A_273, %dma_start3A_598] : memref<2x80xi32, #tpu.memory_space<vmem>> -> memref<1x80xi32, #tpu.memory_space<vmem>>
        %dma_start3A_600 = tpu.memref_squeeze %dma_start3A_599 : memref<1x80xi32, #tpu.memory_space<vmem>> -> memref<80xi32, #tpu.memory_space<vmem>>
        %dma_start3A_601 = arith.constant 0 : i32
        %dma_start3A_602 = arith.constant 0 : i32
        %dma_start3A_603 = tpu.memref_slice %arg12[%dma_start3A_601, %dma_start3A_602] : memref<10240x128xf32, #tpu.memory_space<vmem_shared>> -> memref<10240x128xf32, #tpu.memory_space<vmem_shared>>
        tpu.enqueue_indirect_dma source(%arg9 : memref<80x128xf32, #tpu.memory_space<vmem>>) target(%dma_start3A_603 : memref<10240x128xf32, #tpu.memory_space<vmem_shared>>) offsets(%dma_start3A_600 : memref<80xi32, #tpu.memory_space<vmem>>) semaphore(%run_scoped3A_597 : memref<!tpu.dma_semaphore, #tpu.memory_space<semaphore_mem>>) {add = true}
        %dma_wait3A_604 = arith.constant 0 : i32
        %dma_wait3A_605 = tpu.memref_slice %arg8[%run_scoped3A_273, %dma_wait3A_604] : memref<2x80xi32, #tpu.memory_space<vmem>> -> memref<1x80xi32, #tpu.memory_space<vmem>>
        %dma_wait3A_606 = tpu.memref_squeeze %dma_wait3A_605 : memref<1x80xi32, #tpu.memory_space<vmem>> -> memref<80xi32, #tpu.memory_space<vmem>>
        %dma_wait3A_607 = arith.constant 0 : i32
        %dma_wait3A_608 = arith.constant 0 : i32
        %dma_wait3A_609 = tpu.memref_slice %arg12[%dma_wait3A_607, %dma_wait3A_608] : memref<10240x128xf32, #tpu.memory_space<vmem_shared>> -> memref<10240x128xf32, #tpu.memory_space<vmem_shared>>
        tpu.wait_indirect_dma semaphore(%run_scoped3A_597 : memref<!tpu.dma_semaphore, #tpu.memory_space<semaphore_mem>>) src(%arg9 : memref<80x128xf32, #tpu.memory_space<vmem>>) dst(%dma_wait3A_609 : memref<10240x128xf32, #tpu.memory_space<vmem_shared>>)
        tpu.yield
      }) : () -> ()
      %add3A_274 = arith.constant 3 : i32
      %add3A_275 = arith.addi %add3A_265, %add3A_274 : i32
      %dma_start3A_276 = arith.constant 0 : i32
      %dma_start3A_277 = arith.constant 0 : i32
      %dma_start3A_278 = tpu.memref_slice %arg2[%add3A, %add3A_275, %dma_start3A_276, %dma_start3A_277] : memref<32x125x2x80xi32, #tpu.memory_space<hbm>> -> memref<1x1x2x80xi32, #tpu.memory_space<hbm>>
      %dma_start3A_279 = tpu.memref_squeeze %dma_start3A_278 : memref<1x1x2x80xi32, #tpu.memory_space<hbm>> -> memref<2x80xi32, #tpu.memory_space<hbm>>
      %dma_start3A_280 = arith.constant 0 : i32
      %dma_start3A_281 = arith.constant 0 : i32
      %dma_start3A_282 = tpu.memref_slice %arg2[%add3A, %add3A_275, %dma_start3A_280, %dma_start3A_281] : memref<32x125x2x80xi32, #tpu.memory_space<hbm>> -> memref<1x1x2x80xi32, #tpu.memory_space<hbm>>
      %dma_start3A_283 = tpu.memref_squeeze %dma_start3A_282 : memref<1x1x2x80xi32, #tpu.memory_space<hbm>> -> memref<2x80xi32, #tpu.memory_space<hbm>>
      tpu.enqueue_dma source(%dma_start3A_283 : memref<2x80xi32, #tpu.memory_space<hbm>>) target(%arg7 : memref<2x80xi32, #tpu.memory_space<vmem>>) target_semaphore(%arg15 : memref<!tpu.dma_semaphore, #tpu.memory_space<semaphore_mem>>)
      %add3A_284 = arith.constant 2 : i32
      %add3A_285 = arith.addi %add3A_265, %add3A_284 : i32
      %dma_wait3A_286 = arith.constant 0 : i32
      %dma_wait3A_287 = arith.constant 0 : i32
      %dma_wait3A_288 = tpu.memref_slice %arg2[%add3A, %add3A_285, %dma_wait3A_286, %dma_wait3A_287] : memref<32x125x2x80xi32, #tpu.memory_space<hbm>> -> memref<1x1x2x80xi32, #tpu.memory_space<hbm>>
      %dma_wait3A_289 = tpu.memref_squeeze %dma_wait3A_288 : memref<1x1x2x80xi32, #tpu.memory_space<hbm>> -> memref<2x80xi32, #tpu.memory_space<hbm>>
      %dma_wait3A_290 = arith.constant 0 : i32
      %dma_wait3A_291 = arith.constant 0 : i32
      %dma_wait3A_292 = tpu.memref_slice %arg2[%add3A, %add3A_285, %dma_wait3A_290, %dma_wait3A_291] : memref<32x125x2x80xi32, #tpu.memory_space<hbm>> -> memref<1x1x2x80xi32, #tpu.memory_space<hbm>>
      %dma_wait3A_293 = tpu.memref_squeeze %dma_wait3A_292 : memref<1x1x2x80xi32, #tpu.memory_space<hbm>> -> memref<2x80xi32, #tpu.memory_space<hbm>>
      tpu.wait_dma2 semaphore(%arg14 : memref<!tpu.dma_semaphore, #tpu.memory_space<semaphore_mem>>) src(%dma_wait3A_293 : memref<2x80xi32, #tpu.memory_space<hbm>>) dst(%arg6 : memref<2x80xi32, #tpu.memory_space<vmem>>)
      %dma_start3A_294 = arith.constant 0 : i32
      %dma_start3A_295 = arith.constant 0 : i32
      %dma_start3A_296 = tpu.memref_slice %arg6[%dma_start3A_294, %dma_start3A_295] : memref<2x80xi32, #tpu.memory_space<vmem>> -> memref<1x80xi32, #tpu.memory_space<vmem>>
      %dma_start3A_297 = tpu.memref_squeeze %dma_start3A_296 : memref<1x80xi32, #tpu.memory_space<vmem>> -> memref<80xi32, #tpu.memory_space<vmem>>
      %dma_start3A_298 = arith.constant 0 : i32
      %dma_start3A_299 = arith.constant 0 : i32
      %dma_start3A_300 = tpu.memref_slice %arg3[%dma_start3A_298, %dma_start3A_299] : memref<10000x128xf32, #tpu.memory_space<hbm>> -> memref<10000x128xf32, #tpu.memory_space<hbm>>
      tpu.enqueue_indirect_dma source(%dma_start3A_300 : memref<10000x128xf32, #tpu.memory_space<hbm>>) target(%arg11 : memref<80x128xf32, #tpu.memory_space<vmem>>) offsets(%dma_start3A_297 : memref<80xi32, #tpu.memory_space<vmem>>) semaphore(%arg19 : memref<!tpu.dma_semaphore, #tpu.memory_space<semaphore_mem>>)
      %add3A_301 = arith.constant 4 : i32
      %add3A_302 = arith.addi %add3A_152, %add3A_301 : i32
      %dma_wait3A_303 = arith.constant 0 : i32
      %dma_wait3A_304 = arith.constant 0 : i32
      %dma_wait3A_305 = tpu.memref_slice %arg5[%dma_wait3A_303, %dma_wait3A_304] : memref<2x80xi32, #tpu.memory_space<vmem>> -> memref<1x80xi32, #tpu.memory_space<vmem>>
      %dma_wait3A_306 = tpu.memref_squeeze %dma_wait3A_305 : memref<1x80xi32, #tpu.memory_space<vmem>> -> memref<80xi32, #tpu.memory_space<vmem>>
      %dma_wait3A_307 = arith.constant 0 : i32
      %dma_wait3A_308 = arith.constant 0 : i32
      %dma_wait3A_309 = tpu.memref_slice %arg3[%dma_wait3A_307, %dma_wait3A_308] : memref<10000x128xf32, #tpu.memory_space<hbm>> -> memref<10000x128xf32, #tpu.memory_space<hbm>>
      tpu.wait_indirect_dma semaphore(%arg18 : memref<!tpu.dma_semaphore, #tpu.memory_space<semaphore_mem>>) src(%dma_wait3A_309 : memref<10000x128xf32, #tpu.memory_space<hbm>>) dst(%arg10 : memref<80x128xf32, #tpu.memory_space<vmem>>)
      %run_scoped3A_310 = arith.constant 1 : i32
      "tpu.region"() ({
        %run_scoped3A_597 = tpu.sem_alloc : memref<!tpu.dma_semaphore, #tpu.memory_space<semaphore_mem>>
        %dma_start3A_598 = arith.constant 0 : i32
        %dma_start3A_599 = tpu.memref_slice %arg5[%run_scoped3A_310, %dma_start3A_598] : memref<2x80xi32, #tpu.memory_space<vmem>> -> memref<1x80xi32, #tpu.memory_space<vmem>>
        %dma_start3A_600 = tpu.memref_squeeze %dma_start3A_599 : memref<1x80xi32, #tpu.memory_space<vmem>> -> memref<80xi32, #tpu.memory_space<vmem>>
        %dma_start3A_601 = arith.constant 0 : i32
        %dma_start3A_602 = arith.constant 0 : i32
        %dma_start3A_603 = tpu.memref_slice %arg12[%dma_start3A_601, %dma_start3A_602] : memref<10240x128xf32, #tpu.memory_space<vmem_shared>> -> memref<10240x128xf32, #tpu.memory_space<vmem_shared>>
        tpu.enqueue_indirect_dma source(%arg10 : memref<80x128xf32, #tpu.memory_space<vmem>>) target(%dma_start3A_603 : memref<10240x128xf32, #tpu.memory_space<vmem_shared>>) offsets(%dma_start3A_600 : memref<80xi32, #tpu.memory_space<vmem>>) semaphore(%run_scoped3A_597 : memref<!tpu.dma_semaphore, #tpu.memory_space<semaphore_mem>>) {add = true}
        %dma_wait3A_604 = arith.constant 0 : i32
        %dma_wait3A_605 = tpu.memref_slice %arg5[%run_scoped3A_310, %dma_wait3A_604] : memref<2x80xi32, #tpu.memory_space<vmem>> -> memref<1x80xi32, #tpu.memory_space<vmem>>
        %dma_wait3A_606 = tpu.memref_squeeze %dma_wait3A_605 : memref<1x80xi32, #tpu.memory_space<vmem>> -> memref<80xi32, #tpu.memory_space<vmem>>
        %dma_wait3A_607 = arith.constant 0 : i32
        %dma_wait3A_608 = arith.constant 0 : i32
        %dma_wait3A_609 = tpu.memref_slice %arg12[%dma_wait3A_607, %dma_wait3A_608] : memref<10240x128xf32, #tpu.memory_space<vmem_shared>> -> memref<10240x128xf32, #tpu.memory_space<vmem_shared>>
        tpu.wait_indirect_dma semaphore(%run_scoped3A_597 : memref<!tpu.dma_semaphore, #tpu.memory_space<semaphore_mem>>) src(%arg10 : memref<80x128xf32, #tpu.memory_space<vmem>>) dst(%dma_wait3A_609 : memref<10240x128xf32, #tpu.memory_space<vmem_shared>>)
        tpu.yield
      }) : () -> ()
      %add3A_311 = arith.constant 3 : i32
      %add3A_312 = arith.addi %add3A_302, %add3A_311 : i32
      %dma_start3A_313 = arith.constant 0 : i32
      %dma_start3A_314 = arith.constant 0 : i32
      %dma_start3A_315 = tpu.memref_slice %arg2[%add3A, %add3A_312, %dma_start3A_313, %dma_start3A_314] : memref<32x125x2x80xi32, #tpu.memory_space<hbm>> -> memref<1x1x2x80xi32, #tpu.memory_space<hbm>>
      %dma_start3A_316 = tpu.memref_squeeze %dma_start3A_315 : memref<1x1x2x80xi32, #tpu.memory_space<hbm>> -> memref<2x80xi32, #tpu.memory_space<hbm>>
      %dma_start3A_317 = arith.constant 0 : i32
      %dma_start3A_318 = arith.constant 0 : i32
      %dma_start3A_319 = tpu.memref_slice %arg2[%add3A, %add3A_312, %dma_start3A_317, %dma_start3A_318] : memref<32x125x2x80xi32, #tpu.memory_space<hbm>> -> memref<1x1x2x80xi32, #tpu.memory_space<hbm>>
      %dma_start3A_320 = tpu.memref_squeeze %dma_start3A_319 : memref<1x1x2x80xi32, #tpu.memory_space<hbm>> -> memref<2x80xi32, #tpu.memory_space<hbm>>
      tpu.enqueue_dma source(%dma_start3A_320 : memref<2x80xi32, #tpu.memory_space<hbm>>) target(%arg8 : memref<2x80xi32, #tpu.memory_space<vmem>>) target_semaphore(%arg16 : memref<!tpu.dma_semaphore, #tpu.memory_space<semaphore_mem>>)
      %add3A_321 = arith.constant 2 : i32
      %add3A_322 = arith.addi %add3A_302, %add3A_321 : i32
      %dma_wait3A_323 = arith.constant 0 : i32
      %dma_wait3A_324 = arith.constant 0 : i32
      %dma_wait3A_325 = tpu.memref_slice %arg2[%add3A, %add3A_322, %dma_wait3A_323, %dma_wait3A_324] : memref<32x125x2x80xi32, #tpu.memory_space<hbm>> -> memref<1x1x2x80xi32, #tpu.memory_space<hbm>>
      %dma_wait3A_326 = tpu.memref_squeeze %dma_wait3A_325 : memref<1x1x2x80xi32, #tpu.memory_space<hbm>> -> memref<2x80xi32, #tpu.memory_space<hbm>>
      %dma_wait3A_327 = arith.constant 0 : i32
      %dma_wait3A_328 = arith.constant 0 : i32
      %dma_wait3A_329 = tpu.memref_slice %arg2[%add3A, %add3A_322, %dma_wait3A_327, %dma_wait3A_328] : memref<32x125x2x80xi32, #tpu.memory_space<hbm>> -> memref<1x1x2x80xi32, #tpu.memory_space<hbm>>
      %dma_wait3A_330 = tpu.memref_squeeze %dma_wait3A_329 : memref<1x1x2x80xi32, #tpu.memory_space<hbm>> -> memref<2x80xi32, #tpu.memory_space<hbm>>
      tpu.wait_dma2 semaphore(%arg15 : memref<!tpu.dma_semaphore, #tpu.memory_space<semaphore_mem>>) src(%dma_wait3A_330 : memref<2x80xi32, #tpu.memory_space<hbm>>) dst(%arg7 : memref<2x80xi32, #tpu.memory_space<vmem>>)
      %dma_start3A_331 = arith.constant 0 : i32
      %dma_start3A_332 = arith.constant 0 : i32
      %dma_start3A_333 = tpu.memref_slice %arg7[%dma_start3A_331, %dma_start3A_332] : memref<2x80xi32, #tpu.memory_space<vmem>> -> memref<1x80xi32, #tpu.memory_space<vmem>>
      %dma_start3A_334 = tpu.memref_squeeze %dma_start3A_333 : memref<1x80xi32, #tpu.memory_space<vmem>> -> memref<80xi32, #tpu.memory_space<vmem>>
      %dma_start3A_335 = arith.constant 0 : i32
      %dma_start3A_336 = arith.constant 0 : i32
      %dma_start3A_337 = tpu.memref_slice %arg3[%dma_start3A_335, %dma_start3A_336] : memref<10000x128xf32, #tpu.memory_space<hbm>> -> memref<10000x128xf32, #tpu.memory_space<hbm>>
      tpu.enqueue_indirect_dma source(%dma_start3A_337 : memref<10000x128xf32, #tpu.memory_space<hbm>>) target(%arg9 : memref<80x128xf32, #tpu.memory_space<vmem>>) offsets(%dma_start3A_334 : memref<80xi32, #tpu.memory_space<vmem>>) semaphore(%arg17 : memref<!tpu.dma_semaphore, #tpu.memory_space<semaphore_mem>>)
      %add3A_338 = arith.constant 5 : i32
      %add3A_339 = arith.addi %add3A_152, %add3A_338 : i32
      %dma_wait3A_340 = arith.constant 0 : i32
      %dma_wait3A_341 = arith.constant 0 : i32
      %dma_wait3A_342 = tpu.memref_slice %arg6[%dma_wait3A_340, %dma_wait3A_341] : memref<2x80xi32, #tpu.memory_space<vmem>> -> memref<1x80xi32, #tpu.memory_space<vmem>>
      %dma_wait3A_343 = tpu.memref_squeeze %dma_wait3A_342 : memref<1x80xi32, #tpu.memory_space<vmem>> -> memref<80xi32, #tpu.memory_space<vmem>>
      %dma_wait3A_344 = arith.constant 0 : i32
      %dma_wait3A_345 = arith.constant 0 : i32
      %dma_wait3A_346 = tpu.memref_slice %arg3[%dma_wait3A_344, %dma_wait3A_345] : memref<10000x128xf32, #tpu.memory_space<hbm>> -> memref<10000x128xf32, #tpu.memory_space<hbm>>
      tpu.wait_indirect_dma semaphore(%arg19 : memref<!tpu.dma_semaphore, #tpu.memory_space<semaphore_mem>>) src(%dma_wait3A_346 : memref<10000x128xf32, #tpu.memory_space<hbm>>) dst(%arg11 : memref<80x128xf32, #tpu.memory_space<vmem>>)
      %run_scoped3A_347 = arith.constant 1 : i32
      "tpu.region"() ({
        %run_scoped3A_597 = tpu.sem_alloc : memref<!tpu.dma_semaphore, #tpu.memory_space<semaphore_mem>>
        %dma_start3A_598 = arith.constant 0 : i32
        %dma_start3A_599 = tpu.memref_slice %arg6[%run_scoped3A_347, %dma_start3A_598] : memref<2x80xi32, #tpu.memory_space<vmem>> -> memref<1x80xi32, #tpu.memory_space<vmem>>
        %dma_start3A_600 = tpu.memref_squeeze %dma_start3A_599 : memref<1x80xi32, #tpu.memory_space<vmem>> -> memref<80xi32, #tpu.memory_space<vmem>>
        %dma_start3A_601 = arith.constant 0 : i32
        %dma_start3A_602 = arith.constant 0 : i32
        %dma_start3A_603 = tpu.memref_slice %arg12[%dma_start3A_601, %dma_start3A_602] : memref<10240x128xf32, #tpu.memory_space<vmem_shared>> -> memref<10240x128xf32, #tpu.memory_space<vmem_shared>>
        tpu.enqueue_indirect_dma source(%arg11 : memref<80x128xf32, #tpu.memory_space<vmem>>) target(%dma_start3A_603 : memref<10240x128xf32, #tpu.memory_space<vmem_shared>>) offsets(%dma_start3A_600 : memref<80xi32, #tpu.memory_space<vmem>>) semaphore(%run_scoped3A_597 : memref<!tpu.dma_semaphore, #tpu.memory_space<semaphore_mem>>) {add = true}
        %dma_wait3A_604 = arith.constant 0 : i32
        %dma_wait3A_605 = tpu.memref_slice %arg6[%run_scoped3A_347, %dma_wait3A_604] : memref<2x80xi32, #tpu.memory_space<vmem>> -> memref<1x80xi32, #tpu.memory_space<vmem>>
        %dma_wait3A_606 = tpu.memref_squeeze %dma_wait3A_605 : memref<1x80xi32, #tpu.memory_space<vmem>> -> memref<80xi32, #tpu.memory_space<vmem>>
        %dma_wait3A_607 = arith.constant 0 : i32
        %dma_wait3A_608 = arith.constant 0 : i32
        %dma_wait3A_609 = tpu.memref_slice %arg12[%dma_wait3A_607, %dma_wait3A_608] : memref<10240x128xf32, #tpu.memory_space<vmem_shared>> -> memref<10240x128xf32, #tpu.memory_space<vmem_shared>>
        tpu.wait_indirect_dma semaphore(%run_scoped3A_597 : memref<!tpu.dma_semaphore, #tpu.memory_space<semaphore_mem>>) src(%arg11 : memref<80x128xf32, #tpu.memory_space<vmem>>) dst(%dma_wait3A_609 : memref<10240x128xf32, #tpu.memory_space<vmem_shared>>)
        tpu.yield
      }) : () -> ()
      %add3A_348 = arith.constant 3 : i32
      %add3A_349 = arith.addi %add3A_339, %add3A_348 : i32
      %dma_start3A_350 = arith.constant 0 : i32
      %dma_start3A_351 = arith.constant 0 : i32
      %dma_start3A_352 = tpu.memref_slice %arg2[%add3A, %add3A_349, %dma_start3A_350, %dma_start3A_351] : memref<32x125x2x80xi32, #tpu.memory_space<hbm>> -> memref<1x1x2x80xi32, #tpu.memory_space<hbm>>
      %dma_start3A_353 = tpu.memref_squeeze %dma_start3A_352 : memref<1x1x2x80xi32, #tpu.memory_space<hbm>> -> memref<2x80xi32, #tpu.memory_space<hbm>>
      %dma_start3A_354 = arith.constant 0 : i32
      %dma_start3A_355 = arith.constant 0 : i32
      %dma_start3A_356 = tpu.memref_slice %arg2[%add3A, %add3A_349, %dma_start3A_354, %dma_start3A_355] : memref<32x125x2x80xi32, #tpu.memory_space<hbm>> -> memref<1x1x2x80xi32, #tpu.memory_space<hbm>>
      %dma_start3A_357 = tpu.memref_squeeze %dma_start3A_356 : memref<1x1x2x80xi32, #tpu.memory_space<hbm>> -> memref<2x80xi32, #tpu.memory_space<hbm>>
      tpu.enqueue_dma source(%dma_start3A_357 : memref<2x80xi32, #tpu.memory_space<hbm>>) target(%arg5 : memref<2x80xi32, #tpu.memory_space<vmem>>) target_semaphore(%arg13 : memref<!tpu.dma_semaphore, #tpu.memory_space<semaphore_mem>>)
      %add3A_358 = arith.constant 2 : i32
      %add3A_359 = arith.addi %add3A_339, %add3A_358 : i32
      %dma_wait3A_360 = arith.constant 0 : i32
      %dma_wait3A_361 = arith.constant 0 : i32
      %dma_wait3A_362 = tpu.memref_slice %arg2[%add3A, %add3A_359, %dma_wait3A_360, %dma_wait3A_361] : memref<32x125x2x80xi32, #tpu.memory_space<hbm>> -> memref<1x1x2x80xi32, #tpu.memory_space<hbm>>
      %dma_wait3A_363 = tpu.memref_squeeze %dma_wait3A_362 : memref<1x1x2x80xi32, #tpu.memory_space<hbm>> -> memref<2x80xi32, #tpu.memory_space<hbm>>
      %dma_wait3A_364 = arith.constant 0 : i32
      %dma_wait3A_365 = arith.constant 0 : i32
      %dma_wait3A_366 = tpu.memref_slice %arg2[%add3A, %add3A_359, %dma_wait3A_364, %dma_wait3A_365] : memref<32x125x2x80xi32, #tpu.memory_space<hbm>> -> memref<1x1x2x80xi32, #tpu.memory_space<hbm>>
      %dma_wait3A_367 = tpu.memref_squeeze %dma_wait3A_366 : memref<1x1x2x80xi32, #tpu.memory_space<hbm>> -> memref<2x80xi32, #tpu.memory_space<hbm>>
      tpu.wait_dma2 semaphore(%arg16 : memref<!tpu.dma_semaphore, #tpu.memory_space<semaphore_mem>>) src(%dma_wait3A_367 : memref<2x80xi32, #tpu.memory_space<hbm>>) dst(%arg8 : memref<2x80xi32, #tpu.memory_space<vmem>>)
      %dma_start3A_368 = arith.constant 0 : i32
      %dma_start3A_369 = arith.constant 0 : i32
      %dma_start3A_370 = tpu.memref_slice %arg8[%dma_start3A_368, %dma_start3A_369] : memref<2x80xi32, #tpu.memory_space<vmem>> -> memref<1x80xi32, #tpu.memory_space<vmem>>
      %dma_start3A_371 = tpu.memref_squeeze %dma_start3A_370 : memref<1x80xi32, #tpu.memory_space<vmem>> -> memref<80xi32, #tpu.memory_space<vmem>>
      %dma_start3A_372 = arith.constant 0 : i32
      %dma_start3A_373 = arith.constant 0 : i32
      %dma_start3A_374 = tpu.memref_slice %arg3[%dma_start3A_372, %dma_start3A_373] : memref<10000x128xf32, #tpu.memory_space<hbm>> -> memref<10000x128xf32, #tpu.memory_space<hbm>>
      tpu.enqueue_indirect_dma source(%dma_start3A_374 : memref<10000x128xf32, #tpu.memory_space<hbm>>) target(%arg10 : memref<80x128xf32, #tpu.memory_space<vmem>>) offsets(%dma_start3A_371 : memref<80xi32, #tpu.memory_space<vmem>>) semaphore(%arg18 : memref<!tpu.dma_semaphore, #tpu.memory_space<semaphore_mem>>)
      %add3A_375 = arith.constant 6 : i32
      %add3A_376 = arith.addi %add3A_152, %add3A_375 : i32
      %dma_wait3A_377 = arith.constant 0 : i32
      %dma_wait3A_378 = arith.constant 0 : i32
      %dma_wait3A_379 = tpu.memref_slice %arg7[%dma_wait3A_377, %dma_wait3A_378] : memref<2x80xi32, #tpu.memory_space<vmem>> -> memref<1x80xi32, #tpu.memory_space<vmem>>
      %dma_wait3A_380 = tpu.memref_squeeze %dma_wait3A_379 : memref<1x80xi32, #tpu.memory_space<vmem>> -> memref<80xi32, #tpu.memory_space<vmem>>
      %dma_wait3A_381 = arith.constant 0 : i32
      %dma_wait3A_382 = arith.constant 0 : i32
      %dma_wait3A_383 = tpu.memref_slice %arg3[%dma_wait3A_381, %dma_wait3A_382] : memref<10000x128xf32, #tpu.memory_space<hbm>> -> memref<10000x128xf32, #tpu.memory_space<hbm>>
      tpu.wait_indirect_dma semaphore(%arg17 : memref<!tpu.dma_semaphore, #tpu.memory_space<semaphore_mem>>) src(%dma_wait3A_383 : memref<10000x128xf32, #tpu.memory_space<hbm>>) dst(%arg9 : memref<80x128xf32, #tpu.memory_space<vmem>>)
      %run_scoped3A_384 = arith.constant 1 : i32
      "tpu.region"() ({
        %run_scoped3A_597 = tpu.sem_alloc : memref<!tpu.dma_semaphore, #tpu.memory_space<semaphore_mem>>
        %dma_start3A_598 = arith.constant 0 : i32
        %dma_start3A_599 = tpu.memref_slice %arg7[%run_scoped3A_384, %dma_start3A_598] : memref<2x80xi32, #tpu.memory_space<vmem>> -> memref<1x80xi32, #tpu.memory_space<vmem>>
        %dma_start3A_600 = tpu.memref_squeeze %dma_start3A_599 : memref<1x80xi32, #tpu.memory_space<vmem>> -> memref<80xi32, #tpu.memory_space<vmem>>
        %dma_start3A_601 = arith.constant 0 : i32
        %dma_start3A_602 = arith.constant 0 : i32
        %dma_start3A_603 = tpu.memref_slice %arg12[%dma_start3A_601, %dma_start3A_602] : memref<10240x128xf32, #tpu.memory_space<vmem_shared>> -> memref<10240x128xf32, #tpu.memory_space<vmem_shared>>
        tpu.enqueue_indirect_dma source(%arg9 : memref<80x128xf32, #tpu.memory_space<vmem>>) target(%dma_start3A_603 : memref<10240x128xf32, #tpu.memory_space<vmem_shared>>) offsets(%dma_start3A_600 : memref<80xi32, #tpu.memory_space<vmem>>) semaphore(%run_scoped3A_597 : memref<!tpu.dma_semaphore, #tpu.memory_space<semaphore_mem>>) {add = true}
        %dma_wait3A_604 = arith.constant 0 : i32
        %dma_wait3A_605 = tpu.memref_slice %arg7[%run_scoped3A_384, %dma_wait3A_604] : memref<2x80xi32, #tpu.memory_space<vmem>> -> memref<1x80xi32, #tpu.memory_space<vmem>>
        %dma_wait3A_606 = tpu.memref_squeeze %dma_wait3A_605 : memref<1x80xi32, #tpu.memory_space<vmem>> -> memref<80xi32, #tpu.memory_space<vmem>>
        %dma_wait3A_607 = arith.constant 0 : i32
        %dma_wait3A_608 = arith.constant 0 : i32
        %dma_wait3A_609 = tpu.memref_slice %arg12[%dma_wait3A_607, %dma_wait3A_608] : memref<10240x128xf32, #tpu.memory_space<vmem_shared>> -> memref<10240x128xf32, #tpu.memory_space<vmem_shared>>
        tpu.wait_indirect_dma semaphore(%run_scoped3A_597 : memref<!tpu.dma_semaphore, #tpu.memory_space<semaphore_mem>>) src(%arg9 : memref<80x128xf32, #tpu.memory_space<vmem>>) dst(%dma_wait3A_609 : memref<10240x128xf32, #tpu.memory_space<vmem_shared>>)
        tpu.yield
      }) : () -> ()
      %add3A_385 = arith.constant 3 : i32
      %add3A_386 = arith.addi %add3A_376, %add3A_385 : i32
      %dma_start3A_387 = arith.constant 0 : i32
      %dma_start3A_388 = arith.constant 0 : i32
      %dma_start3A_389 = tpu.memref_slice %arg2[%add3A, %add3A_386, %dma_start3A_387, %dma_start3A_388] : memref<32x125x2x80xi32, #tpu.memory_space<hbm>> -> memref<1x1x2x80xi32, #tpu.memory_space<hbm>>
      %dma_start3A_390 = tpu.memref_squeeze %dma_start3A_389 : memref<1x1x2x80xi32, #tpu.memory_space<hbm>> -> memref<2x80xi32, #tpu.memory_space<hbm>>
      %dma_start3A_391 = arith.constant 0 : i32
      %dma_start3A_392 = arith.constant 0 : i32
      %dma_start3A_393 = tpu.memref_slice %arg2[%add3A, %add3A_386, %dma_start3A_391, %dma_start3A_392] : memref<32x125x2x80xi32, #tpu.memory_space<hbm>> -> memref<1x1x2x80xi32, #tpu.memory_space<hbm>>
      %dma_start3A_394 = tpu.memref_squeeze %dma_start3A_393 : memref<1x1x2x80xi32, #tpu.memory_space<hbm>> -> memref<2x80xi32, #tpu.memory_space<hbm>>
      tpu.enqueue_dma source(%dma_start3A_394 : memref<2x80xi32, #tpu.memory_space<hbm>>) target(%arg6 : memref<2x80xi32, #tpu.memory_space<vmem>>) target_semaphore(%arg14 : memref<!tpu.dma_semaphore, #tpu.memory_space<semaphore_mem>>)
      %add3A_395 = arith.constant 2 : i32
      %add3A_396 = arith.addi %add3A_376, %add3A_395 : i32
      %dma_wait3A_397 = arith.constant 0 : i32
      %dma_wait3A_398 = arith.constant 0 : i32
      %dma_wait3A_399 = tpu.memref_slice %arg2[%add3A, %add3A_396, %dma_wait3A_397, %dma_wait3A_398] : memref<32x125x2x80xi32, #tpu.memory_space<hbm>> -> memref<1x1x2x80xi32, #tpu.memory_space<hbm>>
      %dma_wait3A_400 = tpu.memref_squeeze %dma_wait3A_399 : memref<1x1x2x80xi32, #tpu.memory_space<hbm>> -> memref<2x80xi32, #tpu.memory_space<hbm>>
      %dma_wait3A_401 = arith.constant 0 : i32
      %dma_wait3A_402 = arith.constant 0 : i32
      %dma_wait3A_403 = tpu.memref_slice %arg2[%add3A, %add3A_396, %dma_wait3A_401, %dma_wait3A_402] : memref<32x125x2x80xi32, #tpu.memory_space<hbm>> -> memref<1x1x2x80xi32, #tpu.memory_space<hbm>>
      %dma_wait3A_404 = tpu.memref_squeeze %dma_wait3A_403 : memref<1x1x2x80xi32, #tpu.memory_space<hbm>> -> memref<2x80xi32, #tpu.memory_space<hbm>>
      tpu.wait_dma2 semaphore(%arg13 : memref<!tpu.dma_semaphore, #tpu.memory_space<semaphore_mem>>) src(%dma_wait3A_404 : memref<2x80xi32, #tpu.memory_space<hbm>>) dst(%arg5 : memref<2x80xi32, #tpu.memory_space<vmem>>)
      %dma_start3A_405 = arith.constant 0 : i32
      %dma_start3A_406 = arith.constant 0 : i32
      %dma_start3A_407 = tpu.memref_slice %arg5[%dma_start3A_405, %dma_start3A_406] : memref<2x80xi32, #tpu.memory_space<vmem>> -> memref<1x80xi32, #tpu.memory_space<vmem>>
      %dma_start3A_408 = tpu.memref_squeeze %dma_start3A_407 : memref<1x80xi32, #tpu.memory_space<vmem>> -> memref<80xi32, #tpu.memory_space<vmem>>
      %dma_start3A_409 = arith.constant 0 : i32
      %dma_start3A_410 = arith.constant 0 : i32
      %dma_start3A_411 = tpu.memref_slice %arg3[%dma_start3A_409, %dma_start3A_410] : memref<10000x128xf32, #tpu.memory_space<hbm>> -> memref<10000x128xf32, #tpu.memory_space<hbm>>
      tpu.enqueue_indirect_dma source(%dma_start3A_411 : memref<10000x128xf32, #tpu.memory_space<hbm>>) target(%arg11 : memref<80x128xf32, #tpu.memory_space<vmem>>) offsets(%dma_start3A_408 : memref<80xi32, #tpu.memory_space<vmem>>) semaphore(%arg19 : memref<!tpu.dma_semaphore, #tpu.memory_space<semaphore_mem>>)
      %add3A_412 = arith.constant 7 : i32
      %add3A_413 = arith.addi %add3A_152, %add3A_412 : i32
      %dma_wait3A_414 = arith.constant 0 : i32
      %dma_wait3A_415 = arith.constant 0 : i32
      %dma_wait3A_416 = tpu.memref_slice %arg8[%dma_wait3A_414, %dma_wait3A_415] : memref<2x80xi32, #tpu.memory_space<vmem>> -> memref<1x80xi32, #tpu.memory_space<vmem>>
      %dma_wait3A_417 = tpu.memref_squeeze %dma_wait3A_416 : memref<1x80xi32, #tpu.memory_space<vmem>> -> memref<80xi32, #tpu.memory_space<vmem>>
      %dma_wait3A_418 = arith.constant 0 : i32
      %dma_wait3A_419 = arith.constant 0 : i32
      %dma_wait3A_420 = tpu.memref_slice %arg3[%dma_wait3A_418, %dma_wait3A_419] : memref<10000x128xf32, #tpu.memory_space<hbm>> -> memref<10000x128xf32, #tpu.memory_space<hbm>>
      tpu.wait_indirect_dma semaphore(%arg18 : memref<!tpu.dma_semaphore, #tpu.memory_space<semaphore_mem>>) src(%dma_wait3A_420 : memref<10000x128xf32, #tpu.memory_space<hbm>>) dst(%arg10 : memref<80x128xf32, #tpu.memory_space<vmem>>)
      %run_scoped3A_421 = arith.constant 1 : i32
      "tpu.region"() ({
        %run_scoped3A_597 = tpu.sem_alloc : memref<!tpu.dma_semaphore, #tpu.memory_space<semaphore_mem>>
        %dma_start3A_598 = arith.constant 0 : i32
        %dma_start3A_599 = tpu.memref_slice %arg8[%run_scoped3A_421, %dma_start3A_598] : memref<2x80xi32, #tpu.memory_space<vmem>> -> memref<1x80xi32, #tpu.memory_space<vmem>>
        %dma_start3A_600 = tpu.memref_squeeze %dma_start3A_599 : memref<1x80xi32, #tpu.memory_space<vmem>> -> memref<80xi32, #tpu.memory_space<vmem>>
        %dma_start3A_601 = arith.constant 0 : i32
        %dma_start3A_602 = arith.constant 0 : i32
        %dma_start3A_603 = tpu.memref_slice %arg12[%dma_start3A_601, %dma_start3A_602] : memref<10240x128xf32, #tpu.memory_space<vmem_shared>> -> memref<10240x128xf32, #tpu.memory_space<vmem_shared>>
        tpu.enqueue_indirect_dma source(%arg10 : memref<80x128xf32, #tpu.memory_space<vmem>>) target(%dma_start3A_603 : memref<10240x128xf32, #tpu.memory_space<vmem_shared>>) offsets(%dma_start3A_600 : memref<80xi32, #tpu.memory_space<vmem>>) semaphore(%run_scoped3A_597 : memref<!tpu.dma_semaphore, #tpu.memory_space<semaphore_mem>>) {add = true}
        %dma_wait3A_604 = arith.constant 0 : i32
        %dma_wait3A_605 = tpu.memref_slice %arg8[%run_scoped3A_421, %dma_wait3A_604] : memref<2x80xi32, #tpu.memory_space<vmem>> -> memref<1x80xi32, #tpu.memory_space<vmem>>
        %dma_wait3A_606 = tpu.memref_squeeze %dma_wait3A_605 : memref<1x80xi32, #tpu.memory_space<vmem>> -> memref<80xi32, #tpu.memory_space<vmem>>
        %dma_wait3A_607 = arith.constant 0 : i32
        %dma_wait3A_608 = arith.constant 0 : i32
        %dma_wait3A_609 = tpu.memref_slice %arg12[%dma_wait3A_607, %dma_wait3A_608] : memref<10240x128xf32, #tpu.memory_space<vmem_shared>> -> memref<10240x128xf32, #tpu.memory_space<vmem_shared>>
        tpu.wait_indirect_dma semaphore(%run_scoped3A_597 : memref<!tpu.dma_semaphore, #tpu.memory_space<semaphore_mem>>) src(%arg10 : memref<80x128xf32, #tpu.memory_space<vmem>>) dst(%dma_wait3A_609 : memref<10240x128xf32, #tpu.memory_space<vmem_shared>>)
        tpu.yield
      }) : () -> ()
      %add3A_422 = arith.constant 3 : i32
      %add3A_423 = arith.addi %add3A_413, %add3A_422 : i32
      %dma_start3A_424 = arith.constant 0 : i32
      %dma_start3A_425 = arith.constant 0 : i32
      %dma_start3A_426 = tpu.memref_slice %arg2[%add3A, %add3A_423, %dma_start3A_424, %dma_start3A_425] : memref<32x125x2x80xi32, #tpu.memory_space<hbm>> -> memref<1x1x2x80xi32, #tpu.memory_space<hbm>>
      %dma_start3A_427 = tpu.memref_squeeze %dma_start3A_426 : memref<1x1x2x80xi32, #tpu.memory_space<hbm>> -> memref<2x80xi32, #tpu.memory_space<hbm>>
      %dma_start3A_428 = arith.constant 0 : i32
      %dma_start3A_429 = arith.constant 0 : i32
      %dma_start3A_430 = tpu.memref_slice %arg2[%add3A, %add3A_423, %dma_start3A_428, %dma_start3A_429] : memref<32x125x2x80xi32, #tpu.memory_space<hbm>> -> memref<1x1x2x80xi32, #tpu.memory_space<hbm>>
      %dma_start3A_431 = tpu.memref_squeeze %dma_start3A_430 : memref<1x1x2x80xi32, #tpu.memory_space<hbm>> -> memref<2x80xi32, #tpu.memory_space<hbm>>
      tpu.enqueue_dma source(%dma_start3A_431 : memref<2x80xi32, #tpu.memory_space<hbm>>) target(%arg7 : memref<2x80xi32, #tpu.memory_space<vmem>>) target_semaphore(%arg15 : memref<!tpu.dma_semaphore, #tpu.memory_space<semaphore_mem>>)
      %add3A_432 = arith.constant 2 : i32
      %add3A_433 = arith.addi %add3A_413, %add3A_432 : i32
      %dma_wait3A_434 = arith.constant 0 : i32
      %dma_wait3A_435 = arith.constant 0 : i32
      %dma_wait3A_436 = tpu.memref_slice %arg2[%add3A, %add3A_433, %dma_wait3A_434, %dma_wait3A_435] : memref<32x125x2x80xi32, #tpu.memory_space<hbm>> -> memref<1x1x2x80xi32, #tpu.memory_space<hbm>>
      %dma_wait3A_437 = tpu.memref_squeeze %dma_wait3A_436 : memref<1x1x2x80xi32, #tpu.memory_space<hbm>> -> memref<2x80xi32, #tpu.memory_space<hbm>>
      %dma_wait3A_438 = arith.constant 0 : i32
      %dma_wait3A_439 = arith.constant 0 : i32
      %dma_wait3A_440 = tpu.memref_slice %arg2[%add3A, %add3A_433, %dma_wait3A_438, %dma_wait3A_439] : memref<32x125x2x80xi32, #tpu.memory_space<hbm>> -> memref<1x1x2x80xi32, #tpu.memory_space<hbm>>
      %dma_wait3A_441 = tpu.memref_squeeze %dma_wait3A_440 : memref<1x1x2x80xi32, #tpu.memory_space<hbm>> -> memref<2x80xi32, #tpu.memory_space<hbm>>
      tpu.wait_dma2 semaphore(%arg14 : memref<!tpu.dma_semaphore, #tpu.memory_space<semaphore_mem>>) src(%dma_wait3A_441 : memref<2x80xi32, #tpu.memory_space<hbm>>) dst(%arg6 : memref<2x80xi32, #tpu.memory_space<vmem>>)
      %dma_start3A_442 = arith.constant 0 : i32
      %dma_start3A_443 = arith.constant 0 : i32
      %dma_start3A_444 = tpu.memref_slice %arg6[%dma_start3A_442, %dma_start3A_443] : memref<2x80xi32, #tpu.memory_space<vmem>> -> memref<1x80xi32, #tpu.memory_space<vmem>>
      %dma_start3A_445 = tpu.memref_squeeze %dma_start3A_444 : memref<1x80xi32, #tpu.memory_space<vmem>> -> memref<80xi32, #tpu.memory_space<vmem>>
      %dma_start3A_446 = arith.constant 0 : i32
      %dma_start3A_447 = arith.constant 0 : i32
      %dma_start3A_448 = tpu.memref_slice %arg3[%dma_start3A_446, %dma_start3A_447] : memref<10000x128xf32, #tpu.memory_space<hbm>> -> memref<10000x128xf32, #tpu.memory_space<hbm>>
      tpu.enqueue_indirect_dma source(%dma_start3A_448 : memref<10000x128xf32, #tpu.memory_space<hbm>>) target(%arg9 : memref<80x128xf32, #tpu.memory_space<vmem>>) offsets(%dma_start3A_445 : memref<80xi32, #tpu.memory_space<vmem>>) semaphore(%arg17 : memref<!tpu.dma_semaphore, #tpu.memory_space<semaphore_mem>>)
      %add3A_449 = arith.constant 8 : i32
      %add3A_450 = arith.addi %add3A_152, %add3A_449 : i32
      %dma_wait3A_451 = arith.constant 0 : i32
      %dma_wait3A_452 = arith.constant 0 : i32
      %dma_wait3A_453 = tpu.memref_slice %arg5[%dma_wait3A_451, %dma_wait3A_452] : memref<2x80xi32, #tpu.memory_space<vmem>> -> memref<1x80xi32, #tpu.memory_space<vmem>>
      %dma_wait3A_454 = tpu.memref_squeeze %dma_wait3A_453 : memref<1x80xi32, #tpu.memory_space<vmem>> -> memref<80xi32, #tpu.memory_space<vmem>>
      %dma_wait3A_455 = arith.constant 0 : i32
      %dma_wait3A_456 = arith.constant 0 : i32
      %dma_wait3A_457 = tpu.memref_slice %arg3[%dma_wait3A_455, %dma_wait3A_456] : memref<10000x128xf32, #tpu.memory_space<hbm>> -> memref<10000x128xf32, #tpu.memory_space<hbm>>
      tpu.wait_indirect_dma semaphore(%arg19 : memref<!tpu.dma_semaphore, #tpu.memory_space<semaphore_mem>>) src(%dma_wait3A_457 : memref<10000x128xf32, #tpu.memory_space<hbm>>) dst(%arg11 : memref<80x128xf32, #tpu.memory_space<vmem>>)
      %run_scoped3A_458 = arith.constant 1 : i32
      "tpu.region"() ({
        %run_scoped3A_597 = tpu.sem_alloc : memref<!tpu.dma_semaphore, #tpu.memory_space<semaphore_mem>>
        %dma_start3A_598 = arith.constant 0 : i32
        %dma_start3A_599 = tpu.memref_slice %arg5[%run_scoped3A_458, %dma_start3A_598] : memref<2x80xi32, #tpu.memory_space<vmem>> -> memref<1x80xi32, #tpu.memory_space<vmem>>
        %dma_start3A_600 = tpu.memref_squeeze %dma_start3A_599 : memref<1x80xi32, #tpu.memory_space<vmem>> -> memref<80xi32, #tpu.memory_space<vmem>>
        %dma_start3A_601 = arith.constant 0 : i32
        %dma_start3A_602 = arith.constant 0 : i32
        %dma_start3A_603 = tpu.memref_slice %arg12[%dma_start3A_601, %dma_start3A_602] : memref<10240x128xf32, #tpu.memory_space<vmem_shared>> -> memref<10240x128xf32, #tpu.memory_space<vmem_shared>>
        tpu.enqueue_indirect_dma source(%arg11 : memref<80x128xf32, #tpu.memory_space<vmem>>) target(%dma_start3A_603 : memref<10240x128xf32, #tpu.memory_space<vmem_shared>>) offsets(%dma_start3A_600 : memref<80xi32, #tpu.memory_space<vmem>>) semaphore(%run_scoped3A_597 : memref<!tpu.dma_semaphore, #tpu.memory_space<semaphore_mem>>) {add = true}
        %dma_wait3A_604 = arith.constant 0 : i32
        %dma_wait3A_605 = tpu.memref_slice %arg5[%run_scoped3A_458, %dma_wait3A_604] : memref<2x80xi32, #tpu.memory_space<vmem>> -> memref<1x80xi32, #tpu.memory_space<vmem>>
        %dma_wait3A_606 = tpu.memref_squeeze %dma_wait3A_605 : memref<1x80xi32, #tpu.memory_space<vmem>> -> memref<80xi32, #tpu.memory_space<vmem>>
        %dma_wait3A_607 = arith.constant 0 : i32
        %dma_wait3A_608 = arith.constant 0 : i32
        %dma_wait3A_609 = tpu.memref_slice %arg12[%dma_wait3A_607, %dma_wait3A_608] : memref<10240x128xf32, #tpu.memory_space<vmem_shared>> -> memref<10240x128xf32, #tpu.memory_space<vmem_shared>>
        tpu.wait_indirect_dma semaphore(%run_scoped3A_597 : memref<!tpu.dma_semaphore, #tpu.memory_space<semaphore_mem>>) src(%arg11 : memref<80x128xf32, #tpu.memory_space<vmem>>) dst(%dma_wait3A_609 : memref<10240x128xf32, #tpu.memory_space<vmem_shared>>)
        tpu.yield
      }) : () -> ()
      %add3A_459 = arith.constant 3 : i32
      %add3A_460 = arith.addi %add3A_450, %add3A_459 : i32
      %dma_start3A_461 = arith.constant 0 : i32
      %dma_start3A_462 = arith.constant 0 : i32
      %dma_start3A_463 = tpu.memref_slice %arg2[%add3A, %add3A_460, %dma_start3A_461, %dma_start3A_462] : memref<32x125x2x80xi32, #tpu.memory_space<hbm>> -> memref<1x1x2x80xi32, #tpu.memory_space<hbm>>
      %dma_start3A_464 = tpu.memref_squeeze %dma_start3A_463 : memref<1x1x2x80xi32, #tpu.memory_space<hbm>> -> memref<2x80xi32, #tpu.memory_space<hbm>>
      %dma_start3A_465 = arith.constant 0 : i32
      %dma_start3A_466 = arith.constant 0 : i32
      %dma_start3A_467 = tpu.memref_slice %arg2[%add3A, %add3A_460, %dma_start3A_465, %dma_start3A_466] : memref<32x125x2x80xi32, #tpu.memory_space<hbm>> -> memref<1x1x2x80xi32, #tpu.memory_space<hbm>>
      %dma_start3A_468 = tpu.memref_squeeze %dma_start3A_467 : memref<1x1x2x80xi32, #tpu.memory_space<hbm>> -> memref<2x80xi32, #tpu.memory_space<hbm>>
      tpu.enqueue_dma source(%dma_start3A_468 : memref<2x80xi32, #tpu.memory_space<hbm>>) target(%arg8 : memref<2x80xi32, #tpu.memory_space<vmem>>) target_semaphore(%arg16 : memref<!tpu.dma_semaphore, #tpu.memory_space<semaphore_mem>>)
      %add3A_469 = arith.constant 2 : i32
      %add3A_470 = arith.addi %add3A_450, %add3A_469 : i32
      %dma_wait3A_471 = arith.constant 0 : i32
      %dma_wait3A_472 = arith.constant 0 : i32
      %dma_wait3A_473 = tpu.memref_slice %arg2[%add3A, %add3A_470, %dma_wait3A_471, %dma_wait3A_472] : memref<32x125x2x80xi32, #tpu.memory_space<hbm>> -> memref<1x1x2x80xi32, #tpu.memory_space<hbm>>
      %dma_wait3A_474 = tpu.memref_squeeze %dma_wait3A_473 : memref<1x1x2x80xi32, #tpu.memory_space<hbm>> -> memref<2x80xi32, #tpu.memory_space<hbm>>
      %dma_wait3A_475 = arith.constant 0 : i32
      %dma_wait3A_476 = arith.constant 0 : i32
      %dma_wait3A_477 = tpu.memref_slice %arg2[%add3A, %add3A_470, %dma_wait3A_475, %dma_wait3A_476] : memref<32x125x2x80xi32, #tpu.memory_space<hbm>> -> memref<1x1x2x80xi32, #tpu.memory_space<hbm>>
      %dma_wait3A_478 = tpu.memref_squeeze %dma_wait3A_477 : memref<1x1x2x80xi32, #tpu.memory_space<hbm>> -> memref<2x80xi32, #tpu.memory_space<hbm>>
      tpu.wait_dma2 semaphore(%arg15 : memref<!tpu.dma_semaphore, #tpu.memory_space<semaphore_mem>>) src(%dma_wait3A_478 : memref<2x80xi32, #tpu.memory_space<hbm>>) dst(%arg7 : memref<2x80xi32, #tpu.memory_space<vmem>>)
      %dma_start3A_479 = arith.constant 0 : i32
      %dma_start3A_480 = arith.constant 0 : i32
      %dma_start3A_481 = tpu.memref_slice %arg7[%dma_start3A_479, %dma_start3A_480] : memref<2x80xi32, #tpu.memory_space<vmem>> -> memref<1x80xi32, #tpu.memory_space<vmem>>
      %dma_start3A_482 = tpu.memref_squeeze %dma_start3A_481 : memref<1x80xi32, #tpu.memory_space<vmem>> -> memref<80xi32, #tpu.memory_space<vmem>>
      %dma_start3A_483 = arith.constant 0 : i32
      %dma_start3A_484 = arith.constant 0 : i32
      %dma_start3A_485 = tpu.memref_slice %arg3[%dma_start3A_483, %dma_start3A_484] : memref<10000x128xf32, #tpu.memory_space<hbm>> -> memref<10000x128xf32, #tpu.memory_space<hbm>>
      tpu.enqueue_indirect_dma source(%dma_start3A_485 : memref<10000x128xf32, #tpu.memory_space<hbm>>) target(%arg10 : memref<80x128xf32, #tpu.memory_space<vmem>>) offsets(%dma_start3A_482 : memref<80xi32, #tpu.memory_space<vmem>>) semaphore(%arg18 : memref<!tpu.dma_semaphore, #tpu.memory_space<semaphore_mem>>)
      %add3A_486 = arith.constant 9 : i32
      %add3A_487 = arith.addi %add3A_152, %add3A_486 : i32
      %dma_wait3A_488 = arith.constant 0 : i32
      %dma_wait3A_489 = arith.constant 0 : i32
      %dma_wait3A_490 = tpu.memref_slice %arg6[%dma_wait3A_488, %dma_wait3A_489] : memref<2x80xi32, #tpu.memory_space<vmem>> -> memref<1x80xi32, #tpu.memory_space<vmem>>
      %dma_wait3A_491 = tpu.memref_squeeze %dma_wait3A_490 : memref<1x80xi32, #tpu.memory_space<vmem>> -> memref<80xi32, #tpu.memory_space<vmem>>
      %dma_wait3A_492 = arith.constant 0 : i32
      %dma_wait3A_493 = arith.constant 0 : i32
      %dma_wait3A_494 = tpu.memref_slice %arg3[%dma_wait3A_492, %dma_wait3A_493] : memref<10000x128xf32, #tpu.memory_space<hbm>> -> memref<10000x128xf32, #tpu.memory_space<hbm>>
      tpu.wait_indirect_dma semaphore(%arg17 : memref<!tpu.dma_semaphore, #tpu.memory_space<semaphore_mem>>) src(%dma_wait3A_494 : memref<10000x128xf32, #tpu.memory_space<hbm>>) dst(%arg9 : memref<80x128xf32, #tpu.memory_space<vmem>>)
      %run_scoped3A_495 = arith.constant 1 : i32
      "tpu.region"() ({
        %run_scoped3A_597 = tpu.sem_alloc : memref<!tpu.dma_semaphore, #tpu.memory_space<semaphore_mem>>
        %dma_start3A_598 = arith.constant 0 : i32
        %dma_start3A_599 = tpu.memref_slice %arg6[%run_scoped3A_495, %dma_start3A_598] : memref<2x80xi32, #tpu.memory_space<vmem>> -> memref<1x80xi32, #tpu.memory_space<vmem>>
        %dma_start3A_600 = tpu.memref_squeeze %dma_start3A_599 : memref<1x80xi32, #tpu.memory_space<vmem>> -> memref<80xi32, #tpu.memory_space<vmem>>
        %dma_start3A_601 = arith.constant 0 : i32
        %dma_start3A_602 = arith.constant 0 : i32
        %dma_start3A_603 = tpu.memref_slice %arg12[%dma_start3A_601, %dma_start3A_602] : memref<10240x128xf32, #tpu.memory_space<vmem_shared>> -> memref<10240x128xf32, #tpu.memory_space<vmem_shared>>
        tpu.enqueue_indirect_dma source(%arg9 : memref<80x128xf32, #tpu.memory_space<vmem>>) target(%dma_start3A_603 : memref<10240x128xf32, #tpu.memory_space<vmem_shared>>) offsets(%dma_start3A_600 : memref<80xi32, #tpu.memory_space<vmem>>) semaphore(%run_scoped3A_597 : memref<!tpu.dma_semaphore, #tpu.memory_space<semaphore_mem>>) {add = true}
        %dma_wait3A_604 = arith.constant 0 : i32
        %dma_wait3A_605 = tpu.memref_slice %arg6[%run_scoped3A_495, %dma_wait3A_604] : memref<2x80xi32, #tpu.memory_space<vmem>> -> memref<1x80xi32, #tpu.memory_space<vmem>>
        %dma_wait3A_606 = tpu.memref_squeeze %dma_wait3A_605 : memref<1x80xi32, #tpu.memory_space<vmem>> -> memref<80xi32, #tpu.memory_space<vmem>>
        %dma_wait3A_607 = arith.constant 0 : i32
        %dma_wait3A_608 = arith.constant 0 : i32
        %dma_wait3A_609 = tpu.memref_slice %arg12[%dma_wait3A_607, %dma_wait3A_608] : memref<10240x128xf32, #tpu.memory_space<vmem_shared>> -> memref<10240x128xf32, #tpu.memory_space<vmem_shared>>
        tpu.wait_indirect_dma semaphore(%run_scoped3A_597 : memref<!tpu.dma_semaphore, #tpu.memory_space<semaphore_mem>>) src(%arg9 : memref<80x128xf32, #tpu.memory_space<vmem>>) dst(%dma_wait3A_609 : memref<10240x128xf32, #tpu.memory_space<vmem_shared>>)
        tpu.yield
      }) : () -> ()
      %add3A_496 = arith.constant 3 : i32
      %add3A_497 = arith.addi %add3A_487, %add3A_496 : i32
      %dma_start3A_498 = arith.constant 0 : i32
      %dma_start3A_499 = arith.constant 0 : i32
      %dma_start3A_500 = tpu.memref_slice %arg2[%add3A, %add3A_497, %dma_start3A_498, %dma_start3A_499] : memref<32x125x2x80xi32, #tpu.memory_space<hbm>> -> memref<1x1x2x80xi32, #tpu.memory_space<hbm>>
      %dma_start3A_501 = tpu.memref_squeeze %dma_start3A_500 : memref<1x1x2x80xi32, #tpu.memory_space<hbm>> -> memref<2x80xi32, #tpu.memory_space<hbm>>
      %dma_start3A_502 = arith.constant 0 : i32
      %dma_start3A_503 = arith.constant 0 : i32
      %dma_start3A_504 = tpu.memref_slice %arg2[%add3A, %add3A_497, %dma_start3A_502, %dma_start3A_503] : memref<32x125x2x80xi32, #tpu.memory_space<hbm>> -> memref<1x1x2x80xi32, #tpu.memory_space<hbm>>
      %dma_start3A_505 = tpu.memref_squeeze %dma_start3A_504 : memref<1x1x2x80xi32, #tpu.memory_space<hbm>> -> memref<2x80xi32, #tpu.memory_space<hbm>>
      tpu.enqueue_dma source(%dma_start3A_505 : memref<2x80xi32, #tpu.memory_space<hbm>>) target(%arg5 : memref<2x80xi32, #tpu.memory_space<vmem>>) target_semaphore(%arg13 : memref<!tpu.dma_semaphore, #tpu.memory_space<semaphore_mem>>)
      %add3A_506 = arith.constant 2 : i32
      %add3A_507 = arith.addi %add3A_487, %add3A_506 : i32
      %dma_wait3A_508 = arith.constant 0 : i32
      %dma_wait3A_509 = arith.constant 0 : i32
      %dma_wait3A_510 = tpu.memref_slice %arg2[%add3A, %add3A_507, %dma_wait3A_508, %dma_wait3A_509] : memref<32x125x2x80xi32, #tpu.memory_space<hbm>> -> memref<1x1x2x80xi32, #tpu.memory_space<hbm>>
      %dma_wait3A_511 = tpu.memref_squeeze %dma_wait3A_510 : memref<1x1x2x80xi32, #tpu.memory_space<hbm>> -> memref<2x80xi32, #tpu.memory_space<hbm>>
      %dma_wait3A_512 = arith.constant 0 : i32
      %dma_wait3A_513 = arith.constant 0 : i32
      %dma_wait3A_514 = tpu.memref_slice %arg2[%add3A, %add3A_507, %dma_wait3A_512, %dma_wait3A_513] : memref<32x125x2x80xi32, #tpu.memory_space<hbm>> -> memref<1x1x2x80xi32, #tpu.memory_space<hbm>>
      %dma_wait3A_515 = tpu.memref_squeeze %dma_wait3A_514 : memref<1x1x2x80xi32, #tpu.memory_space<hbm>> -> memref<2x80xi32, #tpu.memory_space<hbm>>
      tpu.wait_dma2 semaphore(%arg16 : memref<!tpu.dma_semaphore, #tpu.memory_space<semaphore_mem>>) src(%dma_wait3A_515 : memref<2x80xi32, #tpu.memory_space<hbm>>) dst(%arg8 : memref<2x80xi32, #tpu.memory_space<vmem>>)
      %dma_start3A_516 = arith.constant 0 : i32
      %dma_start3A_517 = arith.constant 0 : i32
      %dma_start3A_518 = tpu.memref_slice %arg8[%dma_start3A_516, %dma_start3A_517] : memref<2x80xi32, #tpu.memory_space<vmem>> -> memref<1x80xi32, #tpu.memory_space<vmem>>
      %dma_start3A_519 = tpu.memref_squeeze %dma_start3A_518 : memref<1x80xi32, #tpu.memory_space<vmem>> -> memref<80xi32, #tpu.memory_space<vmem>>
      %dma_start3A_520 = arith.constant 0 : i32
      %dma_start3A_521 = arith.constant 0 : i32
      %dma_start3A_522 = tpu.memref_slice %arg3[%dma_start3A_520, %dma_start3A_521] : memref<10000x128xf32, #tpu.memory_space<hbm>> -> memref<10000x128xf32, #tpu.memory_space<hbm>>
      tpu.enqueue_indirect_dma source(%dma_start3A_522 : memref<10000x128xf32, #tpu.memory_space<hbm>>) target(%arg11 : memref<80x128xf32, #tpu.memory_space<vmem>>) offsets(%dma_start3A_519 : memref<80xi32, #tpu.memory_space<vmem>>) semaphore(%arg19 : memref<!tpu.dma_semaphore, #tpu.memory_space<semaphore_mem>>)
      %add3A_523 = arith.constant 10 : i32
      %add3A_524 = arith.addi %add3A_152, %add3A_523 : i32
      %dma_wait3A_525 = arith.constant 0 : i32
      %dma_wait3A_526 = arith.constant 0 : i32
      %dma_wait3A_527 = tpu.memref_slice %arg7[%dma_wait3A_525, %dma_wait3A_526] : memref<2x80xi32, #tpu.memory_space<vmem>> -> memref<1x80xi32, #tpu.memory_space<vmem>>
      %dma_wait3A_528 = tpu.memref_squeeze %dma_wait3A_527 : memref<1x80xi32, #tpu.memory_space<vmem>> -> memref<80xi32, #tpu.memory_space<vmem>>
      %dma_wait3A_529 = arith.constant 0 : i32
      %dma_wait3A_530 = arith.constant 0 : i32
      %dma_wait3A_531 = tpu.memref_slice %arg3[%dma_wait3A_529, %dma_wait3A_530] : memref<10000x128xf32, #tpu.memory_space<hbm>> -> memref<10000x128xf32, #tpu.memory_space<hbm>>
      tpu.wait_indirect_dma semaphore(%arg18 : memref<!tpu.dma_semaphore, #tpu.memory_space<semaphore_mem>>) src(%dma_wait3A_531 : memref<10000x128xf32, #tpu.memory_space<hbm>>) dst(%arg10 : memref<80x128xf32, #tpu.memory_space<vmem>>)
      %run_scoped3A_532 = arith.constant 1 : i32
      "tpu.region"() ({
        %run_scoped3A_597 = tpu.sem_alloc : memref<!tpu.dma_semaphore, #tpu.memory_space<semaphore_mem>>
        %dma_start3A_598 = arith.constant 0 : i32
        %dma_start3A_599 = tpu.memref_slice %arg7[%run_scoped3A_532, %dma_start3A_598] : memref<2x80xi32, #tpu.memory_space<vmem>> -> memref<1x80xi32, #tpu.memory_space<vmem>>
        %dma_start3A_600 = tpu.memref_squeeze %dma_start3A_599 : memref<1x80xi32, #tpu.memory_space<vmem>> -> memref<80xi32, #tpu.memory_space<vmem>>
        %dma_start3A_601 = arith.constant 0 : i32
        %dma_start3A_602 = arith.constant 0 : i32
        %dma_start3A_603 = tpu.memref_slice %arg12[%dma_start3A_601, %dma_start3A_602] : memref<10240x128xf32, #tpu.memory_space<vmem_shared>> -> memref<10240x128xf32, #tpu.memory_space<vmem_shared>>
        tpu.enqueue_indirect_dma source(%arg10 : memref<80x128xf32, #tpu.memory_space<vmem>>) target(%dma_start3A_603 : memref<10240x128xf32, #tpu.memory_space<vmem_shared>>) offsets(%dma_start3A_600 : memref<80xi32, #tpu.memory_space<vmem>>) semaphore(%run_scoped3A_597 : memref<!tpu.dma_semaphore, #tpu.memory_space<semaphore_mem>>) {add = true}
        %dma_wait3A_604 = arith.constant 0 : i32
        %dma_wait3A_605 = tpu.memref_slice %arg7[%run_scoped3A_532, %dma_wait3A_604] : memref<2x80xi32, #tpu.memory_space<vmem>> -> memref<1x80xi32, #tpu.memory_space<vmem>>
        %dma_wait3A_606 = tpu.memref_squeeze %dma_wait3A_605 : memref<1x80xi32, #tpu.memory_space<vmem>> -> memref<80xi32, #tpu.memory_space<vmem>>
        %dma_wait3A_607 = arith.constant 0 : i32
        %dma_wait3A_608 = arith.constant 0 : i32
        %dma_wait3A_609 = tpu.memref_slice %arg12[%dma_wait3A_607, %dma_wait3A_608] : memref<10240x128xf32, #tpu.memory_space<vmem_shared>> -> memref<10240x128xf32, #tpu.memory_space<vmem_shared>>
        tpu.wait_indirect_dma semaphore(%run_scoped3A_597 : memref<!tpu.dma_semaphore, #tpu.memory_space<semaphore_mem>>) src(%arg10 : memref<80x128xf32, #tpu.memory_space<vmem>>) dst(%dma_wait3A_609 : memref<10240x128xf32, #tpu.memory_space<vmem_shared>>)
        tpu.yield
      }) : () -> ()
      %add3A_533 = arith.constant 3 : i32
      %add3A_534 = arith.addi %add3A_524, %add3A_533 : i32
      %dma_start3A_535 = arith.constant 0 : i32
      %dma_start3A_536 = arith.constant 0 : i32
      %dma_start3A_537 = tpu.memref_slice %arg2[%add3A, %add3A_534, %dma_start3A_535, %dma_start3A_536] : memref<32x125x2x80xi32, #tpu.memory_space<hbm>> -> memref<1x1x2x80xi32, #tpu.memory_space<hbm>>
      %dma_start3A_538 = tpu.memref_squeeze %dma_start3A_537 : memref<1x1x2x80xi32, #tpu.memory_space<hbm>> -> memref<2x80xi32, #tpu.memory_space<hbm>>
      %dma_start3A_539 = arith.constant 0 : i32
      %dma_start3A_540 = arith.constant 0 : i32
      %dma_start3A_541 = tpu.memref_slice %arg2[%add3A, %add3A_534, %dma_start3A_539, %dma_start3A_540] : memref<32x125x2x80xi32, #tpu.memory_space<hbm>> -> memref<1x1x2x80xi32, #tpu.memory_space<hbm>>
      %dma_start3A_542 = tpu.memref_squeeze %dma_start3A_541 : memref<1x1x2x80xi32, #tpu.memory_space<hbm>> -> memref<2x80xi32, #tpu.memory_space<hbm>>
      tpu.enqueue_dma source(%dma_start3A_542 : memref<2x80xi32, #tpu.memory_space<hbm>>) target(%arg6 : memref<2x80xi32, #tpu.memory_space<vmem>>) target_semaphore(%arg14 : memref<!tpu.dma_semaphore, #tpu.memory_space<semaphore_mem>>)
      %add3A_543 = arith.constant 2 : i32
      %add3A_544 = arith.addi %add3A_524, %add3A_543 : i32
      %dma_wait3A_545 = arith.constant 0 : i32
      %dma_wait3A_546 = arith.constant 0 : i32
      %dma_wait3A_547 = tpu.memref_slice %arg2[%add3A, %add3A_544, %dma_wait3A_545, %dma_wait3A_546] : memref<32x125x2x80xi32, #tpu.memory_space<hbm>> -> memref<1x1x2x80xi32, #tpu.memory_space<hbm>>
      %dma_wait3A_548 = tpu.memref_squeeze %dma_wait3A_547 : memref<1x1x2x80xi32, #tpu.memory_space<hbm>> -> memref<2x80xi32, #tpu.memory_space<hbm>>
      %dma_wait3A_549 = arith.constant 0 : i32
      %dma_wait3A_550 = arith.constant 0 : i32
      %dma_wait3A_551 = tpu.memref_slice %arg2[%add3A, %add3A_544, %dma_wait3A_549, %dma_wait3A_550] : memref<32x125x2x80xi32, #tpu.memory_space<hbm>> -> memref<1x1x2x80xi32, #tpu.memory_space<hbm>>
      %dma_wait3A_552 = tpu.memref_squeeze %dma_wait3A_551 : memref<1x1x2x80xi32, #tpu.memory_space<hbm>> -> memref<2x80xi32, #tpu.memory_space<hbm>>
      tpu.wait_dma2 semaphore(%arg13 : memref<!tpu.dma_semaphore, #tpu.memory_space<semaphore_mem>>) src(%dma_wait3A_552 : memref<2x80xi32, #tpu.memory_space<hbm>>) dst(%arg5 : memref<2x80xi32, #tpu.memory_space<vmem>>)
      %dma_start3A_553 = arith.constant 0 : i32
      %dma_start3A_554 = arith.constant 0 : i32
      %dma_start3A_555 = tpu.memref_slice %arg5[%dma_start3A_553, %dma_start3A_554] : memref<2x80xi32, #tpu.memory_space<vmem>> -> memref<1x80xi32, #tpu.memory_space<vmem>>
      %dma_start3A_556 = tpu.memref_squeeze %dma_start3A_555 : memref<1x80xi32, #tpu.memory_space<vmem>> -> memref<80xi32, #tpu.memory_space<vmem>>
      %dma_start3A_557 = arith.constant 0 : i32
      %dma_start3A_558 = arith.constant 0 : i32
      %dma_start3A_559 = tpu.memref_slice %arg3[%dma_start3A_557, %dma_start3A_558] : memref<10000x128xf32, #tpu.memory_space<hbm>> -> memref<10000x128xf32, #tpu.memory_space<hbm>>
      tpu.enqueue_indirect_dma source(%dma_start3A_559 : memref<10000x128xf32, #tpu.memory_space<hbm>>) target(%arg9 : memref<80x128xf32, #tpu.memory_space<vmem>>) offsets(%dma_start3A_556 : memref<80xi32, #tpu.memory_space<vmem>>) semaphore(%arg17 : memref<!tpu.dma_semaphore, #tpu.memory_space<semaphore_mem>>)
      %add3A_560 = arith.constant 11 : i32
      %add3A_561 = arith.addi %add3A_152, %add3A_560 : i32
      %dma_wait3A_562 = arith.constant 0 : i32
      %dma_wait3A_563 = arith.constant 0 : i32
      %dma_wait3A_564 = tpu.memref_slice %arg8[%dma_wait3A_562, %dma_wait3A_563] : memref<2x80xi32, #tpu.memory_space<vmem>> -> memref<1x80xi32, #tpu.memory_space<vmem>>
      %dma_wait3A_565 = tpu.memref_squeeze %dma_wait3A_564 : memref<1x80xi32, #tpu.memory_space<vmem>> -> memref<80xi32, #tpu.memory_space<vmem>>
      %dma_wait3A_566 = arith.constant 0 : i32
      %dma_wait3A_567 = arith.constant 0 : i32
      %dma_wait3A_568 = tpu.memref_slice %arg3[%dma_wait3A_566, %dma_wait3A_567] : memref<10000x128xf32, #tpu.memory_space<hbm>> -> memref<10000x128xf32, #tpu.memory_space<hbm>>
      tpu.wait_indirect_dma semaphore(%arg19 : memref<!tpu.dma_semaphore, #tpu.memory_space<semaphore_mem>>) src(%dma_wait3A_568 : memref<10000x128xf32, #tpu.memory_space<hbm>>) dst(%arg11 : memref<80x128xf32, #tpu.memory_space<vmem>>)
      %run_scoped3A_569 = arith.constant 1 : i32
      "tpu.region"() ({
        %run_scoped3A_597 = tpu.sem_alloc : memref<!tpu.dma_semaphore, #tpu.memory_space<semaphore_mem>>
        %dma_start3A_598 = arith.constant 0 : i32
        %dma_start3A_599 = tpu.memref_slice %arg8[%run_scoped3A_569, %dma_start3A_598] : memref<2x80xi32, #tpu.memory_space<vmem>> -> memref<1x80xi32, #tpu.memory_space<vmem>>
        %dma_start3A_600 = tpu.memref_squeeze %dma_start3A_599 : memref<1x80xi32, #tpu.memory_space<vmem>> -> memref<80xi32, #tpu.memory_space<vmem>>
        %dma_start3A_601 = arith.constant 0 : i32
        %dma_start3A_602 = arith.constant 0 : i32
        %dma_start3A_603 = tpu.memref_slice %arg12[%dma_start3A_601, %dma_start3A_602] : memref<10240x128xf32, #tpu.memory_space<vmem_shared>> -> memref<10240x128xf32, #tpu.memory_space<vmem_shared>>
        tpu.enqueue_indirect_dma source(%arg11 : memref<80x128xf32, #tpu.memory_space<vmem>>) target(%dma_start3A_603 : memref<10240x128xf32, #tpu.memory_space<vmem_shared>>) offsets(%dma_start3A_600 : memref<80xi32, #tpu.memory_space<vmem>>) semaphore(%run_scoped3A_597 : memref<!tpu.dma_semaphore, #tpu.memory_space<semaphore_mem>>) {add = true}
        %dma_wait3A_604 = arith.constant 0 : i32
        %dma_wait3A_605 = tpu.memref_slice %arg8[%run_scoped3A_569, %dma_wait3A_604] : memref<2x80xi32, #tpu.memory_space<vmem>> -> memref<1x80xi32, #tpu.memory_space<vmem>>
        %dma_wait3A_606 = tpu.memref_squeeze %dma_wait3A_605 : memref<1x80xi32, #tpu.memory_space<vmem>> -> memref<80xi32, #tpu.memory_space<vmem>>
        %dma_wait3A_607 = arith.constant 0 : i32
        %dma_wait3A_608 = arith.constant 0 : i32
        %dma_wait3A_609 = tpu.memref_slice %arg12[%dma_wait3A_607, %dma_wait3A_608] : memref<10240x128xf32, #tpu.memory_space<vmem_shared>> -> memref<10240x128xf32, #tpu.memory_space<vmem_shared>>
        tpu.wait_indirect_dma semaphore(%run_scoped3A_597 : memref<!tpu.dma_semaphore, #tpu.memory_space<semaphore_mem>>) src(%arg11 : memref<80x128xf32, #tpu.memory_space<vmem>>) dst(%dma_wait3A_609 : memref<10240x128xf32, #tpu.memory_space<vmem_shared>>)
        tpu.yield
      }) : () -> ()
      %add3A_570 = arith.constant 3 : i32
      %add3A_571 = arith.addi %add3A_561, %add3A_570 : i32
      %dma_start3A_572 = arith.constant 0 : i32
      %dma_start3A_573 = arith.constant 0 : i32
      %dma_start3A_574 = tpu.memref_slice %arg2[%add3A, %add3A_571, %dma_start3A_572, %dma_start3A_573] : memref<32x125x2x80xi32, #tpu.memory_space<hbm>> -> memref<1x1x2x80xi32, #tpu.memory_space<hbm>>
      %dma_start3A_575 = tpu.memref_squeeze %dma_start3A_574 : memref<1x1x2x80xi32, #tpu.memory_space<hbm>> -> memref<2x80xi32, #tpu.memory_space<hbm>>
      %dma_start3A_576 = arith.constant 0 : i32
      %dma_start3A_577 = arith.constant 0 : i32
      %dma_start3A_578 = tpu.memref_slice %arg2[%add3A, %add3A_571, %dma_start3A_576, %dma_start3A_577] : memref<32x125x2x80xi32, #tpu.memory_space<hbm>> -> memref<1x1x2x80xi32, #tpu.memory_space<hbm>>
      %dma_start3A_579 = tpu.memref_squeeze %dma_start3A_578 : memref<1x1x2x80xi32, #tpu.memory_space<hbm>> -> memref<2x80xi32, #tpu.memory_space<hbm>>
      tpu.enqueue_dma source(%dma_start3A_579 : memref<2x80xi32, #tpu.memory_space<hbm>>) target(%arg7 : memref<2x80xi32, #tpu.memory_space<vmem>>) target_semaphore(%arg15 : memref<!tpu.dma_semaphore, #tpu.memory_space<semaphore_mem>>)
      %add3A_580 = arith.constant 2 : i32
      %add3A_581 = arith.addi %add3A_561, %add3A_580 : i32
      %dma_wait3A_582 = arith.constant 0 : i32
      %dma_wait3A_583 = arith.constant 0 : i32
      %dma_wait3A_584 = tpu.memref_slice %arg2[%add3A, %add3A_581, %dma_wait3A_582, %dma_wait3A_583] : memref<32x125x2x80xi32, #tpu.memory_space<hbm>> -> memref<1x1x2x80xi32, #tpu.memory_space<hbm>>
      %dma_wait3A_585 = tpu.memref_squeeze %dma_wait3A_584 : memref<1x1x2x80xi32, #tpu.memory_space<hbm>> -> memref<2x80xi32, #tpu.memory_space<hbm>>
      %dma_wait3A_586 = arith.constant 0 : i32
      %dma_wait3A_587 = arith.constant 0 : i32
      %dma_wait3A_588 = tpu.memref_slice %arg2[%add3A, %add3A_581, %dma_wait3A_586, %dma_wait3A_587] : memref<32x125x2x80xi32, #tpu.memory_space<hbm>> -> memref<1x1x2x80xi32, #tpu.memory_space<hbm>>
      %dma_wait3A_589 = tpu.memref_squeeze %dma_wait3A_588 : memref<1x1x2x80xi32, #tpu.memory_space<hbm>> -> memref<2x80xi32, #tpu.memory_space<hbm>>
      tpu.wait_dma2 semaphore(%arg14 : memref<!tpu.dma_semaphore, #tpu.memory_space<semaphore_mem>>) src(%dma_wait3A_589 : memref<2x80xi32, #tpu.memory_space<hbm>>) dst(%arg6 : memref<2x80xi32, #tpu.memory_space<vmem>>)
      %dma_start3A_590 = arith.constant 0 : i32
      %dma_start3A_591 = arith.constant 0 : i32
      %dma_start3A_592 = tpu.memref_slice %arg6[%dma_start3A_590, %dma_start3A_591] : memref<2x80xi32, #tpu.memory_space<vmem>> -> memref<1x80xi32, #tpu.memory_space<vmem>>
      %dma_start3A_593 = tpu.memref_squeeze %dma_start3A_592 : memref<1x80xi32, #tpu.memory_space<vmem>> -> memref<80xi32, #tpu.memory_space<vmem>>
      %dma_start3A_594 = arith.constant 0 : i32
      %dma_start3A_595 = arith.constant 0 : i32
      %dma_start3A_596 = tpu.memref_slice %arg3[%dma_start3A_594, %dma_start3A_595] : memref<10000x128xf32, #tpu.memory_space<hbm>> -> memref<10000x128xf32, #tpu.memory_space<hbm>>
      tpu.enqueue_indirect_dma source(%dma_start3A_596 : memref<10000x128xf32, #tpu.memory_space<hbm>>) target(%arg10 : memref<80x128xf32, #tpu.memory_space<vmem>>) offsets(%dma_start3A_593 : memref<80xi32, #tpu.memory_space<vmem>>) semaphore(%arg18 : memref<!tpu.dma_semaphore, #tpu.memory_space<semaphore_mem>>)
    }
    %scan3A_37 = arith.constant 10 : i32
    %dma_wait3A = arith.constant 0 : i32
    %dma_wait3A_38 = arith.constant 0 : i32
    %dma_wait3A_39 = tpu.memref_slice %arg5[%dma_wait3A, %dma_wait3A_38] : memref<2x80xi32, #tpu.memory_space<vmem>> -> memref<1x80xi32, #tpu.memory_space<vmem>>
    %dma_wait3A_40 = tpu.memref_squeeze %dma_wait3A_39 : memref<1x80xi32, #tpu.memory_space<vmem>> -> memref<80xi32, #tpu.memory_space<vmem>>
    %dma_wait3A_41 = arith.constant 0 : i32
    %dma_wait3A_42 = arith.constant 0 : i32
    %dma_wait3A_43 = tpu.memref_slice %arg3[%dma_wait3A_41, %dma_wait3A_42] : memref<10000x128xf32, #tpu.memory_space<hbm>> -> memref<10000x128xf32, #tpu.memory_space<hbm>>
    tpu.wait_indirect_dma semaphore(%arg17 : memref<!tpu.dma_semaphore, #tpu.memory_space<semaphore_mem>>) src(%dma_wait3A_43 : memref<10000x128xf32, #tpu.memory_space<hbm>>) dst(%arg9 : memref<80x128xf32, #tpu.memory_space<vmem>>)
    %run_scoped3A_44 = arith.constant 1 : i32
    "tpu.region"() ({
      %run_scoped3A_148 = tpu.sem_alloc : memref<!tpu.dma_semaphore, #tpu.memory_space<semaphore_mem>>
      %dma_start3A_149 = arith.constant 0 : i32
      %dma_start3A_150 = tpu.memref_slice %arg5[%run_scoped3A_44, %dma_start3A_149] : memref<2x80xi32, #tpu.memory_space<vmem>> -> memref<1x80xi32, #tpu.memory_space<vmem>>
      %dma_start3A_151 = tpu.memref_squeeze %dma_start3A_150 : memref<1x80xi32, #tpu.memory_space<vmem>> -> memref<80xi32, #tpu.memory_space<vmem>>
      %dma_start3A_152 = arith.constant 0 : i32
      %dma_start3A_153 = arith.constant 0 : i32
      %dma_start3A_154 = tpu.memref_slice %arg12[%dma_start3A_152, %dma_start3A_153] : memref<10240x128xf32, #tpu.memory_space<vmem_shared>> -> memref<10240x128xf32, #tpu.memory_space<vmem_shared>>
      tpu.enqueue_indirect_dma source(%arg9 : memref<80x128xf32, #tpu.memory_space<vmem>>) target(%dma_start3A_154 : memref<10240x128xf32, #tpu.memory_space<vmem_shared>>) offsets(%dma_start3A_151 : memref<80xi32, #tpu.memory_space<vmem>>) semaphore(%run_scoped3A_148 : memref<!tpu.dma_semaphore, #tpu.memory_space<semaphore_mem>>) {add = true}
      %dma_wait3A_155 = arith.constant 0 : i32
      %dma_wait3A_156 = tpu.memref_slice %arg5[%run_scoped3A_44, %dma_wait3A_155] : memref<2x80xi32, #tpu.memory_space<vmem>> -> memref<1x80xi32, #tpu.memory_space<vmem>>
      %dma_wait3A_157 = tpu.memref_squeeze %dma_wait3A_156 : memref<1x80xi32, #tpu.memory_space<vmem>> -> memref<80xi32, #tpu.memory_space<vmem>>
      %dma_wait3A_158 = arith.constant 0 : i32
      %dma_wait3A_159 = arith.constant 0 : i32
      %dma_wait3A_160 = tpu.memref_slice %arg12[%dma_wait3A_158, %dma_wait3A_159] : memref<10240x128xf32, #tpu.memory_space<vmem_shared>> -> memref<10240x128xf32, #tpu.memory_space<vmem_shared>>
      tpu.wait_indirect_dma semaphore(%run_scoped3A_148 : memref<!tpu.dma_semaphore, #tpu.memory_space<semaphore_mem>>) src(%arg9 : memref<80x128xf32, #tpu.memory_space<vmem>>) dst(%dma_wait3A_160 : memref<10240x128xf32, #tpu.memory_space<vmem_shared>>)
      tpu.yield
    }) : () -> ()
    %dma_start3A_45 = arith.constant 123 : i32
    %dma_start3A_46 = arith.constant 0 : i32
    %dma_start3A_47 = arith.constant 0 : i32
    %dma_start3A_48 = tpu.memref_slice %arg2[%add3A, %dma_start3A_45, %dma_start3A_46, %dma_start3A_47] : memref<32x125x2x80xi32, #tpu.memory_space<hbm>> -> memref<1x1x2x80xi32, #tpu.memory_space<hbm>>
    %dma_start3A_49 = tpu.memref_squeeze %dma_start3A_48 : memref<1x1x2x80xi32, #tpu.memory_space<hbm>> -> memref<2x80xi32, #tpu.memory_space<hbm>>
    %dma_start3A_50 = arith.constant 0 : i32
    %dma_start3A_51 = arith.constant 0 : i32
    %dma_start3A_52 = tpu.memref_slice %arg2[%add3A, %dma_start3A_45, %dma_start3A_50, %dma_start3A_51] : memref<32x125x2x80xi32, #tpu.memory_space<hbm>> -> memref<1x1x2x80xi32, #tpu.memory_space<hbm>>
    %dma_start3A_53 = tpu.memref_squeeze %dma_start3A_52 : memref<1x1x2x80xi32, #tpu.memory_space<hbm>> -> memref<2x80xi32, #tpu.memory_space<hbm>>
    tpu.enqueue_dma source(%dma_start3A_53 : memref<2x80xi32, #tpu.memory_space<hbm>>) target(%arg8 : memref<2x80xi32, #tpu.memory_space<vmem>>) target_semaphore(%arg16 : memref<!tpu.dma_semaphore, #tpu.memory_space<semaphore_mem>>)
    %dma_wait3A_54 = arith.constant 122 : i32
    %dma_wait3A_55 = arith.constant 0 : i32
    %dma_wait3A_56 = arith.constant 0 : i32
    %dma_wait3A_57 = tpu.memref_slice %arg2[%add3A, %dma_wait3A_54, %dma_wait3A_55, %dma_wait3A_56] : memref<32x125x2x80xi32, #tpu.memory_space<hbm>> -> memref<1x1x2x80xi32, #tpu.memory_space<hbm>>
    %dma_wait3A_58 = tpu.memref_squeeze %dma_wait3A_57 : memref<1x1x2x80xi32, #tpu.memory_space<hbm>> -> memref<2x80xi32, #tpu.memory_space<hbm>>
    %dma_wait3A_59 = arith.constant 0 : i32
    %dma_wait3A_60 = arith.constant 0 : i32
    %dma_wait3A_61 = tpu.memref_slice %arg2[%add3A, %dma_wait3A_54, %dma_wait3A_59, %dma_wait3A_60] : memref<32x125x2x80xi32, #tpu.memory_space<hbm>> -> memref<1x1x2x80xi32, #tpu.memory_space<hbm>>
    %dma_wait3A_62 = tpu.memref_squeeze %dma_wait3A_61 : memref<1x1x2x80xi32, #tpu.memory_space<hbm>> -> memref<2x80xi32, #tpu.memory_space<hbm>>
    tpu.wait_dma2 semaphore(%arg15 : memref<!tpu.dma_semaphore, #tpu.memory_space<semaphore_mem>>) src(%dma_wait3A_62 : memref<2x80xi32, #tpu.memory_space<hbm>>) dst(%arg7 : memref<2x80xi32, #tpu.memory_space<vmem>>)
    %dma_start3A_63 = arith.constant 0 : i32
    %dma_start3A_64 = arith.constant 0 : i32
    %dma_start3A_65 = tpu.memref_slice %arg7[%dma_start3A_63, %dma_start3A_64] : memref<2x80xi32, #tpu.memory_space<vmem>> -> memref<1x80xi32, #tpu.memory_space<vmem>>
    %dma_start3A_66 = tpu.memref_squeeze %dma_start3A_65 : memref<1x80xi32, #tpu.memory_space<vmem>> -> memref<80xi32, #tpu.memory_space<vmem>>
    %dma_start3A_67 = arith.constant 0 : i32
    %dma_start3A_68 = arith.constant 0 : i32
    %dma_start3A_69 = tpu.memref_slice %arg3[%dma_start3A_67, %dma_start3A_68] : memref<10000x128xf32, #tpu.memory_space<hbm>> -> memref<10000x128xf32, #tpu.memory_space<hbm>>
    tpu.enqueue_indirect_dma source(%dma_start3A_69 : memref<10000x128xf32, #tpu.memory_space<hbm>>) target(%arg11 : memref<80x128xf32, #tpu.memory_space<vmem>>) offsets(%dma_start3A_66 : memref<80xi32, #tpu.memory_space<vmem>>) semaphore(%arg19 : memref<!tpu.dma_semaphore, #tpu.memory_space<semaphore_mem>>)
    %dma_wait3A_70 = arith.constant 0 : i32
    %dma_wait3A_71 = arith.constant 0 : i32
    %dma_wait3A_72 = tpu.memref_slice %arg6[%dma_wait3A_70, %dma_wait3A_71] : memref<2x80xi32, #tpu.memory_space<vmem>> -> memref<1x80xi32, #tpu.memory_space<vmem>>
    %dma_wait3A_73 = tpu.memref_squeeze %dma_wait3A_72 : memref<1x80xi32, #tpu.memory_space<vmem>> -> memref<80xi32, #tpu.memory_space<vmem>>
    %dma_wait3A_74 = arith.constant 0 : i32
    %dma_wait3A_75 = arith.constant 0 : i32
    %dma_wait3A_76 = tpu.memref_slice %arg3[%dma_wait3A_74, %dma_wait3A_75] : memref<10000x128xf32, #tpu.memory_space<hbm>> -> memref<10000x128xf32, #tpu.memory_space<hbm>>
    tpu.wait_indirect_dma semaphore(%arg18 : memref<!tpu.dma_semaphore, #tpu.memory_space<semaphore_mem>>) src(%dma_wait3A_76 : memref<10000x128xf32, #tpu.memory_space<hbm>>) dst(%arg10 : memref<80x128xf32, #tpu.memory_space<vmem>>)
    %run_scoped3A_77 = arith.constant 1 : i32
    "tpu.region"() ({
      %run_scoped3A_148 = tpu.sem_alloc : memref<!tpu.dma_semaphore, #tpu.memory_space<semaphore_mem>>
      %dma_start3A_149 = arith.constant 0 : i32
      %dma_start3A_150 = tpu.memref_slice %arg6[%run_scoped3A_77, %dma_start3A_149] : memref<2x80xi32, #tpu.memory_space<vmem>> -> memref<1x80xi32, #tpu.memory_space<vmem>>
      %dma_start3A_151 = tpu.memref_squeeze %dma_start3A_150 : memref<1x80xi32, #tpu.memory_space<vmem>> -> memref<80xi32, #tpu.memory_space<vmem>>
      %dma_start3A_152 = arith.constant 0 : i32
      %dma_start3A_153 = arith.constant 0 : i32
      %dma_start3A_154 = tpu.memref_slice %arg12[%dma_start3A_152, %dma_start3A_153] : memref<10240x128xf32, #tpu.memory_space<vmem_shared>> -> memref<10240x128xf32, #tpu.memory_space<vmem_shared>>
      tpu.enqueue_indirect_dma source(%arg10 : memref<80x128xf32, #tpu.memory_space<vmem>>) target(%dma_start3A_154 : memref<10240x128xf32, #tpu.memory_space<vmem_shared>>) offsets(%dma_start3A_151 : memref<80xi32, #tpu.memory_space<vmem>>) semaphore(%run_scoped3A_148 : memref<!tpu.dma_semaphore, #tpu.memory_space<semaphore_mem>>) {add = true}
      %dma_wait3A_155 = arith.constant 0 : i32
      %dma_wait3A_156 = tpu.memref_slice %arg6[%run_scoped3A_77, %dma_wait3A_155] : memref<2x80xi32, #tpu.memory_space<vmem>> -> memref<1x80xi32, #tpu.memory_space<vmem>>
      %dma_wait3A_157 = tpu.memref_squeeze %dma_wait3A_156 : memref<1x80xi32, #tpu.memory_space<vmem>> -> memref<80xi32, #tpu.memory_space<vmem>>
      %dma_wait3A_158 = arith.constant 0 : i32
      %dma_wait3A_159 = arith.constant 0 : i32
      %dma_wait3A_160 = tpu.memref_slice %arg12[%dma_wait3A_158, %dma_wait3A_159] : memref<10240x128xf32, #tpu.memory_space<vmem_shared>> -> memref<10240x128xf32, #tpu.memory_space<vmem_shared>>
      tpu.wait_indirect_dma semaphore(%run_scoped3A_148 : memref<!tpu.dma_semaphore, #tpu.memory_space<semaphore_mem>>) src(%arg10 : memref<80x128xf32, #tpu.memory_space<vmem>>) dst(%dma_wait3A_160 : memref<10240x128xf32, #tpu.memory_space<vmem_shared>>)
      tpu.yield
    }) : () -> ()
    %dma_start3A_78 = arith.constant 124 : i32
    %dma_start3A_79 = arith.constant 0 : i32
    %dma_start3A_80 = arith.constant 0 : i32
    %dma_start3A_81 = tpu.memref_slice %arg2[%add3A, %dma_start3A_78, %dma_start3A_79, %dma_start3A_80] : memref<32x125x2x80xi32, #tpu.memory_space<hbm>> -> memref<1x1x2x80xi32, #tpu.memory_space<hbm>>
    %dma_start3A_82 = tpu.memref_squeeze %dma_start3A_81 : memref<1x1x2x80xi32, #tpu.memory_space<hbm>> -> memref<2x80xi32, #tpu.memory_space<hbm>>
    %dma_start3A_83 = arith.constant 0 : i32
    %dma_start3A_84 = arith.constant 0 : i32
    %dma_start3A_85 = tpu.memref_slice %arg2[%add3A, %dma_start3A_78, %dma_start3A_83, %dma_start3A_84] : memref<32x125x2x80xi32, #tpu.memory_space<hbm>> -> memref<1x1x2x80xi32, #tpu.memory_space<hbm>>
    %dma_start3A_86 = tpu.memref_squeeze %dma_start3A_85 : memref<1x1x2x80xi32, #tpu.memory_space<hbm>> -> memref<2x80xi32, #tpu.memory_space<hbm>>
    tpu.enqueue_dma source(%dma_start3A_86 : memref<2x80xi32, #tpu.memory_space<hbm>>) target(%arg5 : memref<2x80xi32, #tpu.memory_space<vmem>>) target_semaphore(%arg13 : memref<!tpu.dma_semaphore, #tpu.memory_space<semaphore_mem>>)
    %dma_wait3A_87 = arith.constant 123 : i32
    %dma_wait3A_88 = arith.constant 0 : i32
    %dma_wait3A_89 = arith.constant 0 : i32
    %dma_wait3A_90 = tpu.memref_slice %arg2[%add3A, %dma_wait3A_87, %dma_wait3A_88, %dma_wait3A_89] : memref<32x125x2x80xi32, #tpu.memory_space<hbm>> -> memref<1x1x2x80xi32, #tpu.memory_space<hbm>>
    %dma_wait3A_91 = tpu.memref_squeeze %dma_wait3A_90 : memref<1x1x2x80xi32, #tpu.memory_space<hbm>> -> memref<2x80xi32, #tpu.memory_space<hbm>>
    %dma_wait3A_92 = arith.constant 0 : i32
    %dma_wait3A_93 = arith.constant 0 : i32
    %dma_wait3A_94 = tpu.memref_slice %arg2[%add3A, %dma_wait3A_87, %dma_wait3A_92, %dma_wait3A_93] : memref<32x125x2x80xi32, #tpu.memory_space<hbm>> -> memref<1x1x2x80xi32, #tpu.memory_space<hbm>>
    %dma_wait3A_95 = tpu.memref_squeeze %dma_wait3A_94 : memref<1x1x2x80xi32, #tpu.memory_space<hbm>> -> memref<2x80xi32, #tpu.memory_space<hbm>>
    tpu.wait_dma2 semaphore(%arg16 : memref<!tpu.dma_semaphore, #tpu.memory_space<semaphore_mem>>) src(%dma_wait3A_95 : memref<2x80xi32, #tpu.memory_space<hbm>>) dst(%arg8 : memref<2x80xi32, #tpu.memory_space<vmem>>)
    %dma_start3A_96 = arith.constant 0 : i32
    %dma_start3A_97 = arith.constant 0 : i32
    %dma_start3A_98 = tpu.memref_slice %arg8[%dma_start3A_96, %dma_start3A_97] : memref<2x80xi32, #tpu.memory_space<vmem>> -> memref<1x80xi32, #tpu.memory_space<vmem>>
    %dma_start3A_99 = tpu.memref_squeeze %dma_start3A_98 : memref<1x80xi32, #tpu.memory_space<vmem>> -> memref<80xi32, #tpu.memory_space<vmem>>
    %dma_start3A_100 = arith.constant 0 : i32
    %dma_start3A_101 = arith.constant 0 : i32
    %dma_start3A_102 = tpu.memref_slice %arg3[%dma_start3A_100, %dma_start3A_101] : memref<10000x128xf32, #tpu.memory_space<hbm>> -> memref<10000x128xf32, #tpu.memory_space<hbm>>
    tpu.enqueue_indirect_dma source(%dma_start3A_102 : memref<10000x128xf32, #tpu.memory_space<hbm>>) target(%arg9 : memref<80x128xf32, #tpu.memory_space<vmem>>) offsets(%dma_start3A_99 : memref<80xi32, #tpu.memory_space<vmem>>) semaphore(%arg17 : memref<!tpu.dma_semaphore, #tpu.memory_space<semaphore_mem>>)
    %dma_wait3A_103 = arith.constant 0 : i32
    %dma_wait3A_104 = arith.constant 0 : i32
    %dma_wait3A_105 = tpu.memref_slice %arg7[%dma_wait3A_103, %dma_wait3A_104] : memref<2x80xi32, #tpu.memory_space<vmem>> -> memref<1x80xi32, #tpu.memory_space<vmem>>
    %dma_wait3A_106 = tpu.memref_squeeze %dma_wait3A_105 : memref<1x80xi32, #tpu.memory_space<vmem>> -> memref<80xi32, #tpu.memory_space<vmem>>
    %dma_wait3A_107 = arith.constant 0 : i32
    %dma_wait3A_108 = arith.constant 0 : i32
    %dma_wait3A_109 = tpu.memref_slice %arg3[%dma_wait3A_107, %dma_wait3A_108] : memref<10000x128xf32, #tpu.memory_space<hbm>> -> memref<10000x128xf32, #tpu.memory_space<hbm>>
    tpu.wait_indirect_dma semaphore(%arg19 : memref<!tpu.dma_semaphore, #tpu.memory_space<semaphore_mem>>) src(%dma_wait3A_109 : memref<10000x128xf32, #tpu.memory_space<hbm>>) dst(%arg11 : memref<80x128xf32, #tpu.memory_space<vmem>>)
    %run_scoped3A_110 = arith.constant 1 : i32
    "tpu.region"() ({
      %run_scoped3A_148 = tpu.sem_alloc : memref<!tpu.dma_semaphore, #tpu.memory_space<semaphore_mem>>
      %dma_start3A_149 = arith.constant 0 : i32
      %dma_start3A_150 = tpu.memref_slice %arg7[%run_scoped3A_110, %dma_start3A_149] : memref<2x80xi32, #tpu.memory_space<vmem>> -> memref<1x80xi32, #tpu.memory_space<vmem>>
      %dma_start3A_151 = tpu.memref_squeeze %dma_start3A_150 : memref<1x80xi32, #tpu.memory_space<vmem>> -> memref<80xi32, #tpu.memory_space<vmem>>
      %dma_start3A_152 = arith.constant 0 : i32
      %dma_start3A_153 = arith.constant 0 : i32
      %dma_start3A_154 = tpu.memref_slice %arg12[%dma_start3A_152, %dma_start3A_153] : memref<10240x128xf32, #tpu.memory_space<vmem_shared>> -> memref<10240x128xf32, #tpu.memory_space<vmem_shared>>
      tpu.enqueue_indirect_dma source(%arg11 : memref<80x128xf32, #tpu.memory_space<vmem>>) target(%dma_start3A_154 : memref<10240x128xf32, #tpu.memory_space<vmem_shared>>) offsets(%dma_start3A_151 : memref<80xi32, #tpu.memory_space<vmem>>) semaphore(%run_scoped3A_148 : memref<!tpu.dma_semaphore, #tpu.memory_space<semaphore_mem>>) {add = true}
      %dma_wait3A_155 = arith.constant 0 : i32
      %dma_wait3A_156 = tpu.memref_slice %arg7[%run_scoped3A_110, %dma_wait3A_155] : memref<2x80xi32, #tpu.memory_space<vmem>> -> memref<1x80xi32, #tpu.memory_space<vmem>>
      %dma_wait3A_157 = tpu.memref_squeeze %dma_wait3A_156 : memref<1x80xi32, #tpu.memory_space<vmem>> -> memref<80xi32, #tpu.memory_space<vmem>>
      %dma_wait3A_158 = arith.constant 0 : i32
      %dma_wait3A_159 = arith.constant 0 : i32
      %dma_wait3A_160 = tpu.memref_slice %arg12[%dma_wait3A_158, %dma_wait3A_159] : memref<10240x128xf32, #tpu.memory_space<vmem_shared>> -> memref<10240x128xf32, #tpu.memory_space<vmem_shared>>
      tpu.wait_indirect_dma semaphore(%run_scoped3A_148 : memref<!tpu.dma_semaphore, #tpu.memory_space<semaphore_mem>>) src(%arg11 : memref<80x128xf32, #tpu.memory_space<vmem>>) dst(%dma_wait3A_160 : memref<10240x128xf32, #tpu.memory_space<vmem_shared>>)
      tpu.yield
    }) : () -> ()
    %dma_wait3A_111 = arith.constant 124 : i32
    %dma_wait3A_112 = arith.constant 0 : i32
    %dma_wait3A_113 = arith.constant 0 : i32
    %dma_wait3A_114 = tpu.memref_slice %arg2[%add3A, %dma_wait3A_111, %dma_wait3A_112, %dma_wait3A_113] : memref<32x125x2x80xi32, #tpu.memory_space<hbm>> -> memref<1x1x2x80xi32, #tpu.memory_space<hbm>>
    %dma_wait3A_115 = tpu.memref_squeeze %dma_wait3A_114 : memref<1x1x2x80xi32, #tpu.memory_space<hbm>> -> memref<2x80xi32, #tpu.memory_space<hbm>>
    %dma_wait3A_116 = arith.constant 0 : i32
    %dma_wait3A_117 = arith.constant 0 : i32
    %dma_wait3A_118 = tpu.memref_slice %arg2[%add3A, %dma_wait3A_111, %dma_wait3A_116, %dma_wait3A_117] : memref<32x125x2x80xi32, #tpu.memory_space<hbm>> -> memref<1x1x2x80xi32, #tpu.memory_space<hbm>>
    %dma_wait3A_119 = tpu.memref_squeeze %dma_wait3A_118 : memref<1x1x2x80xi32, #tpu.memory_space<hbm>> -> memref<2x80xi32, #tpu.memory_space<hbm>>
    tpu.wait_dma2 semaphore(%arg13 : memref<!tpu.dma_semaphore, #tpu.memory_space<semaphore_mem>>) src(%dma_wait3A_119 : memref<2x80xi32, #tpu.memory_space<hbm>>) dst(%arg5 : memref<2x80xi32, #tpu.memory_space<vmem>>)
    %dma_start3A_120 = arith.constant 0 : i32
    %dma_start3A_121 = arith.constant 0 : i32
    %dma_start3A_122 = tpu.memref_slice %arg5[%dma_start3A_120, %dma_start3A_121] : memref<2x80xi32, #tpu.memory_space<vmem>> -> memref<1x80xi32, #tpu.memory_space<vmem>>
    %dma_start3A_123 = tpu.memref_squeeze %dma_start3A_122 : memref<1x80xi32, #tpu.memory_space<vmem>> -> memref<80xi32, #tpu.memory_space<vmem>>
    %dma_start3A_124 = arith.constant 0 : i32
    %dma_start3A_125 = arith.constant 0 : i32
    %dma_start3A_126 = tpu.memref_slice %arg3[%dma_start3A_124, %dma_start3A_125] : memref<10000x128xf32, #tpu.memory_space<hbm>> -> memref<10000x128xf32, #tpu.memory_space<hbm>>
    tpu.enqueue_indirect_dma source(%dma_start3A_126 : memref<10000x128xf32, #tpu.memory_space<hbm>>) target(%arg10 : memref<80x128xf32, #tpu.memory_space<vmem>>) offsets(%dma_start3A_123 : memref<80xi32, #tpu.memory_space<vmem>>) semaphore(%arg18 : memref<!tpu.dma_semaphore, #tpu.memory_space<semaphore_mem>>)
    %dma_wait3A_127 = arith.constant 0 : i32
    %dma_wait3A_128 = arith.constant 0 : i32
    %dma_wait3A_129 = tpu.memref_slice %arg8[%dma_wait3A_127, %dma_wait3A_128] : memref<2x80xi32, #tpu.memory_space<vmem>> -> memref<1x80xi32, #tpu.memory_space<vmem>>
    %dma_wait3A_130 = tpu.memref_squeeze %dma_wait3A_129 : memref<1x80xi32, #tpu.memory_space<vmem>> -> memref<80xi32, #tpu.memory_space<vmem>>
    %dma_wait3A_131 = arith.constant 0 : i32
    %dma_wait3A_132 = arith.constant 0 : i32
    %dma_wait3A_133 = tpu.memref_slice %arg3[%dma_wait3A_131, %dma_wait3A_132] : memref<10000x128xf32, #tpu.memory_space<hbm>> -> memref<10000x128xf32, #tpu.memory_space<hbm>>
    tpu.wait_indirect_dma semaphore(%arg17 : memref<!tpu.dma_semaphore, #tpu.memory_space<semaphore_mem>>) src(%dma_wait3A_133 : memref<10000x128xf32, #tpu.memory_space<hbm>>) dst(%arg9 : memref<80x128xf32, #tpu.memory_space<vmem>>)
    %run_scoped3A_134 = arith.constant 1 : i32
    "tpu.region"() ({
      %run_scoped3A_148 = tpu.sem_alloc : memref<!tpu.dma_semaphore, #tpu.memory_space<semaphore_mem>>
      %dma_start3A_149 = arith.constant 0 : i32
      %dma_start3A_150 = tpu.memref_slice %arg8[%run_scoped3A_134, %dma_start3A_149] : memref<2x80xi32, #tpu.memory_space<vmem>> -> memref<1x80xi32, #tpu.memory_space<vmem>>
      %dma_start3A_151 = tpu.memref_squeeze %dma_start3A_150 : memref<1x80xi32, #tpu.memory_space<vmem>> -> memref<80xi32, #tpu.memory_space<vmem>>
      %dma_start3A_152 = arith.constant 0 : i32
      %dma_start3A_153 = arith.constant 0 : i32
      %dma_start3A_154 = tpu.memref_slice %arg12[%dma_start3A_152, %dma_start3A_153] : memref<10240x128xf32, #tpu.memory_space<vmem_shared>> -> memref<10240x128xf32, #tpu.memory_space<vmem_shared>>
      tpu.enqueue_indirect_dma source(%arg9 : memref<80x128xf32, #tpu.memory_space<vmem>>) target(%dma_start3A_154 : memref<10240x128xf32, #tpu.memory_space<vmem_shared>>) offsets(%dma_start3A_151 : memref<80xi32, #tpu.memory_space<vmem>>) semaphore(%run_scoped3A_148 : memref<!tpu.dma_semaphore, #tpu.memory_space<semaphore_mem>>) {add = true}
      %dma_wait3A_155 = arith.constant 0 : i32
      %dma_wait3A_156 = tpu.memref_slice %arg8[%run_scoped3A_134, %dma_wait3A_155] : memref<2x80xi32, #tpu.memory_space<vmem>> -> memref<1x80xi32, #tpu.memory_space<vmem>>
      %dma_wait3A_157 = tpu.memref_squeeze %dma_wait3A_156 : memref<1x80xi32, #tpu.memory_space<vmem>> -> memref<80xi32, #tpu.memory_space<vmem>>
      %dma_wait3A_158 = arith.constant 0 : i32
      %dma_wait3A_159 = arith.constant 0 : i32
      %dma_wait3A_160 = tpu.memref_slice %arg12[%dma_wait3A_158, %dma_wait3A_159] : memref<10240x128xf32, #tpu.memory_space<vmem_shared>> -> memref<10240x128xf32, #tpu.memory_space<vmem_shared>>
      tpu.wait_indirect_dma semaphore(%run_scoped3A_148 : memref<!tpu.dma_semaphore, #tpu.memory_space<semaphore_mem>>) src(%arg9 : memref<80x128xf32, #tpu.memory_space<vmem>>) dst(%dma_wait3A_160 : memref<10240x128xf32, #tpu.memory_space<vmem_shared>>)
      tpu.yield
    }) : () -> ()
    %dma_wait3A_135 = arith.constant 0 : i32
    %dma_wait3A_136 = arith.constant 0 : i32
    %dma_wait3A_137 = tpu.memref_slice %arg5[%dma_wait3A_135, %dma_wait3A_136] : memref<2x80xi32, #tpu.memory_space<vmem>> -> memref<1x80xi32, #tpu.memory_space<vmem>>
    %dma_wait3A_138 = tpu.memref_squeeze %dma_wait3A_137 : memref<1x80xi32, #tpu.memory_space<vmem>> -> memref<80xi32, #tpu.memory_space<vmem>>
    %dma_wait3A_139 = arith.constant 0 : i32
    %dma_wait3A_140 = arith.constant 0 : i32
    %dma_wait3A_141 = tpu.memref_slice %arg3[%dma_wait3A_139, %dma_wait3A_140] : memref<10000x128xf32, #tpu.memory_space<hbm>> -> memref<10000x128xf32, #tpu.memory_space<hbm>>
    tpu.wait_indirect_dma semaphore(%arg18 : memref<!tpu.dma_semaphore, #tpu.memory_space<semaphore_mem>>) src(%dma_wait3A_141 : memref<10000x128xf32, #tpu.memory_space<hbm>>) dst(%arg10 : memref<80x128xf32, #tpu.memory_space<vmem>>)
    %run_scoped3A_142 = arith.constant 1 : i32
    "tpu.region"() ({
      %run_scoped3A_148 = tpu.sem_alloc : memref<!tpu.dma_semaphore, #tpu.memory_space<semaphore_mem>>
      %dma_start3A_149 = arith.constant 0 : i32
      %dma_start3A_150 = tpu.memref_slice %arg5[%run_scoped3A_142, %dma_start3A_149] : memref<2x80xi32, #tpu.memory_space<vmem>> -> memref<1x80xi32, #tpu.memory_space<vmem>>
      %dma_start3A_151 = tpu.memref_squeeze %dma_start3A_150 : memref<1x80xi32, #tpu.memory_space<vmem>> -> memref<80xi32, #tpu.memory_space<vmem>>
      %dma_start3A_152 = arith.constant 0 : i32
      %dma_start3A_153 = arith.constant 0 : i32
      %dma_start3A_154 = tpu.memref_slice %arg12[%dma_start3A_152, %dma_start3A_153] : memref<10240x128xf32, #tpu.memory_space<vmem_shared>> -> memref<10240x128xf32, #tpu.memory_space<vmem_shared>>
      tpu.enqueue_indirect_dma source(%arg10 : memref<80x128xf32, #tpu.memory_space<vmem>>) target(%dma_start3A_154 : memref<10240x128xf32, #tpu.memory_space<vmem_shared>>) offsets(%dma_start3A_151 : memref<80xi32, #tpu.memory_space<vmem>>) semaphore(%run_scoped3A_148 : memref<!tpu.dma_semaphore, #tpu.memory_space<semaphore_mem>>) {add = true}
      %dma_wait3A_155 = arith.constant 0 : i32
      %dma_wait3A_156 = tpu.memref_slice %arg5[%run_scoped3A_142, %dma_wait3A_155] : memref<2x80xi32, #tpu.memory_space<vmem>> -> memref<1x80xi32, #tpu.memory_space<vmem>>
      %dma_wait3A_157 = tpu.memref_squeeze %dma_wait3A_156 : memref<1x80xi32, #tpu.memory_space<vmem>> -> memref<80xi32, #tpu.memory_space<vmem>>
      %dma_wait3A_158 = arith.constant 0 : i32
      %dma_wait3A_159 = arith.constant 0 : i32
      %dma_wait3A_160 = tpu.memref_slice %arg12[%dma_wait3A_158, %dma_wait3A_159] : memref<10240x128xf32, #tpu.memory_space<vmem_shared>> -> memref<10240x128xf32, #tpu.memory_space<vmem_shared>>
      tpu.wait_indirect_dma semaphore(%run_scoped3A_148 : memref<!tpu.dma_semaphore, #tpu.memory_space<semaphore_mem>>) src(%arg10 : memref<80x128xf32, #tpu.memory_space<vmem>>) dst(%dma_wait3A_160 : memref<10240x128xf32, #tpu.memory_space<vmem_shared>>)
      tpu.yield
    }) : () -> ()
    %barrier3A_143 = arith.constant 0 : index
    tpu.barrier barrier_id(%barrier3A_143)
    %mul3A_144 = arith.constant 640 : i32
    %mul3A_145 = arith.muli %arg1, %mul3A_144 : i32
    %mul3A_146 = arith.constant 640 : i32
    %mul3A_147 = arith.muli %arg1, %mul3A_146 : i32
    "tpu.region"() ({
      %run_scoped3A_148 = tpu.sem_alloc : memref<!tpu.dma_semaphore, #tpu.memory_space<semaphore_mem>>
      %dma_start3A_149 = arith.constant 0 : i32
      %dma_start3A_150 = tpu.memref_slice %arg4[%arg0, %mul3A_147, %dma_start3A_149] : memref<2x10240x128xf32, #tpu.memory_space<hbm>> -> memref<1x640x128xf32, #tpu.memory_space<hbm>>
      %dma_start3A_151 = tpu.memref_squeeze %dma_start3A_150 : memref<1x640x128xf32, #tpu.memory_space<hbm>> -> memref<640x128xf32, #tpu.memory_space<hbm>>
      %dma_start3A_152 = arith.constant 0 : i32
      %dma_start3A_153 = tpu.memref_slice %arg12[%mul3A_145, %dma_start3A_152] : memref<10240x128xf32, #tpu.memory_space<vmem_shared>> -> memref<640x128xf32, #tpu.memory_space<vmem_shared>>
      tpu.enqueue_dma source(%dma_start3A_153 : memref<640x128xf32, #tpu.memory_space<vmem_shared>>) target(%dma_start3A_151 : memref<640x128xf32, #tpu.memory_space<hbm>>) target_semaphore(%run_scoped3A_148 : memref<!tpu.dma_semaphore, #tpu.memory_space<semaphore_mem>>)
      %dma_wait3A_154 = arith.constant 0 : i32
      %dma_wait3A_155 = tpu.memref_slice %arg4[%arg0, %mul3A_147, %dma_wait3A_154] : memref<2x10240x128xf32, #tpu.memory_space<hbm>> -> memref<1x640x128xf32, #tpu.memory_space<hbm>>
      %dma_wait3A_156 = tpu.memref_squeeze %dma_wait3A_155 : memref<1x640x128xf32, #tpu.memory_space<hbm>> -> memref<640x128xf32, #tpu.memory_space<hbm>>
      %dma_wait3A_157 = arith.constant 0 : i32
      %dma_wait3A_158 = tpu.memref_slice %arg12[%mul3A_145, %dma_wait3A_157] : memref<10240x128xf32, #tpu.memory_space<vmem_shared>> -> memref<640x128xf32, #tpu.memory_space<vmem_shared>>
      tpu.wait_dma2 semaphore(%run_scoped3A_148 : memref<!tpu.dma_semaphore, #tpu.memory_space<semaphore_mem>>) src(%dma_wait3A_158 : memref<640x128xf32, #tpu.memory_space<vmem_shared>>) dst(%dma_wait3A_156 : memref<640x128xf32, #tpu.memory_space<hbm>>)
      tpu.yield
    }) : () -> ()
    return
  }
}

module attributes {stable_mosaic.version = 14 : i64} {
  func.func @_tc1_body(%arg0: i32, %arg1: memref<2000x128xf32, #tpu.memory_space<vmem>>, %arg2: memref<128x128xf32, #tpu.memory_space<vmem>>, %arg3: memref<2000x2xf32, #tpu.memory_space<vmem>>, %arg4: memref<2000x128xf32, #tpu.memory_space<vmem>>, %arg5: memref<2000x1xf32, #tpu.memory_space<vmem>>) attributes {dimension_semantics = [#tpu.dimension_semantics<arbitrary>], iteration_bounds = array<i64: 5>, scalar_prefetch = 0 : i64, scratch_operands = 0 : i64, tpu.core_type = #tpu.core_type<tc>, window_params = [{transform_indices = @transform_0, window_bounds = array<i64: 2000, 128>}, {pipeline_mode = #tpu.pipeline_mode<synchronous>, transform_indices = @transform_1, window_bounds = array<i64: 128, 128>}, {transform_indices = @transform_2, window_bounds = array<i64: 2000, 2>}, {transform_indices = @transform_3, window_bounds = array<i64: 2000, 128>}, {transform_indices = @transform_4, window_bounds = array<i64: 2000, 1>}]} {
    %get3A = arith.constant 0 : index
    %get3A_0 = arith.constant 0 : index
    %get3A_1 = vector.load %arg3[%get3A, %get3A_0] : memref<2000x2xf32, #tpu.memory_space<vmem>>, vector<2000x1xf32>
    %get3A_2 = vector.shape_cast %get3A_1 : vector<2000x1xf32> to vector<2000xf32>
    %get3A_3 = arith.constant 0 : index
    %get3A_4 = arith.constant 1 : index
    %get3A_5 = vector.load %arg3[%get3A_3, %get3A_4] : memref<2000x2xf32, #tpu.memory_space<vmem>>, vector<2000x1xf32>
    %get3A_6 = vector.shape_cast %get3A_5 : vector<2000x1xf32> to vector<2000xf32>
    %add3A = arith.addf %get3A_2, %get3A_6 : vector<2000xf32>
    %add3A_7 = arith.constant 1.000000e+00 : f32
    %add3A_8 = vector.broadcast %add3A_7 : f32 to vector<2000xf32>
    %add3A_9 = arith.addf %add3A, %add3A_8 : vector<2000xf32>
    %rsqrt3A = math.rsqrt %add3A_9 : vector<2000xf32>
    %broadcast_in_dim3A = vector.shape_cast %rsqrt3A : vector<2000xf32> to vector<2000x1xf32>
    %get3A_10 = arith.constant 0 : index
    %get3A_11 = arith.constant 0 : index
    %get3A_12 = vector.load %arg1[%get3A_10, %get3A_11] : memref<2000x128xf32, #tpu.memory_space<vmem>>, vector<2000x128xf32>
    %get3A_13 = arith.constant 0 : index
    %get3A_14 = arith.constant 0 : index
    %get3A_15 = vector.load %arg2[%get3A_13, %get3A_14] : memref<128x128xf32, #tpu.memory_space<vmem>>, vector<128x128xf32>
    %dot_general3A = arith.constant dense<0.000000e+00> : vector<2000x128xf32>
    %dot_general3A_16 = tpu.matmul %get3A_12, %get3A_15, %dot_general3A {dimension_numbers = #tpu.dot_dimension_numbers<[1], [0], [0], [1], [0, 0, 1, 1], [], []>, precision = #tpu.contract_precision<fp32>, transpose_lhs_hint = false} : vector<2000x128xf32>, vector<128x128xf32>, vector<2000x128xf32> -> vector<2000x128xf32>
    %mul3A = vector.broadcast %broadcast_in_dim3A : vector<2000x1xf32> to vector<2000x128xf32>
    %mul3A_17 = arith.mulf %dot_general3A_16, %mul3A : vector<2000x128xf32>
    %swap3A = arith.constant 0 : index
    %swap3A_18 = arith.constant 0 : index
    %swap3A_19 = vector.load %arg4[%swap3A, %swap3A_18] : memref<2000x128xf32, #tpu.memory_space<vmem>>, vector<2000x128xf32>
    tpu.vector_store %arg4[%swap3A, %swap3A_18], %mul3A_17 {strides = array<i32>} : memref<2000x128xf32, #tpu.memory_space<vmem>>, vector<2000x128xf32>,
    %swap3A_20 = arith.constant 0 : index
    %swap3A_21 = arith.constant 0 : index
    %swap3A_22 = vector.load %arg5[%swap3A_20, %swap3A_21] : memref<2000x1xf32, #tpu.memory_space<vmem>>, vector<2000x1xf32>
    tpu.vector_store %arg5[%swap3A_20, %swap3A_21], %broadcast_in_dim3A {strides = array<i32>} : memref<2000x1xf32, #tpu.memory_space<vmem>>, vector<2000x1xf32>,
    return
  }
  func.func @transform_0(%arg0: i32) -> (i32, i32) {
    %c0_i32 = arith.constant 0 : i32
    %c0_i32_0 = arith.constant 0 : i32
    return %arg0, %c0_i32 : i32, i32
  }
  func.func @transform_1(%arg0: i32) -> (i32, i32) {
    %c0_i32 = arith.constant 0 : i32
    %c0_i32_0 = arith.constant 0 : i32
    %c0_i32_1 = arith.constant 0 : i32
    return %c0_i32, %c0_i32_0 : i32, i32
  }
  func.func @transform_2(%arg0: i32) -> (i32, i32) {
    %c0_i32 = arith.constant 0 : i32
    %c0_i32_0 = arith.constant 0 : i32
    return %arg0, %c0_i32 : i32, i32
  }
  func.func @transform_3(%arg0: i32) -> (i32, i32) {
    %c0_i32 = arith.constant 0 : i32
    %c0_i32_0 = arith.constant 0 : i32
    return %arg0, %c0_i32 : i32, i32
  }
  func.func @transform_4(%arg0: i32) -> (i32, i32) {
    %c0_i32 = arith.constant 0 : i32
    %c0_i32_0 = arith.constant 0 : i32
    return %arg0, %c0_i32 : i32, i32
  }
}

module attributes {stable_mosaic.version = 14 : i64} {
  func.func @_tc2_body(%arg0: i32, %arg1: memref<2x2000x128xf32, #tpu.memory_space<vmem>>, %arg2: memref<2000x128xf32, #tpu.memory_space<vmem>>, %arg3: memref<2000x1xf32, #tpu.memory_space<vmem>>, %arg4: memref<128xf32, #tpu.memory_space<vmem>>, %arg5: memref<128x128xf32, #tpu.memory_space<vmem>>, %arg6: memref<2000x128xf32, #tpu.memory_space<vmem>>) attributes {dimension_semantics = [#tpu.dimension_semantics<arbitrary>], iteration_bounds = array<i64: 5>, scalar_prefetch = 0 : i64, scratch_operands = 0 : i64, tpu.core_type = #tpu.core_type<tc>, window_params = [{transform_indices = @transform_0, window_bounds = array<i64: 2, 2000, 128>}, {transform_indices = @transform_1, window_bounds = array<i64: 2000, 128>}, {transform_indices = @transform_2, window_bounds = array<i64: 2000, 1>}, {pipeline_mode = #tpu.pipeline_mode<synchronous>, transform_indices = @transform_3, window_bounds = array<i64: 128>}, {pipeline_mode = #tpu.pipeline_mode<synchronous>, transform_indices = @transform_4, window_bounds = array<i64: 128, 128>}, {transform_indices = @transform_5, window_bounds = array<i64: 2000, 128>}]} {
    %get3A = arith.constant 0 : index
    %get3A_0 = arith.constant 0 : index
    %get3A_1 = arith.constant 0 : index
    %get3A_2 = vector.load %arg1[%get3A, %get3A_0, %get3A_1] : memref<2x2000x128xf32, #tpu.memory_space<vmem>>, vector<1x2000x128xf32>
    %get3A_3 = vector.shape_cast %get3A_2 : vector<1x2000x128xf32> to vector<2000x128xf32>
    %get3A_4 = arith.constant 1 : index
    %get3A_5 = arith.constant 0 : index
    %get3A_6 = arith.constant 0 : index
    %get3A_7 = vector.load %arg1[%get3A_4, %get3A_5, %get3A_6] : memref<2x2000x128xf32, #tpu.memory_space<vmem>>, vector<1x2000x128xf32>
    %get3A_8 = vector.shape_cast %get3A_7 : vector<1x2000x128xf32> to vector<2000x128xf32>
    %add3A = arith.addf %get3A_3, %get3A_8 : vector<2000x128xf32>
    %get3A_9 = arith.constant 0 : index
    %get3A_10 = arith.constant 0 : index
    %get3A_11 = vector.load %arg2[%get3A_9, %get3A_10] : memref<2000x128xf32, #tpu.memory_space<vmem>>, vector<2000x128xf32>
    %add3A_12 = arith.addf %add3A, %get3A_11 : vector<2000x128xf32>
    %get3A_13 = arith.constant 0 : index
    %get3A_14 = arith.constant 0 : index
    %get3A_15 = vector.load %arg3[%get3A_13, %get3A_14] : memref<2000x1xf32, #tpu.memory_space<vmem>>, vector<2000x1xf32>
    %mul3A = vector.broadcast %get3A_15 : vector<2000x1xf32> to vector<2000x128xf32>
    %mul3A_16 = arith.mulf %add3A_12, %mul3A : vector<2000x128xf32>
    %get3A_17 = arith.constant 0 : index
    %get3A_18 = vector.load %arg4[%get3A_17] : memref<128xf32, #tpu.memory_space<vmem>>, vector<128xf32>
    %broadcast_in_dim3A = vector.shape_cast %get3A_18 : vector<128xf32> to vector<1x128xf32>
    %add3A_19 = vector.broadcast %broadcast_in_dim3A : vector<1x128xf32> to vector<2000x128xf32>
    %add3A_20 = arith.addf %mul3A_16, %add3A_19 : vector<2000x128xf32>
    %tanh3A = math.tanh %add3A_20 : vector<2000x128xf32>
    %get3A_21 = arith.constant 0 : index
    %get3A_22 = arith.constant 0 : index
    %get3A_23 = vector.load %arg5[%get3A_21, %get3A_22] : memref<128x128xf32, #tpu.memory_space<vmem>>, vector<128x128xf32>
    %dot_general3A = arith.constant dense<0.000000e+00> : vector<2000x128xf32>
    %dot_general3A_24 = tpu.matmul %tanh3A, %get3A_23, %dot_general3A {dimension_numbers = #tpu.dot_dimension_numbers<[1], [0], [0], [1], [0, 0, 1, 1], [], []>, precision = #tpu.contract_precision<fp32>, transpose_lhs_hint = false} : vector<2000x128xf32>, vector<128x128xf32>, vector<2000x128xf32> -> vector<2000x128xf32>
    %mul3A_25 = vector.broadcast %get3A_15 : vector<2000x1xf32> to vector<2000x128xf32>
    %mul3A_26 = arith.mulf %dot_general3A_24, %mul3A_25 : vector<2000x128xf32>
    %swap3A = arith.constant 0 : index
    %swap3A_27 = arith.constant 0 : index
    %swap3A_28 = vector.load %arg6[%swap3A, %swap3A_27] : memref<2000x128xf32, #tpu.memory_space<vmem>>, vector<2000x128xf32>
    tpu.vector_store %arg6[%swap3A, %swap3A_27], %mul3A_26 {strides = array<i32>} : memref<2000x128xf32, #tpu.memory_space<vmem>>, vector<2000x128xf32>,
    return
  }
  func.func @transform_0(%arg0: i32) -> (i32, i32, i32) {
    %c0_i32 = arith.constant 0 : i32
    %c0_i32_0 = arith.constant 0 : i32
    %c0_i32_1 = arith.constant 0 : i32
    return %c0_i32, %arg0, %c0_i32_0 : i32, i32, i32
  }
  func.func @transform_1(%arg0: i32) -> (i32, i32) {
    %c0_i32 = arith.constant 0 : i32
    %c0_i32_0 = arith.constant 0 : i32
    return %arg0, %c0_i32 : i32, i32
  }
  func.func @transform_2(%arg0: i32) -> (i32, i32) {
    %c0_i32 = arith.constant 0 : i32
    %c0_i32_0 = arith.constant 0 : i32
    return %arg0, %c0_i32 : i32, i32
  }
  func.func @transform_3(%arg0: i32) -> i32 {
    %c0_i32 = arith.constant 0 : i32
    %c0_i32_0 = arith.constant 0 : i32
    return %c0_i32 : i32
  }
  func.func @transform_4(%arg0: i32) -> (i32, i32) {
    %c0_i32 = arith.constant 0 : i32
    %c0_i32_0 = arith.constant 0 : i32
    %c0_i32_1 = arith.constant 0 : i32
    return %c0_i32, %c0_i32_0 : i32, i32
  }
  func.func @transform_5(%arg0: i32) -> (i32, i32) {
    %c0_i32 = arith.constant 0 : i32
    %c0_i32_0 = arith.constant 0 : i32
    return %arg0, %c0_i32 : i32, i32
  }
}

module attributes {stable_mosaic.version = 14 : i64} {
  func.func @_tc3_body(%arg0: i32, %arg1: memref<2x2000x128xf32, #tpu.memory_space<vmem>>, %arg2: memref<2000x128xf32, #tpu.memory_space<vmem>>, %arg3: memref<2000x1xf32, #tpu.memory_space<vmem>>, %arg4: memref<128xf32, #tpu.memory_space<vmem>>, %arg5: memref<128x16xf32, #tpu.memory_space<vmem>>, %arg6: memref<16xf32, #tpu.memory_space<vmem>>, %arg7: memref<2000x16xf32, #tpu.memory_space<vmem>>) attributes {dimension_semantics = [#tpu.dimension_semantics<arbitrary>], iteration_bounds = array<i64: 5>, scalar_prefetch = 0 : i64, scratch_operands = 0 : i64, tpu.core_type = #tpu.core_type<tc>, window_params = [{transform_indices = @transform_0, window_bounds = array<i64: 2, 2000, 128>}, {transform_indices = @transform_1, window_bounds = array<i64: 2000, 128>}, {transform_indices = @transform_2, window_bounds = array<i64: 2000, 1>}, {pipeline_mode = #tpu.pipeline_mode<synchronous>, transform_indices = @transform_3, window_bounds = array<i64: 128>}, {pipeline_mode = #tpu.pipeline_mode<synchronous>, transform_indices = @transform_4, window_bounds = array<i64: 128, 16>}, {pipeline_mode = #tpu.pipeline_mode<synchronous>, transform_indices = @transform_5, window_bounds = array<i64: 16>}, {transform_indices = @transform_6, window_bounds = array<i64: 2000, 16>}]} {
    %get3A = arith.constant 0 : index
    %get3A_0 = arith.constant 0 : index
    %get3A_1 = arith.constant 0 : index
    %get3A_2 = vector.load %arg1[%get3A, %get3A_0, %get3A_1] : memref<2x2000x128xf32, #tpu.memory_space<vmem>>, vector<1x2000x128xf32>
    %get3A_3 = vector.shape_cast %get3A_2 : vector<1x2000x128xf32> to vector<2000x128xf32>
    %get3A_4 = arith.constant 1 : index
    %get3A_5 = arith.constant 0 : index
    %get3A_6 = arith.constant 0 : index
    %get3A_7 = vector.load %arg1[%get3A_4, %get3A_5, %get3A_6] : memref<2x2000x128xf32, #tpu.memory_space<vmem>>, vector<1x2000x128xf32>
    %get3A_8 = vector.shape_cast %get3A_7 : vector<1x2000x128xf32> to vector<2000x128xf32>
    %add3A = arith.addf %get3A_3, %get3A_8 : vector<2000x128xf32>
    %get3A_9 = arith.constant 0 : index
    %get3A_10 = arith.constant 0 : index
    %get3A_11 = vector.load %arg2[%get3A_9, %get3A_10] : memref<2000x128xf32, #tpu.memory_space<vmem>>, vector<2000x128xf32>
    %add3A_12 = arith.addf %add3A, %get3A_11 : vector<2000x128xf32>
    %get3A_13 = arith.constant 0 : index
    %get3A_14 = arith.constant 0 : index
    %get3A_15 = vector.load %arg3[%get3A_13, %get3A_14] : memref<2000x1xf32, #tpu.memory_space<vmem>>, vector<2000x1xf32>
    %mul3A = vector.broadcast %get3A_15 : vector<2000x1xf32> to vector<2000x128xf32>
    %mul3A_16 = arith.mulf %add3A_12, %mul3A : vector<2000x128xf32>
    %get3A_17 = arith.constant 0 : index
    %get3A_18 = vector.load %arg4[%get3A_17] : memref<128xf32, #tpu.memory_space<vmem>>, vector<128xf32>
    %broadcast_in_dim3A = vector.shape_cast %get3A_18 : vector<128xf32> to vector<1x128xf32>
    %add3A_19 = vector.broadcast %broadcast_in_dim3A : vector<1x128xf32> to vector<2000x128xf32>
    %add3A_20 = arith.addf %mul3A_16, %add3A_19 : vector<2000x128xf32>
    %tanh3A = math.tanh %add3A_20 : vector<2000x128xf32>
    %get3A_21 = arith.constant 0 : index
    %get3A_22 = arith.constant 0 : index
    %get3A_23 = vector.load %arg5[%get3A_21, %get3A_22] : memref<128x16xf32, #tpu.memory_space<vmem>>, vector<128x16xf32>
    %dot_general3A = arith.constant dense<0.000000e+00> : vector<2000x16xf32>
    %dot_general3A_24 = tpu.matmul %tanh3A, %get3A_23, %dot_general3A {dimension_numbers = #tpu.dot_dimension_numbers<[1], [0], [0], [1], [0, 0, 1, 1], [], []>, precision = #tpu.contract_precision<fp32>, transpose_lhs_hint = false} : vector<2000x128xf32>, vector<128x16xf32>, vector<2000x16xf32> -> vector<2000x16xf32>
    %get3A_25 = arith.constant 0 : index
    %get3A_26 = vector.load %arg6[%get3A_25] : memref<16xf32, #tpu.memory_space<vmem>>, vector<16xf32>
    %broadcast_in_dim3A_27 = vector.shape_cast %get3A_26 : vector<16xf32> to vector<1x16xf32>
    %add3A_28 = vector.broadcast %broadcast_in_dim3A_27 : vector<1x16xf32> to vector<2000x16xf32>
    %add3A_29 = arith.addf %dot_general3A_24, %add3A_28 : vector<2000x16xf32>
    %reduce_max3A = arith.constant dense<0xFF800000> : vector<2000xf32>
    %reduce_max3A_30 = vector.multi_reduction <maximumf>, %add3A_29, %reduce_max3A [1] : vector<2000x16xf32> to vector<2000xf32>
    %broadcast_in_dim3A_31 = vector.shape_cast %reduce_max3A_30 : vector<2000xf32> to vector<2000x1xf32>
    %sub3A = vector.broadcast %broadcast_in_dim3A_31 : vector<2000x1xf32> to vector<2000x16xf32>
    %sub3A_32 = arith.subf %add3A_29, %sub3A : vector<2000x16xf32>
    %exp3A = math.exp %sub3A_32 : vector<2000x16xf32>
    %reduce_sum3A = arith.constant dense<0.000000e+00> : vector<2000xf32>
    %reduce_sum3A_33 = vector.multi_reduction <add>, %exp3A, %reduce_sum3A [1] : vector<2000x16xf32> to vector<2000xf32>
    %broadcast_in_dim3A_34 = vector.shape_cast %reduce_sum3A_33 : vector<2000xf32> to vector<2000x1xf32>
    %log3A = math.log %broadcast_in_dim3A_34 : vector<2000x1xf32>
    %sub3A_35 = vector.broadcast %broadcast_in_dim3A_31 : vector<2000x1xf32> to vector<2000x16xf32>
    %sub3A_36 = arith.subf %add3A_29, %sub3A_35 : vector<2000x16xf32>
    %sub3A_37 = vector.broadcast %log3A : vector<2000x1xf32> to vector<2000x16xf32>
    %sub3A_38 = arith.subf %sub3A_36, %sub3A_37 : vector<2000x16xf32>
    %swap3A = arith.constant 0 : index
    %swap3A_39 = arith.constant 0 : index
    %swap3A_40 = vector.load %arg7[%swap3A, %swap3A_39] : memref<2000x16xf32, #tpu.memory_space<vmem>>, vector<2000x16xf32>
    tpu.vector_store %arg7[%swap3A, %swap3A_39], %sub3A_38 {strides = array<i32>} : memref<2000x16xf32, #tpu.memory_space<vmem>>, vector<2000x16xf32>,
    return
  }
  func.func @transform_0(%arg0: i32) -> (i32, i32, i32) {
    %c0_i32 = arith.constant 0 : i32
    %c0_i32_0 = arith.constant 0 : i32
    %c0_i32_1 = arith.constant 0 : i32
    return %c0_i32, %arg0, %c0_i32_0 : i32, i32, i32
  }
  func.func @transform_1(%arg0: i32) -> (i32, i32) {
    %c0_i32 = arith.constant 0 : i32
    %c0_i32_0 = arith.constant 0 : i32
    return %arg0, %c0_i32 : i32, i32
  }
  func.func @transform_2(%arg0: i32) -> (i32, i32) {
    %c0_i32 = arith.constant 0 : i32
    %c0_i32_0 = arith.constant 0 : i32
    return %arg0, %c0_i32 : i32, i32
  }
  func.func @transform_3(%arg0: i32) -> i32 {
    %c0_i32 = arith.constant 0 : i32
    %c0_i32_0 = arith.constant 0 : i32
    return %c0_i32 : i32
  }
  func.func @transform_4(%arg0: i32) -> (i32, i32) {
    %c0_i32 = arith.constant 0 : i32
    %c0_i32_0 = arith.constant 0 : i32
    %c0_i32_1 = arith.constant 0 : i32
    return %c0_i32, %c0_i32_0 : i32, i32
  }
  func.func @transform_5(%arg0: i32) -> i32 {
    %c0_i32 = arith.constant 0 : i32
    %c0_i32_0 = arith.constant 0 : i32
    return %c0_i32 : i32
  }
  func.func @transform_6(%arg0: i32) -> (i32, i32) {
    %c0_i32 = arith.constant 0 : i32
    %c0_i32_0 = arith.constant 0 : i32
    return %arg0, %c0_i32 : i32, i32
  }
}

</mosaic_0001>

<sc_bundles>
// kernel: kernel.11.cloned.1.call-start
scs
__scs_entry_jumppad:
0x0: {  	(pc) =	sbr.rel $0x88, $3  }
0x1: {  	(tag) =	ssettag $0x0;
	lr =	simm.s32 $0x1  }
0x2: {  	[smem:$0x3F99] =	sst lr;
	_ =	strace $0xD0000000  }
0x3: {  	_ = 	snop  }
0x4: {  	_ = 	snop  }
0x5: {  	_ = 	snop  }
0x6: {  	_ = 	snop  }
0x7: {  	_ = 	snop  }
__scs_overlays_trampoline_lowered:
0x8: {  	[smem:$0x3FA8] =	sst s0  }
0x9: {  	[smem:$0x3FA9] =	sst s1  }
0xa: {  	[smem:$0x3FAA] =	sst s2  }
0xb: {  	[smem:$0x3FAB] =	sst s3  }
0xc: {  	[smem:$0x3FAC] =	sst s4  }
0xd: {  	[smem:$0x3FAD] =	sst s5  }
0xe: {  	[smem:$0x3FAE] =	sst s6  }
0xf: {  	[smem:$0x3FAF] =	sst s7  }
0x10: {  	[smem:$0x3FB0] =	sst s8  }
0x11: {  	[smem:$0x3FB1] =	sst s9;
	s0 =	simm.s32 @!p0 $0x0  }
0x12: {  	s1 =	sld [smem:$0x3F97];
	s0 =	simm.s32 @p0 $0x1  }
0x13: {  	[smem:$0x3FB2] =	sst s0;
	s0 =	simm.s32 @!p1 $0x0  }
0x14: {  	s2 =	sld [smem:$0x3F96];
	s0 =	simm.s32 @p1 $0x1  }
0x15: {  	[smem:$0x3FB3] =	sst s0;
	s0 =	simm.s32 @!p2 $0x0  }
0x16: {  	s3 =	sld [smem:$0x3FDB];
	s0 =	simm.s32 @p2 $0x1  }
0x17: {  	s4 =	simm.s32 $0x1BF5;
	[smem:$0x3FB5] =	sst s0  }
0x18: {  	s0 =	sld [smem:$0x3F98];
	_ =	swait.ge [sflag:s4], $0x0  }
0x19: {  	s7 =	sld [smem:$0x3F99]  }
0x1a: {  	s8 =	sadd.s32 $0xFFFFE003, lr  }
0x1b: {  	s9 =	sadd.s32 $0xFFFFFEF7, lr;
	s5 =	simm.s32 $0xFFFFFFFF;
	p2 =	slt.u32 s8, $0xFFFFF086  }
0x1c: {  	p1 =	slt.u32 s9, $0xF7A;
	s5 =	simm.s32 @!p2 $0x0  }
0x1d: {  	s5 =	simm.s32 @p1 $0x1;
	p0 =	seq.s32 s7, s2  }
0x1e: {  	s7 =	smul.u32 @!p0 $0xF7A, s2;
	p2 =	seq.s32 @!p0 s5, $0x0  }
0x1f: {  	s9 =	smul.u32 $0xF7A, s1;
	s8 =	simm.s32 @!p0 $0x1BF5;
	p2 =	por !p2, p0  }
0x20: {  	[sflag:s8] =	ssyncset.s32 @!p0 $0xFFFFF086;
	s6 =	sadd.s32 @!p0 s3, s7;
	s7 =	simm.s32 @!p0 $0x108  }
0x21: {  	s3 =	sadd.s32 s3, s9;
	s6 =	sadd.s32 @!p0 $0x88, s6;
	s7 =	simm.s32 @p2 $0x1082  }
0x22: {  	[simem:s7], [sflag:s8] =	dma.local @!p0 [hbm:s6], $0xF7A  }
0x23: {  	s9 =	sor.u32 $0xD0000000, s2;
	s6 =	simm.s32 $0x108;
	_ =	swait.ge @!p0 [sflag:s8], $0x0  }
0x24: {  	s3 =	sadd.s32 $0x88, s3;
	s6 =	simm.s32 @!p1 $0x1082;
	[sflag:s4] =	ssyncset.s32 $0xFFFFF086  }
0x25: {  	[simem:s6], [sflag:s4] =	dma.local [hbm:s3], $0xF7A  }
0x26: {  	[smem:$0x3F99] =	sst s1;
	(tag) =	ssettag s2;
	_ =	strace s9  }
0x27: {  	s1 =	sld [smem:$0x3FA9]  }
0x28: {  	s2 =	sld [smem:$0x3FAA]  }
0x29: {  	s4 =	sld [smem:$0x3FAC]  }
0x2a: {  	p0 =	seq.s32 s5, $0x0;
	s5 =	sld [smem:$0x3FAD]  }
0x2b: {  	s6 =	sld [smem:$0x3FAE]  }
0x2c: {  	s7 =	sld [smem:$0x3FAF]  }
0x2d: {  	s3 =	simm.s32 $0x108;
	s8 =	sld [smem:$0x3FB0]  }
0x2e: {  	s3 =	simm.s32 @!p0 $0x1082;
	s9 =	sld [smem:$0x3FB1]  }
0x2f: {  	lr =	sadd.s32 s0, s3;
	s0 =	sld [smem:$0x3FA8]  }
0x30: {  	s3 =	sld [smem:$0x3FAB]  }
0x31: {  	[smem:$0x3FB4] =	sst s10  }
0x32: {  	s10 =	sld [smem:$0x3FB2];
	_ =	sdelay $0x3  }
0x33: {  	p0 =	seq.s32 s10, $0x1;
	s10 =	sld [smem:$0x3FB4];
	_ =	sdelay $0x3  }
0x34: {  	[smem:$0x3FB4] =	sst s10  }
0x35: {  	s10 =	sld [smem:$0x3FB3];
	_ =	sdelay $0x3  }
0x36: {  	p1 =	seq.s32 s10, $0x1;
	s10 =	sld [smem:$0x3FB4];
	_ =	sdelay $0x3  }
0x37: {  	[smem:$0x3FB4] =	sst s10  }
0x38: {  	s10 =	sld [smem:$0x3FB5]  }
0x39: {  	_ = 	snop;
	(pc) =	sbr.ind lr, $3  }
0x3a: {  	_ = 	snop  }
0x3b: {  	_ = 	snop  }
0x3c: {  	p2 =	seq.s32 s10, $0x1;
	s10 =	sld [smem:$0x3FB4]  }
0x3d: {  	_ =	shalt  }
0x3e: {  	_ =	shalt  }
0x3f: {  	_ =	shalt  }
0x40: {  	_ =	shalt  }
0x41: {  	_ =	shalt  }
0x42: {  	_ =	shalt  }
0x43: {  	_ =	shalt  }
0x44: {  	_ =	shalt  }
0x45: {  	_ =	shalt  }
0x46: {  	_ =	shalt  }
0x47: {  	_ =	shalt  }
0x48: {  	_ =	shalt  }
0x49: {  	_ =	shalt  }
0x4a: {  	_ =	shalt  }
0x4b: {  	_ =	shalt  }
0x4c: {  	_ =	shalt  }
0x4d: {  	_ =	shalt  }
0x4e: {  	_ =	shalt  }
0x4f: {  	_ =	shalt  }
0x50: {  	_ =	shalt  }
0x51: {  	_ =	shalt  }
0x52: {  	_ =	shalt  }
0x53: {  	_ =	shalt  }
0x54: {  	_ =	shalt  }
0x55: {  	_ =	shalt  }
0x56: {  	_ =	shalt  }
0x57: {  	_ =	shalt  }
0x58: {  	_ =	shalt  }
0x59: {  	_ =	shalt  }
0x5a: {  	_ =	shalt  }
0x5b: {  	_ =	shalt  }
0x5c: {  	_ =	shalt  }
0x5d: {  	_ =	shalt  }
0x5e: {  	_ =	shalt  }
0x5f: {  	_ =	shalt  }
0x60: {  	_ =	shalt  }
0x61: {  	_ =	shalt  }
0x62: {  	_ =	shalt  }
0x63: {  	_ =	shalt  }
0x64: {  	_ =	shalt  }
0x65: {  	_ =	shalt  }
0x66: {  	_ =	shalt  }
0x67: {  	_ =	shalt  }
0x68: {  	_ =	shalt  }
0x69: {  	_ =	shalt  }
0x6a: {  	_ =	shalt  }
0x6b: {  	_ =	shalt  }
0x6c: {  	_ =	shalt  }
0x6d: {  	_ =	shalt  }
0x6e: {  	_ =	shalt  }
0x6f: {  	_ =	shalt  }
0x70: {  	_ =	shalt  }
0x71: {  	_ =	shalt  }
0x72: {  	_ =	shalt  }
0x73: {  	_ =	shalt  }
0x74: {  	_ =	shalt  }
0x75: {  	_ =	shalt  }
0x76: {  	_ =	shalt  }
0x77: {  	_ =	shalt  }
0x78: {  	_ =	shalt  }
0x79: {  	_ =	shalt  }
0x7a: {  	_ =	shalt  }
0x7b: {  	_ =	shalt  }
0x7c: {  	_ =	shalt  }
0x7d: {  	_ =	shalt  }
0x7e: {  	_ =	shalt  }
0x7f: {  	_ =	shalt  }
0x80: {  	_ =	shalt  }
0x81: {  	_ =	shalt  }
0x82: {  	_ =	shalt  }
0x83: {  	_ =	shalt  }
0x84: {  	_ =	shalt  }
0x85: {  	_ =	shalt  }
0x86: {  	_ =	shalt  }
0x87: {  	_ =	shalt  }
.Lfunc_end0:
.L_simem_size_0:
called_computation.1_lowered:
.L_overlay_start_0:
0x88: {  	s2 =	sld [smem:$0x3FD9]  }
0x89: {  	s3 =	sld [smem:$0x3FFE];
	_ =	sdelay $0x1  }
0x8a: {  	s1 =	srdreg.scid  }
0x8b: {  	s0 =	sand.u32 $0x1, s1  }
0x8c: {  	s16 =	sshll.u32 s0, $0xA;
	s2 =	sadd.s32 s3, s2  }
0x8d: {  	s2 =	sadd.s32 s2, s16  }
0x8e: {  	[smem:$0x3FC0] =	sst s2  }
0x8f: {  	_ = 	snop  }
0x90: {  	(tm) =	ssettm $0x1  }
0x91: {  	s17 =	sld [smem:$0x3FFB];
	_ =	sdelay $0x3  }
0x92: {  	_ =	strace s17  }
0x93: {  	s2 =	sld [smem:$0x3FFC];
	_ =	sdelay $0x3  }
0x94: {  	_ =	strace s2  }
0x95: {  	s2 =	sld [smem:$0x3FFD];
	_ =	sdelay $0x3  }
0x96: {  	_ =	strace s2  }
0x97: {  	_ =	strace $0x8FFFFFFF  }
0x98: {  	s18 =	sld [smem:$0x3FDB];
	_ =	sdelay $0x1  }
0x99: {  	s19 =	simm.s32 $_scs_section_size  }
0x9a: {  	s4 =	simm.s32 $_size__tile_overlayer_lowered;
	s5 =	simm.s32 $_tile_overlayer_lowered  }
0x9b: {  	s22 =	simm.s32 $0x1BFF;
	s21 =	sshll.u32 s5, $0x1;
	s2 =	sadd.s32 s19, s18  }
0x9c: {  	s6 =	simm.s32 $0x0;
	s20 =	sshll.u32 s4, $0x1;
	s4 =	sadd.s32 s21, s2  }
0x9d: {  	[timem:s6], [sflag:s22] =	dma.local [hbm:s4], s20  }
0x9e: {  	_ =	swait.ge [sflag:s22], s20  }
0x9f: {  	s3 =	ssub.s32 $0x0, s20;
	[sflag:s22] =	ssyncset.done $0x0  }
0xa0: {  	[sflag:s22] =	ssyncadd.s32 s3;
	_ =	sdelay $0x1  }
0xa1: {  	s23 =	simm.s32 $0x1B8B  }
0xa2: {  	_ =	swait.ge [sflag:s23], $0x1  }
0xa3: {  	[sflag:s23] =	ssyncset.done $0x0  }
0xa4: {  	s25 =	simm.s32 $0x1B8E;
	s24 =	sld [smem:$0x3FFE];
	[sflag:s23] =	ssyncadd.s32 $0xFFFFFFFF  }
0xa5: {  	s26 =	simm.s32 $execute0_lowered;
	[smem:$0x3FD2] =	sst s25  }
0xa6: {  	s4 =	sshll.u32 s26, $0x1;
	_ =	strace $0x80000049;
	[dreg:$0x1] =	wrdreg $0xFFFFFFFF  }
0xa7: {  	s28 =	simm.s32 $_size_execute0_lowered;
	s2 =	sadd.s32 s2, s4;
	[dreg:$0x0] =	wrdreg $0x0  }
0xa8: {  	s4 =	sshll.u32 s28, $0x1;
	[dreg:$0x2] =	wrdreg s2  }
0xa9: {  	[dreg:$0x3] =	wrdreg s4  }
0xaa: {  	[dreg:$0x4] =	wrdreg $0xC0  }
0xab: {  	_ =	task [dreg:s6], $0x5FFFF  }
0xac: {  	[dreg:$0x1] =	wrdreg $0xFFFFFFFF  }
0xad: {  	[dreg:$0x0] =	wrdreg $0x60  }
0xae: {  	[dreg:$0x2] =	wrdreg s24  }
0xaf: {  	[dreg:$0x3] =	wrdreg $0x7C000  }
0xb0: {  	[dreg:$0x4] =	wrdreg $0x9  }
0xb1: {  	_ =	task.clear_ibuf [dreg:s6], $0x5FFFF;
	_ =	strace $0x90000049  }
0xb2: {  	s29 =	simm.s32 $0x9;
	_ =	strace $0x8000004B  }
0xb3: {  	_ =	swait.ge [sflag:s29], $0x1  }
0xb4: {  	[sflag:s29] =	ssyncadd.s32 $0xFFFFFFFF  }
0xb5: {  	_ =	strace $0x9000004B  }
0xb6: {  	_ =	sfence  }
0xb7: {  	s30 =	sld [smem:$0x0];
	_ =	sdelay $0x2  }
0xb8: {  	s31 =	sshll.u32 s1, $0xD;
	s1 =	sshrl.u32 s1, $0x2  }
0xb9: {  	s3 =	sand.u32 $0x4000, s31;
	s1 =	sadd.s32 s1, s30  }
0xba: {  	s0 =	sor.u32 s3, s0;
	s1 =	sshll.u32 s1, $0x11  }
0xbb: {  	s0 =	sor.u32 s1, s0  }
0xbc: {  	s0 =	sadd.s32 $0x8F2B, s0  }
0xbd: {  	[sflag:s0] =	ssyncadd.remote.s32 $0x1  }
0xbe: {  	_ =	sfence.sel $0xFFFF  }
0xbf: {  	[dreg:$0x0] =	wrdreg $0xFFFFFFFF;
	(pc) =	sbr.abs _section_cstart, $3  }
0xc0: {  	[dreg:$0x1] =	wrdreg $0xFFFFFFFF  }
0xc1: {  	_ =	task.clear_ibuf [dreg:s6], $0x2FFFF;
	_ =	strace $0x9FFFFFFF  }
0xc2: {  	(tm) =	ssettm $0x7FFFFFFF  }
0xc3: {  	_ =	shalt  }
tec
execute0_lowered:
.L_overlay_start_1:
0x0: {  	(tag) =	ssettag $0x1  }
0x1: {  	s0 =	rddreg [dreg:$0x0]  }
0x2: {  	s2 =	rddreg [dreg:$0x1];
	s10 =	stileid.u32  }
0x3: {  	s1 =	srdreg.scid;
	s3 =	simm.s32 $0x0;
	s5 =	smul.u32 $0x14000, s10  }
0x4: {  	s28 =	simm.s32 $0x2C00;
	s1 =	sand.u32 $0x1, s1;
	s9 =	smul.u32 $0x50000, s10  }
0x5: {  	s29 =	simm.s32 $0x5400;
	[smem:$0x7FF] =	sst s3;
	s4 =	smul.u32 $0x140000, s1  }
0x6: {  	s6 =	sshll.u32 s1, $0x4;
	_ =	strace $0x8000004A;
	s25 =	sshrl.u32 s9, $0x2  }
0x7: {  	s21 =	ssub.s32 $0x2, s1;
	s6 =	sor.u32 s10, s6;
	s11 =	sadd.s32 s25, s2  }
0x8: {  	s8 =	sshrl.u32 s21, $0x1;
	s7 =	sadd.s32 s5, s4;
	s13 =	sadd.s32 $0x2800, s11  }
0x9: {  	s6 =	smul.u32 $0x7D00, s6;
	s14 =	sadd.s32 $0x5000, s11;
	[dreg:$0x14] =	wrdreg s13  }
0xa: {  	s4 =	sadd.s32 $0xC600, s0;
	s15 =	sadd.s32 $0x7800, s11;
	[dreg:$0x15] =	wrdreg s14  }
0xb: {  	s5 =	sadd.s32 $0x2BA00, s0;
	s16 =	sadd.s32 $0xA000, s11;
	[dreg:$0x16] =	wrdreg s15  }
0xc: {  	s7 =	sshrl.u32 s7, $0x3;
	s17 =	sadd.s32 $0xC800, s11;
	[dreg:$0x17] =	wrdreg s16  }
0xd: {  	s19 =	sadd.s32 $0xF000, s11;
	s0 =	sadd.s32 s7, s0;
	[dreg:$0x18] =	wrdreg s17  }
0xe: {  	s7 =	ssub.s32 s21, s8;
	[dreg:$0x19] =	wrdreg s19;
	s21 =	sadd.s32 $0x11800, s11  }
0xf: {  	s6 =	sshrl.u32 s6, $0x3;
	s0 =	sadd.s32 $0x52C00, s0;
	[dreg:$0x1a] =	wrdreg s21  }
0x10: {  	s6 =	sadd.s32 s4, s6;
	s12 =	smax.u32 s7, $0x1;
	[dreg:$0x12] =	wrdreg s0  }
0x11: {  	s30 =	simm.s32 $0x5;
	s22 =	sadd.s32 $0x20, s6;
	[dreg:$0x13] =	wrdreg s12  }
0x12: {  	s1 =	smul.u32 $0x7D000, s1;
	s23 =	sadd.s32 $0x40, s6;
	[dreg:$0xe] =	wrdreg s22  }
0x13: {  	s10 =	smul.u32 $0x7D00, s10;
	s24 =	sadd.s32 $0xF60, s6;
	[dreg:$0xf] =	wrdreg s23  }
0x14: {  	s31 =	simm.s32 $0x80;
	s26 =	sadd.s32 $0xF80, s6;
	[dreg:$0x10] =	wrdreg s24  }
0x15: {  	s8 =	simm.s32 $0x180;
	s0 =	sadd.s32 s10, s1;
	[dreg:$0x11] =	wrdreg s26  }
0x16: {  	s18 =	sadd.s32 $0xE00, s0;
	s20 =	sadd.s32 $0xD00, s0;
	s23 =	sadd.s32 $0xB00, s0  }
0x17: {  	s25 =	sadd.s32 $0xA00, s0;
	s26 =	sadd.s32 $0x900, s0;
	s13 =	sadd.s32 $0x800, s0  }
0x18: {  	s15 =	sadd.s32 $0x700, s0;
	s16 =	sadd.s32 $0x600, s0;
	s1 =	sshrl.u32 s18, $0x3  }
0x19: {  	s7 =	sshrl.u32 s20, $0x3;
	s24 =	sshrl.u32 s23, $0x3;
	s10 =	sshrl.u32 s26, $0x3  }
0x1a: {  	s14 =	sshrl.u32 s13, $0x3;
	s18 =	sshrl.u32 s16, $0x3;
	s20 =	sadd.s32 $0x500, s0  }
0x1b: {  	s23 =	sadd.s32 $0x300, s0;
	s13 =	simm.s32 $0x1;
	s16 =	simm.s32 $0x0  }
0x1c: {  	s1 =	sadd.s32 s1, s4;
	s22 =	sadd.s32 s7, s4;
	s7 =	sshrl.u32 s25, $0x3  }
0x1d: {  	s12 =	sadd.s32 s10, s4;
	s19 =	sadd.s32 s18, s4;
	s21 =	sshrl.u32 s20, $0x3  }
0x1e: {  	s25 =	sshrl.u32 s23, $0x3;
	s23 =	simm.s32 $0x100;
	[dreg:$0x3] =	wrdreg s1  }
0x1f: {  	s10 =	simm.s32 $0x7;
	[dreg:$0x4] =	wrdreg s22;
	s1 =	sadd.s32 s24, s4  }
0x20: {  	s9 =	sadd.s32 s7, s4;
	[dreg:$0x7] =	wrdreg s12;
	s7 =	sshrl.u32 s15, $0x3  }
0x21: {  	[dreg:$0xa] =	wrdreg s19;
	s22 =	sadd.s32 $0x400, s0;
	s26 =	sadd.s32 s25, s4  }
0x22: {  	s25 =	simm.s32 $0x50;
	s12 =	simm.s32 $0x280;
	[dreg:$0x5] =	wrdreg s1  }
0x23: {  	s15 =	simm.s32 $0x2;
	[dreg:$0x6] =	wrdreg s9;
	s1 =	sadd.s32 s14, s4  }
0x24: {  	s17 =	sadd.s32 s7, s4;
	s7 =	sshrl.u32 s22, $0x3;
	[dreg:$0xd] =	wrdreg s26  }
0x25: {  	s22 =	simm.s32 $0x8;
	s26 =	simm.s32 $0x400;
	[dreg:$0x8] =	wrdreg s1  }
0x26: {  	s9 =	simm.s32 $0x4;
	s14 =	simm.s32 $0x380;
	[dreg:$0x9] =	wrdreg s17  }
0x27: {  	s1 =	sadd.s32 s21, s4;
	s24 =	sadd.s32 s7, s4;
	s21 =	sadd.s32 $0xC00, s0  }
0x28: {  	s0 =	simm.s32 $0x300;
	s7 =	simm.s32 $0x6;
	[dreg:$0xb] =	wrdreg s1  }
0x29: {  	v0 =	vimm.f32 $0.0e+00;
	[dreg:$0xc] =	wrdreg s24;
	s24 =	simm.s32 $0x200;
	s1 =	simm.s32 $0x3  }
.LBB2_1:
0x2a: {  	s17 =	simm.s32 $0x70;
	s18 =	simm.s32 $0x3C0  }
.LBB2_2:
0x2b: {  	p0 =	sne.s32 s18, $0x9FC0;
	[tilespmem:s17+$0x5400] =	vst v0  }
0x2c: {  	[tilespmem:s17+$0x5390] =	vst v0  }
0x2d: {  	[tilespmem:s17+$0x53A0] =	vst v0  }
.Ltmp0:
0x2e: {  	[tilespmem:s17+$0x53B0] =	vst v0;
	(pc) =	sbr.rel @p0 .LBB2_2-.Ltmp0, $4  }
0x2f: {  	[tilespmem:s17+$0x53C0] =	vst v0  }
0x30: {  	[tilespmem:s17+$0x53D0] =	vst v0  }
0x31: {  	[tilespmem:s17+$0x53E0] =	vst v0  }
0x32: {  	[tilespmem:s17+$0x53F0] =	vst v0;
	s17 =	sshra.s32 s18, $0x2;
	s18 =	sadd.s32 $0x200, s18  }
0x33: {  	[tilespmem:s17+$0x5400] =	vst v0  }
0x34: {  	[tilespmem:s17+$0x5390] =	vst v0  }
0x35: {  	[tilespmem:s17+$0x53A0] =	vst v0  }
0x36: {  	[tilespmem:s17+$0x53B0] =	vst v0  }
0x37: {  	[tilespmem:s17+$0x53C0] =	vst v0  }
0x38: {  	[tilespmem:s17+$0x53D0] =	vst v0  }
0x39: {  	[tilespmem:s17+$0x53E0] =	vst v0  }
0x3a: {  	[tilespmem:s17+$0x53F0] =	vst v0;
	s20 =	simm.s32 $0x0  }
0x3b: {  	[tilespmem:s20], [sflag:$0x8] =	stream.linear.gather [hbm4b:s6+s20], $0x100, $0x38;
	[tilespmem:$0x1BC00] =	vst v63  }
0x3c: {  	_ =	swait.ge [sflag:s22], $0x100  }
0x3d: {  	[sflag:s22] =	ssyncset.done $0x0  }
0x3e: {  	s18 =	rddreg [dreg:$0xe];
	[sflag:s22] =	ssyncadd.s32 $0xFFFFFF00  }
0x3f: {  	[tilespmem:s23], [sflag:$0x8] =	stream.linear.gather [hbm4b:s18+s20], $0x100, $0x38;
	[tilespmem:$0x1BC00] =	vst v63  }
0x40: {  	_ =	swait.ge [sflag:s22], $0x100  }
0x41: {  	[sflag:s22] =	ssyncset.done $0x0  }
0x42: {  	s19 =	rddreg [dreg:$0xf];
	[sflag:s22] =	ssyncadd.s32 $0xFFFFFF00  }
0x43: {  	[tilespmem:s24], [sflag:$0x3] =	stream.linear.gather [hbm4b:s19+s20], $0x100, $0x38;
	[tilespmem:$0x1BC00] =	vst v63  }
0x44: {  	_ = 	snop  }
0x45: {  	[tilespmem:s26], [sflag:$0x5] =	stream.indirect.gather [hbm4b:s5+s25], $0x80, s20, s25, $0xb8;
	[tilespmem:$0x1BC00] =	vst v63  }
0x46: {  	_ = 	snop  }
0x47: {  	[tilespmem:s28], [sflag:$0x6] =	stream.indirect.gather [hbm4b:s5+s25], $0x80, s23, s25, $0xb8;
	[tilespmem:$0x1BC00] =	vst v63  }
0x48: {  	_ = 	snop  }
0x49: {  	[spmem:s11] =	stream.linear.scatter [tilespmem:s29], [sflag:$0x8], $0x2800, $0x38;
	[tilespmem:$0x1BC00] =	vst v63  }
0x4a: {  	_ =	swait.ge [sflag:s22], $0x2800  }
0x4b: {  	[sflag:s22] =	ssyncset.done $0x0  }
0x4c: {  	s20 =	rddreg [dreg:$0x14];
	[sflag:s22] =	ssyncadd.s32 $0xFFFFD800  }
0x4d: {  	[spmem:s20] =	stream.linear.scatter [tilespmem:s29], [sflag:$0x8], $0x2800, $0x38;
	[tilespmem:$0x1BC00] =	vst v63  }
0x4e: {  	_ =	swait.ge [sflag:s22], $0x2800  }
0x4f: {  	[sflag:s22] =	ssyncset.done $0x0  }
0x50: {  	s18 =	rddreg [dreg:$0x15];
	[sflag:s22] =	ssyncadd.s32 $0xFFFFD800  }
0x51: {  	[spmem:s18] =	stream.linear.scatter [tilespmem:s29], [sflag:$0x8], $0x2800, $0x38;
	[tilespmem:$0x1BC00] =	vst v63  }
0x52: {  	_ =	swait.ge [sflag:s22], $0x2800  }
0x53: {  	[sflag:s22] =	ssyncset.done $0x0  }
0x54: {  	s19 =	rddreg [dreg:$0x16];
	[sflag:s22] =	ssyncadd.s32 $0xFFFFD800  }
0x55: {  	[spmem:s19] =	stream.linear.scatter [tilespmem:s29], [sflag:$0x8], $0x2800, $0x38;
	[tilespmem:$0x1BC00] =	vst v63  }
0x56: {  	_ =	swait.ge [sflag:s22], $0x2800  }
0x57: {  	[sflag:s22] =	ssyncset.done $0x0  }
0x58: {  	s20 =	rddreg [dreg:$0x17];
	[sflag:s22] =	ssyncadd.s32 $0xFFFFD800  }
0x59: {  	[spmem:s20] =	stream.linear.scatter [tilespmem:s29], [sflag:$0x8], $0x2800, $0x38;
	[tilespmem:$0x1BC00] =	vst v63  }
0x5a: {  	_ =	swait.ge [sflag:s22], $0x2800  }
0x5b: {  	[sflag:s22] =	ssyncset.done $0x0  }
0x5c: {  	s18 =	rddreg [dreg:$0x18];
	[sflag:s22] =	ssyncadd.s32 $0xFFFFD800  }
0x5d: {  	[spmem:s18] =	stream.linear.scatter [tilespmem:s29], [sflag:$0x8], $0x2800, $0x38;
	[tilespmem:$0x1BC00] =	vst v63  }
0x5e: {  	_ =	swait.ge [sflag:s22], $0x2800  }
0x5f: {  	[sflag:s22] =	ssyncset.done $0x0  }
0x60: {  	s19 =	rddreg [dreg:$0x19];
	[sflag:s22] =	ssyncadd.s32 $0xFFFFD800  }
0x61: {  	[spmem:s19] =	stream.linear.scatter [tilespmem:s29], [sflag:$0x8], $0x2800, $0x38;
	[tilespmem:$0x1BC00] =	vst v63  }
0x62: {  	_ =	swait.ge [sflag:s22], $0x2800  }
0x63: {  	[sflag:s22] =	ssyncset.done $0x0  }
0x64: {  	s20 =	rddreg [dreg:$0x1a];
	[sflag:s22] =	ssyncadd.s32 $0xFFFFD800  }
0x65: {  	[spmem:s20] =	stream.linear.scatter [tilespmem:s29], [sflag:$0x8], $0x2800, $0x38;
	[tilespmem:$0x1BC00] =	vst v63  }
0x66: {  	_ =	swait.ge [sflag:s22], $0x2800  }
0x67: {  	[sflag:s22] =	ssyncset.done $0x0  }
0x68: {  	[sflag:s22] =	ssyncadd.s32 $0xFFFFD800  }
0x69: {  	[bflag:$0x0] =	sbarrier.arrive $0xFFFF  }
0x6a: {  	_ =	swait.ge [sflag:s30], $0x2800  }
0x6b: {  	[sflag:s30] =	ssyncset.done $0x0  }
0x6c: {  	[sflag:s30] =	ssyncadd.s32 $0xFFFFD800  }
0x6d: {  	[spmem:s2] =	stream.indirect.scatter.add.f32 [tilespmem:s26], [sflag:$0x8], $0x80, s31, s25, $0xb8;
	[tilespmem:$0x1BC00] =	vst v63  }
0x6e: {  	_ =	swait.ge [sflag:s22], $0x2800  }
0x6f: {  	s18 =	rddreg [dreg:$0xd];
	[sflag:s22] =	ssyncset.done $0x0  }
0x70: {  	[sflag:s22] =	ssyncadd.s32 $0xFFFFD800;
	s17 =	sadd.s32 $0x0, s18  }
0x71: {  	[tilespmem:s0], [sflag:$0x4] =	stream.linear.gather [hbm4b:s17+s3], $0x100, $0x38;
	[tilespmem:$0x1BC00] =	vst v63  }
0x72: {  	_ =	swait.ge [sflag:s1], $0x100  }
0x73: {  	[sflag:s1] =	ssyncset.done $0x0  }
0x74: {  	[sflag:s1] =	ssyncadd.s32 $0xFFFFFF00  }
0x75: {  	[tilespmem:s29], [sflag:$0x7] =	stream.indirect.gather [hbm4b:s5+s25], $0x80, s24, s25, $0xb8;
	[tilespmem:$0x1BC00] =	vst v63  }
0x76: {  	_ =	swait.ge [sflag:s7], $0x2800  }
0x77: {  	[sflag:s7] =	ssyncset.done $0x0  }
0x78: {  	[sflag:s7] =	ssyncadd.s32 $0xFFFFD800  }
0x79: {  	[spmem:s2] =	stream.indirect.scatter.add.f32 [tilespmem:s28], [sflag:$0x8], $0x80, s8, s25, $0xb8;
	[tilespmem:$0x1BC00] =	vst v63  }
0x7a: {  	_ =	swait.ge [sflag:s22], $0x2800  }
0x7b: {  	s19 =	rddreg [dreg:$0xc];
	[sflag:s22] =	ssyncset.done $0x0  }
0x7c: {  	[sflag:s22] =	ssyncadd.s32 $0xFFFFD800;
	s17 =	sadd.s32 $0x0, s19  }
0x7d: {  	[tilespmem:s3], [sflag:$0x1] =	stream.linear.gather [hbm4b:s17+s3], $0x100, $0x38;
	[tilespmem:$0x1BC00] =	vst v63  }
0x7e: {  	_ =	swait.ge [sflag:s9], $0x100  }
0x7f: {  	[sflag:s9] =	ssyncset.done $0x0  }
0x80: {  	[sflag:s9] =	ssyncadd.s32 $0xFFFFFF00  }
0x81: {  	[tilespmem:s26], [sflag:$0x5] =	stream.indirect.gather [hbm4b:s5+s25], $0x80, s0, s25, $0xb8;
	[tilespmem:$0x1BC00] =	vst v63  }
0x82: {  	_ =	swait.ge [sflag:s10], $0x2800  }
0x83: {  	[sflag:s10] =	ssyncset.done $0x0  }
0x84: {  	[sflag:s10] =	ssyncadd.s32 $0xFFFFD800  }
0x85: {  	[spmem:s2] =	stream.indirect.scatter.add.f32 [tilespmem:s29], [sflag:$0x8], $0x80, s12, s25, $0xb8;
	[tilespmem:$0x1BC00] =	vst v63  }
0x86: {  	_ =	swait.ge [sflag:s22], $0x2800  }
0x87: {  	s20 =	rddreg [dreg:$0xb];
	[sflag:s22] =	ssyncset.done $0x0  }
0x88: {  	[sflag:s22] =	ssyncadd.s32 $0xFFFFD800;
	s17 =	sadd.s32 $0x0, s20  }
0x89: {  	[tilespmem:s23], [sflag:$0x2] =	stream.linear.gather [hbm4b:s17+s3], $0x100, $0x38;
	[tilespmem:$0x1BC00] =	vst v63  }
0x8a: {  	_ =	swait.ge [sflag:s13], $0x100  }
0x8b: {  	[sflag:s13] =	ssyncset.done $0x0  }
0x8c: {  	[sflag:s13] =	ssyncadd.s32 $0xFFFFFF00  }
0x8d: {  	[tilespmem:s28], [sflag:$0x6] =	stream.indirect.gather [hbm4b:s5+s25], $0x80, s3, s25, $0xb8;
	[tilespmem:$0x1BC00] =	vst v63  }
0x8e: {  	_ =	swait.ge [sflag:s30], $0x2800  }
0x8f: {  	[sflag:s30] =	ssyncset.done $0x0  }
0x90: {  	[sflag:s30] =	ssyncadd.s32 $0xFFFFD800  }
0x91: {  	[spmem:s2] =	stream.indirect.scatter.add.f32 [tilespmem:s26], [sflag:$0x8], $0x80, s14, s25, $0xb8;
	[tilespmem:$0x1BC00] =	vst v63  }
0x92: {  	_ =	swait.ge [sflag:s22], $0x2800  }
0x93: {  	s18 =	rddreg [dreg:$0xa];
	[sflag:s22] =	ssyncset.done $0x0  }
0x94: {  	[sflag:s22] =	ssyncadd.s32 $0xFFFFD800;
	s17 =	sadd.s32 $0x0, s18  }
0x95: {  	[tilespmem:s24], [sflag:$0x3] =	stream.linear.gather [hbm4b:s17+s3], $0x100, $0x38;
	[tilespmem:$0x1BC00] =	vst v63  }
0x96: {  	_ =	swait.ge [sflag:s15], $0x100  }
0x97: {  	[sflag:s15] =	ssyncset.done $0x0  }
0x98: {  	[sflag:s15] =	ssyncadd.s32 $0xFFFFFF00  }
0x99: {  	[tilespmem:s29], [sflag:$0x7] =	stream.indirect.gather [hbm4b:s5+s25], $0x80, s23, s25, $0xb8;
	[tilespmem:$0x1BC00] =	vst v63  }
0x9a: {  	_ =	swait.ge [sflag:s7], $0x2800  }
0x9b: {  	[sflag:s7] =	ssyncset.done $0x0  }
0x9c: {  	[sflag:s7] =	ssyncadd.s32 $0xFFFFD800  }
0x9d: {  	[spmem:s2] =	stream.indirect.scatter.add.f32 [tilespmem:s28], [sflag:$0x8], $0x80, s31, s25, $0xb8;
	[tilespmem:$0x1BC00] =	vst v63  }
0x9e: {  	_ =	swait.ge [sflag:s22], $0x2800  }
0x9f: {  	s19 =	rddreg [dreg:$0x9];
	[sflag:s22] =	ssyncset.done $0x0  }
0xa0: {  	[sflag:s22] =	ssyncadd.s32 $0xFFFFD800;
	s17 =	sadd.s32 $0x0, s19  }
0xa1: {  	[tilespmem:s0], [sflag:$0x4] =	stream.linear.gather [hbm4b:s17+s3], $0x100, $0x38;
	[tilespmem:$0x1BC00] =	vst v63  }
0xa2: {  	_ =	swait.ge [sflag:s1], $0x100  }
0xa3: {  	[sflag:s1] =	ssyncset.done $0x0  }
0xa4: {  	[sflag:s1] =	ssyncadd.s32 $0xFFFFFF00  }
0xa5: {  	[tilespmem:s26], [sflag:$0x5] =	stream.indirect.gather [hbm4b:s5+s25], $0x80, s24, s25, $0xb8;
	[tilespmem:$0x1BC00] =	vst v63  }
0xa6: {  	_ =	swait.ge [sflag:s10], $0x2800  }
0xa7: {  	[sflag:s10] =	ssyncset.done $0x0  }
0xa8: {  	[sflag:s10] =	ssyncadd.s32 $0xFFFFD800  }
0xa9: {  	[spmem:s2] =	stream.indirect.scatter.add.f32 [tilespmem:s29], [sflag:$0x8], $0x80, s8, s25, $0xb8;
	[tilespmem:$0x1BC00] =	vst v63  }
0xaa: {  	_ =	swait.ge [sflag:s22], $0x2800  }
0xab: {  	s20 =	rddreg [dreg:$0x8];
	[sflag:s22] =	ssyncset.done $0x0  }
0xac: {  	[sflag:s22] =	ssyncadd.s32 $0xFFFFD800;
	s17 =	sadd.s32 $0x0, s20  }
0xad: {  	[tilespmem:s3], [sflag:$0x1] =	stream.linear.gather [hbm4b:s17+s3], $0x100, $0x38;
	[tilespmem:$0x1BC00] =	vst v63  }
0xae: {  	_ =	swait.ge [sflag:s9], $0x100  }
0xaf: {  	[sflag:s9] =	ssyncset.done $0x0  }
0xb0: {  	[sflag:s9] =	ssyncadd.s32 $0xFFFFFF00  }
0xb1: {  	[tilespmem:s28], [sflag:$0x6] =	stream.indirect.gather [hbm4b:s5+s25], $0x80, s0, s25, $0xb8;
	[tilespmem:$0x1BC00] =	vst v63  }
0xb2: {  	_ =	swait.ge [sflag:s30], $0x2800  }
0xb3: {  	[sflag:s30] =	ssyncset.done $0x0  }
0xb4: {  	[sflag:s30] =	ssyncadd.s32 $0xFFFFD800  }
0xb5: {  	[spmem:s2] =	stream.indirect.scatter.add.f32 [tilespmem:s26], [sflag:$0x8], $0x80, s12, s25, $0xb8;
	[tilespmem:$0x1BC00] =	vst v63  }
0xb6: {  	_ =	swait.ge [sflag:s22], $0x2800  }
0xb7: {  	s18 =	rddreg [dreg:$0x7];
	[sflag:s22] =	ssyncset.done $0x0  }
0xb8: {  	[sflag:s22] =	ssyncadd.s32 $0xFFFFD800;
	s17 =	sadd.s32 $0x0, s18  }
0xb9: {  	[tilespmem:s23], [sflag:$0x2] =	stream.linear.gather [hbm4b:s17+s3], $0x100, $0x38;
	[tilespmem:$0x1BC00] =	vst v63  }
0xba: {  	_ =	swait.ge [sflag:s13], $0x100  }
0xbb: {  	[sflag:s13] =	ssyncset.done $0x0  }
0xbc: {  	[sflag:s13] =	ssyncadd.s32 $0xFFFFFF00  }
0xbd: {  	[tilespmem:s29], [sflag:$0x7] =	stream.indirect.gather [hbm4b:s5+s25], $0x80, s3, s25, $0xb8;
	[tilespmem:$0x1BC00] =	vst v63  }
0xbe: {  	_ =	swait.ge [sflag:s7], $0x2800  }
0xbf: {  	[sflag:s7] =	ssyncset.done $0x0  }
0xc0: {  	[sflag:s7] =	ssyncadd.s32 $0xFFFFD800  }
0xc1: {  	[spmem:s2] =	stream.indirect.scatter.add.f32 [tilespmem:s28], [sflag:$0x8], $0x80, s14, s25, $0xb8;
	[tilespmem:$0x1BC00] =	vst v63  }
0xc2: {  	_ =	swait.ge [sflag:s22], $0x2800  }
0xc3: {  	s19 =	rddreg [dreg:$0x6];
	[sflag:s22] =	ssyncset.done $0x0  }
0xc4: {  	[sflag:s22] =	ssyncadd.s32 $0xFFFFD800;
	s17 =	sadd.s32 $0x0, s19  }
0xc5: {  	[tilespmem:s24], [sflag:$0x3] =	stream.linear.gather [hbm4b:s17+s3], $0x100, $0x38;
	[tilespmem:$0x1BC00] =	vst v63  }
0xc6: {  	_ =	swait.ge [sflag:s15], $0x100  }
0xc7: {  	[sflag:s15] =	ssyncset.done $0x0  }
0xc8: {  	[sflag:s15] =	ssyncadd.s32 $0xFFFFFF00  }
0xc9: {  	[tilespmem:s26], [sflag:$0x5] =	stream.indirect.gather [hbm4b:s5+s25], $0x80, s23, s25, $0xb8;
	[tilespmem:$0x1BC00] =	vst v63  }
0xca: {  	_ =	swait.ge [sflag:s10], $0x2800  }
0xcb: {  	[sflag:s10] =	ssyncset.done $0x0  }
0xcc: {  	[sflag:s10] =	ssyncadd.s32 $0xFFFFD800  }
0xcd: {  	[spmem:s2] =	stream.indirect.scatter.add.f32 [tilespmem:s29], [sflag:$0x8], $0x80, s31, s25, $0xb8;
	[tilespmem:$0x1BC00] =	vst v63  }
0xce: {  	_ =	swait.ge [sflag:s22], $0x2800  }
0xcf: {  	s20 =	rddreg [dreg:$0x5];
	[sflag:s22] =	ssyncset.done $0x0  }
0xd0: {  	[sflag:s22] =	ssyncadd.s32 $0xFFFFD800;
	s17 =	sadd.s32 $0x0, s20  }
0xd1: {  	[tilespmem:s0], [sflag:$0x4] =	stream.linear.gather [hbm4b:s17+s3], $0x100, $0x38;
	[tilespmem:$0x1BC00] =	vst v63  }
0xd2: {  	_ =	swait.ge [sflag:s1], $0x100  }
0xd3: {  	[sflag:s1] =	ssyncset.done $0x0  }
0xd4: {  	[sflag:s1] =	ssyncadd.s32 $0xFFFFFF00  }
0xd5: {  	[tilespmem:s28], [sflag:$0x6] =	stream.indirect.gather [hbm4b:s5+s25], $0x80, s24, s25, $0xb8;
	[tilespmem:$0x1BC00] =	vst v63  }
0xd6: {  	_ =	swait.ge [sflag:s30], $0x2800  }
0xd7: {  	[sflag:s30] =	ssyncset.done $0x0  }
0xd8: {  	[sflag:s30] =	ssyncadd.s32 $0xFFFFD800  }
0xd9: {  	[spmem:s2] =	stream.indirect.scatter.add.f32 [tilespmem:s26], [sflag:$0x8], $0x80, s8, s25, $0xb8;
	[tilespmem:$0x1BC00] =	vst v63  }
0xda: {  	_ =	swait.ge [sflag:s22], $0x2800  }
0xdb: {  	s18 =	sshrl.u32 s21, $0x3;
	[sflag:s22] =	ssyncset.done $0x0  }
0xdc: {  	s17 =	sadd.s32 s4, s18;
	[sflag:s22] =	ssyncadd.s32 $0xFFFFD800  }
0xdd: {  	[tilespmem:s3], [sflag:$0x1] =	stream.linear.gather [hbm4b:s17+s3], $0x100, $0x38;
	[tilespmem:$0x1BC00] =	vst v63  }
0xde: {  	_ =	swait.ge [sflag:s9], $0x100  }
0xdf: {  	[sflag:s9] =	ssyncset.done $0x0  }
0xe0: {  	[sflag:s9] =	ssyncadd.s32 $0xFFFFFF00  }
0xe1: {  	[tilespmem:s29], [sflag:$0x7] =	stream.indirect.gather [hbm4b:s5+s25], $0x80, s0, s25, $0xb8;
	[tilespmem:$0x1BC00] =	vst v63  }
0xe2: {  	_ =	swait.ge [sflag:s7], $0x2800  }
0xe3: {  	[sflag:s7] =	ssyncset.done $0x0  }
0xe4: {  	[sflag:s7] =	ssyncadd.s32 $0xFFFFD800  }
0xe5: {  	[spmem:s2] =	stream.indirect.scatter.add.f32 [tilespmem:s28], [sflag:$0x8], $0x80, s12, s25, $0xb8;
	[tilespmem:$0x1BC00] =	vst v63  }
0xe6: {  	_ =	swait.ge [sflag:s22], $0x2800  }
0xe7: {  	s19 =	rddreg [dreg:$0x4];
	[sflag:s22] =	ssyncset.done $0x0  }
0xe8: {  	[sflag:s22] =	ssyncadd.s32 $0xFFFFD800;
	s17 =	sadd.s32 $0x0, s19  }
0xe9: {  	[tilespmem:s23], [sflag:$0x2] =	stream.linear.gather [hbm4b:s17+s3], $0x100, $0x38;
	[tilespmem:$0x1BC00] =	vst v63  }
0xea: {  	_ =	swait.ge [sflag:s13], $0x100  }
0xeb: {  	[sflag:s13] =	ssyncset.done $0x0  }
0xec: {  	[sflag:s13] =	ssyncadd.s32 $0xFFFFFF00  }
0xed: {  	[tilespmem:s26], [sflag:$0x5] =	stream.indirect.gather [hbm4b:s5+s25], $0x80, s3, s25, $0xb8;
	[tilespmem:$0x1BC00] =	vst v63  }
0xee: {  	_ =	swait.ge [sflag:s10], $0x2800  }
0xef: {  	[sflag:s10] =	ssyncset.done $0x0  }
0xf0: {  	[sflag:s10] =	ssyncadd.s32 $0xFFFFD800  }
0xf1: {  	[spmem:s2] =	stream.indirect.scatter.add.f32 [tilespmem:s29], [sflag:$0x8], $0x80, s14, s25, $0xb8;
	[tilespmem:$0x1BC00] =	vst v63  }
0xf2: {  	_ =	swait.ge [sflag:s22], $0x2800  }
0xf3: {  	s20 =	rddreg [dreg:$0x3];
	[sflag:s22] =	ssyncset.done $0x0  }
0xf4: {  	[sflag:s22] =	ssyncadd.s32 $0xFFFFD800;
	s17 =	sadd.s32 $0x0, s20  }
0xf5: {  	[tilespmem:s24], [sflag:$0x3] =	stream.linear.gather [hbm4b:s17+s3], $0x100, $0x38;
	[tilespmem:$0x1BC00] =	vst v63  }
0xf6: {  	_ =	swait.ge [sflag:s15], $0x100  }
0xf7: {  	[sflag:s15] =	ssyncset.done $0x0  }
0xf8: {  	s18 =	sadd.s32 $0xC00, s21;
	s17 =	simm.s32 $0x180;
	[sflag:s15] =	ssyncadd.s32 $0xFFFFFF00  }
.LBB2_4:
0xf9: {  	[tilespmem:s28], [sflag:$0x6] =	stream.indirect.gather [hbm4b:s5+s25], $0x80, s23, s25, $0xb8;
	[tilespmem:$0x1BC00] =	vst v63  }
0xfa: {  	_ =	swait.ge [sflag:s30], $0x2800  }
0xfb: {  	[sflag:s30] =	ssyncset.done $0x0  }
0xfc: {  	[sflag:s30] =	ssyncadd.s32 $0xFFFFD800  }
0xfd: {  	[spmem:s2] =	stream.indirect.scatter.add.f32 [tilespmem:s26], [sflag:$0x8], $0x80, s31, s25, $0xb8;
	[tilespmem:$0x1BC00] =	vst v63  }
0xfe: {  	_ =	swait.ge [sflag:s22], $0x2800  }
0xff: {  	s19 =	smov.u32 s17;
	s20 =	rddreg [dreg:$0xd];
	[sflag:s22] =	ssyncset.done $0x0  }
0x100: {  	[sflag:s22] =	ssyncadd.s32 $0xFFFFD800;
	s20 =	sadd.s32 s19, s20  }
0x101: {  	[tilespmem:s0], [sflag:$0x4] =	stream.linear.gather [hbm4b:s20+s3], $0x100, $0x38;
	[tilespmem:$0x1BC00] =	vst v63  }
0x102: {  	_ =	swait.ge [sflag:s1], $0x100  }
0x103: {  	[sflag:s1] =	ssyncset.done $0x0  }
0x104: {  	[sflag:s1] =	ssyncadd.s32 $0xFFFFFF00  }
0x105: {  	[tilespmem:s29], [sflag:$0x7] =	stream.indirect.gather [hbm4b:s5+s25], $0x80, s24, s25, $0xb8;
	[tilespmem:$0x1BC00] =	vst v63  }
0x106: {  	_ =	swait.ge [sflag:s7], $0x2800  }
0x107: {  	[sflag:s7] =	ssyncset.done $0x0  }
0x108: {  	[sflag:s7] =	ssyncadd.s32 $0xFFFFD800  }
0x109: {  	[spmem:s2] =	stream.indirect.scatter.add.f32 [tilespmem:s28], [sflag:$0x8], $0x80, s8, s25, $0xb8;
	[tilespmem:$0x1BC00] =	vst v63  }
0x10a: {  	_ =	swait.ge [sflag:s22], $0x2800  }
0x10b: {  	s20 =	rddreg [dreg:$0xc];
	[sflag:s22] =	ssyncset.done $0x0  }
0x10c: {  	[sflag:s22] =	ssyncadd.s32 $0xFFFFD800;
	s20 =	sadd.s32 s19, s20  }
0x10d: {  	[tilespmem:s3], [sflag:$0x1] =	stream.linear.gather [hbm4b:s20+s3], $0x100, $0x38;
	[tilespmem:$0x1BC00] =	vst v63  }
0x10e: {  	_ =	swait.ge [sflag:s9], $0x100  }
0x10f: {  	[sflag:s9] =	ssyncset.done $0x0  }
0x110: {  	[sflag:s9] =	ssyncadd.s32 $0xFFFFFF00  }
0x111: {  	[tilespmem:s26], [sflag:$0x5] =	stream.indirect.gather [hbm4b:s5+s25], $0x80, s0, s25, $0xb8;
	[tilespmem:$0x1BC00] =	vst v63  }
0x112: {  	_ =	swait.ge [sflag:s10], $0x2800  }
0x113: {  	[sflag:s10] =	ssyncset.done $0x0  }
0x114: {  	[sflag:s10] =	ssyncadd.s32 $0xFFFFD800  }
0x115: {  	[spmem:s2] =	stream.indirect.scatter.add.f32 [tilespmem:s29], [sflag:$0x8], $0x80, s12, s25, $0xb8;
	[tilespmem:$0x1BC00] =	vst v63  }
0x116: {  	_ =	swait.ge [sflag:s22], $0x2800  }
0x117: {  	s20 =	rddreg [dreg:$0xb];
	[sflag:s22] =	ssyncset.done $0x0  }
0x118: {  	[sflag:s22] =	ssyncadd.s32 $0xFFFFD800;
	s20 =	sadd.s32 s19, s20  }
0x119: {  	[tilespmem:s23], [sflag:$0x2] =	stream.linear.gather [hbm4b:s20+s3], $0x100, $0x38;
	[tilespmem:$0x1BC00] =	vst v63  }
0x11a: {  	_ =	swait.ge [sflag:s13], $0x100  }
0x11b: {  	[sflag:s13] =	ssyncset.done $0x0  }
0x11c: {  	[sflag:s13] =	ssyncadd.s32 $0xFFFFFF00  }
0x11d: {  	[tilespmem:s28], [sflag:$0x6] =	stream.indirect.gather [hbm4b:s5+s25], $0x80, s3, s25, $0xb8;
	[tilespmem:$0x1BC00] =	vst v63  }
0x11e: {  	_ =	swait.ge [sflag:s30], $0x2800  }
0x11f: {  	[sflag:s30] =	ssyncset.done $0x0  }
0x120: {  	[sflag:s30] =	ssyncadd.s32 $0xFFFFD800  }
0x121: {  	[spmem:s2] =	stream.indirect.scatter.add.f32 [tilespmem:s26], [sflag:$0x8], $0x80, s14, s25, $0xb8;
	[tilespmem:$0x1BC00] =	vst v63  }
0x122: {  	_ =	swait.ge [sflag:s22], $0x2800  }
0x123: {  	s20 =	rddreg [dreg:$0xa];
	[sflag:s22] =	ssyncset.done $0x0  }
0x124: {  	[sflag:s22] =	ssyncadd.s32 $0xFFFFD800;
	s20 =	sadd.s32 s19, s20  }
0x125: {  	[tilespmem:s24], [sflag:$0x3] =	stream.linear.gather [hbm4b:s20+s3], $0x100, $0x38;
	[tilespmem:$0x1BC00] =	vst v63  }
0x126: {  	_ =	swait.ge [sflag:s15], $0x100  }
0x127: {  	[sflag:s15] =	ssyncset.done $0x0  }
0x128: {  	[sflag:s15] =	ssyncadd.s32 $0xFFFFFF00  }
0x129: {  	[tilespmem:s29], [sflag:$0x7] =	stream.indirect.gather [hbm4b:s5+s25], $0x80, s23, s25, $0xb8;
	[tilespmem:$0x1BC00] =	vst v63  }
0x12a: {  	_ =	swait.ge [sflag:s7], $0x2800  }
0x12b: {  	[sflag:s7] =	ssyncset.done $0x0  }
0x12c: {  	[sflag:s7] =	ssyncadd.s32 $0xFFFFD800  }
0x12d: {  	[spmem:s2] =	stream.indirect.scatter.add.f32 [tilespmem:s28], [sflag:$0x8], $0x80, s31, s25, $0xb8;
	[tilespmem:$0x1BC00] =	vst v63  }
0x12e: {  	_ =	swait.ge [sflag:s22], $0x2800  }
0x12f: {  	s20 =	rddreg [dreg:$0x9];
	[sflag:s22] =	ssyncset.done $0x0  }
0x130: {  	[sflag:s22] =	ssyncadd.s32 $0xFFFFD800;
	s20 =	sadd.s32 s19, s20  }
0x131: {  	[tilespmem:s0], [sflag:$0x4] =	stream.linear.gather [hbm4b:s20+s3], $0x100, $0x38;
	[tilespmem:$0x1BC00] =	vst v63  }
0x132: {  	_ =	swait.ge [sflag:s1], $0x100  }
0x133: {  	[sflag:s1] =	ssyncset.done $0x0  }
0x134: {  	[sflag:s1] =	ssyncadd.s32 $0xFFFFFF00  }
0x135: {  	[tilespmem:s26], [sflag:$0x5] =	stream.indirect.gather [hbm4b:s5+s25], $0x80, s24, s25, $0xb8;
	[tilespmem:$0x1BC00] =	vst v63  }
0x136: {  	_ =	swait.ge [sflag:s10], $0x2800  }
0x137: {  	[sflag:s10] =	ssyncset.done $0x0  }
0x138: {  	[sflag:s10] =	ssyncadd.s32 $0xFFFFD800  }
0x139: {  	[spmem:s2] =	stream.indirect.scatter.add.f32 [tilespmem:s29], [sflag:$0x8], $0x80, s8, s25, $0xb8;
	[tilespmem:$0x1BC00] =	vst v63  }
0x13a: {  	_ =	swait.ge [sflag:s22], $0x2800  }
0x13b: {  	s20 =	rddreg [dreg:$0x8];
	[sflag:s22] =	ssyncset.done $0x0  }
0x13c: {  	[sflag:s22] =	ssyncadd.s32 $0xFFFFD800;
	s20 =	sadd.s32 s19, s20  }
0x13d: {  	[tilespmem:s3], [sflag:$0x1] =	stream.linear.gather [hbm4b:s20+s3], $0x100, $0x38;
	[tilespmem:$0x1BC00] =	vst v63  }
0x13e: {  	_ =	swait.ge [sflag:s9], $0x100  }
0x13f: {  	[sflag:s9] =	ssyncset.done $0x0  }
0x140: {  	[sflag:s9] =	ssyncadd.s32 $0xFFFFFF00  }
0x141: {  	[tilespmem:s28], [sflag:$0x6] =	stream.indirect.gather [hbm4b:s5+s25], $0x80, s0, s25, $0xb8;
	[tilespmem:$0x1BC00] =	vst v63  }
0x142: {  	_ =	swait.ge [sflag:s30], $0x2800  }
0x143: {  	[sflag:s30] =	ssyncset.done $0x0  }
0x144: {  	[sflag:s30] =	ssyncadd.s32 $0xFFFFD800  }
0x145: {  	[spmem:s2] =	stream.indirect.scatter.add.f32 [tilespmem:s26], [sflag:$0x8], $0x80, s12, s25, $0xb8;
	[tilespmem:$0x1BC00] =	vst v63  }
0x146: {  	_ =	swait.ge [sflag:s22], $0x2800  }
0x147: {  	s20 =	rddreg [dreg:$0x7];
	[sflag:s22] =	ssyncset.done $0x0  }
0x148: {  	[sflag:s22] =	ssyncadd.s32 $0xFFFFD800;
	s20 =	sadd.s32 s19, s20  }
0x149: {  	[tilespmem:s23], [sflag:$0x2] =	stream.linear.gather [hbm4b:s20+s3], $0x100, $0x38;
	[tilespmem:$0x1BC00] =	vst v63  }
0x14a: {  	_ =	swait.ge [sflag:s13], $0x100  }
0x14b: {  	[sflag:s13] =	ssyncset.done $0x0  }
0x14c: {  	[sflag:s13] =	ssyncadd.s32 $0xFFFFFF00  }
0x14d: {  	[tilespmem:s29], [sflag:$0x7] =	stream.indirect.gather [hbm4b:s5+s25], $0x80, s3, s25, $0xb8;
	[tilespmem:$0x1BC00] =	vst v63  }
0x14e: {  	_ =	swait.ge [sflag:s7], $0x2800  }
0x14f: {  	[sflag:s7] =	ssyncset.done $0x0  }
0x150: {  	[sflag:s7] =	ssyncadd.s32 $0xFFFFD800  }
0x151: {  	[spmem:s2] =	stream.indirect.scatter.add.f32 [tilespmem:s28], [sflag:$0x8], $0x80, s14, s25, $0xb8;
	[tilespmem:$0x1BC00] =	vst v63  }
0x152: {  	_ =	swait.ge [sflag:s22], $0x2800  }
0x153: {  	s20 =	rddreg [dreg:$0x6];
	[sflag:s22] =	ssyncset.done $0x0  }
0x154: {  	[sflag:s22] =	ssyncadd.s32 $0xFFFFD800;
	s20 =	sadd.s32 s19, s20  }
0x155: {  	[tilespmem:s24], [sflag:$0x3] =	stream.linear.gather [hbm4b:s20+s3], $0x100, $0x38;
	[tilespmem:$0x1BC00] =	vst v63  }
0x156: {  	_ =	swait.ge [sflag:s15], $0x100  }
0x157: {  	[sflag:s15] =	ssyncset.done $0x0  }
0x158: {  	[sflag:s15] =	ssyncadd.s32 $0xFFFFFF00  }
0x159: {  	[tilespmem:s26], [sflag:$0x5] =	stream.indirect.gather [hbm4b:s5+s25], $0x80, s23, s25, $0xb8;
	[tilespmem:$0x1BC00] =	vst v63  }
0x15a: {  	_ =	swait.ge [sflag:s10], $0x2800  }
0x15b: {  	[sflag:s10] =	ssyncset.done $0x0  }
0x15c: {  	[sflag:s10] =	ssyncadd.s32 $0xFFFFD800  }
0x15d: {  	[spmem:s2] =	stream.indirect.scatter.add.f32 [tilespmem:s29], [sflag:$0x8], $0x80, s31, s25, $0xb8;
	[tilespmem:$0x1BC00] =	vst v63  }
0x15e: {  	_ =	swait.ge [sflag:s22], $0x2800  }
0x15f: {  	s20 =	rddreg [dreg:$0x5];
	[sflag:s22] =	ssyncset.done $0x0  }
0x160: {  	[sflag:s22] =	ssyncadd.s32 $0xFFFFD800;
	s20 =	sadd.s32 s19, s20  }
0x161: {  	[tilespmem:s0], [sflag:$0x4] =	stream.linear.gather [hbm4b:s20+s3], $0x100, $0x38;
	[tilespmem:$0x1BC00] =	vst v63  }
0x162: {  	_ =	swait.ge [sflag:s1], $0x100  }
0x163: {  	[sflag:s1] =	ssyncset.done $0x0  }
0x164: {  	[sflag:s1] =	ssyncadd.s32 $0xFFFFFF00  }
0x165: {  	[tilespmem:s28], [sflag:$0x6] =	stream.indirect.gather [hbm4b:s5+s25], $0x80, s24, s25, $0xb8;
	[tilespmem:$0x1BC00] =	vst v63  }
0x166: {  	_ =	swait.ge [sflag:s30], $0x2800  }
0x167: {  	[sflag:s30] =	ssyncset.done $0x0  }
0x168: {  	[sflag:s30] =	ssyncadd.s32 $0xFFFFD800  }
0x169: {  	[spmem:s2] =	stream.indirect.scatter.add.f32 [tilespmem:s26], [sflag:$0x8], $0x80, s8, s25, $0xb8;
	[tilespmem:$0x1BC00] =	vst v63  }
0x16a: {  	_ =	swait.ge [sflag:s22], $0x2800  }
0x16b: {  	s20 =	sshrl.u32 s18, $0x3;
	[sflag:s22] =	ssyncset.done $0x0  }
0x16c: {  	s20 =	sadd.s32 s4, s20;
	[sflag:s22] =	ssyncadd.s32 $0xFFFFD800  }
0x16d: {  	[tilespmem:s3], [sflag:$0x1] =	stream.linear.gather [hbm4b:s20+s3], $0x100, $0x38;
	[tilespmem:$0x1BC00] =	vst v63  }
0x16e: {  	_ =	swait.ge [sflag:s9], $0x100  }
0x16f: {  	[sflag:s9] =	ssyncset.done $0x0  }
0x170: {  	[sflag:s9] =	ssyncadd.s32 $0xFFFFFF00  }
0x171: {  	[tilespmem:s29], [sflag:$0x7] =	stream.indirect.gather [hbm4b:s5+s25], $0x80, s0, s25, $0xb8;
	[tilespmem:$0x1BC00] =	vst v63  }
0x172: {  	_ =	swait.ge [sflag:s7], $0x2800  }
0x173: {  	[sflag:s7] =	ssyncset.done $0x0  }
0x174: {  	[sflag:s7] =	ssyncadd.s32 $0xFFFFD800  }
0x175: {  	[spmem:s2] =	stream.indirect.scatter.add.f32 [tilespmem:s28], [sflag:$0x8], $0x80, s12, s25, $0xb8;
	[tilespmem:$0x1BC00] =	vst v63  }
0x176: {  	_ =	swait.ge [sflag:s22], $0x2800  }
0x177: {  	s20 =	rddreg [dreg:$0x4];
	[sflag:s22] =	ssyncset.done $0x0  }
0x178: {  	[sflag:s22] =	ssyncadd.s32 $0xFFFFD800;
	s20 =	sadd.s32 s19, s20  }
0x179: {  	[tilespmem:s23], [sflag:$0x2] =	stream.linear.gather [hbm4b:s20+s3], $0x100, $0x38;
	[tilespmem:$0x1BC00] =	vst v63  }
0x17a: {  	_ =	swait.ge [sflag:s13], $0x100  }
0x17b: {  	[sflag:s13] =	ssyncset.done $0x0  }
0x17c: {  	[sflag:s13] =	ssyncadd.s32 $0xFFFFFF00  }
0x17d: {  	[tilespmem:s26], [sflag:$0x5] =	stream.indirect.gather [hbm4b:s5+s25], $0x80, s3, s25, $0xb8;
	[tilespmem:$0x1BC00] =	vst v63  }
0x17e: {  	_ =	swait.ge [sflag:s10], $0x2800  }
0x17f: {  	[sflag:s10] =	ssyncset.done $0x0  }
0x180: {  	[sflag:s10] =	ssyncadd.s32 $0xFFFFD800  }
0x181: {  	[spmem:s2] =	stream.indirect.scatter.add.f32 [tilespmem:s29], [sflag:$0x8], $0x80, s14, s25, $0xb8;
	[tilespmem:$0x1BC00] =	vst v63  }
0x182: {  	_ =	swait.ge [sflag:s22], $0x2800  }
0x183: {  	p0 =	sne.s32 s17, $0xD80;
	s20 =	rddreg [dreg:$0x3];
	[sflag:s22] =	ssyncset.done $0x0  }
.Ltmp1:
0x184: {  	[sflag:s22] =	ssyncadd.s32 $0xFFFFD800;
	s19 =	sadd.s32 s19, s20;
	(pc) =	sbr.rel @p0 .LBB2_4-.Ltmp1, $4  }
0x185: {  	[tilespmem:s24], [sflag:$0x3] =	stream.linear.gather [hbm4b:s19+s3], $0x100, $0x38;
	[tilespmem:$0x1BC00] =	vst v63  }
0x186: {  	_ =	swait.ge [sflag:s15], $0x100  }
0x187: {  	[sflag:s15] =	ssyncset.done $0x0  }
0x188: {  	s17 =	sadd.s32 $0x180, s17;
	s18 =	sadd.s32 $0xC00, s18;
	[sflag:s15] =	ssyncadd.s32 $0xFFFFFF00  }
0x189: {  	[tilespmem:s28], [sflag:$0x6] =	stream.indirect.gather [hbm4b:s5+s25], $0x80, s23, s25, $0xb8;
	[tilespmem:$0x1BC00] =	vst v63  }
0x18a: {  	_ =	swait.ge [sflag:s30], $0x2800  }
0x18b: {  	[sflag:s30] =	ssyncset.done $0x0  }
0x18c: {  	[sflag:s30] =	ssyncadd.s32 $0xFFFFD800  }
0x18d: {  	[spmem:s2] =	stream.indirect.scatter.add.f32 [tilespmem:s26], [sflag:$0x8], $0x80, s31, s25, $0xb8;
	[tilespmem:$0x1BC00] =	vst v63  }
0x18e: {  	_ =	swait.ge [sflag:s22], $0x2800  }
0x18f: {  	[sflag:s22] =	ssyncset.done $0x0  }
0x190: {  	s17 =	rddreg [dreg:$0x10];
	[sflag:s22] =	ssyncadd.s32 $0xFFFFD800  }
0x191: {  	[tilespmem:s0], [sflag:$0x4] =	stream.linear.gather [hbm4b:s17+s3], $0x100, $0x38;
	[tilespmem:$0x1BC00] =	vst v63  }
0x192: {  	_ =	swait.ge [sflag:s1], $0x100  }
0x193: {  	[sflag:s1] =	ssyncset.done $0x0  }
0x194: {  	[sflag:s1] =	ssyncadd.s32 $0xFFFFFF00  }
0x195: {  	[tilespmem:s29], [sflag:$0x7] =	stream.indirect.gather [hbm4b:s5+s25], $0x80, s24, s25, $0xb8;
	[tilespmem:$0x1BC00] =	vst v63  }
0x196: {  	_ =	swait.ge [sflag:s7], $0x2800  }
0x197: {  	[sflag:s7] =	ssyncset.done $0x0  }
0x198: {  	[sflag:s7] =	ssyncadd.s32 $0xFFFFD800  }
0x199: {  	[spmem:s2] =	stream.indirect.scatter.add.f32 [tilespmem:s28], [sflag:$0x8], $0x80, s8, s25, $0xb8;
	[tilespmem:$0x1BC00] =	vst v63  }
0x19a: {  	_ =	swait.ge [sflag:s22], $0x2800  }
0x19b: {  	[sflag:s22] =	ssyncset.done $0x0  }
0x19c: {  	s18 =	rddreg [dreg:$0x11];
	[sflag:s22] =	ssyncadd.s32 $0xFFFFD800  }
0x19d: {  	[tilespmem:s3], [sflag:$0x1] =	stream.linear.gather [hbm4b:s18+s3], $0x100, $0x38;
	[tilespmem:$0x1BC00] =	vst v63  }
0x19e: {  	_ =	swait.ge [sflag:s9], $0x100  }
0x19f: {  	[sflag:s9] =	ssyncset.done $0x0  }
0x1a0: {  	[sflag:s9] =	ssyncadd.s32 $0xFFFFFF00  }
0x1a1: {  	[tilespmem:s26], [sflag:$0x5] =	stream.indirect.gather [hbm4b:s5+s25], $0x80, s0, s25, $0xb8;
	[tilespmem:$0x1BC00] =	vst v63  }
0x1a2: {  	_ =	swait.ge [sflag:s10], $0x2800  }
0x1a3: {  	[sflag:s10] =	ssyncset.done $0x0  }
0x1a4: {  	[sflag:s10] =	ssyncadd.s32 $0xFFFFD800  }
0x1a5: {  	[spmem:s2] =	stream.indirect.scatter.add.f32 [tilespmem:s29], [sflag:$0x8], $0x80, s12, s25, $0xb8;
	[tilespmem:$0x1BC00] =	vst v63  }
0x1a6: {  	_ =	swait.ge [sflag:s22], $0x2800  }
0x1a7: {  	[sflag:s22] =	ssyncset.done $0x0  }
0x1a8: {  	[sflag:s22] =	ssyncadd.s32 $0xFFFFD800  }
0x1a9: {  	_ =	swait.ge [sflag:s13], $0x100  }
0x1aa: {  	[sflag:s13] =	ssyncset.done $0x0  }
0x1ab: {  	[sflag:s13] =	ssyncadd.s32 $0xFFFFFF00  }
0x1ac: {  	[tilespmem:s28], [sflag:$0x6] =	stream.indirect.gather [hbm4b:s5+s25], $0x80, s3, s25, $0xb8;
	[tilespmem:$0x1BC00] =	vst v63  }
0x1ad: {  	_ =	swait.ge [sflag:s30], $0x2800  }
0x1ae: {  	[sflag:s30] =	ssyncset.done $0x0  }
0x1af: {  	[sflag:s30] =	ssyncadd.s32 $0xFFFFD800  }
0x1b0: {  	[spmem:s2] =	stream.indirect.scatter.add.f32 [tilespmem:s26], [sflag:$0x8], $0x80, s14, s25, $0xb8;
	[tilespmem:$0x1BC00] =	vst v63  }
0x1b1: {  	_ =	swait.ge [sflag:s22], $0x2800  }
0x1b2: {  	[sflag:s22] =	ssyncset.done $0x0  }
0x1b3: {  	[sflag:s22] =	ssyncadd.s32 $0xFFFFD800  }
0x1b4: {  	_ =	swait.ge [sflag:s7], $0x2800  }
0x1b5: {  	[sflag:s7] =	ssyncset.done $0x0  }
0x1b6: {  	[sflag:s7] =	ssyncadd.s32 $0xFFFFD800  }
0x1b7: {  	[spmem:s2] =	stream.indirect.scatter.add.f32 [tilespmem:s28], [sflag:$0x8], $0x80, s31, s25, $0xb8;
	[tilespmem:$0x1BC00] =	vst v63  }
0x1b8: {  	_ =	swait.ge [sflag:s22], $0x2800  }
0x1b9: {  	[sflag:s22] =	ssyncset.done $0x0  }
0x1ba: {  	s19 =	stileid.u32;
	[sflag:s22] =	ssyncadd.s32 $0xFFFFD800  }
0x1bb: {  	s17 =	sshll.u32 s19, $0x6;
	[bflag:$0x0] =	sbarrier.arrive $0xFFFF  }
0x1bc: {  	s17 =	sor.u32 $0x1C08, s17;
	s18 =	sshrl.u32 s11, $0x3;
	s19 =	rddreg [dreg:$0x12]  }
0x1bd: {  	[hbm:s19], [sflag:s17] =	dma.local [spmem:s18], $0x2800  }
0x1be: {  	_ =	swait.ge [sflag:s22], $0x2800  }
0x1bf: {  	s16 =	sadd.s32 $0x1, s16;
	s20 =	rddreg [dreg:$0x13]  }
0x1c0: {  	p0 =	sne.s32 s16, s20  }
.Ltmp2:
0x1c1: {  	_ = 	snop;
	(pc) =	sbr.rel @p0 .LBB2_1-.Ltmp2, $3  }
0x1c2: {  	_ =	sdelay $0x1  }
0x1c3: {  	[sflag:s22] =	ssyncset.done $0x0  }
0x1c4: {  	[sflag:s22] =	ssyncadd.s32 $0xFFFFD800  }
0x1c5: {  	_ =	sfence.sel $0x180000  }
0x1c6: {  	[bflag:$0x0] =	sbarrier.arrive $0xFFFF  }
0x1c7: {  	_ =	strace $0x9000004A  }
0x1c8: {  	s0 =	stileid.u32;
	[bflag:$0x2] =	sbarrier.arrive $0xFFFF  }
0x1c9: {  	p0 =	sne.s32 s0, $0x0;
	s0 =	rddreg [dreg:$0x2]  }
0x1ca: {  	s0 =	sadd.s32 @!p0 $0x100000, s0  }
0x1cb: {  	[sflag:s0] =	ssyncadd.tile.s32 @!p0 $0x1;
	_ =	shalt  }
.Lfunc_end2:
_tile_overlayer_lowered:
.L_overlay_start_2:
0x1cc: {  	(tag) =	ssettag $0x2  }
0x1cd: {  	s0 =	rddreg [dreg:$0x0];
	s2 =	stileid.u32  }
0x1ce: {  	s1 =	rddreg [dreg:$0x1];
	p0 =	sne.s32 s2, $0x0  }
0x1cf: {  	s3 =	rddreg [dreg:$0x2];
	[bflag:$0x3] =	sbarrier.arrive $0xFFFF;
	s2 =	simm.s32 @!p0 $0x1C08  }
0x1d0: {  	[timem:s3], [sflag:s2] =	dma.local @!p0 [hbm:s0], s1  }
0x1d1: {  	s0 =	simm.s32 @!p0 $0x8  }
0x1d2: {  	_ =	swait.ge @!p0 [sflag:s0], s1  }
0x1d3: {  	s1 =	ssub.s32 @!p0 $0x0, s1;
	[sflag:s0] =	ssyncset.done @!p0 $0x0  }
0x1d4: {  	[sflag:s0] =	ssyncadd.s32 @!p0 s1  }
0x1d5: {  	[bflag:$0x3] =	sbarrier.arrive $0xFFFF  }
0x1d6: {  	_ =	shalt  }

// kernel: kernel.14.cloned.1.call-start
scs
__scs_entry_jumppad:
0x0: {  	(pc) =	sbr.rel $0x88, $3  }
0x1: {  	(tag) =	ssettag $0x0;
	lr =	simm.s32 $0x1  }
0x2: {  	[smem:$0x3F99] =	sst lr;
	_ =	strace $0xD0000000  }
0x3: {  	_ = 	snop  }
0x4: {  	_ = 	snop  }
0x5: {  	_ = 	snop  }
0x6: {  	_ = 	snop  }
0x7: {  	_ = 	snop  }
__scs_overlays_trampoline_lowered:
0x8: {  	[smem:$0x3FA8] =	sst s0  }
0x9: {  	[smem:$0x3FA9] =	sst s1  }
0xa: {  	[smem:$0x3FAA] =	sst s2  }
0xb: {  	[smem:$0x3FAB] =	sst s3  }
0xc: {  	[smem:$0x3FAC] =	sst s4  }
0xd: {  	[smem:$0x3FAD] =	sst s5  }
0xe: {  	[smem:$0x3FAE] =	sst s6  }
0xf: {  	[smem:$0x3FAF] =	sst s7  }
0x10: {  	[smem:$0x3FB0] =	sst s8  }
0x11: {  	[smem:$0x3FB1] =	sst s9;
	s0 =	simm.s32 @!p0 $0x0  }
0x12: {  	s1 =	sld [smem:$0x3F97];
	s0 =	simm.s32 @p0 $0x1  }
0x13: {  	[smem:$0x3FB2] =	sst s0;
	s0 =	simm.s32 @!p1 $0x0  }
0x14: {  	s2 =	sld [smem:$0x3F96];
	s0 =	simm.s32 @p1 $0x1  }
0x15: {  	[smem:$0x3FB3] =	sst s0;
	s0 =	simm.s32 @!p2 $0x0  }
0x16: {  	s3 =	sld [smem:$0x3FDB];
	s0 =	simm.s32 @p2 $0x1  }
0x17: {  	s4 =	simm.s32 $0x1BF5;
	[smem:$0x3FB5] =	sst s0  }
0x18: {  	s0 =	sld [smem:$0x3F98];
	_ =	swait.ge [sflag:s4], $0x0  }
0x19: {  	s7 =	sld [smem:$0x3F99]  }
0x1a: {  	s8 =	sadd.s32 $0xFFFFE003, lr  }
0x1b: {  	s9 =	sadd.s32 $0xFFFFFEF7, lr;
	s5 =	simm.s32 $0xFFFFFFFF;
	p2 =	slt.u32 s8, $0xFFFFF086  }
0x1c: {  	p1 =	slt.u32 s9, $0xF7A;
	s5 =	simm.s32 @!p2 $0x0  }
0x1d: {  	s5 =	simm.s32 @p1 $0x1;
	p0 =	seq.s32 s7, s2  }
0x1e: {  	s7 =	smul.u32 @!p0 $0xF7A, s2;
	p2 =	seq.s32 @!p0 s5, $0x0  }
0x1f: {  	s9 =	smul.u32 $0xF7A, s1;
	s8 =	simm.s32 @!p0 $0x1BF5;
	p2 =	por !p2, p0  }
0x20: {  	[sflag:s8] =	ssyncset.s32 @!p0 $0xFFFFF086;
	s6 =	sadd.s32 @!p0 s3, s7;
	s7 =	simm.s32 @!p0 $0x108  }
0x21: {  	s3 =	sadd.s32 s3, s9;
	s6 =	sadd.s32 @!p0 $0x88, s6;
	s7 =	simm.s32 @p2 $0x1082  }
0x22: {  	[simem:s7], [sflag:s8] =	dma.local @!p0 [hbm:s6], $0xF7A  }
0x23: {  	s9 =	sor.u32 $0xD0000000, s2;
	s6 =	simm.s32 $0x108;
	_ =	swait.ge @!p0 [sflag:s8], $0x0  }
0x24: {  	s3 =	sadd.s32 $0x88, s3;
	s6 =	simm.s32 @!p1 $0x1082;
	[sflag:s4] =	ssyncset.s32 $0xFFFFF086  }
0x25: {  	[simem:s6], [sflag:s4] =	dma.local [hbm:s3], $0xF7A  }
0x26: {  	[smem:$0x3F99] =	sst s1;
	(tag) =	ssettag s2;
	_ =	strace s9  }
0x27: {  	s1 =	sld [smem:$0x3FA9]  }
0x28: {  	s2 =	sld [smem:$0x3FAA]  }
0x29: {  	s4 =	sld [smem:$0x3FAC]  }
0x2a: {  	p0 =	seq.s32 s5, $0x0;
	s5 =	sld [smem:$0x3FAD]  }
0x2b: {  	s6 =	sld [smem:$0x3FAE]  }
0x2c: {  	s7 =	sld [smem:$0x3FAF]  }
0x2d: {  	s3 =	simm.s32 $0x108;
	s8 =	sld [smem:$0x3FB0]  }
0x2e: {  	s3 =	simm.s32 @!p0 $0x1082;
	s9 =	sld [smem:$0x3FB1]  }
0x2f: {  	lr =	sadd.s32 s0, s3;
	s0 =	sld [smem:$0x3FA8]  }
0x30: {  	s3 =	sld [smem:$0x3FAB]  }
0x31: {  	[smem:$0x3FB4] =	sst s10  }
0x32: {  	s10 =	sld [smem:$0x3FB2];
	_ =	sdelay $0x3  }
0x33: {  	p0 =	seq.s32 s10, $0x1;
	s10 =	sld [smem:$0x3FB4];
	_ =	sdelay $0x3  }
0x34: {  	[smem:$0x3FB4] =	sst s10  }
0x35: {  	s10 =	sld [smem:$0x3FB3];
	_ =	sdelay $0x3  }
0x36: {  	p1 =	seq.s32 s10, $0x1;
	s10 =	sld [smem:$0x3FB4];
	_ =	sdelay $0x3  }
0x37: {  	[smem:$0x3FB4] =	sst s10  }
0x38: {  	s10 =	sld [smem:$0x3FB5]  }
0x39: {  	_ = 	snop;
	(pc) =	sbr.ind lr, $3  }
0x3a: {  	_ = 	snop  }
0x3b: {  	_ = 	snop  }
0x3c: {  	p2 =	seq.s32 s10, $0x1;
	s10 =	sld [smem:$0x3FB4]  }
0x3d: {  	_ =	shalt  }
0x3e: {  	_ =	shalt  }
0x3f: {  	_ =	shalt  }
0x40: {  	_ =	shalt  }
0x41: {  	_ =	shalt  }
0x42: {  	_ =	shalt  }
0x43: {  	_ =	shalt  }
0x44: {  	_ =	shalt  }
0x45: {  	_ =	shalt  }
0x46: {  	_ =	shalt  }
0x47: {  	_ =	shalt  }
0x48: {  	_ =	shalt  }
0x49: {  	_ =	shalt  }
0x4a: {  	_ =	shalt  }
0x4b: {  	_ =	shalt  }
0x4c: {  	_ =	shalt  }
0x4d: {  	_ =	shalt  }
0x4e: {  	_ =	shalt  }
0x4f: {  	_ =	shalt  }
0x50: {  	_ =	shalt  }
0x51: {  	_ =	shalt  }
0x52: {  	_ =	shalt  }
0x53: {  	_ =	shalt  }
0x54: {  	_ =	shalt  }
0x55: {  	_ =	shalt  }
0x56: {  	_ =	shalt  }
0x57: {  	_ =	shalt  }
0x58: {  	_ =	shalt  }
0x59: {  	_ =	shalt  }
0x5a: {  	_ =	shalt  }
0x5b: {  	_ =	shalt  }
0x5c: {  	_ =	shalt  }
0x5d: {  	_ =	shalt  }
0x5e: {  	_ =	shalt  }
0x5f: {  	_ =	shalt  }
0x60: {  	_ =	shalt  }
0x61: {  	_ =	shalt  }
0x62: {  	_ =	shalt  }
0x63: {  	_ =	shalt  }
0x64: {  	_ =	shalt  }
0x65: {  	_ =	shalt  }
0x66: {  	_ =	shalt  }
0x67: {  	_ =	shalt  }
0x68: {  	_ =	shalt  }
0x69: {  	_ =	shalt  }
0x6a: {  	_ =	shalt  }
0x6b: {  	_ =	shalt  }
0x6c: {  	_ =	shalt  }
0x6d: {  	_ =	shalt  }
0x6e: {  	_ =	shalt  }
0x6f: {  	_ =	shalt  }
0x70: {  	_ =	shalt  }
0x71: {  	_ =	shalt  }
0x72: {  	_ =	shalt  }
0x73: {  	_ =	shalt  }
0x74: {  	_ =	shalt  }
0x75: {  	_ =	shalt  }
0x76: {  	_ =	shalt  }
0x77: {  	_ =	shalt  }
0x78: {  	_ =	shalt  }
0x79: {  	_ =	shalt  }
0x7a: {  	_ =	shalt  }
0x7b: {  	_ =	shalt  }
0x7c: {  	_ =	shalt  }
0x7d: {  	_ =	shalt  }
0x7e: {  	_ =	shalt  }
0x7f: {  	_ =	shalt  }
0x80: {  	_ =	shalt  }
0x81: {  	_ =	shalt  }
0x82: {  	_ =	shalt  }
0x83: {  	_ =	shalt  }
0x84: {  	_ =	shalt  }
0x85: {  	_ =	shalt  }
0x86: {  	_ =	shalt  }
0x87: {  	_ =	shalt  }
.Lfunc_end0:
.L_simem_size_0:
called_computation.2_lowered:
.L_overlay_start_0:
0x88: {  	s2 =	sld [smem:$0x3FD9]  }
0x89: {  	s3 =	sld [smem:$0x3FFE];
	_ =	sdelay $0x1  }
0x8a: {  	s1 =	srdreg.scid  }
0x8b: {  	s0 =	sand.u32 $0x1, s1  }
0x8c: {  	s16 =	sshll.u32 s0, $0xA;
	s2 =	sadd.s32 s3, s2  }
0x8d: {  	s2 =	sadd.s32 s2, s16  }
0x8e: {  	[smem:$0x3FC0] =	sst s2  }
0x8f: {  	_ = 	snop  }
0x90: {  	(tm) =	ssettm $0x1  }
0x91: {  	s17 =	sld [smem:$0x3FFB];
	_ =	sdelay $0x3  }
0x92: {  	_ =	strace s17  }
0x93: {  	s2 =	sld [smem:$0x3FFC];
	_ =	sdelay $0x3  }
0x94: {  	_ =	strace s2  }
0x95: {  	s2 =	sld [smem:$0x3FFD];
	_ =	sdelay $0x3  }
0x96: {  	_ =	strace s2  }
0x97: {  	_ =	strace $0x8FFFFFFF  }
0x98: {  	s18 =	sld [smem:$0x3FDB];
	_ =	sdelay $0x1  }
0x99: {  	s19 =	simm.s32 $_scs_section_size  }
0x9a: {  	s4 =	simm.s32 $_size__tile_overlayer_lowered;
	s5 =	simm.s32 $_tile_overlayer_lowered  }
0x9b: {  	s22 =	simm.s32 $0x1BFF;
	s21 =	sshll.u32 s5, $0x1;
	s2 =	sadd.s32 s19, s18  }
0x9c: {  	s6 =	simm.s32 $0x0;
	s20 =	sshll.u32 s4, $0x1;
	s4 =	sadd.s32 s21, s2  }
0x9d: {  	[timem:s6], [sflag:s22] =	dma.local [hbm:s4], s20  }
0x9e: {  	_ =	swait.ge [sflag:s22], s20  }
0x9f: {  	s3 =	ssub.s32 $0x0, s20;
	[sflag:s22] =	ssyncset.done $0x0  }
0xa0: {  	[sflag:s22] =	ssyncadd.s32 s3;
	_ =	sdelay $0x1  }
0xa1: {  	s23 =	simm.s32 $0x1B8B  }
0xa2: {  	_ =	swait.ge [sflag:s23], $0x1  }
0xa3: {  	[sflag:s23] =	ssyncset.done $0x0  }
0xa4: {  	s25 =	simm.s32 $0x1B8E;
	s24 =	sld [smem:$0x3FFE];
	[sflag:s23] =	ssyncadd.s32 $0xFFFFFFFF  }
0xa5: {  	s26 =	simm.s32 $execute0_lowered;
	[smem:$0x3FD2] =	sst s25  }
0xa6: {  	s4 =	sshll.u32 s26, $0x1;
	_ =	strace $0x8000004C;
	[dreg:$0x1] =	wrdreg $0xFFFFFFFF  }
0xa7: {  	s28 =	simm.s32 $_size_execute0_lowered;
	s2 =	sadd.s32 s2, s4;
	[dreg:$0x0] =	wrdreg $0x0  }
0xa8: {  	s4 =	sshll.u32 s28, $0x1;
	[dreg:$0x2] =	wrdreg s2  }
0xa9: {  	[dreg:$0x3] =	wrdreg s4  }
0xaa: {  	[dreg:$0x4] =	wrdreg $0xC0  }
0xab: {  	_ =	task [dreg:s6], $0x5FFFF  }
0xac: {  	[dreg:$0x1] =	wrdreg $0xFFFFFFFF  }
0xad: {  	[dreg:$0x0] =	wrdreg $0x60  }
0xae: {  	[dreg:$0x2] =	wrdreg s24  }
0xaf: {  	[dreg:$0x3] =	wrdreg $0x7C000  }
0xb0: {  	[dreg:$0x4] =	wrdreg $0x9  }
0xb1: {  	_ =	task.clear_ibuf [dreg:s6], $0x5FFFF;
	_ =	strace $0x9000004C  }
0xb2: {  	s29 =	simm.s32 $0x9;
	_ =	strace $0x8000004E  }
0xb3: {  	_ =	swait.ge [sflag:s29], $0x1  }
0xb4: {  	[sflag:s29] =	ssyncadd.s32 $0xFFFFFFFF  }
0xb5: {  	_ =	strace $0x9000004E  }
0xb6: {  	_ =	sfence  }
0xb7: {  	s30 =	sld [smem:$0x0];
	_ =	sdelay $0x2  }
0xb8: {  	s31 =	sshll.u32 s1, $0xD;
	s1 =	sshrl.u32 s1, $0x2  }
0xb9: {  	s3 =	sand.u32 $0x4000, s31;
	s1 =	sadd.s32 s1, s30  }
0xba: {  	s0 =	sor.u32 s3, s0;
	s1 =	sshll.u32 s1, $0x11  }
0xbb: {  	s0 =	sor.u32 s1, s0  }
0xbc: {  	s0 =	sadd.s32 $0x8F2B, s0  }
0xbd: {  	[sflag:s0] =	ssyncadd.remote.s32 $0x1  }
0xbe: {  	_ =	sfence.sel $0xFFFF  }
0xbf: {  	[dreg:$0x0] =	wrdreg $0xFFFFFFFF;
	(pc) =	sbr.abs _section_cstart, $3  }
0xc0: {  	[dreg:$0x1] =	wrdreg $0xFFFFFFFF  }
0xc1: {  	_ =	task.clear_ibuf [dreg:s6], $0x2FFFF;
	_ =	strace $0x9FFFFFFF  }
0xc2: {  	(tm) =	ssettm $0x7FFFFFFF  }
0xc3: {  	_ =	shalt  }
tec
execute0_lowered:
.L_overlay_start_1:
0x0: {  	(tag) =	ssettag $0x1  }
0x1: {  	s0 =	rddreg [dreg:$0x0]  }
0x2: {  	s2 =	rddreg [dreg:$0x1];
	s10 =	stileid.u32  }
0x3: {  	s1 =	srdreg.scid;
	s3 =	simm.s32 $0x0;
	s5 =	smul.u32 $0x14000, s10  }
0x4: {  	s28 =	simm.s32 $0x2C00;
	s1 =	sand.u32 $0x1, s1;
	s9 =	smul.u32 $0x50000, s10  }
0x5: {  	s29 =	simm.s32 $0x5400;
	[smem:$0x7FF] =	sst s3;
	s4 =	smul.u32 $0x140000, s1  }
0x6: {  	s6 =	sshll.u32 s1, $0x4;
	_ =	strace $0x8000004D;
	s25 =	sshrl.u32 s9, $0x2  }
0x7: {  	s21 =	ssub.s32 $0x2, s1;
	s6 =	sor.u32 s10, s6;
	s11 =	sadd.s32 s25, s2  }
0x8: {  	s8 =	sshrl.u32 s21, $0x1;
	s7 =	sadd.s32 s5, s4;
	s13 =	sadd.s32 $0x2800, s11  }
0x9: {  	s6 =	smul.u32 $0x7D00, s6;
	s14 =	sadd.s32 $0x5000, s11;
	[dreg:$0x14] =	wrdreg s13  }
0xa: {  	s4 =	sadd.s32 $0xC600, s0;
	s15 =	sadd.s32 $0x7800, s11;
	[dreg:$0x15] =	wrdreg s14  }
0xb: {  	s5 =	sadd.s32 $0x2BA00, s0;
	s16 =	sadd.s32 $0xA000, s11;
	[dreg:$0x16] =	wrdreg s15  }
0xc: {  	s7 =	sshrl.u32 s7, $0x3;
	s17 =	sadd.s32 $0xC800, s11;
	[dreg:$0x17] =	wrdreg s16  }
0xd: {  	s19 =	sadd.s32 $0xF000, s11;
	s0 =	sadd.s32 s7, s0;
	[dreg:$0x18] =	wrdreg s17  }
0xe: {  	s7 =	ssub.s32 s21, s8;
	[dreg:$0x19] =	wrdreg s19;
	s21 =	sadd.s32 $0x11800, s11  }
0xf: {  	s6 =	sshrl.u32 s6, $0x3;
	s0 =	sadd.s32 $0x52C00, s0;
	[dreg:$0x1a] =	wrdreg s21  }
0x10: {  	s6 =	sadd.s32 s4, s6;
	s12 =	smax.u32 s7, $0x1;
	[dreg:$0x12] =	wrdreg s0  }
0x11: {  	s30 =	simm.s32 $0x5;
	s22 =	sadd.s32 $0x20, s6;
	[dreg:$0x13] =	wrdreg s12  }
0x12: {  	s1 =	smul.u32 $0x7D000, s1;
	s23 =	sadd.s32 $0x40, s6;
	[dreg:$0xe] =	wrdreg s22  }
0x13: {  	s10 =	smul.u32 $0x7D00, s10;
	s24 =	sadd.s32 $0xF60, s6;
	[dreg:$0xf] =	wrdreg s23  }
0x14: {  	s31 =	simm.s32 $0x80;
	s26 =	sadd.s32 $0xF80, s6;
	[dreg:$0x10] =	wrdreg s24  }
0x15: {  	s8 =	simm.s32 $0x180;
	s0 =	sadd.s32 s10, s1;
	[dreg:$0x11] =	wrdreg s26  }
0x16: {  	s18 =	sadd.s32 $0xE00, s0;
	s20 =	sadd.s32 $0xD00, s0;
	s23 =	sadd.s32 $0xB00, s0  }
0x17: {  	s25 =	sadd.s32 $0xA00, s0;
	s26 =	sadd.s32 $0x900, s0;
	s13 =	sadd.s32 $0x800, s0  }
0x18: {  	s15 =	sadd.s32 $0x700, s0;
	s16 =	sadd.s32 $0x600, s0;
	s1 =	sshrl.u32 s18, $0x3  }
0x19: {  	s7 =	sshrl.u32 s20, $0x3;
	s24 =	sshrl.u32 s23, $0x3;
	s10 =	sshrl.u32 s26, $0x3  }
0x1a: {  	s14 =	sshrl.u32 s13, $0x3;
	s18 =	sshrl.u32 s16, $0x3;
	s20 =	sadd.s32 $0x500, s0  }
0x1b: {  	s23 =	sadd.s32 $0x300, s0;
	s13 =	simm.s32 $0x1;
	s16 =	simm.s32 $0x0  }
0x1c: {  	s1 =	sadd.s32 s1, s4;
	s22 =	sadd.s32 s7, s4;
	s7 =	sshrl.u32 s25, $0x3  }
0x1d: {  	s12 =	sadd.s32 s10, s4;
	s19 =	sadd.s32 s18, s4;
	s21 =	sshrl.u32 s20, $0x3  }
0x1e: {  	s25 =	sshrl.u32 s23, $0x3;
	s23 =	simm.s32 $0x100;
	[dreg:$0x3] =	wrdreg s1  }
0x1f: {  	s10 =	simm.s32 $0x7;
	[dreg:$0x4] =	wrdreg s22;
	s1 =	sadd.s32 s24, s4  }
0x20: {  	s9 =	sadd.s32 s7, s4;
	[dreg:$0x7] =	wrdreg s12;
	s7 =	sshrl.u32 s15, $0x3  }
0x21: {  	[dreg:$0xa] =	wrdreg s19;
	s22 =	sadd.s32 $0x400, s0;
	s26 =	sadd.s32 s25, s4  }
0x22: {  	s25 =	simm.s32 $0x50;
	s12 =	simm.s32 $0x280;
	[dreg:$0x5] =	wrdreg s1  }
0x23: {  	s15 =	simm.s32 $0x2;
	[dreg:$0x6] =	wrdreg s9;
	s1 =	sadd.s32 s14, s4  }
0x24: {  	s17 =	sadd.s32 s7, s4;
	s7 =	sshrl.u32 s22, $0x3;
	[dreg:$0xd] =	wrdreg s26  }
0x25: {  	s22 =	simm.s32 $0x8;
	s26 =	simm.s32 $0x400;
	[dreg:$0x8] =	wrdreg s1  }
0x26: {  	s9 =	simm.s32 $0x4;
	s14 =	simm.s32 $0x380;
	[dreg:$0x9] =	wrdreg s17  }
0x27: {  	s1 =	sadd.s32 s21, s4;
	s24 =	sadd.s32 s7, s4;
	s21 =	sadd.s32 $0xC00, s0  }
0x28: {  	s0 =	simm.s32 $0x300;
	s7 =	simm.s32 $0x6;
	[dreg:$0xb] =	wrdreg s1  }
0x29: {  	v0 =	vimm.f32 $0.0e+00;
	[dreg:$0xc] =	wrdreg s24;
	s24 =	simm.s32 $0x200;
	s1 =	simm.s32 $0x3  }
.LBB2_1:
0x2a: {  	s17 =	simm.s32 $0x70;
	s18 =	simm.s32 $0x3C0  }
.LBB2_2:
0x2b: {  	p0 =	sne.s32 s18, $0x9FC0;
	[tilespmem:s17+$0x5400] =	vst v0  }
0x2c: {  	[tilespmem:s17+$0x5390] =	vst v0  }
0x2d: {  	[tilespmem:s17+$0x53A0] =	vst v0  }
.Ltmp0:
0x2e: {  	[tilespmem:s17+$0x53B0] =	vst v0;
	(pc) =	sbr.rel @p0 .LBB2_2-.Ltmp0, $4  }
0x2f: {  	[tilespmem:s17+$0x53C0] =	vst v0  }
0x30: {  	[tilespmem:s17+$0x53D0] =	vst v0  }
0x31: {  	[tilespmem:s17+$0x53E0] =	vst v0  }
0x32: {  	[tilespmem:s17+$0x53F0] =	vst v0;
	s17 =	sshra.s32 s18, $0x2;
	s18 =	sadd.s32 $0x200, s18  }
0x33: {  	[tilespmem:s17+$0x5400] =	vst v0  }
0x34: {  	[tilespmem:s17+$0x5390] =	vst v0  }
0x35: {  	[tilespmem:s17+$0x53A0] =	vst v0  }
0x36: {  	[tilespmem:s17+$0x53B0] =	vst v0  }
0x37: {  	[tilespmem:s17+$0x53C0] =	vst v0  }
0x38: {  	[tilespmem:s17+$0x53D0] =	vst v0  }
0x39: {  	[tilespmem:s17+$0x53E0] =	vst v0  }
0x3a: {  	[tilespmem:s17+$0x53F0] =	vst v0;
	s20 =	simm.s32 $0x0  }
0x3b: {  	[tilespmem:s20], [sflag:$0x8] =	stream.linear.gather [hbm4b:s6+s20], $0x100, $0x38;
	[tilespmem:$0x1BC00] =	vst v63  }
0x3c: {  	_ =	swait.ge [sflag:s22], $0x100  }
0x3d: {  	[sflag:s22] =	ssyncset.done $0x0  }
0x3e: {  	s18 =	rddreg [dreg:$0xe];
	[sflag:s22] =	ssyncadd.s32 $0xFFFFFF00  }
0x3f: {  	[tilespmem:s23], [sflag:$0x8] =	stream.linear.gather [hbm4b:s18+s20], $0x100, $0x38;
	[tilespmem:$0x1BC00] =	vst v63  }
0x40: {  	_ =	swait.ge [sflag:s22], $0x100  }
0x41: {  	[sflag:s22] =	ssyncset.done $0x0  }
0x42: {  	s19 =	rddreg [dreg:$0xf];
	[sflag:s22] =	ssyncadd.s32 $0xFFFFFF00  }
0x43: {  	[tilespmem:s24], [sflag:$0x3] =	stream.linear.gather [hbm4b:s19+s20], $0x100, $0x38;
	[tilespmem:$0x1BC00] =	vst v63  }
0x44: {  	_ = 	snop  }
0x45: {  	[tilespmem:s26], [sflag:$0x5] =	stream.indirect.gather [hbm4b:s5+s25], $0x80, s20, s25, $0xb8;
	[tilespmem:$0x1BC00] =	vst v63  }
0x46: {  	_ = 	snop  }
0x47: {  	[tilespmem:s28], [sflag:$0x6] =	stream.indirect.gather [hbm4b:s5+s25], $0x80, s23, s25, $0xb8;
	[tilespmem:$0x1BC00] =	vst v63  }
0x48: {  	_ = 	snop  }
0x49: {  	[spmem:s11] =	stream.linear.scatter [tilespmem:s29], [sflag:$0x8], $0x2800, $0x38;
	[tilespmem:$0x1BC00] =	vst v63  }
0x4a: {  	_ =	swait.ge [sflag:s22], $0x2800  }
0x4b: {  	[sflag:s22] =	ssyncset.done $0x0  }
0x4c: {  	s20 =	rddreg [dreg:$0x14];
	[sflag:s22] =	ssyncadd.s32 $0xFFFFD800  }
0x4d: {  	[spmem:s20] =	stream.linear.scatter [tilespmem:s29], [sflag:$0x8], $0x2800, $0x38;
	[tilespmem:$0x1BC00] =	vst v63  }
0x4e: {  	_ =	swait.ge [sflag:s22], $0x2800  }
0x4f: {  	[sflag:s22] =	ssyncset.done $0x0  }
0x50: {  	s18 =	rddreg [dreg:$0x15];
	[sflag:s22] =	ssyncadd.s32 $0xFFFFD800  }
0x51: {  	[spmem:s18] =	stream.linear.scatter [tilespmem:s29], [sflag:$0x8], $0x2800, $0x38;
	[tilespmem:$0x1BC00] =	vst v63  }
0x52: {  	_ =	swait.ge [sflag:s22], $0x2800  }
0x53: {  	[sflag:s22] =	ssyncset.done $0x0  }
0x54: {  	s19 =	rddreg [dreg:$0x16];
	[sflag:s22] =	ssyncadd.s32 $0xFFFFD800  }
0x55: {  	[spmem:s19] =	stream.linear.scatter [tilespmem:s29], [sflag:$0x8], $0x2800, $0x38;
	[tilespmem:$0x1BC00] =	vst v63  }
0x56: {  	_ =	swait.ge [sflag:s22], $0x2800  }
0x57: {  	[sflag:s22] =	ssyncset.done $0x0  }
0x58: {  	s20 =	rddreg [dreg:$0x17];
	[sflag:s22] =	ssyncadd.s32 $0xFFFFD800  }
0x59: {  	[spmem:s20] =	stream.linear.scatter [tilespmem:s29], [sflag:$0x8], $0x2800, $0x38;
	[tilespmem:$0x1BC00] =	vst v63  }
0x5a: {  	_ =	swait.ge [sflag:s22], $0x2800  }
0x5b: {  	[sflag:s22] =	ssyncset.done $0x0  }
0x5c: {  	s18 =	rddreg [dreg:$0x18];
	[sflag:s22] =	ssyncadd.s32 $0xFFFFD800  }
0x5d: {  	[spmem:s18] =	stream.linear.scatter [tilespmem:s29], [sflag:$0x8], $0x2800, $0x38;
	[tilespmem:$0x1BC00] =	vst v63  }
0x5e: {  	_ =	swait.ge [sflag:s22], $0x2800  }
0x5f: {  	[sflag:s22] =	ssyncset.done $0x0  }
0x60: {  	s19 =	rddreg [dreg:$0x19];
	[sflag:s22] =	ssyncadd.s32 $0xFFFFD800  }
0x61: {  	[spmem:s19] =	stream.linear.scatter [tilespmem:s29], [sflag:$0x8], $0x2800, $0x38;
	[tilespmem:$0x1BC00] =	vst v63  }
0x62: {  	_ =	swait.ge [sflag:s22], $0x2800  }
0x63: {  	[sflag:s22] =	ssyncset.done $0x0  }
0x64: {  	s20 =	rddreg [dreg:$0x1a];
	[sflag:s22] =	ssyncadd.s32 $0xFFFFD800  }
0x65: {  	[spmem:s20] =	stream.linear.scatter [tilespmem:s29], [sflag:$0x8], $0x2800, $0x38;
	[tilespmem:$0x1BC00] =	vst v63  }
0x66: {  	_ =	swait.ge [sflag:s22], $0x2800  }
0x67: {  	[sflag:s22] =	ssyncset.done $0x0  }
0x68: {  	[sflag:s22] =	ssyncadd.s32 $0xFFFFD800  }
0x69: {  	[bflag:$0x0] =	sbarrier.arrive $0xFFFF  }
0x6a: {  	_ =	swait.ge [sflag:s30], $0x2800  }
0x6b: {  	[sflag:s30] =	ssyncset.done $0x0  }
0x6c: {  	[sflag:s30] =	ssyncadd.s32 $0xFFFFD800  }
0x6d: {  	[spmem:s2] =	stream.indirect.scatter.add.f32 [tilespmem:s26], [sflag:$0x8], $0x80, s31, s25, $0xb8;
	[tilespmem:$0x1BC00] =	vst v63  }
0x6e: {  	_ =	swait.ge [sflag:s22], $0x2800  }
0x6f: {  	s18 =	rddreg [dreg:$0xd];
	[sflag:s22] =	ssyncset.done $0x0  }
0x70: {  	[sflag:s22] =	ssyncadd.s32 $0xFFFFD800;
	s17 =	sadd.s32 $0x0, s18  }
0x71: {  	[tilespmem:s0], [sflag:$0x4] =	stream.linear.gather [hbm4b:s17+s3], $0x100, $0x38;
	[tilespmem:$0x1BC00] =	vst v63  }
0x72: {  	_ =	swait.ge [sflag:s1], $0x100  }
0x73: {  	[sflag:s1] =	ssyncset.done $0x0  }
0x74: {  	[sflag:s1] =	ssyncadd.s32 $0xFFFFFF00  }
0x75: {  	[tilespmem:s29], [sflag:$0x7] =	stream.indirect.gather [hbm4b:s5+s25], $0x80, s24, s25, $0xb8;
	[tilespmem:$0x1BC00] =	vst v63  }
0x76: {  	_ =	swait.ge [sflag:s7], $0x2800  }
0x77: {  	[sflag:s7] =	ssyncset.done $0x0  }
0x78: {  	[sflag:s7] =	ssyncadd.s32 $0xFFFFD800  }
0x79: {  	[spmem:s2] =	stream.indirect.scatter.add.f32 [tilespmem:s28], [sflag:$0x8], $0x80, s8, s25, $0xb8;
	[tilespmem:$0x1BC00] =	vst v63  }
0x7a: {  	_ =	swait.ge [sflag:s22], $0x2800  }
0x7b: {  	s19 =	rddreg [dreg:$0xc];
	[sflag:s22] =	ssyncset.done $0x0  }
0x7c: {  	[sflag:s22] =	ssyncadd.s32 $0xFFFFD800;
	s17 =	sadd.s32 $0x0, s19  }
0x7d: {  	[tilespmem:s3], [sflag:$0x1] =	stream.linear.gather [hbm4b:s17+s3], $0x100, $0x38;
	[tilespmem:$0x1BC00] =	vst v63  }
0x7e: {  	_ =	swait.ge [sflag:s9], $0x100  }
0x7f: {  	[sflag:s9] =	ssyncset.done $0x0  }
0x80: {  	[sflag:s9] =	ssyncadd.s32 $0xFFFFFF00  }
0x81: {  	[tilespmem:s26], [sflag:$0x5] =	stream.indirect.gather [hbm4b:s5+s25], $0x80, s0, s25, $0xb8;
	[tilespmem:$0x1BC00] =	vst v63  }
0x82: {  	_ =	swait.ge [sflag:s10], $0x2800  }
0x83: {  	[sflag:s10] =	ssyncset.done $0x0  }
0x84: {  	[sflag:s10] =	ssyncadd.s32 $0xFFFFD800  }
0x85: {  	[spmem:s2] =	stream.indirect.scatter.add.f32 [tilespmem:s29], [sflag:$0x8], $0x80, s12, s25, $0xb8;
	[tilespmem:$0x1BC00] =	vst v63  }
0x86: {  	_ =	swait.ge [sflag:s22], $0x2800  }
0x87: {  	s20 =	rddreg [dreg:$0xb];
	[sflag:s22] =	ssyncset.done $0x0  }
0x88: {  	[sflag:s22] =	ssyncadd.s32 $0xFFFFD800;
	s17 =	sadd.s32 $0x0, s20  }
0x89: {  	[tilespmem:s23], [sflag:$0x2] =	stream.linear.gather [hbm4b:s17+s3], $0x100, $0x38;
	[tilespmem:$0x1BC00] =	vst v63  }
0x8a: {  	_ =	swait.ge [sflag:s13], $0x100  }
0x8b: {  	[sflag:s13] =	ssyncset.done $0x0  }
0x8c: {  	[sflag:s13] =	ssyncadd.s32 $0xFFFFFF00  }
0x8d: {  	[tilespmem:s28], [sflag:$0x6] =	stream.indirect.gather [hbm4b:s5+s25], $0x80, s3, s25, $0xb8;
	[tilespmem:$0x1BC00] =	vst v63  }
0x8e: {  	_ =	swait.ge [sflag:s30], $0x2800  }
0x8f: {  	[sflag:s30] =	ssyncset.done $0x0  }
0x90: {  	[sflag:s30] =	ssyncadd.s32 $0xFFFFD800  }
0x91: {  	[spmem:s2] =	stream.indirect.scatter.add.f32 [tilespmem:s26], [sflag:$0x8], $0x80, s14, s25, $0xb8;
	[tilespmem:$0x1BC00] =	vst v63  }
0x92: {  	_ =	swait.ge [sflag:s22], $0x2800  }
0x93: {  	s18 =	rddreg [dreg:$0xa];
	[sflag:s22] =	ssyncset.done $0x0  }
0x94: {  	[sflag:s22] =	ssyncadd.s32 $0xFFFFD800;
	s17 =	sadd.s32 $0x0, s18  }
0x95: {  	[tilespmem:s24], [sflag:$0x3] =	stream.linear.gather [hbm4b:s17+s3], $0x100, $0x38;
	[tilespmem:$0x1BC00] =	vst v63  }
0x96: {  	_ =	swait.ge [sflag:s15], $0x100  }
0x97: {  	[sflag:s15] =	ssyncset.done $0x0  }
0x98: {  	[sflag:s15] =	ssyncadd.s32 $0xFFFFFF00  }
0x99: {  	[tilespmem:s29], [sflag:$0x7] =	stream.indirect.gather [hbm4b:s5+s25], $0x80, s23, s25, $0xb8;
	[tilespmem:$0x1BC00] =	vst v63  }
0x9a: {  	_ =	swait.ge [sflag:s7], $0x2800  }
0x9b: {  	[sflag:s7] =	ssyncset.done $0x0  }
0x9c: {  	[sflag:s7] =	ssyncadd.s32 $0xFFFFD800  }
0x9d: {  	[spmem:s2] =	stream.indirect.scatter.add.f32 [tilespmem:s28], [sflag:$0x8], $0x80, s31, s25, $0xb8;
	[tilespmem:$0x1BC00] =	vst v63  }
0x9e: {  	_ =	swait.ge [sflag:s22], $0x2800  }
0x9f: {  	s19 =	rddreg [dreg:$0x9];
	[sflag:s22] =	ssyncset.done $0x0  }
0xa0: {  	[sflag:s22] =	ssyncadd.s32 $0xFFFFD800;
	s17 =	sadd.s32 $0x0, s19  }
0xa1: {  	[tilespmem:s0], [sflag:$0x4] =	stream.linear.gather [hbm4b:s17+s3], $0x100, $0x38;
	[tilespmem:$0x1BC00] =	vst v63  }
0xa2: {  	_ =	swait.ge [sflag:s1], $0x100  }
0xa3: {  	[sflag:s1] =	ssyncset.done $0x0  }
0xa4: {  	[sflag:s1] =	ssyncadd.s32 $0xFFFFFF00  }
0xa5: {  	[tilespmem:s26], [sflag:$0x5] =	stream.indirect.gather [hbm4b:s5+s25], $0x80, s24, s25, $0xb8;
	[tilespmem:$0x1BC00] =	vst v63  }
0xa6: {  	_ =	swait.ge [sflag:s10], $0x2800  }
0xa7: {  	[sflag:s10] =	ssyncset.done $0x0  }
0xa8: {  	[sflag:s10] =	ssyncadd.s32 $0xFFFFD800  }
0xa9: {  	[spmem:s2] =	stream.indirect.scatter.add.f32 [tilespmem:s29], [sflag:$0x8], $0x80, s8, s25, $0xb8;
	[tilespmem:$0x1BC00] =	vst v63  }
0xaa: {  	_ =	swait.ge [sflag:s22], $0x2800  }
0xab: {  	s20 =	rddreg [dreg:$0x8];
	[sflag:s22] =	ssyncset.done $0x0  }
0xac: {  	[sflag:s22] =	ssyncadd.s32 $0xFFFFD800;
	s17 =	sadd.s32 $0x0, s20  }
0xad: {  	[tilespmem:s3], [sflag:$0x1] =	stream.linear.gather [hbm4b:s17+s3], $0x100, $0x38;
	[tilespmem:$0x1BC00] =	vst v63  }
0xae: {  	_ =	swait.ge [sflag:s9], $0x100  }
0xaf: {  	[sflag:s9] =	ssyncset.done $0x0  }
0xb0: {  	[sflag:s9] =	ssyncadd.s32 $0xFFFFFF00  }
0xb1: {  	[tilespmem:s28], [sflag:$0x6] =	stream.indirect.gather [hbm4b:s5+s25], $0x80, s0, s25, $0xb8;
	[tilespmem:$0x1BC00] =	vst v63  }
0xb2: {  	_ =	swait.ge [sflag:s30], $0x2800  }
0xb3: {  	[sflag:s30] =	ssyncset.done $0x0  }
0xb4: {  	[sflag:s30] =	ssyncadd.s32 $0xFFFFD800  }
0xb5: {  	[spmem:s2] =	stream.indirect.scatter.add.f32 [tilespmem:s26], [sflag:$0x8], $0x80, s12, s25, $0xb8;
	[tilespmem:$0x1BC00] =	vst v63  }
0xb6: {  	_ =	swait.ge [sflag:s22], $0x2800  }
0xb7: {  	s18 =	rddreg [dreg:$0x7];
	[sflag:s22] =	ssyncset.done $0x0  }
0xb8: {  	[sflag:s22] =	ssyncadd.s32 $0xFFFFD800;
	s17 =	sadd.s32 $0x0, s18  }
0xb9: {  	[tilespmem:s23], [sflag:$0x2] =	stream.linear.gather [hbm4b:s17+s3], $0x100, $0x38;
	[tilespmem:$0x1BC00] =	vst v63  }
0xba: {  	_ =	swait.ge [sflag:s13], $0x100  }
0xbb: {  	[sflag:s13] =	ssyncset.done $0x0  }
0xbc: {  	[sflag:s13] =	ssyncadd.s32 $0xFFFFFF00  }
0xbd: {  	[tilespmem:s29], [sflag:$0x7] =	stream.indirect.gather [hbm4b:s5+s25], $0x80, s3, s25, $0xb8;
	[tilespmem:$0x1BC00] =	vst v63  }
0xbe: {  	_ =	swait.ge [sflag:s7], $0x2800  }
0xbf: {  	[sflag:s7] =	ssyncset.done $0x0  }
0xc0: {  	[sflag:s7] =	ssyncadd.s32 $0xFFFFD800  }
0xc1: {  	[spmem:s2] =	stream.indirect.scatter.add.f32 [tilespmem:s28], [sflag:$0x8], $0x80, s14, s25, $0xb8;
	[tilespmem:$0x1BC00] =	vst v63  }
0xc2: {  	_ =	swait.ge [sflag:s22], $0x2800  }
0xc3: {  	s19 =	rddreg [dreg:$0x6];
	[sflag:s22] =	ssyncset.done $0x0  }
0xc4: {  	[sflag:s22] =	ssyncadd.s32 $0xFFFFD800;
	s17 =	sadd.s32 $0x0, s19  }
0xc5: {  	[tilespmem:s24], [sflag:$0x3] =	stream.linear.gather [hbm4b:s17+s3], $0x100, $0x38;
	[tilespmem:$0x1BC00] =	vst v63  }
0xc6: {  	_ =	swait.ge [sflag:s15], $0x100  }
0xc7: {  	[sflag:s15] =	ssyncset.done $0x0  }
0xc8: {  	[sflag:s15] =	ssyncadd.s32 $0xFFFFFF00  }
0xc9: {  	[tilespmem:s26], [sflag:$0x5] =	stream.indirect.gather [hbm4b:s5+s25], $0x80, s23, s25, $0xb8;
	[tilespmem:$0x1BC00] =	vst v63  }
0xca: {  	_ =	swait.ge [sflag:s10], $0x2800  }
0xcb: {  	[sflag:s10] =	ssyncset.done $0x0  }
0xcc: {  	[sflag:s10] =	ssyncadd.s32 $0xFFFFD800  }
0xcd: {  	[spmem:s2] =	stream.indirect.scatter.add.f32 [tilespmem:s29], [sflag:$0x8], $0x80, s31, s25, $0xb8;
	[tilespmem:$0x1BC00] =	vst v63  }
0xce: {  	_ =	swait.ge [sflag:s22], $0x2800  }
0xcf: {  	s20 =	rddreg [dreg:$0x5];
	[sflag:s22] =	ssyncset.done $0x0  }
0xd0: {  	[sflag:s22] =	ssyncadd.s32 $0xFFFFD800;
	s17 =	sadd.s32 $0x0, s20  }
0xd1: {  	[tilespmem:s0], [sflag:$0x4] =	stream.linear.gather [hbm4b:s17+s3], $0x100, $0x38;
	[tilespmem:$0x1BC00] =	vst v63  }
0xd2: {  	_ =	swait.ge [sflag:s1], $0x100  }
0xd3: {  	[sflag:s1] =	ssyncset.done $0x0  }
0xd4: {  	[sflag:s1] =	ssyncadd.s32 $0xFFFFFF00  }
0xd5: {  	[tilespmem:s28], [sflag:$0x6] =	stream.indirect.gather [hbm4b:s5+s25], $0x80, s24, s25, $0xb8;
	[tilespmem:$0x1BC00] =	vst v63  }
0xd6: {  	_ =	swait.ge [sflag:s30], $0x2800  }
0xd7: {  	[sflag:s30] =	ssyncset.done $0x0  }
0xd8: {  	[sflag:s30] =	ssyncadd.s32 $0xFFFFD800  }
0xd9: {  	[spmem:s2] =	stream.indirect.scatter.add.f32 [tilespmem:s26], [sflag:$0x8], $0x80, s8, s25, $0xb8;
	[tilespmem:$0x1BC00] =	vst v63  }
0xda: {  	_ =	swait.ge [sflag:s22], $0x2800  }
0xdb: {  	s18 =	sshrl.u32 s21, $0x3;
	[sflag:s22] =	ssyncset.done $0x0  }
0xdc: {  	s17 =	sadd.s32 s4, s18;
	[sflag:s22] =	ssyncadd.s32 $0xFFFFD800  }
0xdd: {  	[tilespmem:s3], [sflag:$0x1] =	stream.linear.gather [hbm4b:s17+s3], $0x100, $0x38;
	[tilespmem:$0x1BC00] =	vst v63  }
0xde: {  	_ =	swait.ge [sflag:s9], $0x100  }
0xdf: {  	[sflag:s9] =	ssyncset.done $0x0  }
0xe0: {  	[sflag:s9] =	ssyncadd.s32 $0xFFFFFF00  }
0xe1: {  	[tilespmem:s29], [sflag:$0x7] =	stream.indirect.gather [hbm4b:s5+s25], $0x80, s0, s25, $0xb8;
	[tilespmem:$0x1BC00] =	vst v63  }
0xe2: {  	_ =	swait.ge [sflag:s7], $0x2800  }
0xe3: {  	[sflag:s7] =	ssyncset.done $0x0  }
0xe4: {  	[sflag:s7] =	ssyncadd.s32 $0xFFFFD800  }
0xe5: {  	[spmem:s2] =	stream.indirect.scatter.add.f32 [tilespmem:s28], [sflag:$0x8], $0x80, s12, s25, $0xb8;
	[tilespmem:$0x1BC00] =	vst v63  }
0xe6: {  	_ =	swait.ge [sflag:s22], $0x2800  }
0xe7: {  	s19 =	rddreg [dreg:$0x4];
	[sflag:s22] =	ssyncset.done $0x0  }
0xe8: {  	[sflag:s22] =	ssyncadd.s32 $0xFFFFD800;
	s17 =	sadd.s32 $0x0, s19  }
0xe9: {  	[tilespmem:s23], [sflag:$0x2] =	stream.linear.gather [hbm4b:s17+s3], $0x100, $0x38;
	[tilespmem:$0x1BC00] =	vst v63  }
0xea: {  	_ =	swait.ge [sflag:s13], $0x100  }
0xeb: {  	[sflag:s13] =	ssyncset.done $0x0  }
0xec: {  	[sflag:s13] =	ssyncadd.s32 $0xFFFFFF00  }
0xed: {  	[tilespmem:s26], [sflag:$0x5] =	stream.indirect.gather [hbm4b:s5+s25], $0x80, s3, s25, $0xb8;
	[tilespmem:$0x1BC00] =	vst v63  }
0xee: {  	_ =	swait.ge [sflag:s10], $0x2800  }
0xef: {  	[sflag:s10] =	ssyncset.done $0x0  }
0xf0: {  	[sflag:s10] =	ssyncadd.s32 $0xFFFFD800  }
0xf1: {  	[spmem:s2] =	stream.indirect.scatter.add.f32 [tilespmem:s29], [sflag:$0x8], $0x80, s14, s25, $0xb8;
	[tilespmem:$0x1BC00] =	vst v63  }
0xf2: {  	_ =	swait.ge [sflag:s22], $0x2800  }
0xf3: {  	s20 =	rddreg [dreg:$0x3];
	[sflag:s22] =	ssyncset.done $0x0  }
0xf4: {  	[sflag:s22] =	ssyncadd.s32 $0xFFFFD800;
	s17 =	sadd.s32 $0x0, s20  }
0xf5: {  	[tilespmem:s24], [sflag:$0x3] =	stream.linear.gather [hbm4b:s17+s3], $0x100, $0x38;
	[tilespmem:$0x1BC00] =	vst v63  }
0xf6: {  	_ =	swait.ge [sflag:s15], $0x100  }
0xf7: {  	[sflag:s15] =	ssyncset.done $0x0  }
0xf8: {  	s18 =	sadd.s32 $0xC00, s21;
	s17 =	simm.s32 $0x180;
	[sflag:s15] =	ssyncadd.s32 $0xFFFFFF00  }
.LBB2_4:
0xf9: {  	[tilespmem:s28], [sflag:$0x6] =	stream.indirect.gather [hbm4b:s5+s25], $0x80, s23, s25, $0xb8;
	[tilespmem:$0x1BC00] =	vst v63  }
0xfa: {  	_ =	swait.ge [sflag:s30], $0x2800  }
0xfb: {  	[sflag:s30] =	ssyncset.done $0x0  }
0xfc: {  	[sflag:s30] =	ssyncadd.s32 $0xFFFFD800  }
0xfd: {  	[spmem:s2] =	stream.indirect.scatter.add.f32 [tilespmem:s26], [sflag:$0x8], $0x80, s31, s25, $0xb8;
	[tilespmem:$0x1BC00] =	vst v63  }
0xfe: {  	_ =	swait.ge [sflag:s22], $0x2800  }
0xff: {  	s19 =	smov.u32 s17;
	s20 =	rddreg [dreg:$0xd];
	[sflag:s22] =	ssyncset.done $0x0  }
0x100: {  	[sflag:s22] =	ssyncadd.s32 $0xFFFFD800;
	s20 =	sadd.s32 s19, s20  }
0x101: {  	[tilespmem:s0], [sflag:$0x4] =	stream.linear.gather [hbm4b:s20+s3], $0x100, $0x38;
	[tilespmem:$0x1BC00] =	vst v63  }
0x102: {  	_ =	swait.ge [sflag:s1], $0x100  }
0x103: {  	[sflag:s1] =	ssyncset.done $0x0  }
0x104: {  	[sflag:s1] =	ssyncadd.s32 $0xFFFFFF00  }
0x105: {  	[tilespmem:s29], [sflag:$0x7] =	stream.indirect.gather [hbm4b:s5+s25], $0x80, s24, s25, $0xb8;
	[tilespmem:$0x1BC00] =	vst v63  }
0x106: {  	_ =	swait.ge [sflag:s7], $0x2800  }
0x107: {  	[sflag:s7] =	ssyncset.done $0x0  }
0x108: {  	[sflag:s7] =	ssyncadd.s32 $0xFFFFD800  }
0x109: {  	[spmem:s2] =	stream.indirect.scatter.add.f32 [tilespmem:s28], [sflag:$0x8], $0x80, s8, s25, $0xb8;
	[tilespmem:$0x1BC00] =	vst v63  }
0x10a: {  	_ =	swait.ge [sflag:s22], $0x2800  }
0x10b: {  	s20 =	rddreg [dreg:$0xc];
	[sflag:s22] =	ssyncset.done $0x0  }
0x10c: {  	[sflag:s22] =	ssyncadd.s32 $0xFFFFD800;
	s20 =	sadd.s32 s19, s20  }
0x10d: {  	[tilespmem:s3], [sflag:$0x1] =	stream.linear.gather [hbm4b:s20+s3], $0x100, $0x38;
	[tilespmem:$0x1BC00] =	vst v63  }
0x10e: {  	_ =	swait.ge [sflag:s9], $0x100  }
0x10f: {  	[sflag:s9] =	ssyncset.done $0x0  }
0x110: {  	[sflag:s9] =	ssyncadd.s32 $0xFFFFFF00  }
0x111: {  	[tilespmem:s26], [sflag:$0x5] =	stream.indirect.gather [hbm4b:s5+s25], $0x80, s0, s25, $0xb8;
	[tilespmem:$0x1BC00] =	vst v63  }
0x112: {  	_ =	swait.ge [sflag:s10], $0x2800  }
0x113: {  	[sflag:s10] =	ssyncset.done $0x0  }
0x114: {  	[sflag:s10] =	ssyncadd.s32 $0xFFFFD800  }
0x115: {  	[spmem:s2] =	stream.indirect.scatter.add.f32 [tilespmem:s29], [sflag:$0x8], $0x80, s12, s25, $0xb8;
	[tilespmem:$0x1BC00] =	vst v63  }
0x116: {  	_ =	swait.ge [sflag:s22], $0x2800  }
0x117: {  	s20 =	rddreg [dreg:$0xb];
	[sflag:s22] =	ssyncset.done $0x0  }
0x118: {  	[sflag:s22] =	ssyncadd.s32 $0xFFFFD800;
	s20 =	sadd.s32 s19, s20  }
0x119: {  	[tilespmem:s23], [sflag:$0x2] =	stream.linear.gather [hbm4b:s20+s3], $0x100, $0x38;
	[tilespmem:$0x1BC00] =	vst v63  }
0x11a: {  	_ =	swait.ge [sflag:s13], $0x100  }
0x11b: {  	[sflag:s13] =	ssyncset.done $0x0  }
0x11c: {  	[sflag:s13] =	ssyncadd.s32 $0xFFFFFF00  }
0x11d: {  	[tilespmem:s28], [sflag:$0x6] =	stream.indirect.gather [hbm4b:s5+s25], $0x80, s3, s25, $0xb8;
	[tilespmem:$0x1BC00] =	vst v63  }
0x11e: {  	_ =	swait.ge [sflag:s30], $0x2800  }
0x11f: {  	[sflag:s30] =	ssyncset.done $0x0  }
0x120: {  	[sflag:s30] =	ssyncadd.s32 $0xFFFFD800  }
0x121: {  	[spmem:s2] =	stream.indirect.scatter.add.f32 [tilespmem:s26], [sflag:$0x8], $0x80, s14, s25, $0xb8;
	[tilespmem:$0x1BC00] =	vst v63  }
0x122: {  	_ =	swait.ge [sflag:s22], $0x2800  }
0x123: {  	s20 =	rddreg [dreg:$0xa];
	[sflag:s22] =	ssyncset.done $0x0  }
0x124: {  	[sflag:s22] =	ssyncadd.s32 $0xFFFFD800;
	s20 =	sadd.s32 s19, s20  }
0x125: {  	[tilespmem:s24], [sflag:$0x3] =	stream.linear.gather [hbm4b:s20+s3], $0x100, $0x38;
	[tilespmem:$0x1BC00] =	vst v63  }
0x126: {  	_ =	swait.ge [sflag:s15], $0x100  }
0x127: {  	[sflag:s15] =	ssyncset.done $0x0  }
0x128: {  	[sflag:s15] =	ssyncadd.s32 $0xFFFFFF00  }
0x129: {  	[tilespmem:s29], [sflag:$0x7] =	stream.indirect.gather [hbm4b:s5+s25], $0x80, s23, s25, $0xb8;
	[tilespmem:$0x1BC00] =	vst v63  }
0x12a: {  	_ =	swait.ge [sflag:s7], $0x2800  }
0x12b: {  	[sflag:s7] =	ssyncset.done $0x0  }
0x12c: {  	[sflag:s7] =	ssyncadd.s32 $0xFFFFD800  }
0x12d: {  	[spmem:s2] =	stream.indirect.scatter.add.f32 [tilespmem:s28], [sflag:$0x8], $0x80, s31, s25, $0xb8;
	[tilespmem:$0x1BC00] =	vst v63  }
0x12e: {  	_ =	swait.ge [sflag:s22], $0x2800  }
0x12f: {  	s20 =	rddreg [dreg:$0x9];
	[sflag:s22] =	ssyncset.done $0x0  }
0x130: {  	[sflag:s22] =	ssyncadd.s32 $0xFFFFD800;
	s20 =	sadd.s32 s19, s20  }
0x131: {  	[tilespmem:s0], [sflag:$0x4] =	stream.linear.gather [hbm4b:s20+s3], $0x100, $0x38;
	[tilespmem:$0x1BC00] =	vst v63  }
0x132: {  	_ =	swait.ge [sflag:s1], $0x100  }
0x133: {  	[sflag:s1] =	ssyncset.done $0x0  }
0x134: {  	[sflag:s1] =	ssyncadd.s32 $0xFFFFFF00  }
0x135: {  	[tilespmem:s26], [sflag:$0x5] =	stream.indirect.gather [hbm4b:s5+s25], $0x80, s24, s25, $0xb8;
	[tilespmem:$0x1BC00] =	vst v63  }
0x136: {  	_ =	swait.ge [sflag:s10], $0x2800  }
0x137: {  	[sflag:s10] =	ssyncset.done $0x0  }
0x138: {  	[sflag:s10] =	ssyncadd.s32 $0xFFFFD800  }
0x139: {  	[spmem:s2] =	stream.indirect.scatter.add.f32 [tilespmem:s29], [sflag:$0x8], $0x80, s8, s25, $0xb8;
	[tilespmem:$0x1BC00] =	vst v63  }
0x13a: {  	_ =	swait.ge [sflag:s22], $0x2800  }
0x13b: {  	s20 =	rddreg [dreg:$0x8];
	[sflag:s22] =	ssyncset.done $0x0  }
0x13c: {  	[sflag:s22] =	ssyncadd.s32 $0xFFFFD800;
	s20 =	sadd.s32 s19, s20  }
0x13d: {  	[tilespmem:s3], [sflag:$0x1] =	stream.linear.gather [hbm4b:s20+s3], $0x100, $0x38;
	[tilespmem:$0x1BC00] =	vst v63  }
0x13e: {  	_ =	swait.ge [sflag:s9], $0x100  }
0x13f: {  	[sflag:s9] =	ssyncset.done $0x0  }
0x140: {  	[sflag:s9] =	ssyncadd.s32 $0xFFFFFF00  }
0x141: {  	[tilespmem:s28], [sflag:$0x6] =	stream.indirect.gather [hbm4b:s5+s25], $0x80, s0, s25, $0xb8;
	[tilespmem:$0x1BC00] =	vst v63  }
0x142: {  	_ =	swait.ge [sflag:s30], $0x2800  }
0x143: {  	[sflag:s30] =	ssyncset.done $0x0  }
0x144: {  	[sflag:s30] =	ssyncadd.s32 $0xFFFFD800  }
0x145: {  	[spmem:s2] =	stream.indirect.scatter.add.f32 [tilespmem:s26], [sflag:$0x8], $0x80, s12, s25, $0xb8;
	[tilespmem:$0x1BC00] =	vst v63  }
0x146: {  	_ =	swait.ge [sflag:s22], $0x2800  }
0x147: {  	s20 =	rddreg [dreg:$0x7];
	[sflag:s22] =	ssyncset.done $0x0  }
0x148: {  	[sflag:s22] =	ssyncadd.s32 $0xFFFFD800;
	s20 =	sadd.s32 s19, s20  }
0x149: {  	[tilespmem:s23], [sflag:$0x2] =	stream.linear.gather [hbm4b:s20+s3], $0x100, $0x38;
	[tilespmem:$0x1BC00] =	vst v63  }
0x14a: {  	_ =	swait.ge [sflag:s13], $0x100  }
0x14b: {  	[sflag:s13] =	ssyncset.done $0x0  }
0x14c: {  	[sflag:s13] =	ssyncadd.s32 $0xFFFFFF00  }
0x14d: {  	[tilespmem:s29], [sflag:$0x7] =	stream.indirect.gather [hbm4b:s5+s25], $0x80, s3, s25, $0xb8;
	[tilespmem:$0x1BC00] =	vst v63  }
0x14e: {  	_ =	swait.ge [sflag:s7], $0x2800  }
0x14f: {  	[sflag:s7] =	ssyncset.done $0x0  }
0x150: {  	[sflag:s7] =	ssyncadd.s32 $0xFFFFD800  }
0x151: {  	[spmem:s2] =	stream.indirect.scatter.add.f32 [tilespmem:s28], [sflag:$0x8], $0x80, s14, s25, $0xb8;
	[tilespmem:$0x1BC00] =	vst v63  }
0x152: {  	_ =	swait.ge [sflag:s22], $0x2800  }
0x153: {  	s20 =	rddreg [dreg:$0x6];
	[sflag:s22] =	ssyncset.done $0x0  }
0x154: {  	[sflag:s22] =	ssyncadd.s32 $0xFFFFD800;
	s20 =	sadd.s32 s19, s20  }
0x155: {  	[tilespmem:s24], [sflag:$0x3] =	stream.linear.gather [hbm4b:s20+s3], $0x100, $0x38;
	[tilespmem:$0x1BC00] =	vst v63  }
0x156: {  	_ =	swait.ge [sflag:s15], $0x100  }
0x157: {  	[sflag:s15] =	ssyncset.done $0x0  }
0x158: {  	[sflag:s15] =	ssyncadd.s32 $0xFFFFFF00  }
0x159: {  	[tilespmem:s26], [sflag:$0x5] =	stream.indirect.gather [hbm4b:s5+s25], $0x80, s23, s25, $0xb8;
	[tilespmem:$0x1BC00] =	vst v63  }
0x15a: {  	_ =	swait.ge [sflag:s10], $0x2800  }
0x15b: {  	[sflag:s10] =	ssyncset.done $0x0  }
0x15c: {  	[sflag:s10] =	ssyncadd.s32 $0xFFFFD800  }
0x15d: {  	[spmem:s2] =	stream.indirect.scatter.add.f32 [tilespmem:s29], [sflag:$0x8], $0x80, s31, s25, $0xb8;
	[tilespmem:$0x1BC00] =	vst v63  }
0x15e: {  	_ =	swait.ge [sflag:s22], $0x2800  }
0x15f: {  	s20 =	rddreg [dreg:$0x5];
	[sflag:s22] =	ssyncset.done $0x0  }
0x160: {  	[sflag:s22] =	ssyncadd.s32 $0xFFFFD800;
	s20 =	sadd.s32 s19, s20  }
0x161: {  	[tilespmem:s0], [sflag:$0x4] =	stream.linear.gather [hbm4b:s20+s3], $0x100, $0x38;
	[tilespmem:$0x1BC00] =	vst v63  }
0x162: {  	_ =	swait.ge [sflag:s1], $0x100  }
0x163: {  	[sflag:s1] =	ssyncset.done $0x0  }
0x164: {  	[sflag:s1] =	ssyncadd.s32 $0xFFFFFF00  }
0x165: {  	[tilespmem:s28], [sflag:$0x6] =	stream.indirect.gather [hbm4b:s5+s25], $0x80, s24, s25, $0xb8;
	[tilespmem:$0x1BC00] =	vst v63  }
0x166: {  	_ =	swait.ge [sflag:s30], $0x2800  }
0x167: {  	[sflag:s30] =	ssyncset.done $0x0  }
0x168: {  	[sflag:s30] =	ssyncadd.s32 $0xFFFFD800  }
0x169: {  	[spmem:s2] =	stream.indirect.scatter.add.f32 [tilespmem:s26], [sflag:$0x8], $0x80, s8, s25, $0xb8;
	[tilespmem:$0x1BC00] =	vst v63  }
0x16a: {  	_ =	swait.ge [sflag:s22], $0x2800  }
0x16b: {  	s20 =	sshrl.u32 s18, $0x3;
	[sflag:s22] =	ssyncset.done $0x0  }
0x16c: {  	s20 =	sadd.s32 s4, s20;
	[sflag:s22] =	ssyncadd.s32 $0xFFFFD800  }
0x16d: {  	[tilespmem:s3], [sflag:$0x1] =	stream.linear.gather [hbm4b:s20+s3], $0x100, $0x38;
	[tilespmem:$0x1BC00] =	vst v63  }
0x16e: {  	_ =	swait.ge [sflag:s9], $0x100  }
0x16f: {  	[sflag:s9] =	ssyncset.done $0x0  }
0x170: {  	[sflag:s9] =	ssyncadd.s32 $0xFFFFFF00  }
0x171: {  	[tilespmem:s29], [sflag:$0x7] =	stream.indirect.gather [hbm4b:s5+s25], $0x80, s0, s25, $0xb8;
	[tilespmem:$0x1BC00] =	vst v63  }
0x172: {  	_ =	swait.ge [sflag:s7], $0x2800  }
0x173: {  	[sflag:s7] =	ssyncset.done $0x0  }
0x174: {  	[sflag:s7] =	ssyncadd.s32 $0xFFFFD800  }
0x175: {  	[spmem:s2] =	stream.indirect.scatter.add.f32 [tilespmem:s28], [sflag:$0x8], $0x80, s12, s25, $0xb8;
	[tilespmem:$0x1BC00] =	vst v63  }
0x176: {  	_ =	swait.ge [sflag:s22], $0x2800  }
0x177: {  	s20 =	rddreg [dreg:$0x4];
	[sflag:s22] =	ssyncset.done $0x0  }
0x178: {  	[sflag:s22] =	ssyncadd.s32 $0xFFFFD800;
	s20 =	sadd.s32 s19, s20  }
0x179: {  	[tilespmem:s23], [sflag:$0x2] =	stream.linear.gather [hbm4b:s20+s3], $0x100, $0x38;
	[tilespmem:$0x1BC00] =	vst v63  }
0x17a: {  	_ =	swait.ge [sflag:s13], $0x100  }
0x17b: {  	[sflag:s13] =	ssyncset.done $0x0  }
0x17c: {  	[sflag:s13] =	ssyncadd.s32 $0xFFFFFF00  }
0x17d: {  	[tilespmem:s26], [sflag:$0x5] =	stream.indirect.gather [hbm4b:s5+s25], $0x80, s3, s25, $0xb8;
	[tilespmem:$0x1BC00] =	vst v63  }
0x17e: {  	_ =	swait.ge [sflag:s10], $0x2800  }
0x17f: {  	[sflag:s10] =	ssyncset.done $0x0  }
0x180: {  	[sflag:s10] =	ssyncadd.s32 $0xFFFFD800  }
0x181: {  	[spmem:s2] =	stream.indirect.scatter.add.f32 [tilespmem:s29], [sflag:$0x8], $0x80, s14, s25, $0xb8;
	[tilespmem:$0x1BC00] =	vst v63  }
0x182: {  	_ =	swait.ge [sflag:s22], $0x2800  }
0x183: {  	p0 =	sne.s32 s17, $0xD80;
	s20 =	rddreg [dreg:$0x3];
	[sflag:s22] =	ssyncset.done $0x0  }
.Ltmp1:
0x184: {  	[sflag:s22] =	ssyncadd.s32 $0xFFFFD800;
	s19 =	sadd.s32 s19, s20;
	(pc) =	sbr.rel @p0 .LBB2_4-.Ltmp1, $4  }
0x185: {  	[tilespmem:s24], [sflag:$0x3] =	stream.linear.gather [hbm4b:s19+s3], $0x100, $0x38;
	[tilespmem:$0x1BC00] =	vst v63  }
0x186: {  	_ =	swait.ge [sflag:s15], $0x100  }
0x187: {  	[sflag:s15] =	ssyncset.done $0x0  }
0x188: {  	s17 =	sadd.s32 $0x180, s17;
	s18 =	sadd.s32 $0xC00, s18;
	[sflag:s15] =	ssyncadd.s32 $0xFFFFFF00  }
0x189: {  	[tilespmem:s28], [sflag:$0x6] =	stream.indirect.gather [hbm4b:s5+s25], $0x80, s23, s25, $0xb8;
	[tilespmem:$0x1BC00] =	vst v63  }
0x18a: {  	_ =	swait.ge [sflag:s30], $0x2800  }
0x18b: {  	[sflag:s30] =	ssyncset.done $0x0  }
0x18c: {  	[sflag:s30] =	ssyncadd.s32 $0xFFFFD800  }
0x18d: {  	[spmem:s2] =	stream.indirect.scatter.add.f32 [tilespmem:s26], [sflag:$0x8], $0x80, s31, s25, $0xb8;
	[tilespmem:$0x1BC00] =	vst v63  }
0x18e: {  	_ =	swait.ge [sflag:s22], $0x2800  }
0x18f: {  	[sflag:s22] =	ssyncset.done $0x0  }
0x190: {  	s17 =	rddreg [dreg:$0x10];
	[sflag:s22] =	ssyncadd.s32 $0xFFFFD800  }
0x191: {  	[tilespmem:s0], [sflag:$0x4] =	stream.linear.gather [hbm4b:s17+s3], $0x100, $0x38;
	[tilespmem:$0x1BC00] =	vst v63  }
0x192: {  	_ =	swait.ge [sflag:s1], $0x100  }
0x193: {  	[sflag:s1] =	ssyncset.done $0x0  }
0x194: {  	[sflag:s1] =	ssyncadd.s32 $0xFFFFFF00  }
0x195: {  	[tilespmem:s29], [sflag:$0x7] =	stream.indirect.gather [hbm4b:s5+s25], $0x80, s24, s25, $0xb8;
	[tilespmem:$0x1BC00] =	vst v63  }
0x196: {  	_ =	swait.ge [sflag:s7], $0x2800  }
0x197: {  	[sflag:s7] =	ssyncset.done $0x0  }
0x198: {  	[sflag:s7] =	ssyncadd.s32 $0xFFFFD800  }
0x199: {  	[spmem:s2] =	stream.indirect.scatter.add.f32 [tilespmem:s28], [sflag:$0x8], $0x80, s8, s25, $0xb8;
	[tilespmem:$0x1BC00] =	vst v63  }
0x19a: {  	_ =	swait.ge [sflag:s22], $0x2800  }
0x19b: {  	[sflag:s22] =	ssyncset.done $0x0  }
0x19c: {  	s18 =	rddreg [dreg:$0x11];
	[sflag:s22] =	ssyncadd.s32 $0xFFFFD800  }
0x19d: {  	[tilespmem:s3], [sflag:$0x1] =	stream.linear.gather [hbm4b:s18+s3], $0x100, $0x38;
	[tilespmem:$0x1BC00] =	vst v63  }
0x19e: {  	_ =	swait.ge [sflag:s9], $0x100  }
0x19f: {  	[sflag:s9] =	ssyncset.done $0x0  }
0x1a0: {  	[sflag:s9] =	ssyncadd.s32 $0xFFFFFF00  }
0x1a1: {  	[tilespmem:s26], [sflag:$0x5] =	stream.indirect.gather [hbm4b:s5+s25], $0x80, s0, s25, $0xb8;
	[tilespmem:$0x1BC00] =	vst v63  }
0x1a2: {  	_ =	swait.ge [sflag:s10], $0x2800  }
0x1a3: {  	[sflag:s10] =	ssyncset.done $0x0  }
0x1a4: {  	[sflag:s10] =	ssyncadd.s32 $0xFFFFD800  }
0x1a5: {  	[spmem:s2] =	stream.indirect.scatter.add.f32 [tilespmem:s29], [sflag:$0x8], $0x80, s12, s25, $0xb8;
	[tilespmem:$0x1BC00] =	vst v63  }
0x1a6: {  	_ =	swait.ge [sflag:s22], $0x2800  }
0x1a7: {  	[sflag:s22] =	ssyncset.done $0x0  }
0x1a8: {  	[sflag:s22] =	ssyncadd.s32 $0xFFFFD800  }
0x1a9: {  	_ =	swait.ge [sflag:s13], $0x100  }
0x1aa: {  	[sflag:s13] =	ssyncset.done $0x0  }
0x1ab: {  	[sflag:s13] =	ssyncadd.s32 $0xFFFFFF00  }
0x1ac: {  	[tilespmem:s28], [sflag:$0x6] =	stream.indirect.gather [hbm4b:s5+s25], $0x80, s3, s25, $0xb8;
	[tilespmem:$0x1BC00] =	vst v63  }
0x1ad: {  	_ =	swait.ge [sflag:s30], $0x2800  }
0x1ae: {  	[sflag:s30] =	ssyncset.done $0x0  }
0x1af: {  	[sflag:s30] =	ssyncadd.s32 $0xFFFFD800  }
0x1b0: {  	[spmem:s2] =	stream.indirect.scatter.add.f32 [tilespmem:s26], [sflag:$0x8], $0x80, s14, s25, $0xb8;
	[tilespmem:$0x1BC00] =	vst v63  }
0x1b1: {  	_ =	swait.ge [sflag:s22], $0x2800  }
0x1b2: {  	[sflag:s22] =	ssyncset.done $0x0  }
0x1b3: {  	[sflag:s22] =	ssyncadd.s32 $0xFFFFD800  }
0x1b4: {  	_ =	swait.ge [sflag:s7], $0x2800  }
0x1b5: {  	[sflag:s7] =	ssyncset.done $0x0  }
0x1b6: {  	[sflag:s7] =	ssyncadd.s32 $0xFFFFD800  }
0x1b7: {  	[spmem:s2] =	stream.indirect.scatter.add.f32 [tilespmem:s28], [sflag:$0x8], $0x80, s31, s25, $0xb8;
	[tilespmem:$0x1BC00] =	vst v63  }
0x1b8: {  	_ =	swait.ge [sflag:s22], $0x2800  }
0x1b9: {  	[sflag:s22] =	ssyncset.done $0x0  }
0x1ba: {  	s19 =	stileid.u32;
	[sflag:s22] =	ssyncadd.s32 $0xFFFFD800  }
0x1bb: {  	s17 =	sshll.u32 s19, $0x6;
	[bflag:$0x0] =	sbarrier.arrive $0xFFFF  }
0x1bc: {  	s17 =	sor.u32 $0x1C08, s17;
	s18 =	sshrl.u32 s11, $0x3;
	s19 =	rddreg [dreg:$0x12]  }
0x1bd: {  	[hbm:s19], [sflag:s17] =	dma.local [spmem:s18], $0x2800  }
0x1be: {  	_ =	swait.ge [sflag:s22], $0x2800  }
0x1bf: {  	s16 =	sadd.s32 $0x1, s16;
	s20 =	rddreg [dreg:$0x13]  }
0x1c0: {  	p0 =	sne.s32 s16, s20  }
.Ltmp2:
0x1c1: {  	_ = 	snop;
	(pc) =	sbr.rel @p0 .LBB2_1-.Ltmp2, $3  }
0x1c2: {  	_ =	sdelay $0x1  }
0x1c3: {  	[sflag:s22] =	ssyncset.done $0x0  }
0x1c4: {  	[sflag:s22] =	ssyncadd.s32 $0xFFFFD800  }
0x1c5: {  	_ =	sfence.sel $0x180000  }
0x1c6: {  	[bflag:$0x0] =	sbarrier.arrive $0xFFFF  }
0x1c7: {  	_ =	strace $0x9000004D  }
0x1c8: {  	s0 =	stileid.u32;
	[bflag:$0x2] =	sbarrier.arrive $0xFFFF  }
0x1c9: {  	p0 =	sne.s32 s0, $0x0;
	s0 =	rddreg [dreg:$0x2]  }
0x1ca: {  	s0 =	sadd.s32 @!p0 $0x100000, s0  }
0x1cb: {  	[sflag:s0] =	ssyncadd.tile.s32 @!p0 $0x1;
	_ =	shalt  }
.Lfunc_end2:
_tile_overlayer_lowered:
.L_overlay_start_2:
0x1cc: {  	(tag) =	ssettag $0x2  }
0x1cd: {  	s0 =	rddreg [dreg:$0x0];
	s2 =	stileid.u32  }
0x1ce: {  	s1 =	rddreg [dreg:$0x1];
	p0 =	sne.s32 s2, $0x0  }
0x1cf: {  	s3 =	rddreg [dreg:$0x2];
	[bflag:$0x3] =	sbarrier.arrive $0xFFFF;
	s2 =	simm.s32 @!p0 $0x1C08  }
0x1d0: {  	[timem:s3], [sflag:s2] =	dma.local @!p0 [hbm:s0], s1  }
0x1d1: {  	s0 =	simm.s32 @!p0 $0x8  }
0x1d2: {  	_ =	swait.ge @!p0 [sflag:s0], s1  }
0x1d3: {  	s1 =	ssub.s32 @!p0 $0x0, s1;
	[sflag:s0] =	ssyncset.done @!p0 $0x0  }
0x1d4: {  	[sflag:s0] =	ssyncadd.s32 @!p0 s1  }
0x1d5: {  	[bflag:$0x3] =	sbarrier.arrive $0xFFFF  }
0x1d6: {  	_ =	shalt  }

// kernel: kernel.8.cloned.1.call-start
scs
__scs_entry_jumppad:
0x0: {  	(pc) =	sbr.rel $0x88, $3  }
0x1: {  	(tag) =	ssettag $0x0;
	lr =	simm.s32 $0x1  }
0x2: {  	[smem:$0x3F99] =	sst lr;
	_ =	strace $0xD0000000  }
0x3: {  	_ = 	snop  }
0x4: {  	_ = 	snop  }
0x5: {  	_ = 	snop  }
0x6: {  	_ = 	snop  }
0x7: {  	_ = 	snop  }
__scs_overlays_trampoline_lowered:
0x8: {  	[smem:$0x3FA8] =	sst s0  }
0x9: {  	[smem:$0x3FA9] =	sst s1  }
0xa: {  	[smem:$0x3FAA] =	sst s2  }
0xb: {  	[smem:$0x3FAB] =	sst s3  }
0xc: {  	[smem:$0x3FAC] =	sst s4  }
0xd: {  	[smem:$0x3FAD] =	sst s5  }
0xe: {  	[smem:$0x3FAE] =	sst s6  }
0xf: {  	[smem:$0x3FAF] =	sst s7  }
0x10: {  	[smem:$0x3FB0] =	sst s8  }
0x11: {  	[smem:$0x3FB1] =	sst s9;
	s0 =	simm.s32 @!p0 $0x0  }
0x12: {  	s1 =	sld [smem:$0x3F97];
	s0 =	simm.s32 @p0 $0x1  }
0x13: {  	[smem:$0x3FB2] =	sst s0;
	s0 =	simm.s32 @!p1 $0x0  }
0x14: {  	s2 =	sld [smem:$0x3F96];
	s0 =	simm.s32 @p1 $0x1  }
0x15: {  	[smem:$0x3FB3] =	sst s0;
	s0 =	simm.s32 @!p2 $0x0  }
0x16: {  	s3 =	sld [smem:$0x3FDB];
	s0 =	simm.s32 @p2 $0x1  }
0x17: {  	s4 =	simm.s32 $0x1BF5;
	[smem:$0x3FB5] =	sst s0  }
0x18: {  	s0 =	sld [smem:$0x3F98];
	_ =	swait.ge [sflag:s4], $0x0  }
0x19: {  	s7 =	sld [smem:$0x3F99]  }
0x1a: {  	s8 =	sadd.s32 $0xFFFFE003, lr  }
0x1b: {  	s9 =	sadd.s32 $0xFFFFFEF7, lr;
	s5 =	simm.s32 $0xFFFFFFFF;
	p2 =	slt.u32 s8, $0xFFFFF086  }
0x1c: {  	p1 =	slt.u32 s9, $0xF7A;
	s5 =	simm.s32 @!p2 $0x0  }
0x1d: {  	s5 =	simm.s32 @p1 $0x1;
	p0 =	seq.s32 s7, s2  }
0x1e: {  	s7 =	smul.u32 @!p0 $0xF7A, s2;
	p2 =	seq.s32 @!p0 s5, $0x0  }
0x1f: {  	s9 =	smul.u32 $0xF7A, s1;
	s8 =	simm.s32 @!p0 $0x1BF5;
	p2 =	por !p2, p0  }
0x20: {  	[sflag:s8] =	ssyncset.s32 @!p0 $0xFFFFF086;
	s6 =	sadd.s32 @!p0 s3, s7;
	s7 =	simm.s32 @!p0 $0x108  }
0x21: {  	s3 =	sadd.s32 s3, s9;
	s6 =	sadd.s32 @!p0 $0x88, s6;
	s7 =	simm.s32 @p2 $0x1082  }
0x22: {  	[simem:s7], [sflag:s8] =	dma.local @!p0 [hbm:s6], $0xF7A  }
0x23: {  	s9 =	sor.u32 $0xD0000000, s2;
	s6 =	simm.s32 $0x108;
	_ =	swait.ge @!p0 [sflag:s8], $0x0  }
0x24: {  	s3 =	sadd.s32 $0x88, s3;
	s6 =	simm.s32 @!p1 $0x1082;
	[sflag:s4] =	ssyncset.s32 $0xFFFFF086  }
0x25: {  	[simem:s6], [sflag:s4] =	dma.local [hbm:s3], $0xF7A  }
0x26: {  	[smem:$0x3F99] =	sst s1;
	(tag) =	ssettag s2;
	_ =	strace s9  }
0x27: {  	s1 =	sld [smem:$0x3FA9]  }
0x28: {  	s2 =	sld [smem:$0x3FAA]  }
0x29: {  	s4 =	sld [smem:$0x3FAC]  }
0x2a: {  	p0 =	seq.s32 s5, $0x0;
	s5 =	sld [smem:$0x3FAD]  }
0x2b: {  	s6 =	sld [smem:$0x3FAE]  }
0x2c: {  	s7 =	sld [smem:$0x3FAF]  }
0x2d: {  	s3 =	simm.s32 $0x108;
	s8 =	sld [smem:$0x3FB0]  }
0x2e: {  	s3 =	simm.s32 @!p0 $0x1082;
	s9 =	sld [smem:$0x3FB1]  }
0x2f: {  	lr =	sadd.s32 s0, s3;
	s0 =	sld [smem:$0x3FA8]  }
0x30: {  	s3 =	sld [smem:$0x3FAB]  }
0x31: {  	[smem:$0x3FB4] =	sst s10  }
0x32: {  	s10 =	sld [smem:$0x3FB2];
	_ =	sdelay $0x3  }
0x33: {  	p0 =	seq.s32 s10, $0x1;
	s10 =	sld [smem:$0x3FB4];
	_ =	sdelay $0x3  }
0x34: {  	[smem:$0x3FB4] =	sst s10  }
0x35: {  	s10 =	sld [smem:$0x3FB3];
	_ =	sdelay $0x3  }
0x36: {  	p1 =	seq.s32 s10, $0x1;
	s10 =	sld [smem:$0x3FB4];
	_ =	sdelay $0x3  }
0x37: {  	[smem:$0x3FB4] =	sst s10  }
0x38: {  	s10 =	sld [smem:$0x3FB5]  }
0x39: {  	_ = 	snop;
	(pc) =	sbr.ind lr, $3  }
0x3a: {  	_ = 	snop  }
0x3b: {  	_ = 	snop  }
0x3c: {  	p2 =	seq.s32 s10, $0x1;
	s10 =	sld [smem:$0x3FB4]  }
0x3d: {  	_ =	shalt  }
0x3e: {  	_ =	shalt  }
0x3f: {  	_ =	shalt  }
0x40: {  	_ =	shalt  }
0x41: {  	_ =	shalt  }
0x42: {  	_ =	shalt  }
0x43: {  	_ =	shalt  }
0x44: {  	_ =	shalt  }
0x45: {  	_ =	shalt  }
0x46: {  	_ =	shalt  }
0x47: {  	_ =	shalt  }
0x48: {  	_ =	shalt  }
0x49: {  	_ =	shalt  }
0x4a: {  	_ =	shalt  }
0x4b: {  	_ =	shalt  }
0x4c: {  	_ =	shalt  }
0x4d: {  	_ =	shalt  }
0x4e: {  	_ =	shalt  }
0x4f: {  	_ =	shalt  }
0x50: {  	_ =	shalt  }
0x51: {  	_ =	shalt  }
0x52: {  	_ =	shalt  }
0x53: {  	_ =	shalt  }
0x54: {  	_ =	shalt  }
0x55: {  	_ =	shalt  }
0x56: {  	_ =	shalt  }
0x57: {  	_ =	shalt  }
0x58: {  	_ =	shalt  }
0x59: {  	_ =	shalt  }
0x5a: {  	_ =	shalt  }
0x5b: {  	_ =	shalt  }
0x5c: {  	_ =	shalt  }
0x5d: {  	_ =	shalt  }
0x5e: {  	_ =	shalt  }
0x5f: {  	_ =	shalt  }
0x60: {  	_ =	shalt  }
0x61: {  	_ =	shalt  }
0x62: {  	_ =	shalt  }
0x63: {  	_ =	shalt  }
0x64: {  	_ =	shalt  }
0x65: {  	_ =	shalt  }
0x66: {  	_ =	shalt  }
0x67: {  	_ =	shalt  }
0x68: {  	_ =	shalt  }
0x69: {  	_ =	shalt  }
0x6a: {  	_ =	shalt  }
0x6b: {  	_ =	shalt  }
0x6c: {  	_ =	shalt  }
0x6d: {  	_ =	shalt  }
0x6e: {  	_ =	shalt  }
0x6f: {  	_ =	shalt  }
0x70: {  	_ =	shalt  }
0x71: {  	_ =	shalt  }
0x72: {  	_ =	shalt  }
0x73: {  	_ =	shalt  }
0x74: {  	_ =	shalt  }
0x75: {  	_ =	shalt  }
0x76: {  	_ =	shalt  }
0x77: {  	_ =	shalt  }
0x78: {  	_ =	shalt  }
0x79: {  	_ =	shalt  }
0x7a: {  	_ =	shalt  }
0x7b: {  	_ =	shalt  }
0x7c: {  	_ =	shalt  }
0x7d: {  	_ =	shalt  }
0x7e: {  	_ =	shalt  }
0x7f: {  	_ =	shalt  }
0x80: {  	_ =	shalt  }
0x81: {  	_ =	shalt  }
0x82: {  	_ =	shalt  }
0x83: {  	_ =	shalt  }
0x84: {  	_ =	shalt  }
0x85: {  	_ =	shalt  }
0x86: {  	_ =	shalt  }
0x87: {  	_ =	shalt  }
.Lfunc_end0:
.L_simem_size_0:
called_computation_lowered:
.L_overlay_start_0:
0x88: {  	s2 =	sld [smem:$0x3FD9]  }
0x89: {  	s3 =	sld [smem:$0x3FFE];
	_ =	sdelay $0x1  }
0x8a: {  	s1 =	srdreg.scid  }
0x8b: {  	s0 =	sand.u32 $0x1, s1  }
0x8c: {  	s17 =	sshll.u32 s0, $0xA;
	s2 =	sadd.s32 s3, s2  }
0x8d: {  	s2 =	sadd.s32 s2, s17  }
0x8e: {  	[smem:$0x3FC0] =	sst s2  }
0x8f: {  	_ = 	snop  }
0x90: {  	s2 =	sld [smem:$0x3FD0];
	(tm) =	ssettm $0x1  }
0x91: {  	s18 =	sld [smem:$0x3FFB];
	_ =	sdelay $0x3  }
0x92: {  	_ =	strace s18  }
0x93: {  	s3 =	sld [smem:$0x3FFC];
	_ =	sdelay $0x3  }
0x94: {  	_ =	strace s3  }
0x95: {  	s3 =	sld [smem:$0x3FFD];
	_ =	sdelay $0x3  }
0x96: {  	_ =	strace s3  }
0x97: {  	_ =	strace $0x8FFFFFFF  }
0x98: {  	s19 =	sld [smem:$0x3FDB];
	_ =	sdelay $0x1  }
0x99: {  	s4 =	simm.s32 $_scs_section_size  }
0x9a: {  	s5 =	simm.s32 $_size__tile_overlayer_lowered;
	s6 =	simm.s32 $_tile_overlayer_lowered  }
0x9b: {  	s22 =	simm.s32 $0x1BFF;
	s21 =	sshll.u32 s6, $0x1;
	s3 =	sadd.s32 s4, s19  }
0x9c: {  	s7 =	simm.s32 $0x0;
	s20 =	sshll.u32 s5, $0x1;
	s5 =	sadd.s32 s21, s3  }
0x9d: {  	[timem:s7], [sflag:s22] =	dma.local [hbm:s5], s20  }
0x9e: {  	_ =	swait.ge [sflag:s22], s20  }
0x9f: {  	s4 =	ssub.s32 $0x0, s20;
	[sflag:s22] =	ssyncset.done $0x0  }
0xa0: {  	[sflag:s22] =	ssyncadd.s32 s4;
	_ =	sdelay $0x1  }
0xa1: {  	s23 =	simm.s32 $0x1B8B  }
0xa2: {  	_ =	swait.ge [sflag:s23], $0x1  }
0xa3: {  	[sflag:s23] =	ssyncset.done $0x0  }
0xa4: {  	s25 =	simm.s32 $0x1B8E;
	s24 =	sld [smem:$0x3FFE];
	[sflag:s23] =	ssyncadd.s32 $0xFFFFFFFF  }
0xa5: {  	s26 =	simm.s32 $execute0_lowered;
	[smem:$0x3FD2] =	sst s25  }
0xa6: {  	s5 =	sshll.u32 s26, $0x1;
	_ =	strace $0x80000046;
	[dreg:$0x1] =	wrdreg $0xFFFFFFFF  }
0xa7: {  	s28 =	simm.s32 $_size_execute0_lowered;
	s3 =	sadd.s32 s3, s5;
	[dreg:$0x0] =	wrdreg $0x0  }
0xa8: {  	s5 =	sshll.u32 s28, $0x1;
	[dreg:$0x2] =	wrdreg s3  }
0xa9: {  	[dreg:$0x3] =	wrdreg s5  }
0xaa: {  	[dreg:$0x4] =	wrdreg $0xC0  }
0xab: {  	_ =	task [dreg:s7], $0x5FFFF  }
0xac: {  	[dreg:$0x1] =	wrdreg $0xFFFFFFFF  }
0xad: {  	[dreg:$0x0] =	wrdreg $0x60  }
0xae: {  	[dreg:$0x2] =	wrdreg s24  }
0xaf: {  	[dreg:$0x3] =	wrdreg s2  }
0xb0: {  	[dreg:$0x4] =	wrdreg $0x12800  }
0xb1: {  	[dreg:$0x5] =	wrdreg $0x9  }
0xb2: {  	_ =	task.clear_ibuf [dreg:s7], $0x6FFFF;
	_ =	strace $0x90000046  }
0xb3: {  	s29 =	simm.s32 $0x9;
	_ =	strace $0x80000048  }
0xb4: {  	_ =	swait.ge [sflag:s29], $0x1  }
0xb5: {  	[sflag:s29] =	ssyncadd.s32 $0xFFFFFFFF  }
0xb6: {  	_ =	strace $0x90000048  }
0xb7: {  	_ =	sfence  }
0xb8: {  	s30 =	sld [smem:$0x0];
	_ =	sdelay $0x2  }
0xb9: {  	s31 =	sshll.u32 s1, $0xD;
	s1 =	sshrl.u32 s1, $0x2  }
0xba: {  	s3 =	sand.u32 $0x4000, s31;
	s1 =	sadd.s32 s1, s30  }
0xbb: {  	s0 =	sor.u32 s3, s0;
	s1 =	sshll.u32 s1, $0x11  }
0xbc: {  	s0 =	sor.u32 s1, s0  }
0xbd: {  	s0 =	sadd.s32 $0x8F2B, s0  }
0xbe: {  	[sflag:s0] =	ssyncadd.remote.s32 $0x1  }
0xbf: {  	_ =	sfence.sel $0xFFFF  }
0xc0: {  	[dreg:$0x0] =	wrdreg $0xFFFFFFFF;
	(pc) =	sbr.abs _section_cstart, $3  }
0xc1: {  	[dreg:$0x1] =	wrdreg $0xFFFFFFFF  }
0xc2: {  	_ =	task.clear_ibuf [dreg:s7], $0x2FFFF;
	_ =	strace $0x9FFFFFFF  }
0xc3: {  	(tm) =	ssettm $0x7FFFFFFF  }
tec
execute0_lowered:
.L_overlay_start_1:
0x0: {  	(tag) =	ssettag $0x1  }
0x1: {  	s4 =	rddreg [dreg:$0x0]  }
0x2: {  	s6 =	rddreg [dreg:$0x1]  }
0x3: {  	s0 =	srdreg.scid;
	s2 =	rddreg [dreg:$0x2]  }
0x4: {  	s3 =	simm.s32 $0x0;
	s12 =	simm.s32 $0x1000;
	s13 =	simm.s32 $0x2  }
0x5: {  	s14 =	simm.s32 $0x1;
	s15 =	simm.s32 $0x7D0;
	s16 =	simm.s32 $0x800  }
0x6: {  	s19 =	simm.s32 $0x20;
	s5 =	sand.u32 $0x1, s0;
	s0 =	stileid.u32  }
0x7: {  	s20 =	simm.s32 $0x10;
	s21 =	simm.s32 $0x0;
	s8 =	smul.u32 $0xA00, s0  }
0x8: {  	[smem:$0x7FF] =	sst s3;
	s1 =	sshll.u32 s5, $0x4;
	s9 =	smul.u32 $0x500, s0  }
0x9: {  	s30 =	ssub.s32 $0x2, s5;
	s5 =	sshll.u32 s5, $0x7;
	s7 =	sor.u32 s0, s1  }
0xa: {  	s17 =	sshll.u32 s0, $0x6;
	s1 =	rddreg [dreg:$0x3];
	s7 =	smul.u32 $0x2710, s7  }
0xb: {  	_ =	strace $0x80000047;
	s31 =	sshrl.u32 s30, $0x1;
	s5 =	sor.u32 s5, s9  }
0xc: {  	s17 =	sor.u32 $0x1C02, s17;
	s5 =	sshrl.u32 s5, $0x3;
	s7 =	sshrl.u32 s7, $0x3  }
0xd: {  	s8 =	sshrl.u32 s8, $0x2;
	s5 =	sadd.s32 s6, s5;
	s11 =	sadd.s32 s7, s4  }
0xe: {  	s7 =	ssub.s32 s30, s31;
	s4 =	sadd.s32 s8, s2;
	s6 =	sadd.s32 $0x2800, s11  }
0xf: {  	s7 =	smax.u32 s7, $0x1;
	s8 =	sadd.s32 $0x28FA, s11;
	s9 =	sadd.s32 $0x29F4, s11  }
0x10: {  	v0 =	vimm.f32 $0.0e+00;
	v1 =	vimm.f32 $1.000000000e+00;
	s10 =	sadd.s32 $0x2AEE, s11;
	s11 =	sadd.s32 $0x2BE8, s11;
	s18 =	sshrl.u32 s4, $0x3  }
.LBB2_1:
0x11: {  	[tilespmem:$0x1000] =	vst v0  }
0x12: {  	[tilespmem:$0x1010] =	vst v0  }
0x13: {  	[tilespmem:$0x1020] =	vst v0  }
0x14: {  	[tilespmem:$0x1030] =	vst v0  }
0x15: {  	[tilespmem:$0x1040] =	vst v0  }
0x16: {  	[tilespmem:$0x1050] =	vst v0  }
0x17: {  	[tilespmem:$0x1060] =	vst v0  }
0x18: {  	[tilespmem:$0x1070] =	vst v0  }
0x19: {  	[tilespmem:$0x1080] =	vst v0  }
0x1a: {  	[tilespmem:$0x1090] =	vst v0  }
0x1b: {  	[tilespmem:$0x10A0] =	vst v0  }
0x1c: {  	[tilespmem:$0x10B0] =	vst v0  }
0x1d: {  	[tilespmem:$0x10C0] =	vst v0  }
0x1e: {  	[tilespmem:$0x10D0] =	vst v0  }
0x1f: {  	[tilespmem:$0x10E0] =	vst v0  }
0x20: {  	[tilespmem:$0x10F0] =	vst v0  }
0x21: {  	[tilespmem:$0x1100] =	vst v0  }
0x22: {  	[tilespmem:$0x1110] =	vst v0  }
0x23: {  	[tilespmem:$0x1120] =	vst v0  }
0x24: {  	[tilespmem:$0x1130] =	vst v0  }
0x25: {  	[tilespmem:$0x1140] =	vst v0  }
0x26: {  	[tilespmem:$0x1150] =	vst v0  }
0x27: {  	[tilespmem:$0x1160] =	vst v0  }
0x28: {  	[tilespmem:$0x1170] =	vst v0  }
0x29: {  	[tilespmem:$0x1180] =	vst v0  }
0x2a: {  	[tilespmem:$0x1190] =	vst v0  }
0x2b: {  	[tilespmem:$0x11A0] =	vst v0  }
0x2c: {  	[tilespmem:$0x11B0] =	vst v0  }
0x2d: {  	[tilespmem:$0x11C0] =	vst v0  }
0x2e: {  	[tilespmem:$0x11D0] =	vst v0  }
0x2f: {  	[tilespmem:$0x11E0] =	vst v0  }
0x30: {  	[tilespmem:$0x11F0] =	vst v0  }
0x31: {  	[tilespmem:$0x1200] =	vst v0  }
0x32: {  	[tilespmem:$0x1210] =	vst v0  }
0x33: {  	[tilespmem:$0x1220] =	vst v0  }
0x34: {  	[tilespmem:$0x1230] =	vst v0  }
0x35: {  	[tilespmem:$0x1240] =	vst v0  }
0x36: {  	[tilespmem:$0x1250] =	vst v0  }
0x37: {  	[tilespmem:$0x1260] =	vst v0  }
0x38: {  	[tilespmem:$0x1270] =	vst v0;
	s22 =	simm.s32 $0x40;
	s23 =	simm.s32 $0x0  }
.LBB2_2:
0x39: {  	p0 =	sne.s32 s22, $0x1F00;
	[tilespmem:s23+$0x800] =	vst v1;
	s23 =	smov.u32 s22;
	s22 =	sadd.s32 $0x40, s22  }
.Ltmp0:
0x3a: {  	(pc) =	sbr.rel @p0 .LBB2_2-.Ltmp0, $2  }
0x3b: {  	_ =	sdelay $0x2  }
0x3c: {  	s23 =	sshra.s32 s23, $0x2  }
0x3d: {  	[tilespmem:s23+$0x800] =	vst v1  }
0x3e: {  	[spmem:s4] =	stream.linear.scatter [tilespmem:s12], [sflag:$0x2], $0x280, $0x38;
	[tilespmem:$0x1500] =	vst v63  }
0x3f: {  	_ =	swait.ge [sflag:s13], $0x280  }
0x40: {  	[sflag:s13] =	ssyncset.done $0x0  }
0x41: {  	[sflag:s13] =	ssyncadd.s32 $0xFFFFFD80  }
0x42: {  	[bflag:$0x0] =	sbarrier.arrive $0xFFFF  }
0x43: {  	[tilespmem:s3], [sflag:$0x1] =	stream.linear.gather [hbm4b:s6+s3], $0x7D0, $0x38;
	[tilespmem:$0x1500] =	vst v63  }
0x44: {  	_ =	swait.ge [sflag:s14], $0x7D0  }
0x45: {  	[sflag:s14] =	ssyncset.done $0x0  }
0x46: {  	[sflag:s14] =	ssyncadd.s32 $0xFFFFF830  }
0x47: {  	[spmem:s2] =	stream.indirect.scatter.add.f32 [tilespmem:s16], [sflag:$0x2], $0x1, s3, s15, $0xb8;
	[tilespmem:$0x1500] =	vst v63  }
0x48: {  	_ =	swait.ge [sflag:s13], $0x7D0  }
0x49: {  	[sflag:s13] =	ssyncset.done $0x0  }
0x4a: {  	[sflag:s13] =	ssyncadd.s32 $0xFFFFF830  }
0x4b: {  	[tilespmem:s3], [sflag:$0x1] =	stream.linear.gather [hbm4b:s8+s3], $0x7D0, $0x38;
	[tilespmem:$0x1500] =	vst v63  }
0x4c: {  	_ =	swait.ge [sflag:s14], $0x7D0  }
0x4d: {  	[sflag:s14] =	ssyncset.done $0x0  }
0x4e: {  	[sflag:s14] =	ssyncadd.s32 $0xFFFFF830  }
0x4f: {  	[spmem:s2] =	stream.indirect.scatter.add.f32 [tilespmem:s16], [sflag:$0x2], $0x1, s3, s15, $0xb8;
	[tilespmem:$0x1500] =	vst v63  }
0x50: {  	_ =	swait.ge [sflag:s13], $0x7D0  }
0x51: {  	[sflag:s13] =	ssyncset.done $0x0  }
0x52: {  	[sflag:s13] =	ssyncadd.s32 $0xFFFFF830  }
0x53: {  	[tilespmem:s3], [sflag:$0x1] =	stream.linear.gather [hbm4b:s9+s3], $0x7D0, $0x38;
	[tilespmem:$0x1500] =	vst v63  }
0x54: {  	_ =	swait.ge [sflag:s14], $0x7D0  }
0x55: {  	[sflag:s14] =	ssyncset.done $0x0  }
0x56: {  	[sflag:s14] =	ssyncadd.s32 $0xFFFFF830  }
0x57: {  	[spmem:s2] =	stream.indirect.scatter.add.f32 [tilespmem:s16], [sflag:$0x2], $0x1, s3, s15, $0xb8;
	[tilespmem:$0x1500] =	vst v63  }
0x58: {  	_ =	swait.ge [sflag:s13], $0x7D0  }
0x59: {  	[sflag:s13] =	ssyncset.done $0x0  }
0x5a: {  	[sflag:s13] =	ssyncadd.s32 $0xFFFFF830  }
0x5b: {  	[tilespmem:s3], [sflag:$0x1] =	stream.linear.gather [hbm4b:s10+s3], $0x7D0, $0x38;
	[tilespmem:$0x1500] =	vst v63  }
0x5c: {  	_ =	swait.ge [sflag:s14], $0x7D0  }
0x5d: {  	[sflag:s14] =	ssyncset.done $0x0  }
0x5e: {  	[sflag:s14] =	ssyncadd.s32 $0xFFFFF830  }
0x5f: {  	[spmem:s2] =	stream.indirect.scatter.add.f32 [tilespmem:s16], [sflag:$0x2], $0x1, s3, s15, $0xb8;
	[tilespmem:$0x1500] =	vst v63  }
0x60: {  	_ =	swait.ge [sflag:s13], $0x7D0  }
0x61: {  	[sflag:s13] =	ssyncset.done $0x0  }
0x62: {  	[sflag:s13] =	ssyncadd.s32 $0xFFFFF830  }
0x63: {  	[tilespmem:s3], [sflag:$0x1] =	stream.linear.gather [hbm4b:s11+s3], $0x7D0, $0x38;
	[tilespmem:$0x1500] =	vst v63  }
0x64: {  	_ =	swait.ge [sflag:s14], $0x7D0  }
0x65: {  	[sflag:s14] =	ssyncset.done $0x0  }
0x66: {  	[sflag:s14] =	ssyncadd.s32 $0xFFFFF830  }
0x67: {  	[spmem:s2] =	stream.indirect.scatter.add.f32 [tilespmem:s16], [sflag:$0x2], $0x1, s3, s15, $0xb8;
	[tilespmem:$0x1500] =	vst v63  }
0x68: {  	_ =	swait.ge [sflag:s13], $0x7D0  }
0x69: {  	s21 =	sadd.s32 $0x1, s21;
	[sflag:s13] =	ssyncset.done $0x0  }
0x6a: {  	p0 =	sne.s32 s21, s7;
	[sflag:s13] =	ssyncadd.s32 $0xFFFFF830  }
.Ltmp1:
0x6b: {  	[bflag:$0x0] =	sbarrier.arrive $0xFFFF;
	(pc) =	sbr.rel @p0 .LBB2_1-.Ltmp1, $4  }
0x6c: {  	[hbm:s5@s19], [sflag:s17] =	dma.strided [spmem:s18@s20], $0x50, s14, $0x10   }
0x6d: {  	_ =	swait.ge [sflag:s13], $0x50  }
0x6e: {  	[sflag:s13] =	ssyncset.done $0x0  }
0x6f: {  	[sflag:s13] =	ssyncadd.s32 $0xFFFFFFB0  }
0x70: {  	_ =	sfence.sel $0x180000  }
0x71: {  	[bflag:$0x0] =	sbarrier.arrive $0xFFFF  }
0x72: {  	p0 =	sne.s32 s0, $0x0;
	_ =	strace $0x90000047  }
0x73: {  	s0 =	sadd.s32 @!p0 $0x100000, s1;
	[bflag:$0x2] =	sbarrier.arrive $0xFFFF  }
0x74: {  	[sflag:s0] =	ssyncadd.tile.s32 @!p0 $0x1;
	_ =	shalt  }
.Lfunc_end2:
_tile_overlayer_lowered:
.L_overlay_start_2:
0x75: {  	(tag) =	ssettag $0x2  }
0x76: {  	s0 =	rddreg [dreg:$0x0];
	s2 =	stileid.u32  }
0x77: {  	s1 =	rddreg [dreg:$0x1];
	p0 =	sne.s32 s2, $0x0  }
0x78: {  	s3 =	rddreg [dreg:$0x2];
	[bflag:$0x3] =	sbarrier.arrive $0xFFFF;
	s2 =	simm.s32 @!p0 $0x1C02  }
0x79: {  	[timem:s3], [sflag:s2] =	dma.local @!p0 [hbm:s0], s1  }
0x7a: {  	s0 =	simm.s32 @!p0 $0x2  }
0x7b: {  	_ =	swait.ge @!p0 [sflag:s0], s1  }
0x7c: {  	s1 =	ssub.s32 @!p0 $0x0, s1;
	[sflag:s0] =	ssyncset.done @!p0 $0x0  }
0x7d: {  	[sflag:s0] =	ssyncadd.s32 @!p0 s1  }
0x7e: {  	[bflag:$0x3] =	sbarrier.arrive $0xFFFF  }
0x7f: {  	_ =	shalt  }

</sc_bundles>
